<compile_context>
chip_gen: v7x
topology: tpu7x:2x2x1
jax: 0.10.2.dev20260603
libtpu: 0.0.44.dev20260713+nightly
codegen_flags: <defaults>
</compile_context>

<pallas_src>
import functools

import jax
import jax.numpy as jnp
from jax import lax
from jax.experimental import pallas as pl
from jax.experimental.pallas import tpu as pltpu
from jax.experimental.pallas import tpu_sc as plsc

N_NODES = 100000
N_EDGES = 1600000
NODE_FEAT = 128
NODE_EMB = 128
EDGE_EMB = 16
N_EDGE_TYPE = 16

NC = 2
NS = 16
NW = NC * NS
LANES = 16

ETILE = 128
N_ETILES = N_EDGES // ETILE
JT = 2
JIN = 8
PART = N_ETILES * JIN * ETILE

TILES_PER_CHUNK = 25
CHUNK = TILES_PER_CHUNK * ETILE
N_CHUNKS_TOTAL = N_ETILES // TILES_PER_CHUNK
CHUNK_PART = TILES_PER_CHUNK * JIN * ETILE
CHUNK_FLOATS = JT * CHUNK_PART
N_FULL = N_CHUNKS_TOTAL % NW
N_HI = -(-N_CHUNKS_TOTAL // NW)

_SC_MESH = plsc.VectorSubcoreMesh(
    core_axis_name="c", subcore_axis_name="s", num_cores=NC, num_subcores=NS
)


@functools.partial(
    pl.kernel,
    out_type=jax.ShapeDtypeStruct((N_EDGES * EDGE_EMB,), jnp.float32),
    mesh=_SC_MESH,
    scratch_types=[
        pltpu.VMEM((N_EDGE_TYPE, EDGE_EMB), jnp.float32),
        pltpu.VMEM((EDGE_EMB, EDGE_EMB), jnp.float32),
        pltpu.VMEM((EDGE_EMB,), jnp.float32),
        pltpu.VMEM((N_EDGE_TYPE, EDGE_EMB), jnp.float32),
        pltpu.VMEM((CHUNK,), jnp.int32),
        pltpu.VMEM((CHUNK,), jnp.int32),
        pltpu.VMEM((CHUNK_FLOATS,), jnp.float32),
        pltpu.VMEM((CHUNK_FLOATS,), jnp.float32),
        pltpu.SemaphoreType.DMA,
        pltpu.SemaphoreType.DMA,
        pltpu.SemaphoreType.DMA,
        pltpu.SemaphoreType.DMA,
    ],
    compiler_params=pltpu.CompilerParams(
        use_tc_tiling_on_sc=False,
        needs_layout_passes=False,
        disable_bounds_checks=True,
    ),
)
def _edge_path_sc(
    idx_hbm, embt_hbm, w2_hbm, b2_hbm, out_hbm,
    embt_v, w2_v, b2_v, table_v, idx0, idx1, rows0, rows1,
    sem_i0, sem_i1, sem_o0, sem_o1,
):
    wid = lax.axis_index("s") * NC + lax.axis_index("c")
    n_w = jnp.where(wid < N_FULL, N_HI, N_HI - 1)

    idx_bufs = (idx0, idx1)
    rows_bufs = (rows0, rows1)
    sems_i = (sem_i0, sem_i1)
    sems_o = (sem_o0, sem_o1)

    def chunk_id(i):
        return wid + NW * i

    def issue_idx(i, b):
        pltpu.async_copy(
            idx_hbm.at[pl.ds(chunk_id(i) * CHUNK, CHUNK)], idx_bufs[b], sems_i[b]
        )

    def wait_idx(b):
        pltpu.make_async_copy(
            idx_hbm.at[pl.ds(0, CHUNK)], idx_bufs[b], sems_i[b]
        ).wait()

    def issue_out(i, b):
        k = chunk_id(i)
        rb = rows_bufs[b]
        pltpu.async_copy(
            rb.at[pl.ds(0, CHUNK_PART)],
            out_hbm.at[pl.ds(k * CHUNK_PART, CHUNK_PART)],
            sems_o[b],
        )
        pltpu.async_copy(
            rb.at[pl.ds(CHUNK_PART, CHUNK_PART)],
            out_hbm.at[pl.ds(PART + k * CHUNK_PART, CHUNK_PART)],
            sems_o[b],
        )

    def drain_out(b):
        pltpu.make_async_copy(
            rows_bufs[b], out_hbm.at[pl.ds(0, CHUNK_FLOATS)], sems_o[b]
        ).wait()

    issue_idx(0, 0)
    issue_idx(1, 1)

    pltpu.sync_copy(embt_hbm, embt_v)
    pltpu.sync_copy(w2_hbm, w2_v)
    pltpu.sync_copy(b2_hbm, b2_v)
    b2_row = b2_v[...]
    for j in range(N_EDGE_TYPE):
        w_row = w2_v[j, :]
        acc = jnp.full((LANES,), 0.0, dtype=jnp.float32) + b2_row[j]
        for k in range(EDGE_EMB):
            acc = acc + w_row[k] * embt_v[k, :]
        table_v[j, :] = acc

    colsel = [jnp.full((LANES,), j, dtype=jnp.int32) for j in range(EDGE_EMB)]
    joff = [(j // JIN) * CHUNK_PART + (j % JIN) * ETILE for j in range(EDGE_EMB)]

    def compute_chunk(b):
        ib = idx_bufs[b]
        rb = rows_bufs[b]

        @plsc.parallel_loop(0, CHUNK // LANES, unroll=4)
        def g_body(g):
            idxv = ib[pl.ds(g * LANES, LANES)]
            base_g = (g >> 3) * (JIN * ETILE) + (g & 7) * LANES
            for j in range(EDGE_EMB):
                vals = plsc.load_gather(table_v, [colsel[j], idxv])
                rb[pl.ds(base_g + joff[j], LANES)] = vals

    def process(i, b):
        wait_idx(b)

        @pl.when(i > 1)
        def _():
            drain_out(b)

        compute_chunk(b)
        issue_out(i, b)

        @pl.when(i + 2 < n_w)
        def _():
            issue_idx(i + 2, b)

    def pair_body(i2, carry):
        for b in range(2):
            process(2 * i2 + b, b)
        return carry

    lax.fori_loop(0, n_w >> 1, pair_body, 0)

    @pl.when((n_w & 1) == 1)
    def _():
        process(n_w - 1, 0)

    drain_out(0)
    drain_out(1)



NODE_BLK = 5000


def _node_mlp_body(x_ref, w_ref, b_ref, o_ref):
    o_ref[...] = (
        jnp.dot(x_ref[...], w_ref[...], preferred_element_type=jnp.float32)
        + b_ref[...]
    )


def _node_mlp(x, w1t, b1):
    grid = N_NODES // NODE_BLK
    return pl.pallas_call(
        _node_mlp_body,
        grid=(grid,),
        in_specs=[
            pl.BlockSpec((NODE_BLK, NODE_FEAT), lambda i: (i, 0)),
            pl.BlockSpec((NODE_FEAT, NODE_EMB), lambda i: (0, 0)),
            pl.BlockSpec((1, NODE_EMB), lambda i: (0, 0)),
        ],
        out_specs=pl.BlockSpec((NODE_BLK, NODE_EMB), lambda i: (i, 0)),
        out_shape=jax.ShapeDtypeStruct((N_NODES, NODE_EMB), jnp.float32),
    )(x, w1t, b1)




def kernel(raw_node_features, raw_edge_features, W1, b1, emb_table, W2, b2):
    node_outputs = _node_mlp(raw_node_features, W1.T, b1.reshape(1, NODE_EMB))
    edge_flat = _edge_path_sc(raw_edge_features, emb_table.T, W2, b2)
    edge_outputs = (
        edge_flat.reshape(JT, N_ETILES, JIN, ETILE)
        .transpose(1, 3, 0, 2)
        .reshape(N_EDGES, EDGE_EMB)
    )
    return (node_outputs, edge_outputs)

# --- scband reference (transcript-rebuilt; emitter-appended) ---
"""Pipeline reference for scband-graph-encoder-46643344835302 (READ-ONLY COPY).

The authoritative reference and input builder live on the scoring server;
editing this copy changes nothing except your own understanding.
"""

import jax, jax.numpy as jnp
import numpy as np

N_NODES = 100000
N_EDGES = 1600000
NODE_FEAT = 128
NODE_EMB = 128
EDGE_EMB = 16
N_EDGE_TYPE = 16


def setup_inputs(seed: int = 0) -> dict:
    key = jax.random.key(seed)
    ks = jax.random.split(key, 7)
    raw_node_features = jax.random.normal(ks[0], (N_NODES, NODE_FEAT), dtype=jnp.float32)
    raw_edge_features = jax.random.randint(ks[1], (N_EDGES,), 0, N_EDGE_TYPE, dtype=jnp.int32)
    # learned params
    # nn.Linear(raw_node_feat_dim, node_emb_dim): W1 [out, in], b1 [out]
    W1 = jax.random.normal(ks[2], (NODE_EMB, NODE_FEAT), dtype=jnp.float32) * (1.0 / np.sqrt(NODE_FEAT))
    b1 = jnp.zeros((NODE_EMB,), dtype=jnp.float32)
    # nn.Embedding(num_edge_type, edge_emb_dim)
    emb_table = jax.random.normal(ks[3], (N_EDGE_TYPE, EDGE_EMB), dtype=jnp.float32)
    # nn.Linear(edge_emb_dim, edge_emb_dim)
    W2 = jax.random.normal(ks[4], (EDGE_EMB, EDGE_EMB), dtype=jnp.float32) * (1.0 / np.sqrt(EDGE_EMB))
    b2 = jnp.zeros((EDGE_EMB,), dtype=jnp.float32)
    return {
        "raw_node_features": raw_node_features,
        "raw_edge_features": raw_edge_features,
        "W1": W1,
        "b1": b1,
        "emb_table": emb_table,
        "W2": W2,
        "b2": b2,
    }


def reference(raw_node_features, raw_edge_features, W1, b1, emb_table, W2, b2):
    # MLP1: single Linear on node features (torch Linear: y = x @ W.T + b)
    node_outputs = raw_node_features @ W1.T + b1
    # edge-type embedding lookup (SparseCore gather)
    edge_emb = jnp.take(emb_table, raw_edge_features, axis=0)
    # MLP2: single Linear on edge embeddings
    edge_outputs = edge_emb @ W2.T + b2
    return (node_outputs, edge_outputs)

if __name__ == "__main__":
    import jax
    _d = setup_inputs()
    print(jax.jit(kernel)(*tuple(_d.values())))

</pallas_src>

<mosaic_0001>
#map = affine_map<(d0, d1) -> (0)>
#map1 = affine_map<(d0, d1) -> (0, 0)>
module attributes {stable_mosaic.version = 14 : i64} {
  func.func @_edge_path_sc(%arg0: i32, %arg1: i32, %arg2: memref<1600000xi32, #tpu.memory_space<hbm>>, %arg3: memref<16x16xf32, #tpu.memory_space<hbm>>, %arg4: memref<16x16xf32, #tpu.memory_space<hbm>>, %arg5: memref<16xf32, #tpu.memory_space<hbm>>, %arg6: memref<25600000xf32, #tpu.memory_space<hbm>>, %arg7: memref<16x16xf32, #tpu.memory_space<vmem>>, %arg8: memref<16x16xf32, #tpu.memory_space<vmem>>, %arg9: memref<16xf32, #tpu.memory_space<vmem>>, %arg10: memref<16x16xf32, #tpu.memory_space<vmem>>, %arg11: memref<3200xi32, #tpu.memory_space<vmem>>, %arg12: memref<3200xi32, #tpu.memory_space<vmem>>, %arg13: memref<51200xf32, #tpu.memory_space<vmem>>, %arg14: memref<51200xf32, #tpu.memory_space<vmem>>, %arg15: memref<!tpu.dma_semaphore, #tpu.memory_space<semaphore_mem>>, %arg16: memref<!tpu.dma_semaphore, #tpu.memory_space<semaphore_mem>>, %arg17: memref<!tpu.dma_semaphore, #tpu.memory_space<semaphore_mem>>, %arg18: memref<!tpu.dma_semaphore, #tpu.memory_space<semaphore_mem>>) attributes {dimension_semantics = [#tpu.dimension_semantics<core_parallel>, #tpu.dimension_semantics<subcore_parallel>], iteration_bounds = array<i64: 2, 16>, scalar_prefetch = 0 : i64, scratch_operands = 12 : i64, tpu.core_type = #tpu.core_type<sc_vector_subcore>, window_params = [{transform_indices = #map}, {transform_indices = #map1}, {transform_indices = #map1}, {transform_indices = #map}, {transform_indices = #map}]} {
    %mul3A = arith.constant 2 : i32
    %mul3A_0 = arith.muli %arg1, %mul3A : i32
    %add3A = arith.addi %mul3A_0, %arg0 : i32
    %lt3A = arith.constant 20 : i32
    %lt3A_1 = arith.cmpi slt, %add3A, %lt3A : i32
    %jit3A = arith.constant 16 : i32
    %jit3A_2 = arith.constant 15 : i32
    %select_n3A = arith.select %lt3A_1, %jit3A, %jit3A_2 : i32
    %add3A_3 = arith.constant 0 : i32
    %add3A_4 = arith.addi %add3A, %add3A_3 : i32
    %mul3A_5 = arith.constant 3200 : i32
    %mul3A_6 = arith.muli %add3A_4, %mul3A_5 : i32
    %dma_start3A = tpu.memref_slice %arg2[%mul3A_6] : memref<1600000xi32, #tpu.memory_space<hbm>> -> memref<3200xi32, #tpu.memory_space<hbm>>
    %dma_start3A_7 = tpu.memref_slice %arg2[%mul3A_6] : memref<1600000xi32, #tpu.memory_space<hbm>> -> memref<3200xi32, #tpu.memory_space<hbm>>
    tpu.enqueue_dma source(%dma_start3A_7 : memref<3200xi32, #tpu.memory_space<hbm>>) target(%arg11 : memref<3200xi32, #tpu.memory_space<vmem>>) target_semaphore(%arg15 : memref<!tpu.dma_semaphore, #tpu.memory_space<semaphore_mem>>)
    %add3A_8 = arith.constant 32 : i32
    %add3A_9 = arith.addi %add3A, %add3A_8 : i32
    %mul3A_10 = arith.constant 3200 : i32
    %mul3A_11 = arith.muli %add3A_9, %mul3A_10 : i32
    %dma_start3A_12 = tpu.memref_slice %arg2[%mul3A_11] : memref<1600000xi32, #tpu.memory_space<hbm>> -> memref<3200xi32, #tpu.memory_space<hbm>>
    %dma_start3A_13 = tpu.memref_slice %arg2[%mul3A_11] : memref<1600000xi32, #tpu.memory_space<hbm>> -> memref<3200xi32, #tpu.memory_space<hbm>>
    tpu.enqueue_dma source(%dma_start3A_13 : memref<3200xi32, #tpu.memory_space<hbm>>) target(%arg12 : memref<3200xi32, #tpu.memory_space<vmem>>) target_semaphore(%arg16 : memref<!tpu.dma_semaphore, #tpu.memory_space<semaphore_mem>>)
    "tpu.region"() ({
      %run_scoped3A = tpu.sem_alloc : memref<!tpu.dma_semaphore, #tpu.memory_space<semaphore_mem>>
      tpu.enqueue_dma source(%arg3 : memref<16x16xf32, #tpu.memory_space<hbm>>) target(%arg7 : memref<16x16xf32, #tpu.memory_space<vmem>>) target_semaphore(%run_scoped3A : memref<!tpu.dma_semaphore, #tpu.memory_space<semaphore_mem>>)
      tpu.wait_dma2 semaphore(%run_scoped3A : memref<!tpu.dma_semaphore, #tpu.memory_space<semaphore_mem>>) src(%arg3 : memref<16x16xf32, #tpu.memory_space<hbm>>) dst(%arg7 : memref<16x16xf32, #tpu.memory_space<vmem>>)
      tpu.yield
    }) : () -> ()
    "tpu.region"() ({
      %run_scoped3A = tpu.sem_alloc : memref<!tpu.dma_semaphore, #tpu.memory_space<semaphore_mem>>
      tpu.enqueue_dma source(%arg4 : memref<16x16xf32, #tpu.memory_space<hbm>>) target(%arg8 : memref<16x16xf32, #tpu.memory_space<vmem>>) target_semaphore(%run_scoped3A : memref<!tpu.dma_semaphore, #tpu.memory_space<semaphore_mem>>)
      tpu.wait_dma2 semaphore(%run_scoped3A : memref<!tpu.dma_semaphore, #tpu.memory_space<semaphore_mem>>) src(%arg4 : memref<16x16xf32, #tpu.memory_space<hbm>>) dst(%arg8 : memref<16x16xf32, #tpu.memory_space<vmem>>)
      tpu.yield
    }) : () -> ()
    "tpu.region"() ({
      %run_scoped3A = tpu.sem_alloc : memref<!tpu.dma_semaphore, #tpu.memory_space<semaphore_mem>>
      tpu.enqueue_dma source(%arg5 : memref<16xf32, #tpu.memory_space<hbm>>) target(%arg9 : memref<16xf32, #tpu.memory_space<vmem>>) target_semaphore(%run_scoped3A : memref<!tpu.dma_semaphore, #tpu.memory_space<semaphore_mem>>)
      tpu.wait_dma2 semaphore(%run_scoped3A : memref<!tpu.dma_semaphore, #tpu.memory_space<semaphore_mem>>) src(%arg5 : memref<16xf32, #tpu.memory_space<hbm>>) dst(%arg9 : memref<16xf32, #tpu.memory_space<vmem>>)
      tpu.yield
    }) : () -> ()
    %get3A = arith.constant 0 : index
    %get3A_14 = tpu.vector_load %arg9[%get3A] {strides = array<i32>} : memref<16xf32, #tpu.memory_space<vmem>>, vector<16xf32>,
    %get3A_15 = arith.constant 0 : i32
    %get3A_16 = arith.index_cast %get3A_15 : i32 to index
    %get3A_17 = arith.constant 0 : index
    %get3A_18 = tpu.vector_load %arg8[%get3A_16, %get3A_17] {strides = array<i32>} : memref<16x16xf32, #tpu.memory_space<vmem>>, vector<16xf32>,
    %broadcast_in_dim3A = arith.constant 0.000000e+00 : f32
    %broadcast_in_dim3A_19 = vector.broadcast %broadcast_in_dim3A : f32 to vector<16xf32>
    %slice3A = vector.extract_strided_slice %get3A_14 {offsets = [0], sizes = [1], strides = [1]} : vector<16xf32> to vector<1xf32>
    %squeeze3A = vector.extract %slice3A[0] : f32 from vector<1xf32>
    %add3A_20 = vector.broadcast %squeeze3A : f32 to vector<16xf32>
    %add3A_21 = arith.addf %broadcast_in_dim3A_19, %add3A_20 : vector<16xf32>
    %slice3A_22 = vector.extract_strided_slice %get3A_18 {offsets = [0], sizes = [1], strides = [1]} : vector<16xf32> to vector<1xf32>
    %squeeze3A_23 = vector.extract %slice3A_22[0] : f32 from vector<1xf32>
    %get3A_24 = arith.constant 0 : i32
    %get3A_25 = arith.index_cast %get3A_24 : i32 to index
    %get3A_26 = arith.constant 0 : index
    %get3A_27 = tpu.vector_load %arg7[%get3A_25, %get3A_26] {strides = array<i32>} : memref<16x16xf32, #tpu.memory_space<vmem>>, vector<16xf32>,
    %mul3A_28 = vector.broadcast %squeeze3A_23 : f32 to vector<16xf32>
    %mul3A_29 = arith.mulf %mul3A_28, %get3A_27 : vector<16xf32>
    %add3A_30 = arith.addf %add3A_21, %mul3A_29 : vector<16xf32>
    %slice3A_31 = vector.extract_strided_slice %get3A_18 {offsets = [1], sizes = [1], strides = [1]} : vector<16xf32> to vector<1xf32>
    %squeeze3A_32 = vector.extract %slice3A_31[0] : f32 from vector<1xf32>
    %get3A_33 = arith.constant 1 : i32
    %get3A_34 = arith.index_cast %get3A_33 : i32 to index
    %get3A_35 = arith.constant 0 : index
    %get3A_36 = tpu.vector_load %arg7[%get3A_34, %get3A_35] {strides = array<i32>} : memref<16x16xf32, #tpu.memory_space<vmem>>, vector<16xf32>,
    %mul3A_37 = vector.broadcast %squeeze3A_32 : f32 to vector<16xf32>
    %mul3A_38 = arith.mulf %mul3A_37, %get3A_36 : vector<16xf32>
    %add3A_39 = arith.addf %add3A_30, %mul3A_38 : vector<16xf32>
    %slice3A_40 = vector.extract_strided_slice %get3A_18 {offsets = [2], sizes = [1], strides = [1]} : vector<16xf32> to vector<1xf32>
    %squeeze3A_41 = vector.extract %slice3A_40[0] : f32 from vector<1xf32>
    %get3A_42 = arith.constant 2 : i32
    %get3A_43 = arith.index_cast %get3A_42 : i32 to index
    %get3A_44 = arith.constant 0 : index
    %get3A_45 = tpu.vector_load %arg7[%get3A_43, %get3A_44] {strides = array<i32>} : memref<16x16xf32, #tpu.memory_space<vmem>>, vector<16xf32>,
    %mul3A_46 = vector.broadcast %squeeze3A_41 : f32 to vector<16xf32>
    %mul3A_47 = arith.mulf %mul3A_46, %get3A_45 : vector<16xf32>
    %add3A_48 = arith.addf %add3A_39, %mul3A_47 : vector<16xf32>
    %slice3A_49 = vector.extract_strided_slice %get3A_18 {offsets = [3], sizes = [1], strides = [1]} : vector<16xf32> to vector<1xf32>
    %squeeze3A_50 = vector.extract %slice3A_49[0] : f32 from vector<1xf32>
    %get3A_51 = arith.constant 3 : i32
    %get3A_52 = arith.index_cast %get3A_51 : i32 to index
    %get3A_53 = arith.constant 0 : index
    %get3A_54 = tpu.vector_load %arg7[%get3A_52, %get3A_53] {strides = array<i32>} : memref<16x16xf32, #tpu.memory_space<vmem>>, vector<16xf32>,
    %mul3A_55 = vector.broadcast %squeeze3A_50 : f32 to vector<16xf32>
    %mul3A_56 = arith.mulf %mul3A_55, %get3A_54 : vector<16xf32>
    %add3A_57 = arith.addf %add3A_48, %mul3A_56 : vector<16xf32>
    %slice3A_58 = vector.extract_strided_slice %get3A_18 {offsets = [4], sizes = [1], strides = [1]} : vector<16xf32> to vector<1xf32>
    %squeeze3A_59 = vector.extract %slice3A_58[0] : f32 from vector<1xf32>
    %get3A_60 = arith.constant 4 : i32
    %get3A_61 = arith.index_cast %get3A_60 : i32 to index
    %get3A_62 = arith.constant 0 : index
    %get3A_63 = tpu.vector_load %arg7[%get3A_61, %get3A_62] {strides = array<i32>} : memref<16x16xf32, #tpu.memory_space<vmem>>, vector<16xf32>,
    %mul3A_64 = vector.broadcast %squeeze3A_59 : f32 to vector<16xf32>
    %mul3A_65 = arith.mulf %mul3A_64, %get3A_63 : vector<16xf32>
    %add3A_66 = arith.addf %add3A_57, %mul3A_65 : vector<16xf32>
    %slice3A_67 = vector.extract_strided_slice %get3A_18 {offsets = [5], sizes = [1], strides = [1]} : vector<16xf32> to vector<1xf32>
    %squeeze3A_68 = vector.extract %slice3A_67[0] : f32 from vector<1xf32>
    %get3A_69 = arith.constant 5 : i32
    %get3A_70 = arith.index_cast %get3A_69 : i32 to index
    %get3A_71 = arith.constant 0 : index
    %get3A_72 = tpu.vector_load %arg7[%get3A_70, %get3A_71] {strides = array<i32>} : memref<16x16xf32, #tpu.memory_space<vmem>>, vector<16xf32>,
    %mul3A_73 = vector.broadcast %squeeze3A_68 : f32 to vector<16xf32>
    %mul3A_74 = arith.mulf %mul3A_73, %get3A_72 : vector<16xf32>
    %add3A_75 = arith.addf %add3A_66, %mul3A_74 : vector<16xf32>
    %slice3A_76 = vector.extract_strided_slice %get3A_18 {offsets = [6], sizes = [1], strides = [1]} : vector<16xf32> to vector<1xf32>
    %squeeze3A_77 = vector.extract %slice3A_76[0] : f32 from vector<1xf32>
    %get3A_78 = arith.constant 6 : i32
    %get3A_79 = arith.index_cast %get3A_78 : i32 to index
    %get3A_80 = arith.constant 0 : index
    %get3A_81 = tpu.vector_load %arg7[%get3A_79, %get3A_80] {strides = array<i32>} : memref<16x16xf32, #tpu.memory_space<vmem>>, vector<16xf32>,
    %mul3A_82 = vector.broadcast %squeeze3A_77 : f32 to vector<16xf32>
    %mul3A_83 = arith.mulf %mul3A_82, %get3A_81 : vector<16xf32>
    %add3A_84 = arith.addf %add3A_75, %mul3A_83 : vector<16xf32>
    %slice3A_85 = vector.extract_strided_slice %get3A_18 {offsets = [7], sizes = [1], strides = [1]} : vector<16xf32> to vector<1xf32>
    %squeeze3A_86 = vector.extract %slice3A_85[0] : f32 from vector<1xf32>
    %get3A_87 = arith.constant 7 : i32
    %get3A_88 = arith.index_cast %get3A_87 : i32 to index
    %get3A_89 = arith.constant 0 : index
    %get3A_90 = tpu.vector_load %arg7[%get3A_88, %get3A_89] {strides = array<i32>} : memref<16x16xf32, #tpu.memory_space<vmem>>, vector<16xf32>,
    %mul3A_91 = vector.broadcast %squeeze3A_86 : f32 to vector<16xf32>
    %mul3A_92 = arith.mulf %mul3A_91, %get3A_90 : vector<16xf32>
    %add3A_93 = arith.addf %add3A_84, %mul3A_92 : vector<16xf32>
    %slice3A_94 = vector.extract_strided_slice %get3A_18 {offsets = [8], sizes = [1], strides = [1]} : vector<16xf32> to vector<1xf32>
    %squeeze3A_95 = vector.extract %slice3A_94[0] : f32 from vector<1xf32>
    %get3A_96 = arith.constant 8 : i32
    %get3A_97 = arith.index_cast %get3A_96 : i32 to index
    %get3A_98 = arith.constant 0 : index
    %get3A_99 = tpu.vector_load %arg7[%get3A_97, %get3A_98] {strides = array<i32>} : memref<16x16xf32, #tpu.memory_space<vmem>>, vector<16xf32>,
    %mul3A_100 = vector.broadcast %squeeze3A_95 : f32 to vector<16xf32>
    %mul3A_101 = arith.mulf %mul3A_100, %get3A_99 : vector<16xf32>
    %add3A_102 = arith.addf %add3A_93, %mul3A_101 : vector<16xf32>
    %slice3A_103 = vector.extract_strided_slice %get3A_18 {offsets = [9], sizes = [1], strides = [1]} : vector<16xf32> to vector<1xf32>
    %squeeze3A_104 = vector.extract %slice3A_103[0] : f32 from vector<1xf32>
    %get3A_105 = arith.constant 9 : i32
    %get3A_106 = arith.index_cast %get3A_105 : i32 to index
    %get3A_107 = arith.constant 0 : index
    %get3A_108 = tpu.vector_load %arg7[%get3A_106, %get3A_107] {strides = array<i32>} : memref<16x16xf32, #tpu.memory_space<vmem>>, vector<16xf32>,
    %mul3A_109 = vector.broadcast %squeeze3A_104 : f32 to vector<16xf32>
    %mul3A_110 = arith.mulf %mul3A_109, %get3A_108 : vector<16xf32>
    %add3A_111 = arith.addf %add3A_102, %mul3A_110 : vector<16xf32>
    %slice3A_112 = vector.extract_strided_slice %get3A_18 {offsets = [10], sizes = [1], strides = [1]} : vector<16xf32> to vector<1xf32>
    %squeeze3A_113 = vector.extract %slice3A_112[0] : f32 from vector<1xf32>
    %get3A_114 = arith.constant 10 : i32
    %get3A_115 = arith.index_cast %get3A_114 : i32 to index
    %get3A_116 = arith.constant 0 : index
    %get3A_117 = tpu.vector_load %arg7[%get3A_115, %get3A_116] {strides = array<i32>} : memref<16x16xf32, #tpu.memory_space<vmem>>, vector<16xf32>,
    %mul3A_118 = vector.broadcast %squeeze3A_113 : f32 to vector<16xf32>
    %mul3A_119 = arith.mulf %mul3A_118, %get3A_117 : vector<16xf32>
    %add3A_120 = arith.addf %add3A_111, %mul3A_119 : vector<16xf32>
    %slice3A_121 = vector.extract_strided_slice %get3A_18 {offsets = [11], sizes = [1], strides = [1]} : vector<16xf32> to vector<1xf32>
    %squeeze3A_122 = vector.extract %slice3A_121[0] : f32 from vector<1xf32>
    %get3A_123 = arith.constant 11 : i32
    %get3A_124 = arith.index_cast %get3A_123 : i32 to index
    %get3A_125 = arith.constant 0 : index
    %get3A_126 = tpu.vector_load %arg7[%get3A_124, %get3A_125] {strides = array<i32>} : memref<16x16xf32, #tpu.memory_space<vmem>>, vector<16xf32>,
    %mul3A_127 = vector.broadcast %squeeze3A_122 : f32 to vector<16xf32>
    %mul3A_128 = arith.mulf %mul3A_127, %get3A_126 : vector<16xf32>
    %add3A_129 = arith.addf %add3A_120, %mul3A_128 : vector<16xf32>
    %slice3A_130 = vector.extract_strided_slice %get3A_18 {offsets = [12], sizes = [1], strides = [1]} : vector<16xf32> to vector<1xf32>
    %squeeze3A_131 = vector.extract %slice3A_130[0] : f32 from vector<1xf32>
    %get3A_132 = arith.constant 12 : i32
    %get3A_133 = arith.index_cast %get3A_132 : i32 to index
    %get3A_134 = arith.constant 0 : index
    %get3A_135 = tpu.vector_load %arg7[%get3A_133, %get3A_134] {strides = array<i32>} : memref<16x16xf32, #tpu.memory_space<vmem>>, vector<16xf32>,
    %mul3A_136 = vector.broadcast %squeeze3A_131 : f32 to vector<16xf32>
    %mul3A_137 = arith.mulf %mul3A_136, %get3A_135 : vector<16xf32>
    %add3A_138 = arith.addf %add3A_129, %mul3A_137 : vector<16xf32>
    %slice3A_139 = vector.extract_strided_slice %get3A_18 {offsets = [13], sizes = [1], strides = [1]} : vector<16xf32> to vector<1xf32>
    %squeeze3A_140 = vector.extract %slice3A_139[0] : f32 from vector<1xf32>
    %get3A_141 = arith.constant 13 : i32
    %get3A_142 = arith.index_cast %get3A_141 : i32 to index
    %get3A_143 = arith.constant 0 : index
    %get3A_144 = tpu.vector_load %arg7[%get3A_142, %get3A_143] {strides = array<i32>} : memref<16x16xf32, #tpu.memory_space<vmem>>, vector<16xf32>,
    %mul3A_145 = vector.broadcast %squeeze3A_140 : f32 to vector<16xf32>
    %mul3A_146 = arith.mulf %mul3A_145, %get3A_144 : vector<16xf32>
    %add3A_147 = arith.addf %add3A_138, %mul3A_146 : vector<16xf32>
    %slice3A_148 = vector.extract_strided_slice %get3A_18 {offsets = [14], sizes = [1], strides = [1]} : vector<16xf32> to vector<1xf32>
    %squeeze3A_149 = vector.extract %slice3A_148[0] : f32 from vector<1xf32>
    %get3A_150 = arith.constant 14 : i32
    %get3A_151 = arith.index_cast %get3A_150 : i32 to index
    %get3A_152 = arith.constant 0 : index
    %get3A_153 = tpu.vector_load %arg7[%get3A_151, %get3A_152] {strides = array<i32>} : memref<16x16xf32, #tpu.memory_space<vmem>>, vector<16xf32>,
    %mul3A_154 = vector.broadcast %squeeze3A_149 : f32 to vector<16xf32>
    %mul3A_155 = arith.mulf %mul3A_154, %get3A_153 : vector<16xf32>
    %add3A_156 = arith.addf %add3A_147, %mul3A_155 : vector<16xf32>
    %slice3A_157 = vector.extract_strided_slice %get3A_18 {offsets = [15], sizes = [1], strides = [1]} : vector<16xf32> to vector<1xf32>
    %squeeze3A_158 = vector.extract %slice3A_157[0] : f32 from vector<1xf32>
    %get3A_159 = arith.constant 15 : i32
    %get3A_160 = arith.index_cast %get3A_159 : i32 to index
    %get3A_161 = arith.constant 0 : index
    %get3A_162 = tpu.vector_load %arg7[%get3A_160, %get3A_161] {strides = array<i32>} : memref<16x16xf32, #tpu.memory_space<vmem>>, vector<16xf32>,
    %mul3A_163 = vector.broadcast %squeeze3A_158 : f32 to vector<16xf32>
    %mul3A_164 = arith.mulf %mul3A_163, %get3A_162 : vector<16xf32>
    %add3A_165 = arith.addf %add3A_156, %mul3A_164 : vector<16xf32>
    %swap3A = arith.constant 0 : i32
    %swap3A_166 = arith.index_cast %swap3A : i32 to index
    %swap3A_167 = arith.constant 0 : index
    %swap3A_168 = tpu.vector_load %arg10[%swap3A_166, %swap3A_167] {strides = array<i32>} : memref<16x16xf32, #tpu.memory_space<vmem>>, vector<16xf32>,
    tpu.vector_store %arg10[%swap3A_166, %swap3A_167], %add3A_165 {strides = array<i32>} : memref<16x16xf32, #tpu.memory_space<vmem>>, vector<16xf32>,
    %get3A_169 = arith.constant 1 : i32
    %get3A_170 = arith.index_cast %get3A_169 : i32 to index
    %get3A_171 = arith.constant 0 : index
    %get3A_172 = tpu.vector_load %arg8[%get3A_170, %get3A_171] {strides = array<i32>} : memref<16x16xf32, #tpu.memory_space<vmem>>, vector<16xf32>,
    %broadcast_in_dim3A_173 = arith.constant 0.000000e+00 : f32
    %broadcast_in_dim3A_174 = vector.broadcast %broadcast_in_dim3A_173 : f32 to vector<16xf32>
    %slice3A_175 = vector.extract_strided_slice %get3A_14 {offsets = [1], sizes = [1], strides = [1]} : vector<16xf32> to vector<1xf32>
    %squeeze3A_176 = vector.extract %slice3A_175[0] : f32 from vector<1xf32>
    %add3A_177 = vector.broadcast %squeeze3A_176 : f32 to vector<16xf32>
    %add3A_178 = arith.addf %broadcast_in_dim3A_174, %add3A_177 : vector<16xf32>
    %slice3A_179 = vector.extract_strided_slice %get3A_172 {offsets = [0], sizes = [1], strides = [1]} : vector<16xf32> to vector<1xf32>
    %squeeze3A_180 = vector.extract %slice3A_179[0] : f32 from vector<1xf32>
    %get3A_181 = arith.constant 0 : i32
    %get3A_182 = arith.index_cast %get3A_181 : i32 to index
    %get3A_183 = arith.constant 0 : index
    %get3A_184 = tpu.vector_load %arg7[%get3A_182, %get3A_183] {strides = array<i32>} : memref<16x16xf32, #tpu.memory_space<vmem>>, vector<16xf32>,
    %mul3A_185 = vector.broadcast %squeeze3A_180 : f32 to vector<16xf32>
    %mul3A_186 = arith.mulf %mul3A_185, %get3A_184 : vector<16xf32>
    %add3A_187 = arith.addf %add3A_178, %mul3A_186 : vector<16xf32>
    %slice3A_188 = vector.extract_strided_slice %get3A_172 {offsets = [1], sizes = [1], strides = [1]} : vector<16xf32> to vector<1xf32>
    %squeeze3A_189 = vector.extract %slice3A_188[0] : f32 from vector<1xf32>
    %get3A_190 = arith.constant 1 : i32
    %get3A_191 = arith.index_cast %get3A_190 : i32 to index
    %get3A_192 = arith.constant 0 : index
    %get3A_193 = tpu.vector_load %arg7[%get3A_191, %get3A_192] {strides = array<i32>} : memref<16x16xf32, #tpu.memory_space<vmem>>, vector<16xf32>,
    %mul3A_194 = vector.broadcast %squeeze3A_189 : f32 to vector<16xf32>
    %mul3A_195 = arith.mulf %mul3A_194, %get3A_193 : vector<16xf32>
    %add3A_196 = arith.addf %add3A_187, %mul3A_195 : vector<16xf32>
    %slice3A_197 = vector.extract_strided_slice %get3A_172 {offsets = [2], sizes = [1], strides = [1]} : vector<16xf32> to vector<1xf32>
    %squeeze3A_198 = vector.extract %slice3A_197[0] : f32 from vector<1xf32>
    %get3A_199 = arith.constant 2 : i32
    %get3A_200 = arith.index_cast %get3A_199 : i32 to index
    %get3A_201 = arith.constant 0 : index
    %get3A_202 = tpu.vector_load %arg7[%get3A_200, %get3A_201] {strides = array<i32>} : memref<16x16xf32, #tpu.memory_space<vmem>>, vector<16xf32>,
    %mul3A_203 = vector.broadcast %squeeze3A_198 : f32 to vector<16xf32>
    %mul3A_204 = arith.mulf %mul3A_203, %get3A_202 : vector<16xf32>
    %add3A_205 = arith.addf %add3A_196, %mul3A_204 : vector<16xf32>
    %slice3A_206 = vector.extract_strided_slice %get3A_172 {offsets = [3], sizes = [1], strides = [1]} : vector<16xf32> to vector<1xf32>
    %squeeze3A_207 = vector.extract %slice3A_206[0] : f32 from vector<1xf32>
    %get3A_208 = arith.constant 3 : i32
    %get3A_209 = arith.index_cast %get3A_208 : i32 to index
    %get3A_210 = arith.constant 0 : index
    %get3A_211 = tpu.vector_load %arg7[%get3A_209, %get3A_210] {strides = array<i32>} : memref<16x16xf32, #tpu.memory_space<vmem>>, vector<16xf32>,
    %mul3A_212 = vector.broadcast %squeeze3A_207 : f32 to vector<16xf32>
    %mul3A_213 = arith.mulf %mul3A_212, %get3A_211 : vector<16xf32>
    %add3A_214 = arith.addf %add3A_205, %mul3A_213 : vector<16xf32>
    %slice3A_215 = vector.extract_strided_slice %get3A_172 {offsets = [4], sizes = [1], strides = [1]} : vector<16xf32> to vector<1xf32>
    %squeeze3A_216 = vector.extract %slice3A_215[0] : f32 from vector<1xf32>
    %get3A_217 = arith.constant 4 : i32
    %get3A_218 = arith.index_cast %get3A_217 : i32 to index
    %get3A_219 = arith.constant 0 : index
    %get3A_220 = tpu.vector_load %arg7[%get3A_218, %get3A_219] {strides = array<i32>} : memref<16x16xf32, #tpu.memory_space<vmem>>, vector<16xf32>,
    %mul3A_221 = vector.broadcast %squeeze3A_216 : f32 to vector<16xf32>
    %mul3A_222 = arith.mulf %mul3A_221, %get3A_220 : vector<16xf32>
    %add3A_223 = arith.addf %add3A_214, %mul3A_222 : vector<16xf32>
    %slice3A_224 = vector.extract_strided_slice %get3A_172 {offsets = [5], sizes = [1], strides = [1]} : vector<16xf32> to vector<1xf32>
    %squeeze3A_225 = vector.extract %slice3A_224[0] : f32 from vector<1xf32>
    %get3A_226 = arith.constant 5 : i32
    %get3A_227 = arith.index_cast %get3A_226 : i32 to index
    %get3A_228 = arith.constant 0 : index
    %get3A_229 = tpu.vector_load %arg7[%get3A_227, %get3A_228] {strides = array<i32>} : memref<16x16xf32, #tpu.memory_space<vmem>>, vector<16xf32>,
    %mul3A_230 = vector.broadcast %squeeze3A_225 : f32 to vector<16xf32>
    %mul3A_231 = arith.mulf %mul3A_230, %get3A_229 : vector<16xf32>
    %add3A_232 = arith.addf %add3A_223, %mul3A_231 : vector<16xf32>
    %slice3A_233 = vector.extract_strided_slice %get3A_172 {offsets = [6], sizes = [1], strides = [1]} : vector<16xf32> to vector<1xf32>
    %squeeze3A_234 = vector.extract %slice3A_233[0] : f32 from vector<1xf32>
    %get3A_235 = arith.constant 6 : i32
    %get3A_236 = arith.index_cast %get3A_235 : i32 to index
    %get3A_237 = arith.constant 0 : index
    %get3A_238 = tpu.vector_load %arg7[%get3A_236, %get3A_237] {strides = array<i32>} : memref<16x16xf32, #tpu.memory_space<vmem>>, vector<16xf32>,
    %mul3A_239 = vector.broadcast %squeeze3A_234 : f32 to vector<16xf32>
    %mul3A_240 = arith.mulf %mul3A_239, %get3A_238 : vector<16xf32>
    %add3A_241 = arith.addf %add3A_232, %mul3A_240 : vector<16xf32>
    %slice3A_242 = vector.extract_strided_slice %get3A_172 {offsets = [7], sizes = [1], strides = [1]} : vector<16xf32> to vector<1xf32>
    %squeeze3A_243 = vector.extract %slice3A_242[0] : f32 from vector<1xf32>
    %get3A_244 = arith.constant 7 : i32
    %get3A_245 = arith.index_cast %get3A_244 : i32 to index
    %get3A_246 = arith.constant 0 : index
    %get3A_247 = tpu.vector_load %arg7[%get3A_245, %get3A_246] {strides = array<i32>} : memref<16x16xf32, #tpu.memory_space<vmem>>, vector<16xf32>,
    %mul3A_248 = vector.broadcast %squeeze3A_243 : f32 to vector<16xf32>
    %mul3A_249 = arith.mulf %mul3A_248, %get3A_247 : vector<16xf32>
    %add3A_250 = arith.addf %add3A_241, %mul3A_249 : vector<16xf32>
    %slice3A_251 = vector.extract_strided_slice %get3A_172 {offsets = [8], sizes = [1], strides = [1]} : vector<16xf32> to vector<1xf32>
    %squeeze3A_252 = vector.extract %slice3A_251[0] : f32 from vector<1xf32>
    %get3A_253 = arith.constant 8 : i32
    %get3A_254 = arith.index_cast %get3A_253 : i32 to index
    %get3A_255 = arith.constant 0 : index
    %get3A_256 = tpu.vector_load %arg7[%get3A_254, %get3A_255] {strides = array<i32>} : memref<16x16xf32, #tpu.memory_space<vmem>>, vector<16xf32>,
    %mul3A_257 = vector.broadcast %squeeze3A_252 : f32 to vector<16xf32>
    %mul3A_258 = arith.mulf %mul3A_257, %get3A_256 : vector<16xf32>
    %add3A_259 = arith.addf %add3A_250, %mul3A_258 : vector<16xf32>
    %slice3A_260 = vector.extract_strided_slice %get3A_172 {offsets = [9], sizes = [1], strides = [1]} : vector<16xf32> to vector<1xf32>
    %squeeze3A_261 = vector.extract %slice3A_260[0] : f32 from vector<1xf32>
    %get3A_262 = arith.constant 9 : i32
    %get3A_263 = arith.index_cast %get3A_262 : i32 to index
    %get3A_264 = arith.constant 0 : index
    %get3A_265 = tpu.vector_load %arg7[%get3A_263, %get3A_264] {strides = array<i32>} : memref<16x16xf32, #tpu.memory_space<vmem>>, vector<16xf32>,
    %mul3A_266 = vector.broadcast %squeeze3A_261 : f32 to vector<16xf32>
    %mul3A_267 = arith.mulf %mul3A_266, %get3A_265 : vector<16xf32>
    %add3A_268 = arith.addf %add3A_259, %mul3A_267 : vector<16xf32>
    %slice3A_269 = vector.extract_strided_slice %get3A_172 {offsets = [10], sizes = [1], strides = [1]} : vector<16xf32> to vector<1xf32>
    %squeeze3A_270 = vector.extract %slice3A_269[0] : f32 from vector<1xf32>
    %get3A_271 = arith.constant 10 : i32
    %get3A_272 = arith.index_cast %get3A_271 : i32 to index
    %get3A_273 = arith.constant 0 : index
    %get3A_274 = tpu.vector_load %arg7[%get3A_272, %get3A_273] {strides = array<i32>} : memref<16x16xf32, #tpu.memory_space<vmem>>, vector<16xf32>,
    %mul3A_275 = vector.broadcast %squeeze3A_270 : f32 to vector<16xf32>
    %mul3A_276 = arith.mulf %mul3A_275, %get3A_274 : vector<16xf32>
    %add3A_277 = arith.addf %add3A_268, %mul3A_276 : vector<16xf32>
    %slice3A_278 = vector.extract_strided_slice %get3A_172 {offsets = [11], sizes = [1], strides = [1]} : vector<16xf32> to vector<1xf32>
    %squeeze3A_279 = vector.extract %slice3A_278[0] : f32 from vector<1xf32>
    %get3A_280 = arith.constant 11 : i32
    %get3A_281 = arith.index_cast %get3A_280 : i32 to index
    %get3A_282 = arith.constant 0 : index
    %get3A_283 = tpu.vector_load %arg7[%get3A_281, %get3A_282] {strides = array<i32>} : memref<16x16xf32, #tpu.memory_space<vmem>>, vector<16xf32>,
    %mul3A_284 = vector.broadcast %squeeze3A_279 : f32 to vector<16xf32>
    %mul3A_285 = arith.mulf %mul3A_284, %get3A_283 : vector<16xf32>
    %add3A_286 = arith.addf %add3A_277, %mul3A_285 : vector<16xf32>
    %slice3A_287 = vector.extract_strided_slice %get3A_172 {offsets = [12], sizes = [1], strides = [1]} : vector<16xf32> to vector<1xf32>
    %squeeze3A_288 = vector.extract %slice3A_287[0] : f32 from vector<1xf32>
    %get3A_289 = arith.constant 12 : i32
    %get3A_290 = arith.index_cast %get3A_289 : i32 to index
    %get3A_291 = arith.constant 0 : index
    %get3A_292 = tpu.vector_load %arg7[%get3A_290, %get3A_291] {strides = array<i32>} : memref<16x16xf32, #tpu.memory_space<vmem>>, vector<16xf32>,
    %mul3A_293 = vector.broadcast %squeeze3A_288 : f32 to vector<16xf32>
    %mul3A_294 = arith.mulf %mul3A_293, %get3A_292 : vector<16xf32>
    %add3A_295 = arith.addf %add3A_286, %mul3A_294 : vector<16xf32>
    %slice3A_296 = vector.extract_strided_slice %get3A_172 {offsets = [13], sizes = [1], strides = [1]} : vector<16xf32> to vector<1xf32>
    %squeeze3A_297 = vector.extract %slice3A_296[0] : f32 from vector<1xf32>
    %get3A_298 = arith.constant 13 : i32
    %get3A_299 = arith.index_cast %get3A_298 : i32 to index
    %get3A_300 = arith.constant 0 : index
    %get3A_301 = tpu.vector_load %arg7[%get3A_299, %get3A_300] {strides = array<i32>} : memref<16x16xf32, #tpu.memory_space<vmem>>, vector<16xf32>,
    %mul3A_302 = vector.broadcast %squeeze3A_297 : f32 to vector<16xf32>
    %mul3A_303 = arith.mulf %mul3A_302, %get3A_301 : vector<16xf32>
    %add3A_304 = arith.addf %add3A_295, %mul3A_303 : vector<16xf32>
    %slice3A_305 = vector.extract_strided_slice %get3A_172 {offsets = [14], sizes = [1], strides = [1]} : vector<16xf32> to vector<1xf32>
    %squeeze3A_306 = vector.extract %slice3A_305[0] : f32 from vector<1xf32>
    %get3A_307 = arith.constant 14 : i32
    %get3A_308 = arith.index_cast %get3A_307 : i32 to index
    %get3A_309 = arith.constant 0 : index
    %get3A_310 = tpu.vector_load %arg7[%get3A_308, %get3A_309] {strides = array<i32>} : memref<16x16xf32, #tpu.memory_space<vmem>>, vector<16xf32>,
    %mul3A_311 = vector.broadcast %squeeze3A_306 : f32 to vector<16xf32>
    %mul3A_312 = arith.mulf %mul3A_311, %get3A_310 : vector<16xf32>
    %add3A_313 = arith.addf %add3A_304, %mul3A_312 : vector<16xf32>
    %slice3A_314 = vector.extract_strided_slice %get3A_172 {offsets = [15], sizes = [1], strides = [1]} : vector<16xf32> to vector<1xf32>
    %squeeze3A_315 = vector.extract %slice3A_314[0] : f32 from vector<1xf32>
    %get3A_316 = arith.constant 15 : i32
    %get3A_317 = arith.index_cast %get3A_316 : i32 to index
    %get3A_318 = arith.constant 0 : index
    %get3A_319 = tpu.vector_load %arg7[%get3A_317, %get3A_318] {strides = array<i32>} : memref<16x16xf32, #tpu.memory_space<vmem>>, vector<16xf32>,
    %mul3A_320 = vector.broadcast %squeeze3A_315 : f32 to vector<16xf32>
    %mul3A_321 = arith.mulf %mul3A_320, %get3A_319 : vector<16xf32>
    %add3A_322 = arith.addf %add3A_313, %mul3A_321 : vector<16xf32>
    %swap3A_323 = arith.constant 1 : i32
    %swap3A_324 = arith.index_cast %swap3A_323 : i32 to index
    %swap3A_325 = arith.constant 0 : index
    %swap3A_326 = tpu.vector_load %arg10[%swap3A_324, %swap3A_325] {strides = array<i32>} : memref<16x16xf32, #tpu.memory_space<vmem>>, vector<16xf32>,
    tpu.vector_store %arg10[%swap3A_324, %swap3A_325], %add3A_322 {strides = array<i32>} : memref<16x16xf32, #tpu.memory_space<vmem>>, vector<16xf32>,
    %get3A_327 = arith.constant 2 : i32
    %get3A_328 = arith.index_cast %get3A_327 : i32 to index
    %get3A_329 = arith.constant 0 : index
    %get3A_330 = tpu.vector_load %arg8[%get3A_328, %get3A_329] {strides = array<i32>} : memref<16x16xf32, #tpu.memory_space<vmem>>, vector<16xf32>,
    %broadcast_in_dim3A_331 = arith.constant 0.000000e+00 : f32
    %broadcast_in_dim3A_332 = vector.broadcast %broadcast_in_dim3A_331 : f32 to vector<16xf32>
    %slice3A_333 = vector.extract_strided_slice %get3A_14 {offsets = [2], sizes = [1], strides = [1]} : vector<16xf32> to vector<1xf32>
    %squeeze3A_334 = vector.extract %slice3A_333[0] : f32 from vector<1xf32>
    %add3A_335 = vector.broadcast %squeeze3A_334 : f32 to vector<16xf32>
    %add3A_336 = arith.addf %broadcast_in_dim3A_332, %add3A_335 : vector<16xf32>
    %slice3A_337 = vector.extract_strided_slice %get3A_330 {offsets = [0], sizes = [1], strides = [1]} : vector<16xf32> to vector<1xf32>
    %squeeze3A_338 = vector.extract %slice3A_337[0] : f32 from vector<1xf32>
    %get3A_339 = arith.constant 0 : i32
    %get3A_340 = arith.index_cast %get3A_339 : i32 to index
    %get3A_341 = arith.constant 0 : index
    %get3A_342 = tpu.vector_load %arg7[%get3A_340, %get3A_341] {strides = array<i32>} : memref<16x16xf32, #tpu.memory_space<vmem>>, vector<16xf32>,
    %mul3A_343 = vector.broadcast %squeeze3A_338 : f32 to vector<16xf32>
    %mul3A_344 = arith.mulf %mul3A_343, %get3A_342 : vector<16xf32>
    %add3A_345 = arith.addf %add3A_336, %mul3A_344 : vector<16xf32>
    %slice3A_346 = vector.extract_strided_slice %get3A_330 {offsets = [1], sizes = [1], strides = [1]} : vector<16xf32> to vector<1xf32>
    %squeeze3A_347 = vector.extract %slice3A_346[0] : f32 from vector<1xf32>
    %get3A_348 = arith.constant 1 : i32
    %get3A_349 = arith.index_cast %get3A_348 : i32 to index
    %get3A_350 = arith.constant 0 : index
    %get3A_351 = tpu.vector_load %arg7[%get3A_349, %get3A_350] {strides = array<i32>} : memref<16x16xf32, #tpu.memory_space<vmem>>, vector<16xf32>,
    %mul3A_352 = vector.broadcast %squeeze3A_347 : f32 to vector<16xf32>
    %mul3A_353 = arith.mulf %mul3A_352, %get3A_351 : vector<16xf32>
    %add3A_354 = arith.addf %add3A_345, %mul3A_353 : vector<16xf32>
    %slice3A_355 = vector.extract_strided_slice %get3A_330 {offsets = [2], sizes = [1], strides = [1]} : vector<16xf32> to vector<1xf32>
    %squeeze3A_356 = vector.extract %slice3A_355[0] : f32 from vector<1xf32>
    %get3A_357 = arith.constant 2 : i32
    %get3A_358 = arith.index_cast %get3A_357 : i32 to index
    %get3A_359 = arith.constant 0 : index
    %get3A_360 = tpu.vector_load %arg7[%get3A_358, %get3A_359] {strides = array<i32>} : memref<16x16xf32, #tpu.memory_space<vmem>>, vector<16xf32>,
    %mul3A_361 = vector.broadcast %squeeze3A_356 : f32 to vector<16xf32>
    %mul3A_362 = arith.mulf %mul3A_361, %get3A_360 : vector<16xf32>
    %add3A_363 = arith.addf %add3A_354, %mul3A_362 : vector<16xf32>
    %slice3A_364 = vector.extract_strided_slice %get3A_330 {offsets = [3], sizes = [1], strides = [1]} : vector<16xf32> to vector<1xf32>
    %squeeze3A_365 = vector.extract %slice3A_364[0] : f32 from vector<1xf32>
    %get3A_366 = arith.constant 3 : i32
    %get3A_367 = arith.index_cast %get3A_366 : i32 to index
    %get3A_368 = arith.constant 0 : index
    %get3A_369 = tpu.vector_load %arg7[%get3A_367, %get3A_368] {strides = array<i32>} : memref<16x16xf32, #tpu.memory_space<vmem>>, vector<16xf32>,
    %mul3A_370 = vector.broadcast %squeeze3A_365 : f32 to vector<16xf32>
    %mul3A_371 = arith.mulf %mul3A_370, %get3A_369 : vector<16xf32>
    %add3A_372 = arith.addf %add3A_363, %mul3A_371 : vector<16xf32>
    %slice3A_373 = vector.extract_strided_slice %get3A_330 {offsets = [4], sizes = [1], strides = [1]} : vector<16xf32> to vector<1xf32>
    %squeeze3A_374 = vector.extract %slice3A_373[0] : f32 from vector<1xf32>
    %get3A_375 = arith.constant 4 : i32
    %get3A_376 = arith.index_cast %get3A_375 : i32 to index
    %get3A_377 = arith.constant 0 : index
    %get3A_378 = tpu.vector_load %arg7[%get3A_376, %get3A_377] {strides = array<i32>} : memref<16x16xf32, #tpu.memory_space<vmem>>, vector<16xf32>,
    %mul3A_379 = vector.broadcast %squeeze3A_374 : f32 to vector<16xf32>
    %mul3A_380 = arith.mulf %mul3A_379, %get3A_378 : vector<16xf32>
    %add3A_381 = arith.addf %add3A_372, %mul3A_380 : vector<16xf32>
    %slice3A_382 = vector.extract_strided_slice %get3A_330 {offsets = [5], sizes = [1], strides = [1]} : vector<16xf32> to vector<1xf32>
    %squeeze3A_383 = vector.extract %slice3A_382[0] : f32 from vector<1xf32>
    %get3A_384 = arith.constant 5 : i32
    %get3A_385 = arith.index_cast %get3A_384 : i32 to index
    %get3A_386 = arith.constant 0 : index
    %get3A_387 = tpu.vector_load %arg7[%get3A_385, %get3A_386] {strides = array<i32>} : memref<16x16xf32, #tpu.memory_space<vmem>>, vector<16xf32>,
    %mul3A_388 = vector.broadcast %squeeze3A_383 : f32 to vector<16xf32>
    %mul3A_389 = arith.mulf %mul3A_388, %get3A_387 : vector<16xf32>
    %add3A_390 = arith.addf %add3A_381, %mul3A_389 : vector<16xf32>
    %slice3A_391 = vector.extract_strided_slice %get3A_330 {offsets = [6], sizes = [1], strides = [1]} : vector<16xf32> to vector<1xf32>
    %squeeze3A_392 = vector.extract %slice3A_391[0] : f32 from vector<1xf32>
    %get3A_393 = arith.constant 6 : i32
    %get3A_394 = arith.index_cast %get3A_393 : i32 to index
    %get3A_395 = arith.constant 0 : index
    %get3A_396 = tpu.vector_load %arg7[%get3A_394, %get3A_395] {strides = array<i32>} : memref<16x16xf32, #tpu.memory_space<vmem>>, vector<16xf32>,
    %mul3A_397 = vector.broadcast %squeeze3A_392 : f32 to vector<16xf32>
    %mul3A_398 = arith.mulf %mul3A_397, %get3A_396 : vector<16xf32>
    %add3A_399 = arith.addf %add3A_390, %mul3A_398 : vector<16xf32>
    %slice3A_400 = vector.extract_strided_slice %get3A_330 {offsets = [7], sizes = [1], strides = [1]} : vector<16xf32> to vector<1xf32>
    %squeeze3A_401 = vector.extract %slice3A_400[0] : f32 from vector<1xf32>
    %get3A_402 = arith.constant 7 : i32
    %get3A_403 = arith.index_cast %get3A_402 : i32 to index
    %get3A_404 = arith.constant 0 : index
    %get3A_405 = tpu.vector_load %arg7[%get3A_403, %get3A_404] {strides = array<i32>} : memref<16x16xf32, #tpu.memory_space<vmem>>, vector<16xf32>,
    %mul3A_406 = vector.broadcast %squeeze3A_401 : f32 to vector<16xf32>
    %mul3A_407 = arith.mulf %mul3A_406, %get3A_405 : vector<16xf32>
    %add3A_408 = arith.addf %add3A_399, %mul3A_407 : vector<16xf32>
    %slice3A_409 = vector.extract_strided_slice %get3A_330 {offsets = [8], sizes = [1], strides = [1]} : vector<16xf32> to vector<1xf32>
    %squeeze3A_410 = vector.extract %slice3A_409[0] : f32 from vector<1xf32>
    %get3A_411 = arith.constant 8 : i32
    %get3A_412 = arith.index_cast %get3A_411 : i32 to index
    %get3A_413 = arith.constant 0 : index
    %get3A_414 = tpu.vector_load %arg7[%get3A_412, %get3A_413] {strides = array<i32>} : memref<16x16xf32, #tpu.memory_space<vmem>>, vector<16xf32>,
    %mul3A_415 = vector.broadcast %squeeze3A_410 : f32 to vector<16xf32>
    %mul3A_416 = arith.mulf %mul3A_415, %get3A_414 : vector<16xf32>
    %add3A_417 = arith.addf %add3A_408, %mul3A_416 : vector<16xf32>
    %slice3A_418 = vector.extract_strided_slice %get3A_330 {offsets = [9], sizes = [1], strides = [1]} : vector<16xf32> to vector<1xf32>
    %squeeze3A_419 = vector.extract %slice3A_418[0] : f32 from vector<1xf32>
    %get3A_420 = arith.constant 9 : i32
    %get3A_421 = arith.index_cast %get3A_420 : i32 to index
    %get3A_422 = arith.constant 0 : index
    %get3A_423 = tpu.vector_load %arg7[%get3A_421, %get3A_422] {strides = array<i32>} : memref<16x16xf32, #tpu.memory_space<vmem>>, vector<16xf32>,
    %mul3A_424 = vector.broadcast %squeeze3A_419 : f32 to vector<16xf32>
    %mul3A_425 = arith.mulf %mul3A_424, %get3A_423 : vector<16xf32>
    %add3A_426 = arith.addf %add3A_417, %mul3A_425 : vector<16xf32>
    %slice3A_427 = vector.extract_strided_slice %get3A_330 {offsets = [10], sizes = [1], strides = [1]} : vector<16xf32> to vector<1xf32>
    %squeeze3A_428 = vector.extract %slice3A_427[0] : f32 from vector<1xf32>
    %get3A_429 = arith.constant 10 : i32
    %get3A_430 = arith.index_cast %get3A_429 : i32 to index
    %get3A_431 = arith.constant 0 : index
    %get3A_432 = tpu.vector_load %arg7[%get3A_430, %get3A_431] {strides = array<i32>} : memref<16x16xf32, #tpu.memory_space<vmem>>, vector<16xf32>,
    %mul3A_433 = vector.broadcast %squeeze3A_428 : f32 to vector<16xf32>
    %mul3A_434 = arith.mulf %mul3A_433, %get3A_432 : vector<16xf32>
    %add3A_435 = arith.addf %add3A_426, %mul3A_434 : vector<16xf32>
    %slice3A_436 = vector.extract_strided_slice %get3A_330 {offsets = [11], sizes = [1], strides = [1]} : vector<16xf32> to vector<1xf32>
    %squeeze3A_437 = vector.extract %slice3A_436[0] : f32 from vector<1xf32>
    %get3A_438 = arith.constant 11 : i32
    %get3A_439 = arith.index_cast %get3A_438 : i32 to index
    %get3A_440 = arith.constant 0 : index
    %get3A_441 = tpu.vector_load %arg7[%get3A_439, %get3A_440] {strides = array<i32>} : memref<16x16xf32, #tpu.memory_space<vmem>>, vector<16xf32>,
    %mul3A_442 = vector.broadcast %squeeze3A_437 : f32 to vector<16xf32>
    %mul3A_443 = arith.mulf %mul3A_442, %get3A_441 : vector<16xf32>
    %add3A_444 = arith.addf %add3A_435, %mul3A_443 : vector<16xf32>
    %slice3A_445 = vector.extract_strided_slice %get3A_330 {offsets = [12], sizes = [1], strides = [1]} : vector<16xf32> to vector<1xf32>
    %squeeze3A_446 = vector.extract %slice3A_445[0] : f32 from vector<1xf32>
    %get3A_447 = arith.constant 12 : i32
    %get3A_448 = arith.index_cast %get3A_447 : i32 to index
    %get3A_449 = arith.constant 0 : index
    %get3A_450 = tpu.vector_load %arg7[%get3A_448, %get3A_449] {strides = array<i32>} : memref<16x16xf32, #tpu.memory_space<vmem>>, vector<16xf32>,
    %mul3A_451 = vector.broadcast %squeeze3A_446 : f32 to vector<16xf32>
    %mul3A_452 = arith.mulf %mul3A_451, %get3A_450 : vector<16xf32>
    %add3A_453 = arith.addf %add3A_444, %mul3A_452 : vector<16xf32>
    %slice3A_454 = vector.extract_strided_slice %get3A_330 {offsets = [13], sizes = [1], strides = [1]} : vector<16xf32> to vector<1xf32>
    %squeeze3A_455 = vector.extract %slice3A_454[0] : f32 from vector<1xf32>
    %get3A_456 = arith.constant 13 : i32
    %get3A_457 = arith.index_cast %get3A_456 : i32 to index
    %get3A_458 = arith.constant 0 : index
    %get3A_459 = tpu.vector_load %arg7[%get3A_457, %get3A_458] {strides = array<i32>} : memref<16x16xf32, #tpu.memory_space<vmem>>, vector<16xf32>,
    %mul3A_460 = vector.broadcast %squeeze3A_455 : f32 to vector<16xf32>
    %mul3A_461 = arith.mulf %mul3A_460, %get3A_459 : vector<16xf32>
    %add3A_462 = arith.addf %add3A_453, %mul3A_461 : vector<16xf32>
    %slice3A_463 = vector.extract_strided_slice %get3A_330 {offsets = [14], sizes = [1], strides = [1]} : vector<16xf32> to vector<1xf32>
    %squeeze3A_464 = vector.extract %slice3A_463[0] : f32 from vector<1xf32>
    %get3A_465 = arith.constant 14 : i32
    %get3A_466 = arith.index_cast %get3A_465 : i32 to index
    %get3A_467 = arith.constant 0 : index
    %get3A_468 = tpu.vector_load %arg7[%get3A_466, %get3A_467] {strides = array<i32>} : memref<16x16xf32, #tpu.memory_space<vmem>>, vector<16xf32>,
    %mul3A_469 = vector.broadcast %squeeze3A_464 : f32 to vector<16xf32>
    %mul3A_470 = arith.mulf %mul3A_469, %get3A_468 : vector<16xf32>
    %add3A_471 = arith.addf %add3A_462, %mul3A_470 : vector<16xf32>
    %slice3A_472 = vector.extract_strided_slice %get3A_330 {offsets = [15], sizes = [1], strides = [1]} : vector<16xf32> to vector<1xf32>
    %squeeze3A_473 = vector.extract %slice3A_472[0] : f32 from vector<1xf32>
    %get3A_474 = arith.constant 15 : i32
    %get3A_475 = arith.index_cast %get3A_474 : i32 to index
    %get3A_476 = arith.constant 0 : index
    %get3A_477 = tpu.vector_load %arg7[%get3A_475, %get3A_476] {strides = array<i32>} : memref<16x16xf32, #tpu.memory_space<vmem>>, vector<16xf32>,
    %mul3A_478 = vector.broadcast %squeeze3A_473 : f32 to vector<16xf32>
    %mul3A_479 = arith.mulf %mul3A_478, %get3A_477 : vector<16xf32>
    %add3A_480 = arith.addf %add3A_471, %mul3A_479 : vector<16xf32>
    %swap3A_481 = arith.constant 2 : i32
    %swap3A_482 = arith.index_cast %swap3A_481 : i32 to index
    %swap3A_483 = arith.constant 0 : index
    %swap3A_484 = tpu.vector_load %arg10[%swap3A_482, %swap3A_483] {strides = array<i32>} : memref<16x16xf32, #tpu.memory_space<vmem>>, vector<16xf32>,
    tpu.vector_store %arg10[%swap3A_482, %swap3A_483], %add3A_480 {strides = array<i32>} : memref<16x16xf32, #tpu.memory_space<vmem>>, vector<16xf32>,
    %get3A_485 = arith.constant 3 : i32
    %get3A_486 = arith.index_cast %get3A_485 : i32 to index
    %get3A_487 = arith.constant 0 : index
    %get3A_488 = tpu.vector_load %arg8[%get3A_486, %get3A_487] {strides = array<i32>} : memref<16x16xf32, #tpu.memory_space<vmem>>, vector<16xf32>,
    %broadcast_in_dim3A_489 = arith.constant 0.000000e+00 : f32
    %broadcast_in_dim3A_490 = vector.broadcast %broadcast_in_dim3A_489 : f32 to vector<16xf32>
    %slice3A_491 = vector.extract_strided_slice %get3A_14 {offsets = [3], sizes = [1], strides = [1]} : vector<16xf32> to vector<1xf32>
    %squeeze3A_492 = vector.extract %slice3A_491[0] : f32 from vector<1xf32>
    %add3A_493 = vector.broadcast %squeeze3A_492 : f32 to vector<16xf32>
    %add3A_494 = arith.addf %broadcast_in_dim3A_490, %add3A_493 : vector<16xf32>
    %slice3A_495 = vector.extract_strided_slice %get3A_488 {offsets = [0], sizes = [1], strides = [1]} : vector<16xf32> to vector<1xf32>
    %squeeze3A_496 = vector.extract %slice3A_495[0] : f32 from vector<1xf32>
    %get3A_497 = arith.constant 0 : i32
    %get3A_498 = arith.index_cast %get3A_497 : i32 to index
    %get3A_499 = arith.constant 0 : index
    %get3A_500 = tpu.vector_load %arg7[%get3A_498, %get3A_499] {strides = array<i32>} : memref<16x16xf32, #tpu.memory_space<vmem>>, vector<16xf32>,
    %mul3A_501 = vector.broadcast %squeeze3A_496 : f32 to vector<16xf32>
    %mul3A_502 = arith.mulf %mul3A_501, %get3A_500 : vector<16xf32>
    %add3A_503 = arith.addf %add3A_494, %mul3A_502 : vector<16xf32>
    %slice3A_504 = vector.extract_strided_slice %get3A_488 {offsets = [1], sizes = [1], strides = [1]} : vector<16xf32> to vector<1xf32>
    %squeeze3A_505 = vector.extract %slice3A_504[0] : f32 from vector<1xf32>
    %get3A_506 = arith.constant 1 : i32
    %get3A_507 = arith.index_cast %get3A_506 : i32 to index
    %get3A_508 = arith.constant 0 : index
    %get3A_509 = tpu.vector_load %arg7[%get3A_507, %get3A_508] {strides = array<i32>} : memref<16x16xf32, #tpu.memory_space<vmem>>, vector<16xf32>,
    %mul3A_510 = vector.broadcast %squeeze3A_505 : f32 to vector<16xf32>
    %mul3A_511 = arith.mulf %mul3A_510, %get3A_509 : vector<16xf32>
    %add3A_512 = arith.addf %add3A_503, %mul3A_511 : vector<16xf32>
    %slice3A_513 = vector.extract_strided_slice %get3A_488 {offsets = [2], sizes = [1], strides = [1]} : vector<16xf32> to vector<1xf32>
    %squeeze3A_514 = vector.extract %slice3A_513[0] : f32 from vector<1xf32>
    %get3A_515 = arith.constant 2 : i32
    %get3A_516 = arith.index_cast %get3A_515 : i32 to index
    %get3A_517 = arith.constant 0 : index
    %get3A_518 = tpu.vector_load %arg7[%get3A_516, %get3A_517] {strides = array<i32>} : memref<16x16xf32, #tpu.memory_space<vmem>>, vector<16xf32>,
    %mul3A_519 = vector.broadcast %squeeze3A_514 : f32 to vector<16xf32>
    %mul3A_520 = arith.mulf %mul3A_519, %get3A_518 : vector<16xf32>
    %add3A_521 = arith.addf %add3A_512, %mul3A_520 : vector<16xf32>
    %slice3A_522 = vector.extract_strided_slice %get3A_488 {offsets = [3], sizes = [1], strides = [1]} : vector<16xf32> to vector<1xf32>
    %squeeze3A_523 = vector.extract %slice3A_522[0] : f32 from vector<1xf32>
    %get3A_524 = arith.constant 3 : i32
    %get3A_525 = arith.index_cast %get3A_524 : i32 to index
    %get3A_526 = arith.constant 0 : index
    %get3A_527 = tpu.vector_load %arg7[%get3A_525, %get3A_526] {strides = array<i32>} : memref<16x16xf32, #tpu.memory_space<vmem>>, vector<16xf32>,
    %mul3A_528 = vector.broadcast %squeeze3A_523 : f32 to vector<16xf32>
    %mul3A_529 = arith.mulf %mul3A_528, %get3A_527 : vector<16xf32>
    %add3A_530 = arith.addf %add3A_521, %mul3A_529 : vector<16xf32>
    %slice3A_531 = vector.extract_strided_slice %get3A_488 {offsets = [4], sizes = [1], strides = [1]} : vector<16xf32> to vector<1xf32>
    %squeeze3A_532 = vector.extract %slice3A_531[0] : f32 from vector<1xf32>
    %get3A_533 = arith.constant 4 : i32
    %get3A_534 = arith.index_cast %get3A_533 : i32 to index
    %get3A_535 = arith.constant 0 : index
    %get3A_536 = tpu.vector_load %arg7[%get3A_534, %get3A_535] {strides = array<i32>} : memref<16x16xf32, #tpu.memory_space<vmem>>, vector<16xf32>,
    %mul3A_537 = vector.broadcast %squeeze3A_532 : f32 to vector<16xf32>
    %mul3A_538 = arith.mulf %mul3A_537, %get3A_536 : vector<16xf32>
    %add3A_539 = arith.addf %add3A_530, %mul3A_538 : vector<16xf32>
    %slice3A_540 = vector.extract_strided_slice %get3A_488 {offsets = [5], sizes = [1], strides = [1]} : vector<16xf32> to vector<1xf32>
    %squeeze3A_541 = vector.extract %slice3A_540[0] : f32 from vector<1xf32>
    %get3A_542 = arith.constant 5 : i32
    %get3A_543 = arith.index_cast %get3A_542 : i32 to index
    %get3A_544 = arith.constant 0 : index
    %get3A_545 = tpu.vector_load %arg7[%get3A_543, %get3A_544] {strides = array<i32>} : memref<16x16xf32, #tpu.memory_space<vmem>>, vector<16xf32>,
    %mul3A_546 = vector.broadcast %squeeze3A_541 : f32 to vector<16xf32>
    %mul3A_547 = arith.mulf %mul3A_546, %get3A_545 : vector<16xf32>
    %add3A_548 = arith.addf %add3A_539, %mul3A_547 : vector<16xf32>
    %slice3A_549 = vector.extract_strided_slice %get3A_488 {offsets = [6], sizes = [1], strides = [1]} : vector<16xf32> to vector<1xf32>
    %squeeze3A_550 = vector.extract %slice3A_549[0] : f32 from vector<1xf32>
    %get3A_551 = arith.constant 6 : i32
    %get3A_552 = arith.index_cast %get3A_551 : i32 to index
    %get3A_553 = arith.constant 0 : index
    %get3A_554 = tpu.vector_load %arg7[%get3A_552, %get3A_553] {strides = array<i32>} : memref<16x16xf32, #tpu.memory_space<vmem>>, vector<16xf32>,
    %mul3A_555 = vector.broadcast %squeeze3A_550 : f32 to vector<16xf32>
    %mul3A_556 = arith.mulf %mul3A_555, %get3A_554 : vector<16xf32>
    %add3A_557 = arith.addf %add3A_548, %mul3A_556 : vector<16xf32>
    %slice3A_558 = vector.extract_strided_slice %get3A_488 {offsets = [7], sizes = [1], strides = [1]} : vector<16xf32> to vector<1xf32>
    %squeeze3A_559 = vector.extract %slice3A_558[0] : f32 from vector<1xf32>
    %get3A_560 = arith.constant 7 : i32
    %get3A_561 = arith.index_cast %get3A_560 : i32 to index
    %get3A_562 = arith.constant 0 : index
    %get3A_563 = tpu.vector_load %arg7[%get3A_561, %get3A_562] {strides = array<i32>} : memref<16x16xf32, #tpu.memory_space<vmem>>, vector<16xf32>,
    %mul3A_564 = vector.broadcast %squeeze3A_559 : f32 to vector<16xf32>
    %mul3A_565 = arith.mulf %mul3A_564, %get3A_563 : vector<16xf32>
    %add3A_566 = arith.addf %add3A_557, %mul3A_565 : vector<16xf32>
    %slice3A_567 = vector.extract_strided_slice %get3A_488 {offsets = [8], sizes = [1], strides = [1]} : vector<16xf32> to vector<1xf32>
    %squeeze3A_568 = vector.extract %slice3A_567[0] : f32 from vector<1xf32>
    %get3A_569 = arith.constant 8 : i32
    %get3A_570 = arith.index_cast %get3A_569 : i32 to index
    %get3A_571 = arith.constant 0 : index
    %get3A_572 = tpu.vector_load %arg7[%get3A_570, %get3A_571] {strides = array<i32>} : memref<16x16xf32, #tpu.memory_space<vmem>>, vector<16xf32>,
    %mul3A_573 = vector.broadcast %squeeze3A_568 : f32 to vector<16xf32>
    %mul3A_574 = arith.mulf %mul3A_573, %get3A_572 : vector<16xf32>
    %add3A_575 = arith.addf %add3A_566, %mul3A_574 : vector<16xf32>
    %slice3A_576 = vector.extract_strided_slice %get3A_488 {offsets = [9], sizes = [1], strides = [1]} : vector<16xf32> to vector<1xf32>
    %squeeze3A_577 = vector.extract %slice3A_576[0] : f32 from vector<1xf32>
    %get3A_578 = arith.constant 9 : i32
    %get3A_579 = arith.index_cast %get3A_578 : i32 to index
    %get3A_580 = arith.constant 0 : index
    %get3A_581 = tpu.vector_load %arg7[%get3A_579, %get3A_580] {strides = array<i32>} : memref<16x16xf32, #tpu.memory_space<vmem>>, vector<16xf32>,
    %mul3A_582 = vector.broadcast %squeeze3A_577 : f32 to vector<16xf32>
    %mul3A_583 = arith.mulf %mul3A_582, %get3A_581 : vector<16xf32>
    %add3A_584 = arith.addf %add3A_575, %mul3A_583 : vector<16xf32>
    %slice3A_585 = vector.extract_strided_slice %get3A_488 {offsets = [10], sizes = [1], strides = [1]} : vector<16xf32> to vector<1xf32>
    %squeeze3A_586 = vector.extract %slice3A_585[0] : f32 from vector<1xf32>
    %get3A_587 = arith.constant 10 : i32
    %get3A_588 = arith.index_cast %get3A_587 : i32 to index
    %get3A_589 = arith.constant 0 : index
    %get3A_590 = tpu.vector_load %arg7[%get3A_588, %get3A_589] {strides = array<i32>} : memref<16x16xf32, #tpu.memory_space<vmem>>, vector<16xf32>,
    %mul3A_591 = vector.broadcast %squeeze3A_586 : f32 to vector<16xf32>
    %mul3A_592 = arith.mulf %mul3A_591, %get3A_590 : vector<16xf32>
    %add3A_593 = arith.addf %add3A_584, %mul3A_592 : vector<16xf32>
    %slice3A_594 = vector.extract_strided_slice %get3A_488 {offsets = [11], sizes = [1], strides = [1]} : vector<16xf32> to vector<1xf32>
    %squeeze3A_595 = vector.extract %slice3A_594[0] : f32 from vector<1xf32>
    %get3A_596 = arith.constant 11 : i32
    %get3A_597 = arith.index_cast %get3A_596 : i32 to index
    %get3A_598 = arith.constant 0 : index
    %get3A_599 = tpu.vector_load %arg7[%get3A_597, %get3A_598] {strides = array<i32>} : memref<16x16xf32, #tpu.memory_space<vmem>>, vector<16xf32>,
    %mul3A_600 = vector.broadcast %squeeze3A_595 : f32 to vector<16xf32>
    %mul3A_601 = arith.mulf %mul3A_600, %get3A_599 : vector<16xf32>
    %add3A_602 = arith.addf %add3A_593, %mul3A_601 : vector<16xf32>
    %slice3A_603 = vector.extract_strided_slice %get3A_488 {offsets = [12], sizes = [1], strides = [1]} : vector<16xf32> to vector<1xf32>
    %squeeze3A_604 = vector.extract %slice3A_603[0] : f32 from vector<1xf32>
    %get3A_605 = arith.constant 12 : i32
    %get3A_606 = arith.index_cast %get3A_605 : i32 to index
    %get3A_607 = arith.constant 0 : index
    %get3A_608 = tpu.vector_load %arg7[%get3A_606, %get3A_607] {strides = array<i32>} : memref<16x16xf32, #tpu.memory_space<vmem>>, vector<16xf32>,
    %mul3A_609 = vector.broadcast %squeeze3A_604 : f32 to vector<16xf32>
    %mul3A_610 = arith.mulf %mul3A_609, %get3A_608 : vector<16xf32>
    %add3A_611 = arith.addf %add3A_602, %mul3A_610 : vector<16xf32>
    %slice3A_612 = vector.extract_strided_slice %get3A_488 {offsets = [13], sizes = [1], strides = [1]} : vector<16xf32> to vector<1xf32>
    %squeeze3A_613 = vector.extract %slice3A_612[0] : f32 from vector<1xf32>
    %get3A_614 = arith.constant 13 : i32
    %get3A_615 = arith.index_cast %get3A_614 : i32 to index
    %get3A_616 = arith.constant 0 : index
    %get3A_617 = tpu.vector_load %arg7[%get3A_615, %get3A_616] {strides = array<i32>} : memref<16x16xf32, #tpu.memory_space<vmem>>, vector<16xf32>,
    %mul3A_618 = vector.broadcast %squeeze3A_613 : f32 to vector<16xf32>
    %mul3A_619 = arith.mulf %mul3A_618, %get3A_617 : vector<16xf32>
    %add3A_620 = arith.addf %add3A_611, %mul3A_619 : vector<16xf32>
    %slice3A_621 = vector.extract_strided_slice %get3A_488 {offsets = [14], sizes = [1], strides = [1]} : vector<16xf32> to vector<1xf32>
    %squeeze3A_622 = vector.extract %slice3A_621[0] : f32 from vector<1xf32>
    %get3A_623 = arith.constant 14 : i32
    %get3A_624 = arith.index_cast %get3A_623 : i32 to index
    %get3A_625 = arith.constant 0 : index
    %get3A_626 = tpu.vector_load %arg7[%get3A_624, %get3A_625] {strides = array<i32>} : memref<16x16xf32, #tpu.memory_space<vmem>>, vector<16xf32>,
    %mul3A_627 = vector.broadcast %squeeze3A_622 : f32 to vector<16xf32>
    %mul3A_628 = arith.mulf %mul3A_627, %get3A_626 : vector<16xf32>
    %add3A_629 = arith.addf %add3A_620, %mul3A_628 : vector<16xf32>
    %slice3A_630 = vector.extract_strided_slice %get3A_488 {offsets = [15], sizes = [1], strides = [1]} : vector<16xf32> to vector<1xf32>
    %squeeze3A_631 = vector.extract %slice3A_630[0] : f32 from vector<1xf32>
    %get3A_632 = arith.constant 15 : i32
    %get3A_633 = arith.index_cast %get3A_632 : i32 to index
    %get3A_634 = arith.constant 0 : index
    %get3A_635 = tpu.vector_load %arg7[%get3A_633, %get3A_634] {strides = array<i32>} : memref<16x16xf32, #tpu.memory_space<vmem>>, vector<16xf32>,
    %mul3A_636 = vector.broadcast %squeeze3A_631 : f32 to vector<16xf32>
    %mul3A_637 = arith.mulf %mul3A_636, %get3A_635 : vector<16xf32>
    %add3A_638 = arith.addf %add3A_629, %mul3A_637 : vector<16xf32>
    %swap3A_639 = arith.constant 3 : i32
    %swap3A_640 = arith.index_cast %swap3A_639 : i32 to index
    %swap3A_641 = arith.constant 0 : index
    %swap3A_642 = tpu.vector_load %arg10[%swap3A_640, %swap3A_641] {strides = array<i32>} : memref<16x16xf32, #tpu.memory_space<vmem>>, vector<16xf32>,
    tpu.vector_store %arg10[%swap3A_640, %swap3A_641], %add3A_638 {strides = array<i32>} : memref<16x16xf32, #tpu.memory_space<vmem>>, vector<16xf32>,
    %get3A_643 = arith.constant 4 : i32
    %get3A_644 = arith.index_cast %get3A_643 : i32 to index
    %get3A_645 = arith.constant 0 : index
    %get3A_646 = tpu.vector_load %arg8[%get3A_644, %get3A_645] {strides = array<i32>} : memref<16x16xf32, #tpu.memory_space<vmem>>, vector<16xf32>,
    %broadcast_in_dim3A_647 = arith.constant 0.000000e+00 : f32
    %broadcast_in_dim3A_648 = vector.broadcast %broadcast_in_dim3A_647 : f32 to vector<16xf32>
    %slice3A_649 = vector.extract_strided_slice %get3A_14 {offsets = [4], sizes = [1], strides = [1]} : vector<16xf32> to vector<1xf32>
    %squeeze3A_650 = vector.extract %slice3A_649[0] : f32 from vector<1xf32>
    %add3A_651 = vector.broadcast %squeeze3A_650 : f32 to vector<16xf32>
    %add3A_652 = arith.addf %broadcast_in_dim3A_648, %add3A_651 : vector<16xf32>
    %slice3A_653 = vector.extract_strided_slice %get3A_646 {offsets = [0], sizes = [1], strides = [1]} : vector<16xf32> to vector<1xf32>
    %squeeze3A_654 = vector.extract %slice3A_653[0] : f32 from vector<1xf32>
    %get3A_655 = arith.constant 0 : i32
    %get3A_656 = arith.index_cast %get3A_655 : i32 to index
    %get3A_657 = arith.constant 0 : index
    %get3A_658 = tpu.vector_load %arg7[%get3A_656, %get3A_657] {strides = array<i32>} : memref<16x16xf32, #tpu.memory_space<vmem>>, vector<16xf32>,
    %mul3A_659 = vector.broadcast %squeeze3A_654 : f32 to vector<16xf32>
    %mul3A_660 = arith.mulf %mul3A_659, %get3A_658 : vector<16xf32>
    %add3A_661 = arith.addf %add3A_652, %mul3A_660 : vector<16xf32>
    %slice3A_662 = vector.extract_strided_slice %get3A_646 {offsets = [1], sizes = [1], strides = [1]} : vector<16xf32> to vector<1xf32>
    %squeeze3A_663 = vector.extract %slice3A_662[0] : f32 from vector<1xf32>
    %get3A_664 = arith.constant 1 : i32
    %get3A_665 = arith.index_cast %get3A_664 : i32 to index
    %get3A_666 = arith.constant 0 : index
    %get3A_667 = tpu.vector_load %arg7[%get3A_665, %get3A_666] {strides = array<i32>} : memref<16x16xf32, #tpu.memory_space<vmem>>, vector<16xf32>,
    %mul3A_668 = vector.broadcast %squeeze3A_663 : f32 to vector<16xf32>
    %mul3A_669 = arith.mulf %mul3A_668, %get3A_667 : vector<16xf32>
    %add3A_670 = arith.addf %add3A_661, %mul3A_669 : vector<16xf32>
    %slice3A_671 = vector.extract_strided_slice %get3A_646 {offsets = [2], sizes = [1], strides = [1]} : vector<16xf32> to vector<1xf32>
    %squeeze3A_672 = vector.extract %slice3A_671[0] : f32 from vector<1xf32>
    %get3A_673 = arith.constant 2 : i32
    %get3A_674 = arith.index_cast %get3A_673 : i32 to index
    %get3A_675 = arith.constant 0 : index
    %get3A_676 = tpu.vector_load %arg7[%get3A_674, %get3A_675] {strides = array<i32>} : memref<16x16xf32, #tpu.memory_space<vmem>>, vector<16xf32>,
    %mul3A_677 = vector.broadcast %squeeze3A_672 : f32 to vector<16xf32>
    %mul3A_678 = arith.mulf %mul3A_677, %get3A_676 : vector<16xf32>
    %add3A_679 = arith.addf %add3A_670, %mul3A_678 : vector<16xf32>
    %slice3A_680 = vector.extract_strided_slice %get3A_646 {offsets = [3], sizes = [1], strides = [1]} : vector<16xf32> to vector<1xf32>
    %squeeze3A_681 = vector.extract %slice3A_680[0] : f32 from vector<1xf32>
    %get3A_682 = arith.constant 3 : i32
    %get3A_683 = arith.index_cast %get3A_682 : i32 to index
    %get3A_684 = arith.constant 0 : index
    %get3A_685 = tpu.vector_load %arg7[%get3A_683, %get3A_684] {strides = array<i32>} : memref<16x16xf32, #tpu.memory_space<vmem>>, vector<16xf32>,
    %mul3A_686 = vector.broadcast %squeeze3A_681 : f32 to vector<16xf32>
    %mul3A_687 = arith.mulf %mul3A_686, %get3A_685 : vector<16xf32>
    %add3A_688 = arith.addf %add3A_679, %mul3A_687 : vector<16xf32>
    %slice3A_689 = vector.extract_strided_slice %get3A_646 {offsets = [4], sizes = [1], strides = [1]} : vector<16xf32> to vector<1xf32>
    %squeeze3A_690 = vector.extract %slice3A_689[0] : f32 from vector<1xf32>
    %get3A_691 = arith.constant 4 : i32
    %get3A_692 = arith.index_cast %get3A_691 : i32 to index
    %get3A_693 = arith.constant 0 : index
    %get3A_694 = tpu.vector_load %arg7[%get3A_692, %get3A_693] {strides = array<i32>} : memref<16x16xf32, #tpu.memory_space<vmem>>, vector<16xf32>,
    %mul3A_695 = vector.broadcast %squeeze3A_690 : f32 to vector<16xf32>
    %mul3A_696 = arith.mulf %mul3A_695, %get3A_694 : vector<16xf32>
    %add3A_697 = arith.addf %add3A_688, %mul3A_696 : vector<16xf32>
    %slice3A_698 = vector.extract_strided_slice %get3A_646 {offsets = [5], sizes = [1], strides = [1]} : vector<16xf32> to vector<1xf32>
    %squeeze3A_699 = vector.extract %slice3A_698[0] : f32 from vector<1xf32>
    %get3A_700 = arith.constant 5 : i32
    %get3A_701 = arith.index_cast %get3A_700 : i32 to index
    %get3A_702 = arith.constant 0 : index
    %get3A_703 = tpu.vector_load %arg7[%get3A_701, %get3A_702] {strides = array<i32>} : memref<16x16xf32, #tpu.memory_space<vmem>>, vector<16xf32>,
    %mul3A_704 = vector.broadcast %squeeze3A_699 : f32 to vector<16xf32>
    %mul3A_705 = arith.mulf %mul3A_704, %get3A_703 : vector<16xf32>
    %add3A_706 = arith.addf %add3A_697, %mul3A_705 : vector<16xf32>
    %slice3A_707 = vector.extract_strided_slice %get3A_646 {offsets = [6], sizes = [1], strides = [1]} : vector<16xf32> to vector<1xf32>
    %squeeze3A_708 = vector.extract %slice3A_707[0] : f32 from vector<1xf32>
    %get3A_709 = arith.constant 6 : i32
    %get3A_710 = arith.index_cast %get3A_709 : i32 to index
    %get3A_711 = arith.constant 0 : index
    %get3A_712 = tpu.vector_load %arg7[%get3A_710, %get3A_711] {strides = array<i32>} : memref<16x16xf32, #tpu.memory_space<vmem>>, vector<16xf32>,
    %mul3A_713 = vector.broadcast %squeeze3A_708 : f32 to vector<16xf32>
    %mul3A_714 = arith.mulf %mul3A_713, %get3A_712 : vector<16xf32>
    %add3A_715 = arith.addf %add3A_706, %mul3A_714 : vector<16xf32>
    %slice3A_716 = vector.extract_strided_slice %get3A_646 {offsets = [7], sizes = [1], strides = [1]} : vector<16xf32> to vector<1xf32>
    %squeeze3A_717 = vector.extract %slice3A_716[0] : f32 from vector<1xf32>
    %get3A_718 = arith.constant 7 : i32
    %get3A_719 = arith.index_cast %get3A_718 : i32 to index
    %get3A_720 = arith.constant 0 : index
    %get3A_721 = tpu.vector_load %arg7[%get3A_719, %get3A_720] {strides = array<i32>} : memref<16x16xf32, #tpu.memory_space<vmem>>, vector<16xf32>,
    %mul3A_722 = vector.broadcast %squeeze3A_717 : f32 to vector<16xf32>
    %mul3A_723 = arith.mulf %mul3A_722, %get3A_721 : vector<16xf32>
    %add3A_724 = arith.addf %add3A_715, %mul3A_723 : vector<16xf32>
    %slice3A_725 = vector.extract_strided_slice %get3A_646 {offsets = [8], sizes = [1], strides = [1]} : vector<16xf32> to vector<1xf32>
    %squeeze3A_726 = vector.extract %slice3A_725[0] : f32 from vector<1xf32>
    %get3A_727 = arith.constant 8 : i32
    %get3A_728 = arith.index_cast %get3A_727 : i32 to index
    %get3A_729 = arith.constant 0 : index
    %get3A_730 = tpu.vector_load %arg7[%get3A_728, %get3A_729] {strides = array<i32>} : memref<16x16xf32, #tpu.memory_space<vmem>>, vector<16xf32>,
    %mul3A_731 = vector.broadcast %squeeze3A_726 : f32 to vector<16xf32>
    %mul3A_732 = arith.mulf %mul3A_731, %get3A_730 : vector<16xf32>
    %add3A_733 = arith.addf %add3A_724, %mul3A_732 : vector<16xf32>
    %slice3A_734 = vector.extract_strided_slice %get3A_646 {offsets = [9], sizes = [1], strides = [1]} : vector<16xf32> to vector<1xf32>
    %squeeze3A_735 = vector.extract %slice3A_734[0] : f32 from vector<1xf32>
    %get3A_736 = arith.constant 9 : i32
    %get3A_737 = arith.index_cast %get3A_736 : i32 to index
    %get3A_738 = arith.constant 0 : index
    %get3A_739 = tpu.vector_load %arg7[%get3A_737, %get3A_738] {strides = array<i32>} : memref<16x16xf32, #tpu.memory_space<vmem>>, vector<16xf32>,
    %mul3A_740 = vector.broadcast %squeeze3A_735 : f32 to vector<16xf32>
    %mul3A_741 = arith.mulf %mul3A_740, %get3A_739 : vector<16xf32>
    %add3A_742 = arith.addf %add3A_733, %mul3A_741 : vector<16xf32>
    %slice3A_743 = vector.extract_strided_slice %get3A_646 {offsets = [10], sizes = [1], strides = [1]} : vector<16xf32> to vector<1xf32>
    %squeeze3A_744 = vector.extract %slice3A_743[0] : f32 from vector<1xf32>
    %get3A_745 = arith.constant 10 : i32
    %get3A_746 = arith.index_cast %get3A_745 : i32 to index
    %get3A_747 = arith.constant 0 : index
    %get3A_748 = tpu.vector_load %arg7[%get3A_746, %get3A_747] {strides = array<i32>} : memref<16x16xf32, #tpu.memory_space<vmem>>, vector<16xf32>,
    %mul3A_749 = vector.broadcast %squeeze3A_744 : f32 to vector<16xf32>
    %mul3A_750 = arith.mulf %mul3A_749, %get3A_748 : vector<16xf32>
    %add3A_751 = arith.addf %add3A_742, %mul3A_750 : vector<16xf32>
    %slice3A_752 = vector.extract_strided_slice %get3A_646 {offsets = [11], sizes = [1], strides = [1]} : vector<16xf32> to vector<1xf32>
    %squeeze3A_753 = vector.extract %slice3A_752[0] : f32 from vector<1xf32>
    %get3A_754 = arith.constant 11 : i32
    %get3A_755 = arith.index_cast %get3A_754 : i32 to index
    %get3A_756 = arith.constant 0 : index
    %get3A_757 = tpu.vector_load %arg7[%get3A_755, %get3A_756] {strides = array<i32>} : memref<16x16xf32, #tpu.memory_space<vmem>>, vector<16xf32>,
    %mul3A_758 = vector.broadcast %squeeze3A_753 : f32 to vector<16xf32>
    %mul3A_759 = arith.mulf %mul3A_758, %get3A_757 : vector<16xf32>
    %add3A_760 = arith.addf %add3A_751, %mul3A_759 : vector<16xf32>
    %slice3A_761 = vector.extract_strided_slice %get3A_646 {offsets = [12], sizes = [1], strides = [1]} : vector<16xf32> to vector<1xf32>
    %squeeze3A_762 = vector.extract %slice3A_761[0] : f32 from vector<1xf32>
    %get3A_763 = arith.constant 12 : i32
    %get3A_764 = arith.index_cast %get3A_763 : i32 to index
    %get3A_765 = arith.constant 0 : index
    %get3A_766 = tpu.vector_load %arg7[%get3A_764, %get3A_765] {strides = array<i32>} : memref<16x16xf32, #tpu.memory_space<vmem>>, vector<16xf32>,
    %mul3A_767 = vector.broadcast %squeeze3A_762 : f32 to vector<16xf32>
    %mul3A_768 = arith.mulf %mul3A_767, %get3A_766 : vector<16xf32>
    %add3A_769 = arith.addf %add3A_760, %mul3A_768 : vector<16xf32>
    %slice3A_770 = vector.extract_strided_slice %get3A_646 {offsets = [13], sizes = [1], strides = [1]} : vector<16xf32> to vector<1xf32>
    %squeeze3A_771 = vector.extract %slice3A_770[0] : f32 from vector<1xf32>
    %get3A_772 = arith.constant 13 : i32
    %get3A_773 = arith.index_cast %get3A_772 : i32 to index
    %get3A_774 = arith.constant 0 : index
    %get3A_775 = tpu.vector_load %arg7[%get3A_773, %get3A_774] {strides = array<i32>} : memref<16x16xf32, #tpu.memory_space<vmem>>, vector<16xf32>,
    %mul3A_776 = vector.broadcast %squeeze3A_771 : f32 to vector<16xf32>
    %mul3A_777 = arith.mulf %mul3A_776, %get3A_775 : vector<16xf32>
    %add3A_778 = arith.addf %add3A_769, %mul3A_777 : vector<16xf32>
    %slice3A_779 = vector.extract_strided_slice %get3A_646 {offsets = [14], sizes = [1], strides = [1]} : vector<16xf32> to vector<1xf32>
    %squeeze3A_780 = vector.extract %slice3A_779[0] : f32 from vector<1xf32>
    %get3A_781 = arith.constant 14 : i32
    %get3A_782 = arith.index_cast %get3A_781 : i32 to index
    %get3A_783 = arith.constant 0 : index
    %get3A_784 = tpu.vector_load %arg7[%get3A_782, %get3A_783] {strides = array<i32>} : memref<16x16xf32, #tpu.memory_space<vmem>>, vector<16xf32>,
    %mul3A_785 = vector.broadcast %squeeze3A_780 : f32 to vector<16xf32>
    %mul3A_786 = arith.mulf %mul3A_785, %get3A_784 : vector<16xf32>
    %add3A_787 = arith.addf %add3A_778, %mul3A_786 : vector<16xf32>
    %slice3A_788 = vector.extract_strided_slice %get3A_646 {offsets = [15], sizes = [1], strides = [1]} : vector<16xf32> to vector<1xf32>
    %squeeze3A_789 = vector.extract %slice3A_788[0] : f32 from vector<1xf32>
    %get3A_790 = arith.constant 15 : i32
    %get3A_791 = arith.index_cast %get3A_790 : i32 to index
    %get3A_792 = arith.constant 0 : index
    %get3A_793 = tpu.vector_load %arg7[%get3A_791, %get3A_792] {strides = array<i32>} : memref<16x16xf32, #tpu.memory_space<vmem>>, vector<16xf32>,
    %mul3A_794 = vector.broadcast %squeeze3A_789 : f32 to vector<16xf32>
    %mul3A_795 = arith.mulf %mul3A_794, %get3A_793 : vector<16xf32>
    %add3A_796 = arith.addf %add3A_787, %mul3A_795 : vector<16xf32>
    %swap3A_797 = arith.constant 4 : i32
    %swap3A_798 = arith.index_cast %swap3A_797 : i32 to index
    %swap3A_799 = arith.constant 0 : index
    %swap3A_800 = tpu.vector_load %arg10[%swap3A_798, %swap3A_799] {strides = array<i32>} : memref<16x16xf32, #tpu.memory_space<vmem>>, vector<16xf32>,
    tpu.vector_store %arg10[%swap3A_798, %swap3A_799], %add3A_796 {strides = array<i32>} : memref<16x16xf32, #tpu.memory_space<vmem>>, vector<16xf32>,
    %get3A_801 = arith.constant 5 : i32
    %get3A_802 = arith.index_cast %get3A_801 : i32 to index
    %get3A_803 = arith.constant 0 : index
    %get3A_804 = tpu.vector_load %arg8[%get3A_802, %get3A_803] {strides = array<i32>} : memref<16x16xf32, #tpu.memory_space<vmem>>, vector<16xf32>,
    %broadcast_in_dim3A_805 = arith.constant 0.000000e+00 : f32
    %broadcast_in_dim3A_806 = vector.broadcast %broadcast_in_dim3A_805 : f32 to vector<16xf32>
    %slice3A_807 = vector.extract_strided_slice %get3A_14 {offsets = [5], sizes = [1], strides = [1]} : vector<16xf32> to vector<1xf32>
    %squeeze3A_808 = vector.extract %slice3A_807[0] : f32 from vector<1xf32>
    %add3A_809 = vector.broadcast %squeeze3A_808 : f32 to vector<16xf32>
    %add3A_810 = arith.addf %broadcast_in_dim3A_806, %add3A_809 : vector<16xf32>
    %slice3A_811 = vector.extract_strided_slice %get3A_804 {offsets = [0], sizes = [1], strides = [1]} : vector<16xf32> to vector<1xf32>
    %squeeze3A_812 = vector.extract %slice3A_811[0] : f32 from vector<1xf32>
    %get3A_813 = arith.constant 0 : i32
    %get3A_814 = arith.index_cast %get3A_813 : i32 to index
    %get3A_815 = arith.constant 0 : index
    %get3A_816 = tpu.vector_load %arg7[%get3A_814, %get3A_815] {strides = array<i32>} : memref<16x16xf32, #tpu.memory_space<vmem>>, vector<16xf32>,
    %mul3A_817 = vector.broadcast %squeeze3A_812 : f32 to vector<16xf32>
    %mul3A_818 = arith.mulf %mul3A_817, %get3A_816 : vector<16xf32>
    %add3A_819 = arith.addf %add3A_810, %mul3A_818 : vector<16xf32>
    %slice3A_820 = vector.extract_strided_slice %get3A_804 {offsets = [1], sizes = [1], strides = [1]} : vector<16xf32> to vector<1xf32>
    %squeeze3A_821 = vector.extract %slice3A_820[0] : f32 from vector<1xf32>
    %get3A_822 = arith.constant 1 : i32
    %get3A_823 = arith.index_cast %get3A_822 : i32 to index
    %get3A_824 = arith.constant 0 : index
    %get3A_825 = tpu.vector_load %arg7[%get3A_823, %get3A_824] {strides = array<i32>} : memref<16x16xf32, #tpu.memory_space<vmem>>, vector<16xf32>,
    %mul3A_826 = vector.broadcast %squeeze3A_821 : f32 to vector<16xf32>
    %mul3A_827 = arith.mulf %mul3A_826, %get3A_825 : vector<16xf32>
    %add3A_828 = arith.addf %add3A_819, %mul3A_827 : vector<16xf32>
    %slice3A_829 = vector.extract_strided_slice %get3A_804 {offsets = [2], sizes = [1], strides = [1]} : vector<16xf32> to vector<1xf32>
    %squeeze3A_830 = vector.extract %slice3A_829[0] : f32 from vector<1xf32>
    %get3A_831 = arith.constant 2 : i32
    %get3A_832 = arith.index_cast %get3A_831 : i32 to index
    %get3A_833 = arith.constant 0 : index
    %get3A_834 = tpu.vector_load %arg7[%get3A_832, %get3A_833] {strides = array<i32>} : memref<16x16xf32, #tpu.memory_space<vmem>>, vector<16xf32>,
    %mul3A_835 = vector.broadcast %squeeze3A_830 : f32 to vector<16xf32>
    %mul3A_836 = arith.mulf %mul3A_835, %get3A_834 : vector<16xf32>
    %add3A_837 = arith.addf %add3A_828, %mul3A_836 : vector<16xf32>
    %slice3A_838 = vector.extract_strided_slice %get3A_804 {offsets = [3], sizes = [1], strides = [1]} : vector<16xf32> to vector<1xf32>
    %squeeze3A_839 = vector.extract %slice3A_838[0] : f32 from vector<1xf32>
    %get3A_840 = arith.constant 3 : i32
    %get3A_841 = arith.index_cast %get3A_840 : i32 to index
    %get3A_842 = arith.constant 0 : index
    %get3A_843 = tpu.vector_load %arg7[%get3A_841, %get3A_842] {strides = array<i32>} : memref<16x16xf32, #tpu.memory_space<vmem>>, vector<16xf32>,
    %mul3A_844 = vector.broadcast %squeeze3A_839 : f32 to vector<16xf32>
    %mul3A_845 = arith.mulf %mul3A_844, %get3A_843 : vector<16xf32>
    %add3A_846 = arith.addf %add3A_837, %mul3A_845 : vector<16xf32>
    %slice3A_847 = vector.extract_strided_slice %get3A_804 {offsets = [4], sizes = [1], strides = [1]} : vector<16xf32> to vector<1xf32>
    %squeeze3A_848 = vector.extract %slice3A_847[0] : f32 from vector<1xf32>
    %get3A_849 = arith.constant 4 : i32
    %get3A_850 = arith.index_cast %get3A_849 : i32 to index
    %get3A_851 = arith.constant 0 : index
    %get3A_852 = tpu.vector_load %arg7[%get3A_850, %get3A_851] {strides = array<i32>} : memref<16x16xf32, #tpu.memory_space<vmem>>, vector<16xf32>,
    %mul3A_853 = vector.broadcast %squeeze3A_848 : f32 to vector<16xf32>
    %mul3A_854 = arith.mulf %mul3A_853, %get3A_852 : vector<16xf32>
    %add3A_855 = arith.addf %add3A_846, %mul3A_854 : vector<16xf32>
    %slice3A_856 = vector.extract_strided_slice %get3A_804 {offsets = [5], sizes = [1], strides = [1]} : vector<16xf32> to vector<1xf32>
    %squeeze3A_857 = vector.extract %slice3A_856[0] : f32 from vector<1xf32>
    %get3A_858 = arith.constant 5 : i32
    %get3A_859 = arith.index_cast %get3A_858 : i32 to index
    %get3A_860 = arith.constant 0 : index
    %get3A_861 = tpu.vector_load %arg7[%get3A_859, %get3A_860] {strides = array<i32>} : memref<16x16xf32, #tpu.memory_space<vmem>>, vector<16xf32>,
    %mul3A_862 = vector.broadcast %squeeze3A_857 : f32 to vector<16xf32>
    %mul3A_863 = arith.mulf %mul3A_862, %get3A_861 : vector<16xf32>
    %add3A_864 = arith.addf %add3A_855, %mul3A_863 : vector<16xf32>
    %slice3A_865 = vector.extract_strided_slice %get3A_804 {offsets = [6], sizes = [1], strides = [1]} : vector<16xf32> to vector<1xf32>
    %squeeze3A_866 = vector.extract %slice3A_865[0] : f32 from vector<1xf32>
    %get3A_867 = arith.constant 6 : i32
    %get3A_868 = arith.index_cast %get3A_867 : i32 to index
    %get3A_869 = arith.constant 0 : index
    %get3A_870 = tpu.vector_load %arg7[%get3A_868, %get3A_869] {strides = array<i32>} : memref<16x16xf32, #tpu.memory_space<vmem>>, vector<16xf32>,
    %mul3A_871 = vector.broadcast %squeeze3A_866 : f32 to vector<16xf32>
    %mul3A_872 = arith.mulf %mul3A_871, %get3A_870 : vector<16xf32>
    %add3A_873 = arith.addf %add3A_864, %mul3A_872 : vector<16xf32>
    %slice3A_874 = vector.extract_strided_slice %get3A_804 {offsets = [7], sizes = [1], strides = [1]} : vector<16xf32> to vector<1xf32>
    %squeeze3A_875 = vector.extract %slice3A_874[0] : f32 from vector<1xf32>
    %get3A_876 = arith.constant 7 : i32
    %get3A_877 = arith.index_cast %get3A_876 : i32 to index
    %get3A_878 = arith.constant 0 : index
    %get3A_879 = tpu.vector_load %arg7[%get3A_877, %get3A_878] {strides = array<i32>} : memref<16x16xf32, #tpu.memory_space<vmem>>, vector<16xf32>,
    %mul3A_880 = vector.broadcast %squeeze3A_875 : f32 to vector<16xf32>
    %mul3A_881 = arith.mulf %mul3A_880, %get3A_879 : vector<16xf32>
    %add3A_882 = arith.addf %add3A_873, %mul3A_881 : vector<16xf32>
    %slice3A_883 = vector.extract_strided_slice %get3A_804 {offsets = [8], sizes = [1], strides = [1]} : vector<16xf32> to vector<1xf32>
    %squeeze3A_884 = vector.extract %slice3A_883[0] : f32 from vector<1xf32>
    %get3A_885 = arith.constant 8 : i32
    %get3A_886 = arith.index_cast %get3A_885 : i32 to index
    %get3A_887 = arith.constant 0 : index
    %get3A_888 = tpu.vector_load %arg7[%get3A_886, %get3A_887] {strides = array<i32>} : memref<16x16xf32, #tpu.memory_space<vmem>>, vector<16xf32>,
    %mul3A_889 = vector.broadcast %squeeze3A_884 : f32 to vector<16xf32>
    %mul3A_890 = arith.mulf %mul3A_889, %get3A_888 : vector<16xf32>
    %add3A_891 = arith.addf %add3A_882, %mul3A_890 : vector<16xf32>
    %slice3A_892 = vector.extract_strided_slice %get3A_804 {offsets = [9], sizes = [1], strides = [1]} : vector<16xf32> to vector<1xf32>
    %squeeze3A_893 = vector.extract %slice3A_892[0] : f32 from vector<1xf32>
    %get3A_894 = arith.constant 9 : i32
    %get3A_895 = arith.index_cast %get3A_894 : i32 to index
    %get3A_896 = arith.constant 0 : index
    %get3A_897 = tpu.vector_load %arg7[%get3A_895, %get3A_896] {strides = array<i32>} : memref<16x16xf32, #tpu.memory_space<vmem>>, vector<16xf32>,
    %mul3A_898 = vector.broadcast %squeeze3A_893 : f32 to vector<16xf32>
    %mul3A_899 = arith.mulf %mul3A_898, %get3A_897 : vector<16xf32>
    %add3A_900 = arith.addf %add3A_891, %mul3A_899 : vector<16xf32>
    %slice3A_901 = vector.extract_strided_slice %get3A_804 {offsets = [10], sizes = [1], strides = [1]} : vector<16xf32> to vector<1xf32>
    %squeeze3A_902 = vector.extract %slice3A_901[0] : f32 from vector<1xf32>
    %get3A_903 = arith.constant 10 : i32
    %get3A_904 = arith.index_cast %get3A_903 : i32 to index
    %get3A_905 = arith.constant 0 : index
    %get3A_906 = tpu.vector_load %arg7[%get3A_904, %get3A_905] {strides = array<i32>} : memref<16x16xf32, #tpu.memory_space<vmem>>, vector<16xf32>,
    %mul3A_907 = vector.broadcast %squeeze3A_902 : f32 to vector<16xf32>
    %mul3A_908 = arith.mulf %mul3A_907, %get3A_906 : vector<16xf32>
    %add3A_909 = arith.addf %add3A_900, %mul3A_908 : vector<16xf32>
    %slice3A_910 = vector.extract_strided_slice %get3A_804 {offsets = [11], sizes = [1], strides = [1]} : vector<16xf32> to vector<1xf32>
    %squeeze3A_911 = vector.extract %slice3A_910[0] : f32 from vector<1xf32>
    %get3A_912 = arith.constant 11 : i32
    %get3A_913 = arith.index_cast %get3A_912 : i32 to index
    %get3A_914 = arith.constant 0 : index
    %get3A_915 = tpu.vector_load %arg7[%get3A_913, %get3A_914] {strides = array<i32>} : memref<16x16xf32, #tpu.memory_space<vmem>>, vector<16xf32>,
    %mul3A_916 = vector.broadcast %squeeze3A_911 : f32 to vector<16xf32>
    %mul3A_917 = arith.mulf %mul3A_916, %get3A_915 : vector<16xf32>
    %add3A_918 = arith.addf %add3A_909, %mul3A_917 : vector<16xf32>
    %slice3A_919 = vector.extract_strided_slice %get3A_804 {offsets = [12], sizes = [1], strides = [1]} : vector<16xf32> to vector<1xf32>
    %squeeze3A_920 = vector.extract %slice3A_919[0] : f32 from vector<1xf32>
    %get3A_921 = arith.constant 12 : i32
    %get3A_922 = arith.index_cast %get3A_921 : i32 to index
    %get3A_923 = arith.constant 0 : index
    %get3A_924 = tpu.vector_load %arg7[%get3A_922, %get3A_923] {strides = array<i32>} : memref<16x16xf32, #tpu.memory_space<vmem>>, vector<16xf32>,
    %mul3A_925 = vector.broadcast %squeeze3A_920 : f32 to vector<16xf32>
    %mul3A_926 = arith.mulf %mul3A_925, %get3A_924 : vector<16xf32>
    %add3A_927 = arith.addf %add3A_918, %mul3A_926 : vector<16xf32>
    %slice3A_928 = vector.extract_strided_slice %get3A_804 {offsets = [13], sizes = [1], strides = [1]} : vector<16xf32> to vector<1xf32>
    %squeeze3A_929 = vector.extract %slice3A_928[0] : f32 from vector<1xf32>
    %get3A_930 = arith.constant 13 : i32
    %get3A_931 = arith.index_cast %get3A_930 : i32 to index
    %get3A_932 = arith.constant 0 : index
    %get3A_933 = tpu.vector_load %arg7[%get3A_931, %get3A_932] {strides = array<i32>} : memref<16x16xf32, #tpu.memory_space<vmem>>, vector<16xf32>,
    %mul3A_934 = vector.broadcast %squeeze3A_929 : f32 to vector<16xf32>
    %mul3A_935 = arith.mulf %mul3A_934, %get3A_933 : vector<16xf32>
    %add3A_936 = arith.addf %add3A_927, %mul3A_935 : vector<16xf32>
    %slice3A_937 = vector.extract_strided_slice %get3A_804 {offsets = [14], sizes = [1], strides = [1]} : vector<16xf32> to vector<1xf32>
    %squeeze3A_938 = vector.extract %slice3A_937[0] : f32 from vector<1xf32>
    %get3A_939 = arith.constant 14 : i32
    %get3A_940 = arith.index_cast %get3A_939 : i32 to index
    %get3A_941 = arith.constant 0 : index
    %get3A_942 = tpu.vector_load %arg7[%get3A_940, %get3A_941] {strides = array<i32>} : memref<16x16xf32, #tpu.memory_space<vmem>>, vector<16xf32>,
    %mul3A_943 = vector.broadcast %squeeze3A_938 : f32 to vector<16xf32>
    %mul3A_944 = arith.mulf %mul3A_943, %get3A_942 : vector<16xf32>
    %add3A_945 = arith.addf %add3A_936, %mul3A_944 : vector<16xf32>
    %slice3A_946 = vector.extract_strided_slice %get3A_804 {offsets = [15], sizes = [1], strides = [1]} : vector<16xf32> to vector<1xf32>
    %squeeze3A_947 = vector.extract %slice3A_946[0] : f32 from vector<1xf32>
    %get3A_948 = arith.constant 15 : i32
    %get3A_949 = arith.index_cast %get3A_948 : i32 to index
    %get3A_950 = arith.constant 0 : index
    %get3A_951 = tpu.vector_load %arg7[%get3A_949, %get3A_950] {strides = array<i32>} : memref<16x16xf32, #tpu.memory_space<vmem>>, vector<16xf32>,
    %mul3A_952 = vector.broadcast %squeeze3A_947 : f32 to vector<16xf32>
    %mul3A_953 = arith.mulf %mul3A_952, %get3A_951 : vector<16xf32>
    %add3A_954 = arith.addf %add3A_945, %mul3A_953 : vector<16xf32>
    %swap3A_955 = arith.constant 5 : i32
    %swap3A_956 = arith.index_cast %swap3A_955 : i32 to index
    %swap3A_957 = arith.constant 0 : index
    %swap3A_958 = tpu.vector_load %arg10[%swap3A_956, %swap3A_957] {strides = array<i32>} : memref<16x16xf32, #tpu.memory_space<vmem>>, vector<16xf32>,
    tpu.vector_store %arg10[%swap3A_956, %swap3A_957], %add3A_954 {strides = array<i32>} : memref<16x16xf32, #tpu.memory_space<vmem>>, vector<16xf32>,
    %get3A_959 = arith.constant 6 : i32
    %get3A_960 = arith.index_cast %get3A_959 : i32 to index
    %get3A_961 = arith.constant 0 : index
    %get3A_962 = tpu.vector_load %arg8[%get3A_960, %get3A_961] {strides = array<i32>} : memref<16x16xf32, #tpu.memory_space<vmem>>, vector<16xf32>,
    %broadcast_in_dim3A_963 = arith.constant 0.000000e+00 : f32
    %broadcast_in_dim3A_964 = vector.broadcast %broadcast_in_dim3A_963 : f32 to vector<16xf32>
    %slice3A_965 = vector.extract_strided_slice %get3A_14 {offsets = [6], sizes = [1], strides = [1]} : vector<16xf32> to vector<1xf32>
    %squeeze3A_966 = vector.extract %slice3A_965[0] : f32 from vector<1xf32>
    %add3A_967 = vector.broadcast %squeeze3A_966 : f32 to vector<16xf32>
    %add3A_968 = arith.addf %broadcast_in_dim3A_964, %add3A_967 : vector<16xf32>
    %slice3A_969 = vector.extract_strided_slice %get3A_962 {offsets = [0], sizes = [1], strides = [1]} : vector<16xf32> to vector<1xf32>
    %squeeze3A_970 = vector.extract %slice3A_969[0] : f32 from vector<1xf32>
    %get3A_971 = arith.constant 0 : i32
    %get3A_972 = arith.index_cast %get3A_971 : i32 to index
    %get3A_973 = arith.constant 0 : index
    %get3A_974 = tpu.vector_load %arg7[%get3A_972, %get3A_973] {strides = array<i32>} : memref<16x16xf32, #tpu.memory_space<vmem>>, vector<16xf32>,
    %mul3A_975 = vector.broadcast %squeeze3A_970 : f32 to vector<16xf32>
    %mul3A_976 = arith.mulf %mul3A_975, %get3A_974 : vector<16xf32>
    %add3A_977 = arith.addf %add3A_968, %mul3A_976 : vector<16xf32>
    %slice3A_978 = vector.extract_strided_slice %get3A_962 {offsets = [1], sizes = [1], strides = [1]} : vector<16xf32> to vector<1xf32>
    %squeeze3A_979 = vector.extract %slice3A_978[0] : f32 from vector<1xf32>
    %get3A_980 = arith.constant 1 : i32
    %get3A_981 = arith.index_cast %get3A_980 : i32 to index
    %get3A_982 = arith.constant 0 : index
    %get3A_983 = tpu.vector_load %arg7[%get3A_981, %get3A_982] {strides = array<i32>} : memref<16x16xf32, #tpu.memory_space<vmem>>, vector<16xf32>,
    %mul3A_984 = vector.broadcast %squeeze3A_979 : f32 to vector<16xf32>
    %mul3A_985 = arith.mulf %mul3A_984, %get3A_983 : vector<16xf32>
    %add3A_986 = arith.addf %add3A_977, %mul3A_985 : vector<16xf32>
    %slice3A_987 = vector.extract_strided_slice %get3A_962 {offsets = [2], sizes = [1], strides = [1]} : vector<16xf32> to vector<1xf32>
    %squeeze3A_988 = vector.extract %slice3A_987[0] : f32 from vector<1xf32>
    %get3A_989 = arith.constant 2 : i32
    %get3A_990 = arith.index_cast %get3A_989 : i32 to index
    %get3A_991 = arith.constant 0 : index
    %get3A_992 = tpu.vector_load %arg7[%get3A_990, %get3A_991] {strides = array<i32>} : memref<16x16xf32, #tpu.memory_space<vmem>>, vector<16xf32>,
    %mul3A_993 = vector.broadcast %squeeze3A_988 : f32 to vector<16xf32>
    %mul3A_994 = arith.mulf %mul3A_993, %get3A_992 : vector<16xf32>
    %add3A_995 = arith.addf %add3A_986, %mul3A_994 : vector<16xf32>
    %slice3A_996 = vector.extract_strided_slice %get3A_962 {offsets = [3], sizes = [1], strides = [1]} : vector<16xf32> to vector<1xf32>
    %squeeze3A_997 = vector.extract %slice3A_996[0] : f32 from vector<1xf32>
    %get3A_998 = arith.constant 3 : i32
    %get3A_999 = arith.index_cast %get3A_998 : i32 to index
    %get3A_1000 = arith.constant 0 : index
    %get3A_1001 = tpu.vector_load %arg7[%get3A_999, %get3A_1000] {strides = array<i32>} : memref<16x16xf32, #tpu.memory_space<vmem>>, vector<16xf32>,
    %mul3A_1002 = vector.broadcast %squeeze3A_997 : f32 to vector<16xf32>
    %mul3A_1003 = arith.mulf %mul3A_1002, %get3A_1001 : vector<16xf32>
    %add3A_1004 = arith.addf %add3A_995, %mul3A_1003 : vector<16xf32>
    %slice3A_1005 = vector.extract_strided_slice %get3A_962 {offsets = [4], sizes = [1], strides = [1]} : vector<16xf32> to vector<1xf32>
    %squeeze3A_1006 = vector.extract %slice3A_1005[0] : f32 from vector<1xf32>
    %get3A_1007 = arith.constant 4 : i32
    %get3A_1008 = arith.index_cast %get3A_1007 : i32 to index
    %get3A_1009 = arith.constant 0 : index
    %get3A_1010 = tpu.vector_load %arg7[%get3A_1008, %get3A_1009] {strides = array<i32>} : memref<16x16xf32, #tpu.memory_space<vmem>>, vector<16xf32>,
    %mul3A_1011 = vector.broadcast %squeeze3A_1006 : f32 to vector<16xf32>
    %mul3A_1012 = arith.mulf %mul3A_1011, %get3A_1010 : vector<16xf32>
    %add3A_1013 = arith.addf %add3A_1004, %mul3A_1012 : vector<16xf32>
    %slice3A_1014 = vector.extract_strided_slice %get3A_962 {offsets = [5], sizes = [1], strides = [1]} : vector<16xf32> to vector<1xf32>
    %squeeze3A_1015 = vector.extract %slice3A_1014[0] : f32 from vector<1xf32>
    %get3A_1016 = arith.constant 5 : i32
    %get3A_1017 = arith.index_cast %get3A_1016 : i32 to index
    %get3A_1018 = arith.constant 0 : index
    %get3A_1019 = tpu.vector_load %arg7[%get3A_1017, %get3A_1018] {strides = array<i32>} : memref<16x16xf32, #tpu.memory_space<vmem>>, vector<16xf32>,
    %mul3A_1020 = vector.broadcast %squeeze3A_1015 : f32 to vector<16xf32>
    %mul3A_1021 = arith.mulf %mul3A_1020, %get3A_1019 : vector<16xf32>
    %add3A_1022 = arith.addf %add3A_1013, %mul3A_1021 : vector<16xf32>
    %slice3A_1023 = vector.extract_strided_slice %get3A_962 {offsets = [6], sizes = [1], strides = [1]} : vector<16xf32> to vector<1xf32>
    %squeeze3A_1024 = vector.extract %slice3A_1023[0] : f32 from vector<1xf32>
    %get3A_1025 = arith.constant 6 : i32
    %get3A_1026 = arith.index_cast %get3A_1025 : i32 to index
    %get3A_1027 = arith.constant 0 : index
    %get3A_1028 = tpu.vector_load %arg7[%get3A_1026, %get3A_1027] {strides = array<i32>} : memref<16x16xf32, #tpu.memory_space<vmem>>, vector<16xf32>,
    %mul3A_1029 = vector.broadcast %squeeze3A_1024 : f32 to vector<16xf32>
    %mul3A_1030 = arith.mulf %mul3A_1029, %get3A_1028 : vector<16xf32>
    %add3A_1031 = arith.addf %add3A_1022, %mul3A_1030 : vector<16xf32>
    %slice3A_1032 = vector.extract_strided_slice %get3A_962 {offsets = [7], sizes = [1], strides = [1]} : vector<16xf32> to vector<1xf32>
    %squeeze3A_1033 = vector.extract %slice3A_1032[0] : f32 from vector<1xf32>
    %get3A_1034 = arith.constant 7 : i32
    %get3A_1035 = arith.index_cast %get3A_1034 : i32 to index
    %get3A_1036 = arith.constant 0 : index
    %get3A_1037 = tpu.vector_load %arg7[%get3A_1035, %get3A_1036] {strides = array<i32>} : memref<16x16xf32, #tpu.memory_space<vmem>>, vector<16xf32>,
    %mul3A_1038 = vector.broadcast %squeeze3A_1033 : f32 to vector<16xf32>
    %mul3A_1039 = arith.mulf %mul3A_1038, %get3A_1037 : vector<16xf32>
    %add3A_1040 = arith.addf %add3A_1031, %mul3A_1039 : vector<16xf32>
    %slice3A_1041 = vector.extract_strided_slice %get3A_962 {offsets = [8], sizes = [1], strides = [1]} : vector<16xf32> to vector<1xf32>
    %squeeze3A_1042 = vector.extract %slice3A_1041[0] : f32 from vector<1xf32>
    %get3A_1043 = arith.constant 8 : i32
    %get3A_1044 = arith.index_cast %get3A_1043 : i32 to index
    %get3A_1045 = arith.constant 0 : index
    %get3A_1046 = tpu.vector_load %arg7[%get3A_1044, %get3A_1045] {strides = array<i32>} : memref<16x16xf32, #tpu.memory_space<vmem>>, vector<16xf32>,
    %mul3A_1047 = vector.broadcast %squeeze3A_1042 : f32 to vector<16xf32>
    %mul3A_1048 = arith.mulf %mul3A_1047, %get3A_1046 : vector<16xf32>
    %add3A_1049 = arith.addf %add3A_1040, %mul3A_1048 : vector<16xf32>
    %slice3A_1050 = vector.extract_strided_slice %get3A_962 {offsets = [9], sizes = [1], strides = [1]} : vector<16xf32> to vector<1xf32>
    %squeeze3A_1051 = vector.extract %slice3A_1050[0] : f32 from vector<1xf32>
    %get3A_1052 = arith.constant 9 : i32
    %get3A_1053 = arith.index_cast %get3A_1052 : i32 to index
    %get3A_1054 = arith.constant 0 : index
    %get3A_1055 = tpu.vector_load %arg7[%get3A_1053, %get3A_1054] {strides = array<i32>} : memref<16x16xf32, #tpu.memory_space<vmem>>, vector<16xf32>,
    %mul3A_1056 = vector.broadcast %squeeze3A_1051 : f32 to vector<16xf32>
    %mul3A_1057 = arith.mulf %mul3A_1056, %get3A_1055 : vector<16xf32>
    %add3A_1058 = arith.addf %add3A_1049, %mul3A_1057 : vector<16xf32>
    %slice3A_1059 = vector.extract_strided_slice %get3A_962 {offsets = [10], sizes = [1], strides = [1]} : vector<16xf32> to vector<1xf32>
    %squeeze3A_1060 = vector.extract %slice3A_1059[0] : f32 from vector<1xf32>
    %get3A_1061 = arith.constant 10 : i32
    %get3A_1062 = arith.index_cast %get3A_1061 : i32 to index
    %get3A_1063 = arith.constant 0 : index
    %get3A_1064 = tpu.vector_load %arg7[%get3A_1062, %get3A_1063] {strides = array<i32>} : memref<16x16xf32, #tpu.memory_space<vmem>>, vector<16xf32>,
    %mul3A_1065 = vector.broadcast %squeeze3A_1060 : f32 to vector<16xf32>
    %mul3A_1066 = arith.mulf %mul3A_1065, %get3A_1064 : vector<16xf32>
    %add3A_1067 = arith.addf %add3A_1058, %mul3A_1066 : vector<16xf32>
    %slice3A_1068 = vector.extract_strided_slice %get3A_962 {offsets = [11], sizes = [1], strides = [1]} : vector<16xf32> to vector<1xf32>
    %squeeze3A_1069 = vector.extract %slice3A_1068[0] : f32 from vector<1xf32>
    %get3A_1070 = arith.constant 11 : i32
    %get3A_1071 = arith.index_cast %get3A_1070 : i32 to index
    %get3A_1072 = arith.constant 0 : index
    %get3A_1073 = tpu.vector_load %arg7[%get3A_1071, %get3A_1072] {strides = array<i32>} : memref<16x16xf32, #tpu.memory_space<vmem>>, vector<16xf32>,
    %mul3A_1074 = vector.broadcast %squeeze3A_1069 : f32 to vector<16xf32>
    %mul3A_1075 = arith.mulf %mul3A_1074, %get3A_1073 : vector<16xf32>
    %add3A_1076 = arith.addf %add3A_1067, %mul3A_1075 : vector<16xf32>
    %slice3A_1077 = vector.extract_strided_slice %get3A_962 {offsets = [12], sizes = [1], strides = [1]} : vector<16xf32> to vector<1xf32>
    %squeeze3A_1078 = vector.extract %slice3A_1077[0] : f32 from vector<1xf32>
    %get3A_1079 = arith.constant 12 : i32
    %get3A_1080 = arith.index_cast %get3A_1079 : i32 to index
    %get3A_1081 = arith.constant 0 : index
    %get3A_1082 = tpu.vector_load %arg7[%get3A_1080, %get3A_1081] {strides = array<i32>} : memref<16x16xf32, #tpu.memory_space<vmem>>, vector<16xf32>,
    %mul3A_1083 = vector.broadcast %squeeze3A_1078 : f32 to vector<16xf32>
    %mul3A_1084 = arith.mulf %mul3A_1083, %get3A_1082 : vector<16xf32>
    %add3A_1085 = arith.addf %add3A_1076, %mul3A_1084 : vector<16xf32>
    %slice3A_1086 = vector.extract_strided_slice %get3A_962 {offsets = [13], sizes = [1], strides = [1]} : vector<16xf32> to vector<1xf32>
    %squeeze3A_1087 = vector.extract %slice3A_1086[0] : f32 from vector<1xf32>
    %get3A_1088 = arith.constant 13 : i32
    %get3A_1089 = arith.index_cast %get3A_1088 : i32 to index
    %get3A_1090 = arith.constant 0 : index
    %get3A_1091 = tpu.vector_load %arg7[%get3A_1089, %get3A_1090] {strides = array<i32>} : memref<16x16xf32, #tpu.memory_space<vmem>>, vector<16xf32>,
    %mul3A_1092 = vector.broadcast %squeeze3A_1087 : f32 to vector<16xf32>
    %mul3A_1093 = arith.mulf %mul3A_1092, %get3A_1091 : vector<16xf32>
    %add3A_1094 = arith.addf %add3A_1085, %mul3A_1093 : vector<16xf32>
    %slice3A_1095 = vector.extract_strided_slice %get3A_962 {offsets = [14], sizes = [1], strides = [1]} : vector<16xf32> to vector<1xf32>
    %squeeze3A_1096 = vector.extract %slice3A_1095[0] : f32 from vector<1xf32>
    %get3A_1097 = arith.constant 14 : i32
    %get3A_1098 = arith.index_cast %get3A_1097 : i32 to index
    %get3A_1099 = arith.constant 0 : index
    %get3A_1100 = tpu.vector_load %arg7[%get3A_1098, %get3A_1099] {strides = array<i32>} : memref<16x16xf32, #tpu.memory_space<vmem>>, vector<16xf32>,
    %mul3A_1101 = vector.broadcast %squeeze3A_1096 : f32 to vector<16xf32>
    %mul3A_1102 = arith.mulf %mul3A_1101, %get3A_1100 : vector<16xf32>
    %add3A_1103 = arith.addf %add3A_1094, %mul3A_1102 : vector<16xf32>
    %slice3A_1104 = vector.extract_strided_slice %get3A_962 {offsets = [15], sizes = [1], strides = [1]} : vector<16xf32> to vector<1xf32>
    %squeeze3A_1105 = vector.extract %slice3A_1104[0] : f32 from vector<1xf32>
    %get3A_1106 = arith.constant 15 : i32
    %get3A_1107 = arith.index_cast %get3A_1106 : i32 to index
    %get3A_1108 = arith.constant 0 : index
    %get3A_1109 = tpu.vector_load %arg7[%get3A_1107, %get3A_1108] {strides = array<i32>} : memref<16x16xf32, #tpu.memory_space<vmem>>, vector<16xf32>,
    %mul3A_1110 = vector.broadcast %squeeze3A_1105 : f32 to vector<16xf32>
    %mul3A_1111 = arith.mulf %mul3A_1110, %get3A_1109 : vector<16xf32>
    %add3A_1112 = arith.addf %add3A_1103, %mul3A_1111 : vector<16xf32>
    %swap3A_1113 = arith.constant 6 : i32
    %swap3A_1114 = arith.index_cast %swap3A_1113 : i32 to index
    %swap3A_1115 = arith.constant 0 : index
    %swap3A_1116 = tpu.vector_load %arg10[%swap3A_1114, %swap3A_1115] {strides = array<i32>} : memref<16x16xf32, #tpu.memory_space<vmem>>, vector<16xf32>,
    tpu.vector_store %arg10[%swap3A_1114, %swap3A_1115], %add3A_1112 {strides = array<i32>} : memref<16x16xf32, #tpu.memory_space<vmem>>, vector<16xf32>,
    %get3A_1117 = arith.constant 7 : i32
    %get3A_1118 = arith.index_cast %get3A_1117 : i32 to index
    %get3A_1119 = arith.constant 0 : index
    %get3A_1120 = tpu.vector_load %arg8[%get3A_1118, %get3A_1119] {strides = array<i32>} : memref<16x16xf32, #tpu.memory_space<vmem>>, vector<16xf32>,
    %broadcast_in_dim3A_1121 = arith.constant 0.000000e+00 : f32
    %broadcast_in_dim3A_1122 = vector.broadcast %broadcast_in_dim3A_1121 : f32 to vector<16xf32>
    %slice3A_1123 = vector.extract_strided_slice %get3A_14 {offsets = [7], sizes = [1], strides = [1]} : vector<16xf32> to vector<1xf32>
    %squeeze3A_1124 = vector.extract %slice3A_1123[0] : f32 from vector<1xf32>
    %add3A_1125 = vector.broadcast %squeeze3A_1124 : f32 to vector<16xf32>
    %add3A_1126 = arith.addf %broadcast_in_dim3A_1122, %add3A_1125 : vector<16xf32>
    %slice3A_1127 = vector.extract_strided_slice %get3A_1120 {offsets = [0], sizes = [1], strides = [1]} : vector<16xf32> to vector<1xf32>
    %squeeze3A_1128 = vector.extract %slice3A_1127[0] : f32 from vector<1xf32>
    %get3A_1129 = arith.constant 0 : i32
    %get3A_1130 = arith.index_cast %get3A_1129 : i32 to index
    %get3A_1131 = arith.constant 0 : index
    %get3A_1132 = tpu.vector_load %arg7[%get3A_1130, %get3A_1131] {strides = array<i32>} : memref<16x16xf32, #tpu.memory_space<vmem>>, vector<16xf32>,
    %mul3A_1133 = vector.broadcast %squeeze3A_1128 : f32 to vector<16xf32>
    %mul3A_1134 = arith.mulf %mul3A_1133, %get3A_1132 : vector<16xf32>
    %add3A_1135 = arith.addf %add3A_1126, %mul3A_1134 : vector<16xf32>
    %slice3A_1136 = vector.extract_strided_slice %get3A_1120 {offsets = [1], sizes = [1], strides = [1]} : vector<16xf32> to vector<1xf32>
    %squeeze3A_1137 = vector.extract %slice3A_1136[0] : f32 from vector<1xf32>
    %get3A_1138 = arith.constant 1 : i32
    %get3A_1139 = arith.index_cast %get3A_1138 : i32 to index
    %get3A_1140 = arith.constant 0 : index
    %get3A_1141 = tpu.vector_load %arg7[%get3A_1139, %get3A_1140] {strides = array<i32>} : memref<16x16xf32, #tpu.memory_space<vmem>>, vector<16xf32>,
    %mul3A_1142 = vector.broadcast %squeeze3A_1137 : f32 to vector<16xf32>
    %mul3A_1143 = arith.mulf %mul3A_1142, %get3A_1141 : vector<16xf32>
    %add3A_1144 = arith.addf %add3A_1135, %mul3A_1143 : vector<16xf32>
    %slice3A_1145 = vector.extract_strided_slice %get3A_1120 {offsets = [2], sizes = [1], strides = [1]} : vector<16xf32> to vector<1xf32>
    %squeeze3A_1146 = vector.extract %slice3A_1145[0] : f32 from vector<1xf32>
    %get3A_1147 = arith.constant 2 : i32
    %get3A_1148 = arith.index_cast %get3A_1147 : i32 to index
    %get3A_1149 = arith.constant 0 : index
    %get3A_1150 = tpu.vector_load %arg7[%get3A_1148, %get3A_1149] {strides = array<i32>} : memref<16x16xf32, #tpu.memory_space<vmem>>, vector<16xf32>,
    %mul3A_1151 = vector.broadcast %squeeze3A_1146 : f32 to vector<16xf32>
    %mul3A_1152 = arith.mulf %mul3A_1151, %get3A_1150 : vector<16xf32>
    %add3A_1153 = arith.addf %add3A_1144, %mul3A_1152 : vector<16xf32>
    %slice3A_1154 = vector.extract_strided_slice %get3A_1120 {offsets = [3], sizes = [1], strides = [1]} : vector<16xf32> to vector<1xf32>
    %squeeze3A_1155 = vector.extract %slice3A_1154[0] : f32 from vector<1xf32>
    %get3A_1156 = arith.constant 3 : i32
    %get3A_1157 = arith.index_cast %get3A_1156 : i32 to index
    %get3A_1158 = arith.constant 0 : index
    %get3A_1159 = tpu.vector_load %arg7[%get3A_1157, %get3A_1158] {strides = array<i32>} : memref<16x16xf32, #tpu.memory_space<vmem>>, vector<16xf32>,
    %mul3A_1160 = vector.broadcast %squeeze3A_1155 : f32 to vector<16xf32>
    %mul3A_1161 = arith.mulf %mul3A_1160, %get3A_1159 : vector<16xf32>
    %add3A_1162 = arith.addf %add3A_1153, %mul3A_1161 : vector<16xf32>
    %slice3A_1163 = vector.extract_strided_slice %get3A_1120 {offsets = [4], sizes = [1], strides = [1]} : vector<16xf32> to vector<1xf32>
    %squeeze3A_1164 = vector.extract %slice3A_1163[0] : f32 from vector<1xf32>
    %get3A_1165 = arith.constant 4 : i32
    %get3A_1166 = arith.index_cast %get3A_1165 : i32 to index
    %get3A_1167 = arith.constant 0 : index
    %get3A_1168 = tpu.vector_load %arg7[%get3A_1166, %get3A_1167] {strides = array<i32>} : memref<16x16xf32, #tpu.memory_space<vmem>>, vector<16xf32>,
    %mul3A_1169 = vector.broadcast %squeeze3A_1164 : f32 to vector<16xf32>
    %mul3A_1170 = arith.mulf %mul3A_1169, %get3A_1168 : vector<16xf32>
    %add3A_1171 = arith.addf %add3A_1162, %mul3A_1170 : vector<16xf32>
    %slice3A_1172 = vector.extract_strided_slice %get3A_1120 {offsets = [5], sizes = [1], strides = [1]} : vector<16xf32> to vector<1xf32>
    %squeeze3A_1173 = vector.extract %slice3A_1172[0] : f32 from vector<1xf32>
    %get3A_1174 = arith.constant 5 : i32
    %get3A_1175 = arith.index_cast %get3A_1174 : i32 to index
    %get3A_1176 = arith.constant 0 : index
    %get3A_1177 = tpu.vector_load %arg7[%get3A_1175, %get3A_1176] {strides = array<i32>} : memref<16x16xf32, #tpu.memory_space<vmem>>, vector<16xf32>,
    %mul3A_1178 = vector.broadcast %squeeze3A_1173 : f32 to vector<16xf32>
    %mul3A_1179 = arith.mulf %mul3A_1178, %get3A_1177 : vector<16xf32>
    %add3A_1180 = arith.addf %add3A_1171, %mul3A_1179 : vector<16xf32>
    %slice3A_1181 = vector.extract_strided_slice %get3A_1120 {offsets = [6], sizes = [1], strides = [1]} : vector<16xf32> to vector<1xf32>
    %squeeze3A_1182 = vector.extract %slice3A_1181[0] : f32 from vector<1xf32>
    %get3A_1183 = arith.constant 6 : i32
    %get3A_1184 = arith.index_cast %get3A_1183 : i32 to index
    %get3A_1185 = arith.constant 0 : index
    %get3A_1186 = tpu.vector_load %arg7[%get3A_1184, %get3A_1185] {strides = array<i32>} : memref<16x16xf32, #tpu.memory_space<vmem>>, vector<16xf32>,
    %mul3A_1187 = vector.broadcast %squeeze3A_1182 : f32 to vector<16xf32>
    %mul3A_1188 = arith.mulf %mul3A_1187, %get3A_1186 : vector<16xf32>
    %add3A_1189 = arith.addf %add3A_1180, %mul3A_1188 : vector<16xf32>
    %slice3A_1190 = vector.extract_strided_slice %get3A_1120 {offsets = [7], sizes = [1], strides = [1]} : vector<16xf32> to vector<1xf32>
    %squeeze3A_1191 = vector.extract %slice3A_1190[0] : f32 from vector<1xf32>
    %get3A_1192 = arith.constant 7 : i32
    %get3A_1193 = arith.index_cast %get3A_1192 : i32 to index
    %get3A_1194 = arith.constant 0 : index
    %get3A_1195 = tpu.vector_load %arg7[%get3A_1193, %get3A_1194] {strides = array<i32>} : memref<16x16xf32, #tpu.memory_space<vmem>>, vector<16xf32>,
    %mul3A_1196 = vector.broadcast %squeeze3A_1191 : f32 to vector<16xf32>
    %mul3A_1197 = arith.mulf %mul3A_1196, %get3A_1195 : vector<16xf32>
    %add3A_1198 = arith.addf %add3A_1189, %mul3A_1197 : vector<16xf32>
    %slice3A_1199 = vector.extract_strided_slice %get3A_1120 {offsets = [8], sizes = [1], strides = [1]} : vector<16xf32> to vector<1xf32>
    %squeeze3A_1200 = vector.extract %slice3A_1199[0] : f32 from vector<1xf32>
    %get3A_1201 = arith.constant 8 : i32
    %get3A_1202 = arith.index_cast %get3A_1201 : i32 to index
    %get3A_1203 = arith.constant 0 : index
    %get3A_1204 = tpu.vector_load %arg7[%get3A_1202, %get3A_1203] {strides = array<i32>} : memref<16x16xf32, #tpu.memory_space<vmem>>, vector<16xf32>,
    %mul3A_1205 = vector.broadcast %squeeze3A_1200 : f32 to vector<16xf32>
    %mul3A_1206 = arith.mulf %mul3A_1205, %get3A_1204 : vector<16xf32>
    %add3A_1207 = arith.addf %add3A_1198, %mul3A_1206 : vector<16xf32>
    %slice3A_1208 = vector.extract_strided_slice %get3A_1120 {offsets = [9], sizes = [1], strides = [1]} : vector<16xf32> to vector<1xf32>
    %squeeze3A_1209 = vector.extract %slice3A_1208[0] : f32 from vector<1xf32>
    %get3A_1210 = arith.constant 9 : i32
    %get3A_1211 = arith.index_cast %get3A_1210 : i32 to index
    %get3A_1212 = arith.constant 0 : index
    %get3A_1213 = tpu.vector_load %arg7[%get3A_1211, %get3A_1212] {strides = array<i32>} : memref<16x16xf32, #tpu.memory_space<vmem>>, vector<16xf32>,
    %mul3A_1214 = vector.broadcast %squeeze3A_1209 : f32 to vector<16xf32>
    %mul3A_1215 = arith.mulf %mul3A_1214, %get3A_1213 : vector<16xf32>
    %add3A_1216 = arith.addf %add3A_1207, %mul3A_1215 : vector<16xf32>
    %slice3A_1217 = vector.extract_strided_slice %get3A_1120 {offsets = [10], sizes = [1], strides = [1]} : vector<16xf32> to vector<1xf32>
    %squeeze3A_1218 = vector.extract %slice3A_1217[0] : f32 from vector<1xf32>
    %get3A_1219 = arith.constant 10 : i32
    %get3A_1220 = arith.index_cast %get3A_1219 : i32 to index
    %get3A_1221 = arith.constant 0 : index
    %get3A_1222 = tpu.vector_load %arg7[%get3A_1220, %get3A_1221] {strides = array<i32>} : memref<16x16xf32, #tpu.memory_space<vmem>>, vector<16xf32>,
    %mul3A_1223 = vector.broadcast %squeeze3A_1218 : f32 to vector<16xf32>
    %mul3A_1224 = arith.mulf %mul3A_1223, %get3A_1222 : vector<16xf32>
    %add3A_1225 = arith.addf %add3A_1216, %mul3A_1224 : vector<16xf32>
    %slice3A_1226 = vector.extract_strided_slice %get3A_1120 {offsets = [11], sizes = [1], strides = [1]} : vector<16xf32> to vector<1xf32>
    %squeeze3A_1227 = vector.extract %slice3A_1226[0] : f32 from vector<1xf32>
    %get3A_1228 = arith.constant 11 : i32
    %get3A_1229 = arith.index_cast %get3A_1228 : i32 to index
    %get3A_1230 = arith.constant 0 : index
    %get3A_1231 = tpu.vector_load %arg7[%get3A_1229, %get3A_1230] {strides = array<i32>} : memref<16x16xf32, #tpu.memory_space<vmem>>, vector<16xf32>,
    %mul3A_1232 = vector.broadcast %squeeze3A_1227 : f32 to vector<16xf32>
    %mul3A_1233 = arith.mulf %mul3A_1232, %get3A_1231 : vector<16xf32>
    %add3A_1234 = arith.addf %add3A_1225, %mul3A_1233 : vector<16xf32>
    %slice3A_1235 = vector.extract_strided_slice %get3A_1120 {offsets = [12], sizes = [1], strides = [1]} : vector<16xf32> to vector<1xf32>
    %squeeze3A_1236 = vector.extract %slice3A_1235[0] : f32 from vector<1xf32>
    %get3A_1237 = arith.constant 12 : i32
    %get3A_1238 = arith.index_cast %get3A_1237 : i32 to index
    %get3A_1239 = arith.constant 0 : index
    %get3A_1240 = tpu.vector_load %arg7[%get3A_1238, %get3A_1239] {strides = array<i32>} : memref<16x16xf32, #tpu.memory_space<vmem>>, vector<16xf32>,
    %mul3A_1241 = vector.broadcast %squeeze3A_1236 : f32 to vector<16xf32>
    %mul3A_1242 = arith.mulf %mul3A_1241, %get3A_1240 : vector<16xf32>
    %add3A_1243 = arith.addf %add3A_1234, %mul3A_1242 : vector<16xf32>
    %slice3A_1244 = vector.extract_strided_slice %get3A_1120 {offsets = [13], sizes = [1], strides = [1]} : vector<16xf32> to vector<1xf32>
    %squeeze3A_1245 = vector.extract %slice3A_1244[0] : f32 from vector<1xf32>
    %get3A_1246 = arith.constant 13 : i32
    %get3A_1247 = arith.index_cast %get3A_1246 : i32 to index
    %get3A_1248 = arith.constant 0 : index
    %get3A_1249 = tpu.vector_load %arg7[%get3A_1247, %get3A_1248] {strides = array<i32>} : memref<16x16xf32, #tpu.memory_space<vmem>>, vector<16xf32>,
    %mul3A_1250 = vector.broadcast %squeeze3A_1245 : f32 to vector<16xf32>
    %mul3A_1251 = arith.mulf %mul3A_1250, %get3A_1249 : vector<16xf32>
    %add3A_1252 = arith.addf %add3A_1243, %mul3A_1251 : vector<16xf32>
    %slice3A_1253 = vector.extract_strided_slice %get3A_1120 {offsets = [14], sizes = [1], strides = [1]} : vector<16xf32> to vector<1xf32>
    %squeeze3A_1254 = vector.extract %slice3A_1253[0] : f32 from vector<1xf32>
    %get3A_1255 = arith.constant 14 : i32
    %get3A_1256 = arith.index_cast %get3A_1255 : i32 to index
    %get3A_1257 = arith.constant 0 : index
    %get3A_1258 = tpu.vector_load %arg7[%get3A_1256, %get3A_1257] {strides = array<i32>} : memref<16x16xf32, #tpu.memory_space<vmem>>, vector<16xf32>,
    %mul3A_1259 = vector.broadcast %squeeze3A_1254 : f32 to vector<16xf32>
    %mul3A_1260 = arith.mulf %mul3A_1259, %get3A_1258 : vector<16xf32>
    %add3A_1261 = arith.addf %add3A_1252, %mul3A_1260 : vector<16xf32>
    %slice3A_1262 = vector.extract_strided_slice %get3A_1120 {offsets = [15], sizes = [1], strides = [1]} : vector<16xf32> to vector<1xf32>
    %squeeze3A_1263 = vector.extract %slice3A_1262[0] : f32 from vector<1xf32>
    %get3A_1264 = arith.constant 15 : i32
    %get3A_1265 = arith.index_cast %get3A_1264 : i32 to index
    %get3A_1266 = arith.constant 0 : index
    %get3A_1267 = tpu.vector_load %arg7[%get3A_1265, %get3A_1266] {strides = array<i32>} : memref<16x16xf32, #tpu.memory_space<vmem>>, vector<16xf32>,
    %mul3A_1268 = vector.broadcast %squeeze3A_1263 : f32 to vector<16xf32>
    %mul3A_1269 = arith.mulf %mul3A_1268, %get3A_1267 : vector<16xf32>
    %add3A_1270 = arith.addf %add3A_1261, %mul3A_1269 : vector<16xf32>
    %swap3A_1271 = arith.constant 7 : i32
    %swap3A_1272 = arith.index_cast %swap3A_1271 : i32 to index
    %swap3A_1273 = arith.constant 0 : index
    %swap3A_1274 = tpu.vector_load %arg10[%swap3A_1272, %swap3A_1273] {strides = array<i32>} : memref<16x16xf32, #tpu.memory_space<vmem>>, vector<16xf32>,
    tpu.vector_store %arg10[%swap3A_1272, %swap3A_1273], %add3A_1270 {strides = array<i32>} : memref<16x16xf32, #tpu.memory_space<vmem>>, vector<16xf32>,
    %get3A_1275 = arith.constant 8 : i32
    %get3A_1276 = arith.index_cast %get3A_1275 : i32 to index
    %get3A_1277 = arith.constant 0 : index
    %get3A_1278 = tpu.vector_load %arg8[%get3A_1276, %get3A_1277] {strides = array<i32>} : memref<16x16xf32, #tpu.memory_space<vmem>>, vector<16xf32>,
    %broadcast_in_dim3A_1279 = arith.constant 0.000000e+00 : f32
    %broadcast_in_dim3A_1280 = vector.broadcast %broadcast_in_dim3A_1279 : f32 to vector<16xf32>
    %slice3A_1281 = vector.extract_strided_slice %get3A_14 {offsets = [8], sizes = [1], strides = [1]} : vector<16xf32> to vector<1xf32>
    %squeeze3A_1282 = vector.extract %slice3A_1281[0] : f32 from vector<1xf32>
    %add3A_1283 = vector.broadcast %squeeze3A_1282 : f32 to vector<16xf32>
    %add3A_1284 = arith.addf %broadcast_in_dim3A_1280, %add3A_1283 : vector<16xf32>
    %slice3A_1285 = vector.extract_strided_slice %get3A_1278 {offsets = [0], sizes = [1], strides = [1]} : vector<16xf32> to vector<1xf32>
    %squeeze3A_1286 = vector.extract %slice3A_1285[0] : f32 from vector<1xf32>
    %get3A_1287 = arith.constant 0 : i32
    %get3A_1288 = arith.index_cast %get3A_1287 : i32 to index
    %get3A_1289 = arith.constant 0 : index
    %get3A_1290 = tpu.vector_load %arg7[%get3A_1288, %get3A_1289] {strides = array<i32>} : memref<16x16xf32, #tpu.memory_space<vmem>>, vector<16xf32>,
    %mul3A_1291 = vector.broadcast %squeeze3A_1286 : f32 to vector<16xf32>
    %mul3A_1292 = arith.mulf %mul3A_1291, %get3A_1290 : vector<16xf32>
    %add3A_1293 = arith.addf %add3A_1284, %mul3A_1292 : vector<16xf32>
    %slice3A_1294 = vector.extract_strided_slice %get3A_1278 {offsets = [1], sizes = [1], strides = [1]} : vector<16xf32> to vector<1xf32>
    %squeeze3A_1295 = vector.extract %slice3A_1294[0] : f32 from vector<1xf32>
    %get3A_1296 = arith.constant 1 : i32
    %get3A_1297 = arith.index_cast %get3A_1296 : i32 to index
    %get3A_1298 = arith.constant 0 : index
    %get3A_1299 = tpu.vector_load %arg7[%get3A_1297, %get3A_1298] {strides = array<i32>} : memref<16x16xf32, #tpu.memory_space<vmem>>, vector<16xf32>,
    %mul3A_1300 = vector.broadcast %squeeze3A_1295 : f32 to vector<16xf32>
    %mul3A_1301 = arith.mulf %mul3A_1300, %get3A_1299 : vector<16xf32>
    %add3A_1302 = arith.addf %add3A_1293, %mul3A_1301 : vector<16xf32>
    %slice3A_1303 = vector.extract_strided_slice %get3A_1278 {offsets = [2], sizes = [1], strides = [1]} : vector<16xf32> to vector<1xf32>
    %squeeze3A_1304 = vector.extract %slice3A_1303[0] : f32 from vector<1xf32>
    %get3A_1305 = arith.constant 2 : i32
    %get3A_1306 = arith.index_cast %get3A_1305 : i32 to index
    %get3A_1307 = arith.constant 0 : index
    %get3A_1308 = tpu.vector_load %arg7[%get3A_1306, %get3A_1307] {strides = array<i32>} : memref<16x16xf32, #tpu.memory_space<vmem>>, vector<16xf32>,
    %mul3A_1309 = vector.broadcast %squeeze3A_1304 : f32 to vector<16xf32>
    %mul3A_1310 = arith.mulf %mul3A_1309, %get3A_1308 : vector<16xf32>
    %add3A_1311 = arith.addf %add3A_1302, %mul3A_1310 : vector<16xf32>
    %slice3A_1312 = vector.extract_strided_slice %get3A_1278 {offsets = [3], sizes = [1], strides = [1]} : vector<16xf32> to vector<1xf32>
    %squeeze3A_1313 = vector.extract %slice3A_1312[0] : f32 from vector<1xf32>
    %get3A_1314 = arith.constant 3 : i32
    %get3A_1315 = arith.index_cast %get3A_1314 : i32 to index
    %get3A_1316 = arith.constant 0 : index
    %get3A_1317 = tpu.vector_load %arg7[%get3A_1315, %get3A_1316] {strides = array<i32>} : memref<16x16xf32, #tpu.memory_space<vmem>>, vector<16xf32>,
    %mul3A_1318 = vector.broadcast %squeeze3A_1313 : f32 to vector<16xf32>
    %mul3A_1319 = arith.mulf %mul3A_1318, %get3A_1317 : vector<16xf32>
    %add3A_1320 = arith.addf %add3A_1311, %mul3A_1319 : vector<16xf32>
    %slice3A_1321 = vector.extract_strided_slice %get3A_1278 {offsets = [4], sizes = [1], strides = [1]} : vector<16xf32> to vector<1xf32>
    %squeeze3A_1322 = vector.extract %slice3A_1321[0] : f32 from vector<1xf32>
    %get3A_1323 = arith.constant 4 : i32
    %get3A_1324 = arith.index_cast %get3A_1323 : i32 to index
    %get3A_1325 = arith.constant 0 : index
    %get3A_1326 = tpu.vector_load %arg7[%get3A_1324, %get3A_1325] {strides = array<i32>} : memref<16x16xf32, #tpu.memory_space<vmem>>, vector<16xf32>,
    %mul3A_1327 = vector.broadcast %squeeze3A_1322 : f32 to vector<16xf32>
    %mul3A_1328 = arith.mulf %mul3A_1327, %get3A_1326 : vector<16xf32>
    %add3A_1329 = arith.addf %add3A_1320, %mul3A_1328 : vector<16xf32>
    %slice3A_1330 = vector.extract_strided_slice %get3A_1278 {offsets = [5], sizes = [1], strides = [1]} : vector<16xf32> to vector<1xf32>
    %squeeze3A_1331 = vector.extract %slice3A_1330[0] : f32 from vector<1xf32>
    %get3A_1332 = arith.constant 5 : i32
    %get3A_1333 = arith.index_cast %get3A_1332 : i32 to index
    %get3A_1334 = arith.constant 0 : index
    %get3A_1335 = tpu.vector_load %arg7[%get3A_1333, %get3A_1334] {strides = array<i32>} : memref<16x16xf32, #tpu.memory_space<vmem>>, vector<16xf32>,
    %mul3A_1336 = vector.broadcast %squeeze3A_1331 : f32 to vector<16xf32>
    %mul3A_1337 = arith.mulf %mul3A_1336, %get3A_1335 : vector<16xf32>
    %add3A_1338 = arith.addf %add3A_1329, %mul3A_1337 : vector<16xf32>
    %slice3A_1339 = vector.extract_strided_slice %get3A_1278 {offsets = [6], sizes = [1], strides = [1]} : vector<16xf32> to vector<1xf32>
    %squeeze3A_1340 = vector.extract %slice3A_1339[0] : f32 from vector<1xf32>
    %get3A_1341 = arith.constant 6 : i32
    %get3A_1342 = arith.index_cast %get3A_1341 : i32 to index
    %get3A_1343 = arith.constant 0 : index
    %get3A_1344 = tpu.vector_load %arg7[%get3A_1342, %get3A_1343] {strides = array<i32>} : memref<16x16xf32, #tpu.memory_space<vmem>>, vector<16xf32>,
    %mul3A_1345 = vector.broadcast %squeeze3A_1340 : f32 to vector<16xf32>
    %mul3A_1346 = arith.mulf %mul3A_1345, %get3A_1344 : vector<16xf32>
    %add3A_1347 = arith.addf %add3A_1338, %mul3A_1346 : vector<16xf32>
    %slice3A_1348 = vector.extract_strided_slice %get3A_1278 {offsets = [7], sizes = [1], strides = [1]} : vector<16xf32> to vector<1xf32>
    %squeeze3A_1349 = vector.extract %slice3A_1348[0] : f32 from vector<1xf32>
    %get3A_1350 = arith.constant 7 : i32
    %get3A_1351 = arith.index_cast %get3A_1350 : i32 to index
    %get3A_1352 = arith.constant 0 : index
    %get3A_1353 = tpu.vector_load %arg7[%get3A_1351, %get3A_1352] {strides = array<i32>} : memref<16x16xf32, #tpu.memory_space<vmem>>, vector<16xf32>,
    %mul3A_1354 = vector.broadcast %squeeze3A_1349 : f32 to vector<16xf32>
    %mul3A_1355 = arith.mulf %mul3A_1354, %get3A_1353 : vector<16xf32>
    %add3A_1356 = arith.addf %add3A_1347, %mul3A_1355 : vector<16xf32>
    %slice3A_1357 = vector.extract_strided_slice %get3A_1278 {offsets = [8], sizes = [1], strides = [1]} : vector<16xf32> to vector<1xf32>
    %squeeze3A_1358 = vector.extract %slice3A_1357[0] : f32 from vector<1xf32>
    %get3A_1359 = arith.constant 8 : i32
    %get3A_1360 = arith.index_cast %get3A_1359 : i32 to index
    %get3A_1361 = arith.constant 0 : index
    %get3A_1362 = tpu.vector_load %arg7[%get3A_1360, %get3A_1361] {strides = array<i32>} : memref<16x16xf32, #tpu.memory_space<vmem>>, vector<16xf32>,
    %mul3A_1363 = vector.broadcast %squeeze3A_1358 : f32 to vector<16xf32>
    %mul3A_1364 = arith.mulf %mul3A_1363, %get3A_1362 : vector<16xf32>
    %add3A_1365 = arith.addf %add3A_1356, %mul3A_1364 : vector<16xf32>
    %slice3A_1366 = vector.extract_strided_slice %get3A_1278 {offsets = [9], sizes = [1], strides = [1]} : vector<16xf32> to vector<1xf32>
    %squeeze3A_1367 = vector.extract %slice3A_1366[0] : f32 from vector<1xf32>
    %get3A_1368 = arith.constant 9 : i32
    %get3A_1369 = arith.index_cast %get3A_1368 : i32 to index
    %get3A_1370 = arith.constant 0 : index
    %get3A_1371 = tpu.vector_load %arg7[%get3A_1369, %get3A_1370] {strides = array<i32>} : memref<16x16xf32, #tpu.memory_space<vmem>>, vector<16xf32>,
    %mul3A_1372 = vector.broadcast %squeeze3A_1367 : f32 to vector<16xf32>
    %mul3A_1373 = arith.mulf %mul3A_1372, %get3A_1371 : vector<16xf32>
    %add3A_1374 = arith.addf %add3A_1365, %mul3A_1373 : vector<16xf32>
    %slice3A_1375 = vector.extract_strided_slice %get3A_1278 {offsets = [10], sizes = [1], strides = [1]} : vector<16xf32> to vector<1xf32>
    %squeeze3A_1376 = vector.extract %slice3A_1375[0] : f32 from vector<1xf32>
    %get3A_1377 = arith.constant 10 : i32
    %get3A_1378 = arith.index_cast %get3A_1377 : i32 to index
    %get3A_1379 = arith.constant 0 : index
    %get3A_1380 = tpu.vector_load %arg7[%get3A_1378, %get3A_1379] {strides = array<i32>} : memref<16x16xf32, #tpu.memory_space<vmem>>, vector<16xf32>,
    %mul3A_1381 = vector.broadcast %squeeze3A_1376 : f32 to vector<16xf32>
    %mul3A_1382 = arith.mulf %mul3A_1381, %get3A_1380 : vector<16xf32>
    %add3A_1383 = arith.addf %add3A_1374, %mul3A_1382 : vector<16xf32>
    %slice3A_1384 = vector.extract_strided_slice %get3A_1278 {offsets = [11], sizes = [1], strides = [1]} : vector<16xf32> to vector<1xf32>
    %squeeze3A_1385 = vector.extract %slice3A_1384[0] : f32 from vector<1xf32>
    %get3A_1386 = arith.constant 11 : i32
    %get3A_1387 = arith.index_cast %get3A_1386 : i32 to index
    %get3A_1388 = arith.constant 0 : index
    %get3A_1389 = tpu.vector_load %arg7[%get3A_1387, %get3A_1388] {strides = array<i32>} : memref<16x16xf32, #tpu.memory_space<vmem>>, vector<16xf32>,
    %mul3A_1390 = vector.broadcast %squeeze3A_1385 : f32 to vector<16xf32>
    %mul3A_1391 = arith.mulf %mul3A_1390, %get3A_1389 : vector<16xf32>
    %add3A_1392 = arith.addf %add3A_1383, %mul3A_1391 : vector<16xf32>
    %slice3A_1393 = vector.extract_strided_slice %get3A_1278 {offsets = [12], sizes = [1], strides = [1]} : vector<16xf32> to vector<1xf32>
    %squeeze3A_1394 = vector.extract %slice3A_1393[0] : f32 from vector<1xf32>
    %get3A_1395 = arith.constant 12 : i32
    %get3A_1396 = arith.index_cast %get3A_1395 : i32 to index
    %get3A_1397 = arith.constant 0 : index
    %get3A_1398 = tpu.vector_load %arg7[%get3A_1396, %get3A_1397] {strides = array<i32>} : memref<16x16xf32, #tpu.memory_space<vmem>>, vector<16xf32>,
    %mul3A_1399 = vector.broadcast %squeeze3A_1394 : f32 to vector<16xf32>
    %mul3A_1400 = arith.mulf %mul3A_1399, %get3A_1398 : vector<16xf32>
    %add3A_1401 = arith.addf %add3A_1392, %mul3A_1400 : vector<16xf32>
    %slice3A_1402 = vector.extract_strided_slice %get3A_1278 {offsets = [13], sizes = [1], strides = [1]} : vector<16xf32> to vector<1xf32>
    %squeeze3A_1403 = vector.extract %slice3A_1402[0] : f32 from vector<1xf32>
    %get3A_1404 = arith.constant 13 : i32
    %get3A_1405 = arith.index_cast %get3A_1404 : i32 to index
    %get3A_1406 = arith.constant 0 : index
    %get3A_1407 = tpu.vector_load %arg7[%get3A_1405, %get3A_1406] {strides = array<i32>} : memref<16x16xf32, #tpu.memory_space<vmem>>, vector<16xf32>,
    %mul3A_1408 = vector.broadcast %squeeze3A_1403 : f32 to vector<16xf32>
    %mul3A_1409 = arith.mulf %mul3A_1408, %get3A_1407 : vector<16xf32>
    %add3A_1410 = arith.addf %add3A_1401, %mul3A_1409 : vector<16xf32>
    %slice3A_1411 = vector.extract_strided_slice %get3A_1278 {offsets = [14], sizes = [1], strides = [1]} : vector<16xf32> to vector<1xf32>
    %squeeze3A_1412 = vector.extract %slice3A_1411[0] : f32 from vector<1xf32>
    %get3A_1413 = arith.constant 14 : i32
    %get3A_1414 = arith.index_cast %get3A_1413 : i32 to index
    %get3A_1415 = arith.constant 0 : index
    %get3A_1416 = tpu.vector_load %arg7[%get3A_1414, %get3A_1415] {strides = array<i32>} : memref<16x16xf32, #tpu.memory_space<vmem>>, vector<16xf32>,
    %mul3A_1417 = vector.broadcast %squeeze3A_1412 : f32 to vector<16xf32>
    %mul3A_1418 = arith.mulf %mul3A_1417, %get3A_1416 : vector<16xf32>
    %add3A_1419 = arith.addf %add3A_1410, %mul3A_1418 : vector<16xf32>
    %slice3A_1420 = vector.extract_strided_slice %get3A_1278 {offsets = [15], sizes = [1], strides = [1]} : vector<16xf32> to vector<1xf32>
    %squeeze3A_1421 = vector.extract %slice3A_1420[0] : f32 from vector<1xf32>
    %get3A_1422 = arith.constant 15 : i32
    %get3A_1423 = arith.index_cast %get3A_1422 : i32 to index
    %get3A_1424 = arith.constant 0 : index
    %get3A_1425 = tpu.vector_load %arg7[%get3A_1423, %get3A_1424] {strides = array<i32>} : memref<16x16xf32, #tpu.memory_space<vmem>>, vector<16xf32>,
    %mul3A_1426 = vector.broadcast %squeeze3A_1421 : f32 to vector<16xf32>
    %mul3A_1427 = arith.mulf %mul3A_1426, %get3A_1425 : vector<16xf32>
    %add3A_1428 = arith.addf %add3A_1419, %mul3A_1427 : vector<16xf32>
    %swap3A_1429 = arith.constant 8 : i32
    %swap3A_1430 = arith.index_cast %swap3A_1429 : i32 to index
    %swap3A_1431 = arith.constant 0 : index
    %swap3A_1432 = tpu.vector_load %arg10[%swap3A_1430, %swap3A_1431] {strides = array<i32>} : memref<16x16xf32, #tpu.memory_space<vmem>>, vector<16xf32>,
    tpu.vector_store %arg10[%swap3A_1430, %swap3A_1431], %add3A_1428 {strides = array<i32>} : memref<16x16xf32, #tpu.memory_space<vmem>>, vector<16xf32>,
    %get3A_1433 = arith.constant 9 : i32
    %get3A_1434 = arith.index_cast %get3A_1433 : i32 to index
    %get3A_1435 = arith.constant 0 : index
    %get3A_1436 = tpu.vector_load %arg8[%get3A_1434, %get3A_1435] {strides = array<i32>} : memref<16x16xf32, #tpu.memory_space<vmem>>, vector<16xf32>,
    %broadcast_in_dim3A_1437 = arith.constant 0.000000e+00 : f32
    %broadcast_in_dim3A_1438 = vector.broadcast %broadcast_in_dim3A_1437 : f32 to vector<16xf32>
    %slice3A_1439 = vector.extract_strided_slice %get3A_14 {offsets = [9], sizes = [1], strides = [1]} : vector<16xf32> to vector<1xf32>
    %squeeze3A_1440 = vector.extract %slice3A_1439[0] : f32 from vector<1xf32>
    %add3A_1441 = vector.broadcast %squeeze3A_1440 : f32 to vector<16xf32>
    %add3A_1442 = arith.addf %broadcast_in_dim3A_1438, %add3A_1441 : vector<16xf32>
    %slice3A_1443 = vector.extract_strided_slice %get3A_1436 {offsets = [0], sizes = [1], strides = [1]} : vector<16xf32> to vector<1xf32>
    %squeeze3A_1444 = vector.extract %slice3A_1443[0] : f32 from vector<1xf32>
    %get3A_1445 = arith.constant 0 : i32
    %get3A_1446 = arith.index_cast %get3A_1445 : i32 to index
    %get3A_1447 = arith.constant 0 : index
    %get3A_1448 = tpu.vector_load %arg7[%get3A_1446, %get3A_1447] {strides = array<i32>} : memref<16x16xf32, #tpu.memory_space<vmem>>, vector<16xf32>,
    %mul3A_1449 = vector.broadcast %squeeze3A_1444 : f32 to vector<16xf32>
    %mul3A_1450 = arith.mulf %mul3A_1449, %get3A_1448 : vector<16xf32>
    %add3A_1451 = arith.addf %add3A_1442, %mul3A_1450 : vector<16xf32>
    %slice3A_1452 = vector.extract_strided_slice %get3A_1436 {offsets = [1], sizes = [1], strides = [1]} : vector<16xf32> to vector<1xf32>
    %squeeze3A_1453 = vector.extract %slice3A_1452[0] : f32 from vector<1xf32>
    %get3A_1454 = arith.constant 1 : i32
    %get3A_1455 = arith.index_cast %get3A_1454 : i32 to index
    %get3A_1456 = arith.constant 0 : index
    %get3A_1457 = tpu.vector_load %arg7[%get3A_1455, %get3A_1456] {strides = array<i32>} : memref<16x16xf32, #tpu.memory_space<vmem>>, vector<16xf32>,
    %mul3A_1458 = vector.broadcast %squeeze3A_1453 : f32 to vector<16xf32>
    %mul3A_1459 = arith.mulf %mul3A_1458, %get3A_1457 : vector<16xf32>
    %add3A_1460 = arith.addf %add3A_1451, %mul3A_1459 : vector<16xf32>
    %slice3A_1461 = vector.extract_strided_slice %get3A_1436 {offsets = [2], sizes = [1], strides = [1]} : vector<16xf32> to vector<1xf32>
    %squeeze3A_1462 = vector.extract %slice3A_1461[0] : f32 from vector<1xf32>
    %get3A_1463 = arith.constant 2 : i32
    %get3A_1464 = arith.index_cast %get3A_1463 : i32 to index
    %get3A_1465 = arith.constant 0 : index
    %get3A_1466 = tpu.vector_load %arg7[%get3A_1464, %get3A_1465] {strides = array<i32>} : memref<16x16xf32, #tpu.memory_space<vmem>>, vector<16xf32>,
    %mul3A_1467 = vector.broadcast %squeeze3A_1462 : f32 to vector<16xf32>
    %mul3A_1468 = arith.mulf %mul3A_1467, %get3A_1466 : vector<16xf32>
    %add3A_1469 = arith.addf %add3A_1460, %mul3A_1468 : vector<16xf32>
    %slice3A_1470 = vector.extract_strided_slice %get3A_1436 {offsets = [3], sizes = [1], strides = [1]} : vector<16xf32> to vector<1xf32>
    %squeeze3A_1471 = vector.extract %slice3A_1470[0] : f32 from vector<1xf32>
    %get3A_1472 = arith.constant 3 : i32
    %get3A_1473 = arith.index_cast %get3A_1472 : i32 to index
    %get3A_1474 = arith.constant 0 : index
    %get3A_1475 = tpu.vector_load %arg7[%get3A_1473, %get3A_1474] {strides = array<i32>} : memref<16x16xf32, #tpu.memory_space<vmem>>, vector<16xf32>,
    %mul3A_1476 = vector.broadcast %squeeze3A_1471 : f32 to vector<16xf32>
    %mul3A_1477 = arith.mulf %mul3A_1476, %get3A_1475 : vector<16xf32>
    %add3A_1478 = arith.addf %add3A_1469, %mul3A_1477 : vector<16xf32>
    %slice3A_1479 = vector.extract_strided_slice %get3A_1436 {offsets = [4], sizes = [1], strides = [1]} : vector<16xf32> to vector<1xf32>
    %squeeze3A_1480 = vector.extract %slice3A_1479[0] : f32 from vector<1xf32>
    %get3A_1481 = arith.constant 4 : i32
    %get3A_1482 = arith.index_cast %get3A_1481 : i32 to index
    %get3A_1483 = arith.constant 0 : index
    %get3A_1484 = tpu.vector_load %arg7[%get3A_1482, %get3A_1483] {strides = array<i32>} : memref<16x16xf32, #tpu.memory_space<vmem>>, vector<16xf32>,
    %mul3A_1485 = vector.broadcast %squeeze3A_1480 : f32 to vector<16xf32>
    %mul3A_1486 = arith.mulf %mul3A_1485, %get3A_1484 : vector<16xf32>
    %add3A_1487 = arith.addf %add3A_1478, %mul3A_1486 : vector<16xf32>
    %slice3A_1488 = vector.extract_strided_slice %get3A_1436 {offsets = [5], sizes = [1], strides = [1]} : vector<16xf32> to vector<1xf32>
    %squeeze3A_1489 = vector.extract %slice3A_1488[0] : f32 from vector<1xf32>
    %get3A_1490 = arith.constant 5 : i32
    %get3A_1491 = arith.index_cast %get3A_1490 : i32 to index
    %get3A_1492 = arith.constant 0 : index
    %get3A_1493 = tpu.vector_load %arg7[%get3A_1491, %get3A_1492] {strides = array<i32>} : memref<16x16xf32, #tpu.memory_space<vmem>>, vector<16xf32>,
    %mul3A_1494 = vector.broadcast %squeeze3A_1489 : f32 to vector<16xf32>
    %mul3A_1495 = arith.mulf %mul3A_1494, %get3A_1493 : vector<16xf32>
    %add3A_1496 = arith.addf %add3A_1487, %mul3A_1495 : vector<16xf32>
    %slice3A_1497 = vector.extract_strided_slice %get3A_1436 {offsets = [6], sizes = [1], strides = [1]} : vector<16xf32> to vector<1xf32>
    %squeeze3A_1498 = vector.extract %slice3A_1497[0] : f32 from vector<1xf32>
    %get3A_1499 = arith.constant 6 : i32
    %get3A_1500 = arith.index_cast %get3A_1499 : i32 to index
    %get3A_1501 = arith.constant 0 : index
    %get3A_1502 = tpu.vector_load %arg7[%get3A_1500, %get3A_1501] {strides = array<i32>} : memref<16x16xf32, #tpu.memory_space<vmem>>, vector<16xf32>,
    %mul3A_1503 = vector.broadcast %squeeze3A_1498 : f32 to vector<16xf32>
    %mul3A_1504 = arith.mulf %mul3A_1503, %get3A_1502 : vector<16xf32>
    %add3A_1505 = arith.addf %add3A_1496, %mul3A_1504 : vector<16xf32>
    %slice3A_1506 = vector.extract_strided_slice %get3A_1436 {offsets = [7], sizes = [1], strides = [1]} : vector<16xf32> to vector<1xf32>
    %squeeze3A_1507 = vector.extract %slice3A_1506[0] : f32 from vector<1xf32>
    %get3A_1508 = arith.constant 7 : i32
    %get3A_1509 = arith.index_cast %get3A_1508 : i32 to index
    %get3A_1510 = arith.constant 0 : index
    %get3A_1511 = tpu.vector_load %arg7[%get3A_1509, %get3A_1510] {strides = array<i32>} : memref<16x16xf32, #tpu.memory_space<vmem>>, vector<16xf32>,
    %mul3A_1512 = vector.broadcast %squeeze3A_1507 : f32 to vector<16xf32>
    %mul3A_1513 = arith.mulf %mul3A_1512, %get3A_1511 : vector<16xf32>
    %add3A_1514 = arith.addf %add3A_1505, %mul3A_1513 : vector<16xf32>
    %slice3A_1515 = vector.extract_strided_slice %get3A_1436 {offsets = [8], sizes = [1], strides = [1]} : vector<16xf32> to vector<1xf32>
    %squeeze3A_1516 = vector.extract %slice3A_1515[0] : f32 from vector<1xf32>
    %get3A_1517 = arith.constant 8 : i32
    %get3A_1518 = arith.index_cast %get3A_1517 : i32 to index
    %get3A_1519 = arith.constant 0 : index
    %get3A_1520 = tpu.vector_load %arg7[%get3A_1518, %get3A_1519] {strides = array<i32>} : memref<16x16xf32, #tpu.memory_space<vmem>>, vector<16xf32>,
    %mul3A_1521 = vector.broadcast %squeeze3A_1516 : f32 to vector<16xf32>
    %mul3A_1522 = arith.mulf %mul3A_1521, %get3A_1520 : vector<16xf32>
    %add3A_1523 = arith.addf %add3A_1514, %mul3A_1522 : vector<16xf32>
    %slice3A_1524 = vector.extract_strided_slice %get3A_1436 {offsets = [9], sizes = [1], strides = [1]} : vector<16xf32> to vector<1xf32>
    %squeeze3A_1525 = vector.extract %slice3A_1524[0] : f32 from vector<1xf32>
    %get3A_1526 = arith.constant 9 : i32
    %get3A_1527 = arith.index_cast %get3A_1526 : i32 to index
    %get3A_1528 = arith.constant 0 : index
    %get3A_1529 = tpu.vector_load %arg7[%get3A_1527, %get3A_1528] {strides = array<i32>} : memref<16x16xf32, #tpu.memory_space<vmem>>, vector<16xf32>,
    %mul3A_1530 = vector.broadcast %squeeze3A_1525 : f32 to vector<16xf32>
    %mul3A_1531 = arith.mulf %mul3A_1530, %get3A_1529 : vector<16xf32>
    %add3A_1532 = arith.addf %add3A_1523, %mul3A_1531 : vector<16xf32>
    %slice3A_1533 = vector.extract_strided_slice %get3A_1436 {offsets = [10], sizes = [1], strides = [1]} : vector<16xf32> to vector<1xf32>
    %squeeze3A_1534 = vector.extract %slice3A_1533[0] : f32 from vector<1xf32>
    %get3A_1535 = arith.constant 10 : i32
    %get3A_1536 = arith.index_cast %get3A_1535 : i32 to index
    %get3A_1537 = arith.constant 0 : index
    %get3A_1538 = tpu.vector_load %arg7[%get3A_1536, %get3A_1537] {strides = array<i32>} : memref<16x16xf32, #tpu.memory_space<vmem>>, vector<16xf32>,
    %mul3A_1539 = vector.broadcast %squeeze3A_1534 : f32 to vector<16xf32>
    %mul3A_1540 = arith.mulf %mul3A_1539, %get3A_1538 : vector<16xf32>
    %add3A_1541 = arith.addf %add3A_1532, %mul3A_1540 : vector<16xf32>
    %slice3A_1542 = vector.extract_strided_slice %get3A_1436 {offsets = [11], sizes = [1], strides = [1]} : vector<16xf32> to vector<1xf32>
    %squeeze3A_1543 = vector.extract %slice3A_1542[0] : f32 from vector<1xf32>
    %get3A_1544 = arith.constant 11 : i32
    %get3A_1545 = arith.index_cast %get3A_1544 : i32 to index
    %get3A_1546 = arith.constant 0 : index
    %get3A_1547 = tpu.vector_load %arg7[%get3A_1545, %get3A_1546] {strides = array<i32>} : memref<16x16xf32, #tpu.memory_space<vmem>>, vector<16xf32>,
    %mul3A_1548 = vector.broadcast %squeeze3A_1543 : f32 to vector<16xf32>
    %mul3A_1549 = arith.mulf %mul3A_1548, %get3A_1547 : vector<16xf32>
    %add3A_1550 = arith.addf %add3A_1541, %mul3A_1549 : vector<16xf32>
    %slice3A_1551 = vector.extract_strided_slice %get3A_1436 {offsets = [12], sizes = [1], strides = [1]} : vector<16xf32> to vector<1xf32>
    %squeeze3A_1552 = vector.extract %slice3A_1551[0] : f32 from vector<1xf32>
    %get3A_1553 = arith.constant 12 : i32
    %get3A_1554 = arith.index_cast %get3A_1553 : i32 to index
    %get3A_1555 = arith.constant 0 : index
    %get3A_1556 = tpu.vector_load %arg7[%get3A_1554, %get3A_1555] {strides = array<i32>} : memref<16x16xf32, #tpu.memory_space<vmem>>, vector<16xf32>,
    %mul3A_1557 = vector.broadcast %squeeze3A_1552 : f32 to vector<16xf32>
    %mul3A_1558 = arith.mulf %mul3A_1557, %get3A_1556 : vector<16xf32>
    %add3A_1559 = arith.addf %add3A_1550, %mul3A_1558 : vector<16xf32>
    %slice3A_1560 = vector.extract_strided_slice %get3A_1436 {offsets = [13], sizes = [1], strides = [1]} : vector<16xf32> to vector<1xf32>
    %squeeze3A_1561 = vector.extract %slice3A_1560[0] : f32 from vector<1xf32>
    %get3A_1562 = arith.constant 13 : i32
    %get3A_1563 = arith.index_cast %get3A_1562 : i32 to index
    %get3A_1564 = arith.constant 0 : index
    %get3A_1565 = tpu.vector_load %arg7[%get3A_1563, %get3A_1564] {strides = array<i32>} : memref<16x16xf32, #tpu.memory_space<vmem>>, vector<16xf32>,
    %mul3A_1566 = vector.broadcast %squeeze3A_1561 : f32 to vector<16xf32>
    %mul3A_1567 = arith.mulf %mul3A_1566, %get3A_1565 : vector<16xf32>
    %add3A_1568 = arith.addf %add3A_1559, %mul3A_1567 : vector<16xf32>
    %slice3A_1569 = vector.extract_strided_slice %get3A_1436 {offsets = [14], sizes = [1], strides = [1]} : vector<16xf32> to vector<1xf32>
    %squeeze3A_1570 = vector.extract %slice3A_1569[0] : f32 from vector<1xf32>
    %get3A_1571 = arith.constant 14 : i32
    %get3A_1572 = arith.index_cast %get3A_1571 : i32 to index
    %get3A_1573 = arith.constant 0 : index
    %get3A_1574 = tpu.vector_load %arg7[%get3A_1572, %get3A_1573] {strides = array<i32>} : memref<16x16xf32, #tpu.memory_space<vmem>>, vector<16xf32>,
    %mul3A_1575 = vector.broadcast %squeeze3A_1570 : f32 to vector<16xf32>
    %mul3A_1576 = arith.mulf %mul3A_1575, %get3A_1574 : vector<16xf32>
    %add3A_1577 = arith.addf %add3A_1568, %mul3A_1576 : vector<16xf32>
    %slice3A_1578 = vector.extract_strided_slice %get3A_1436 {offsets = [15], sizes = [1], strides = [1]} : vector<16xf32> to vector<1xf32>
    %squeeze3A_1579 = vector.extract %slice3A_1578[0] : f32 from vector<1xf32>
    %get3A_1580 = arith.constant 15 : i32
    %get3A_1581 = arith.index_cast %get3A_1580 : i32 to index
    %get3A_1582 = arith.constant 0 : index
    %get3A_1583 = tpu.vector_load %arg7[%get3A_1581, %get3A_1582] {strides = array<i32>} : memref<16x16xf32, #tpu.memory_space<vmem>>, vector<16xf32>,
    %mul3A_1584 = vector.broadcast %squeeze3A_1579 : f32 to vector<16xf32>
    %mul3A_1585 = arith.mulf %mul3A_1584, %get3A_1583 : vector<16xf32>
    %add3A_1586 = arith.addf %add3A_1577, %mul3A_1585 : vector<16xf32>
    %swap3A_1587 = arith.constant 9 : i32
    %swap3A_1588 = arith.index_cast %swap3A_1587 : i32 to index
    %swap3A_1589 = arith.constant 0 : index
    %swap3A_1590 = tpu.vector_load %arg10[%swap3A_1588, %swap3A_1589] {strides = array<i32>} : memref<16x16xf32, #tpu.memory_space<vmem>>, vector<16xf32>,
    tpu.vector_store %arg10[%swap3A_1588, %swap3A_1589], %add3A_1586 {strides = array<i32>} : memref<16x16xf32, #tpu.memory_space<vmem>>, vector<16xf32>,
    %get3A_1591 = arith.constant 10 : i32
    %get3A_1592 = arith.index_cast %get3A_1591 : i32 to index
    %get3A_1593 = arith.constant 0 : index
    %get3A_1594 = tpu.vector_load %arg8[%get3A_1592, %get3A_1593] {strides = array<i32>} : memref<16x16xf32, #tpu.memory_space<vmem>>, vector<16xf32>,
    %broadcast_in_dim3A_1595 = arith.constant 0.000000e+00 : f32
    %broadcast_in_dim3A_1596 = vector.broadcast %broadcast_in_dim3A_1595 : f32 to vector<16xf32>
    %slice3A_1597 = vector.extract_strided_slice %get3A_14 {offsets = [10], sizes = [1], strides = [1]} : vector<16xf32> to vector<1xf32>
    %squeeze3A_1598 = vector.extract %slice3A_1597[0] : f32 from vector<1xf32>
    %add3A_1599 = vector.broadcast %squeeze3A_1598 : f32 to vector<16xf32>
    %add3A_1600 = arith.addf %broadcast_in_dim3A_1596, %add3A_1599 : vector<16xf32>
    %slice3A_1601 = vector.extract_strided_slice %get3A_1594 {offsets = [0], sizes = [1], strides = [1]} : vector<16xf32> to vector<1xf32>
    %squeeze3A_1602 = vector.extract %slice3A_1601[0] : f32 from vector<1xf32>
    %get3A_1603 = arith.constant 0 : i32
    %get3A_1604 = arith.index_cast %get3A_1603 : i32 to index
    %get3A_1605 = arith.constant 0 : index
    %get3A_1606 = tpu.vector_load %arg7[%get3A_1604, %get3A_1605] {strides = array<i32>} : memref<16x16xf32, #tpu.memory_space<vmem>>, vector<16xf32>,
    %mul3A_1607 = vector.broadcast %squeeze3A_1602 : f32 to vector<16xf32>
    %mul3A_1608 = arith.mulf %mul3A_1607, %get3A_1606 : vector<16xf32>
    %add3A_1609 = arith.addf %add3A_1600, %mul3A_1608 : vector<16xf32>
    %slice3A_1610 = vector.extract_strided_slice %get3A_1594 {offsets = [1], sizes = [1], strides = [1]} : vector<16xf32> to vector<1xf32>
    %squeeze3A_1611 = vector.extract %slice3A_1610[0] : f32 from vector<1xf32>
    %get3A_1612 = arith.constant 1 : i32
    %get3A_1613 = arith.index_cast %get3A_1612 : i32 to index
    %get3A_1614 = arith.constant 0 : index
    %get3A_1615 = tpu.vector_load %arg7[%get3A_1613, %get3A_1614] {strides = array<i32>} : memref<16x16xf32, #tpu.memory_space<vmem>>, vector<16xf32>,
    %mul3A_1616 = vector.broadcast %squeeze3A_1611 : f32 to vector<16xf32>
    %mul3A_1617 = arith.mulf %mul3A_1616, %get3A_1615 : vector<16xf32>
    %add3A_1618 = arith.addf %add3A_1609, %mul3A_1617 : vector<16xf32>
    %slice3A_1619 = vector.extract_strided_slice %get3A_1594 {offsets = [2], sizes = [1], strides = [1]} : vector<16xf32> to vector<1xf32>
    %squeeze3A_1620 = vector.extract %slice3A_1619[0] : f32 from vector<1xf32>
    %get3A_1621 = arith.constant 2 : i32
    %get3A_1622 = arith.index_cast %get3A_1621 : i32 to index
    %get3A_1623 = arith.constant 0 : index
    %get3A_1624 = tpu.vector_load %arg7[%get3A_1622, %get3A_1623] {strides = array<i32>} : memref<16x16xf32, #tpu.memory_space<vmem>>, vector<16xf32>,
    %mul3A_1625 = vector.broadcast %squeeze3A_1620 : f32 to vector<16xf32>
    %mul3A_1626 = arith.mulf %mul3A_1625, %get3A_1624 : vector<16xf32>
    %add3A_1627 = arith.addf %add3A_1618, %mul3A_1626 : vector<16xf32>
    %slice3A_1628 = vector.extract_strided_slice %get3A_1594 {offsets = [3], sizes = [1], strides = [1]} : vector<16xf32> to vector<1xf32>
    %squeeze3A_1629 = vector.extract %slice3A_1628[0] : f32 from vector<1xf32>
    %get3A_1630 = arith.constant 3 : i32
    %get3A_1631 = arith.index_cast %get3A_1630 : i32 to index
    %get3A_1632 = arith.constant 0 : index
    %get3A_1633 = tpu.vector_load %arg7[%get3A_1631, %get3A_1632] {strides = array<i32>} : memref<16x16xf32, #tpu.memory_space<vmem>>, vector<16xf32>,
    %mul3A_1634 = vector.broadcast %squeeze3A_1629 : f32 to vector<16xf32>
    %mul3A_1635 = arith.mulf %mul3A_1634, %get3A_1633 : vector<16xf32>
    %add3A_1636 = arith.addf %add3A_1627, %mul3A_1635 : vector<16xf32>
    %slice3A_1637 = vector.extract_strided_slice %get3A_1594 {offsets = [4], sizes = [1], strides = [1]} : vector<16xf32> to vector<1xf32>
    %squeeze3A_1638 = vector.extract %slice3A_1637[0] : f32 from vector<1xf32>
    %get3A_1639 = arith.constant 4 : i32
    %get3A_1640 = arith.index_cast %get3A_1639 : i32 to index
    %get3A_1641 = arith.constant 0 : index
    %get3A_1642 = tpu.vector_load %arg7[%get3A_1640, %get3A_1641] {strides = array<i32>} : memref<16x16xf32, #tpu.memory_space<vmem>>, vector<16xf32>,
    %mul3A_1643 = vector.broadcast %squeeze3A_1638 : f32 to vector<16xf32>
    %mul3A_1644 = arith.mulf %mul3A_1643, %get3A_1642 : vector<16xf32>
    %add3A_1645 = arith.addf %add3A_1636, %mul3A_1644 : vector<16xf32>
    %slice3A_1646 = vector.extract_strided_slice %get3A_1594 {offsets = [5], sizes = [1], strides = [1]} : vector<16xf32> to vector<1xf32>
    %squeeze3A_1647 = vector.extract %slice3A_1646[0] : f32 from vector<1xf32>
    %get3A_1648 = arith.constant 5 : i32
    %get3A_1649 = arith.index_cast %get3A_1648 : i32 to index
    %get3A_1650 = arith.constant 0 : index
    %get3A_1651 = tpu.vector_load %arg7[%get3A_1649, %get3A_1650] {strides = array<i32>} : memref<16x16xf32, #tpu.memory_space<vmem>>, vector<16xf32>,
    %mul3A_1652 = vector.broadcast %squeeze3A_1647 : f32 to vector<16xf32>
    %mul3A_1653 = arith.mulf %mul3A_1652, %get3A_1651 : vector<16xf32>
    %add3A_1654 = arith.addf %add3A_1645, %mul3A_1653 : vector<16xf32>
    %slice3A_1655 = vector.extract_strided_slice %get3A_1594 {offsets = [6], sizes = [1], strides = [1]} : vector<16xf32> to vector<1xf32>
    %squeeze3A_1656 = vector.extract %slice3A_1655[0] : f32 from vector<1xf32>
    %get3A_1657 = arith.constant 6 : i32
    %get3A_1658 = arith.index_cast %get3A_1657 : i32 to index
    %get3A_1659 = arith.constant 0 : index
    %get3A_1660 = tpu.vector_load %arg7[%get3A_1658, %get3A_1659] {strides = array<i32>} : memref<16x16xf32, #tpu.memory_space<vmem>>, vector<16xf32>,
    %mul3A_1661 = vector.broadcast %squeeze3A_1656 : f32 to vector<16xf32>
    %mul3A_1662 = arith.mulf %mul3A_1661, %get3A_1660 : vector<16xf32>
    %add3A_1663 = arith.addf %add3A_1654, %mul3A_1662 : vector<16xf32>
    %slice3A_1664 = vector.extract_strided_slice %get3A_1594 {offsets = [7], sizes = [1], strides = [1]} : vector<16xf32> to vector<1xf32>
    %squeeze3A_1665 = vector.extract %slice3A_1664[0] : f32 from vector<1xf32>
    %get3A_1666 = arith.constant 7 : i32
    %get3A_1667 = arith.index_cast %get3A_1666 : i32 to index
    %get3A_1668 = arith.constant 0 : index
    %get3A_1669 = tpu.vector_load %arg7[%get3A_1667, %get3A_1668] {strides = array<i32>} : memref<16x16xf32, #tpu.memory_space<vmem>>, vector<16xf32>,
    %mul3A_1670 = vector.broadcast %squeeze3A_1665 : f32 to vector<16xf32>
    %mul3A_1671 = arith.mulf %mul3A_1670, %get3A_1669 : vector<16xf32>
    %add3A_1672 = arith.addf %add3A_1663, %mul3A_1671 : vector<16xf32>
    %slice3A_1673 = vector.extract_strided_slice %get3A_1594 {offsets = [8], sizes = [1], strides = [1]} : vector<16xf32> to vector<1xf32>
    %squeeze3A_1674 = vector.extract %slice3A_1673[0] : f32 from vector<1xf32>
    %get3A_1675 = arith.constant 8 : i32
    %get3A_1676 = arith.index_cast %get3A_1675 : i32 to index
    %get3A_1677 = arith.constant 0 : index
    %get3A_1678 = tpu.vector_load %arg7[%get3A_1676, %get3A_1677] {strides = array<i32>} : memref<16x16xf32, #tpu.memory_space<vmem>>, vector<16xf32>,
    %mul3A_1679 = vector.broadcast %squeeze3A_1674 : f32 to vector<16xf32>
    %mul3A_1680 = arith.mulf %mul3A_1679, %get3A_1678 : vector<16xf32>
    %add3A_1681 = arith.addf %add3A_1672, %mul3A_1680 : vector<16xf32>
    %slice3A_1682 = vector.extract_strided_slice %get3A_1594 {offsets = [9], sizes = [1], strides = [1]} : vector<16xf32> to vector<1xf32>
    %squeeze3A_1683 = vector.extract %slice3A_1682[0] : f32 from vector<1xf32>
    %get3A_1684 = arith.constant 9 : i32
    %get3A_1685 = arith.index_cast %get3A_1684 : i32 to index
    %get3A_1686 = arith.constant 0 : index
    %get3A_1687 = tpu.vector_load %arg7[%get3A_1685, %get3A_1686] {strides = array<i32>} : memref<16x16xf32, #tpu.memory_space<vmem>>, vector<16xf32>,
    %mul3A_1688 = vector.broadcast %squeeze3A_1683 : f32 to vector<16xf32>
    %mul3A_1689 = arith.mulf %mul3A_1688, %get3A_1687 : vector<16xf32>
    %add3A_1690 = arith.addf %add3A_1681, %mul3A_1689 : vector<16xf32>
    %slice3A_1691 = vector.extract_strided_slice %get3A_1594 {offsets = [10], sizes = [1], strides = [1]} : vector<16xf32> to vector<1xf32>
    %squeeze3A_1692 = vector.extract %slice3A_1691[0] : f32 from vector<1xf32>
    %get3A_1693 = arith.constant 10 : i32
    %get3A_1694 = arith.index_cast %get3A_1693 : i32 to index
    %get3A_1695 = arith.constant 0 : index
    %get3A_1696 = tpu.vector_load %arg7[%get3A_1694, %get3A_1695] {strides = array<i32>} : memref<16x16xf32, #tpu.memory_space<vmem>>, vector<16xf32>,
    %mul3A_1697 = vector.broadcast %squeeze3A_1692 : f32 to vector<16xf32>
    %mul3A_1698 = arith.mulf %mul3A_1697, %get3A_1696 : vector<16xf32>
    %add3A_1699 = arith.addf %add3A_1690, %mul3A_1698 : vector<16xf32>
    %slice3A_1700 = vector.extract_strided_slice %get3A_1594 {offsets = [11], sizes = [1], strides = [1]} : vector<16xf32> to vector<1xf32>
    %squeeze3A_1701 = vector.extract %slice3A_1700[0] : f32 from vector<1xf32>
    %get3A_1702 = arith.constant 11 : i32
    %get3A_1703 = arith.index_cast %get3A_1702 : i32 to index
    %get3A_1704 = arith.constant 0 : index
    %get3A_1705 = tpu.vector_load %arg7[%get3A_1703, %get3A_1704] {strides = array<i32>} : memref<16x16xf32, #tpu.memory_space<vmem>>, vector<16xf32>,
    %mul3A_1706 = vector.broadcast %squeeze3A_1701 : f32 to vector<16xf32>
    %mul3A_1707 = arith.mulf %mul3A_1706, %get3A_1705 : vector<16xf32>
    %add3A_1708 = arith.addf %add3A_1699, %mul3A_1707 : vector<16xf32>
    %slice3A_1709 = vector.extract_strided_slice %get3A_1594 {offsets = [12], sizes = [1], strides = [1]} : vector<16xf32> to vector<1xf32>
    %squeeze3A_1710 = vector.extract %slice3A_1709[0] : f32 from vector<1xf32>
    %get3A_1711 = arith.constant 12 : i32
    %get3A_1712 = arith.index_cast %get3A_1711 : i32 to index
    %get3A_1713 = arith.constant 0 : index
    %get3A_1714 = tpu.vector_load %arg7[%get3A_1712, %get3A_1713] {strides = array<i32>} : memref<16x16xf32, #tpu.memory_space<vmem>>, vector<16xf32>,
    %mul3A_1715 = vector.broadcast %squeeze3A_1710 : f32 to vector<16xf32>
    %mul3A_1716 = arith.mulf %mul3A_1715, %get3A_1714 : vector<16xf32>
    %add3A_1717 = arith.addf %add3A_1708, %mul3A_1716 : vector<16xf32>
    %slice3A_1718 = vector.extract_strided_slice %get3A_1594 {offsets = [13], sizes = [1], strides = [1]} : vector<16xf32> to vector<1xf32>
    %squeeze3A_1719 = vector.extract %slice3A_1718[0] : f32 from vector<1xf32>
    %get3A_1720 = arith.constant 13 : i32
    %get3A_1721 = arith.index_cast %get3A_1720 : i32 to index
    %get3A_1722 = arith.constant 0 : index
    %get3A_1723 = tpu.vector_load %arg7[%get3A_1721, %get3A_1722] {strides = array<i32>} : memref<16x16xf32, #tpu.memory_space<vmem>>, vector<16xf32>,
    %mul3A_1724 = vector.broadcast %squeeze3A_1719 : f32 to vector<16xf32>
    %mul3A_1725 = arith.mulf %mul3A_1724, %get3A_1723 : vector<16xf32>
    %add3A_1726 = arith.addf %add3A_1717, %mul3A_1725 : vector<16xf32>
    %slice3A_1727 = vector.extract_strided_slice %get3A_1594 {offsets = [14], sizes = [1], strides = [1]} : vector<16xf32> to vector<1xf32>
    %squeeze3A_1728 = vector.extract %slice3A_1727[0] : f32 from vector<1xf32>
    %get3A_1729 = arith.constant 14 : i32
    %get3A_1730 = arith.index_cast %get3A_1729 : i32 to index
    %get3A_1731 = arith.constant 0 : index
    %get3A_1732 = tpu.vector_load %arg7[%get3A_1730, %get3A_1731] {strides = array<i32>} : memref<16x16xf32, #tpu.memory_space<vmem>>, vector<16xf32>,
    %mul3A_1733 = vector.broadcast %squeeze3A_1728 : f32 to vector<16xf32>
    %mul3A_1734 = arith.mulf %mul3A_1733, %get3A_1732 : vector<16xf32>
    %add3A_1735 = arith.addf %add3A_1726, %mul3A_1734 : vector<16xf32>
    %slice3A_1736 = vector.extract_strided_slice %get3A_1594 {offsets = [15], sizes = [1], strides = [1]} : vector<16xf32> to vector<1xf32>
    %squeeze3A_1737 = vector.extract %slice3A_1736[0] : f32 from vector<1xf32>
    %get3A_1738 = arith.constant 15 : i32
    %get3A_1739 = arith.index_cast %get3A_1738 : i32 to index
    %get3A_1740 = arith.constant 0 : index
    %get3A_1741 = tpu.vector_load %arg7[%get3A_1739, %get3A_1740] {strides = array<i32>} : memref<16x16xf32, #tpu.memory_space<vmem>>, vector<16xf32>,
    %mul3A_1742 = vector.broadcast %squeeze3A_1737 : f32 to vector<16xf32>
    %mul3A_1743 = arith.mulf %mul3A_1742, %get3A_1741 : vector<16xf32>
    %add3A_1744 = arith.addf %add3A_1735, %mul3A_1743 : vector<16xf32>
    %swap3A_1745 = arith.constant 10 : i32
    %swap3A_1746 = arith.index_cast %swap3A_1745 : i32 to index
    %swap3A_1747 = arith.constant 0 : index
    %swap3A_1748 = tpu.vector_load %arg10[%swap3A_1746, %swap3A_1747] {strides = array<i32>} : memref<16x16xf32, #tpu.memory_space<vmem>>, vector<16xf32>,
    tpu.vector_store %arg10[%swap3A_1746, %swap3A_1747], %add3A_1744 {strides = array<i32>} : memref<16x16xf32, #tpu.memory_space<vmem>>, vector<16xf32>,
    %get3A_1749 = arith.constant 11 : i32
    %get3A_1750 = arith.index_cast %get3A_1749 : i32 to index
    %get3A_1751 = arith.constant 0 : index
    %get3A_1752 = tpu.vector_load %arg8[%get3A_1750, %get3A_1751] {strides = array<i32>} : memref<16x16xf32, #tpu.memory_space<vmem>>, vector<16xf32>,
    %broadcast_in_dim3A_1753 = arith.constant 0.000000e+00 : f32
    %broadcast_in_dim3A_1754 = vector.broadcast %broadcast_in_dim3A_1753 : f32 to vector<16xf32>
    %slice3A_1755 = vector.extract_strided_slice %get3A_14 {offsets = [11], sizes = [1], strides = [1]} : vector<16xf32> to vector<1xf32>
    %squeeze3A_1756 = vector.extract %slice3A_1755[0] : f32 from vector<1xf32>
    %add3A_1757 = vector.broadcast %squeeze3A_1756 : f32 to vector<16xf32>
    %add3A_1758 = arith.addf %broadcast_in_dim3A_1754, %add3A_1757 : vector<16xf32>
    %slice3A_1759 = vector.extract_strided_slice %get3A_1752 {offsets = [0], sizes = [1], strides = [1]} : vector<16xf32> to vector<1xf32>
    %squeeze3A_1760 = vector.extract %slice3A_1759[0] : f32 from vector<1xf32>
    %get3A_1761 = arith.constant 0 : i32
    %get3A_1762 = arith.index_cast %get3A_1761 : i32 to index
    %get3A_1763 = arith.constant 0 : index
    %get3A_1764 = tpu.vector_load %arg7[%get3A_1762, %get3A_1763] {strides = array<i32>} : memref<16x16xf32, #tpu.memory_space<vmem>>, vector<16xf32>,
    %mul3A_1765 = vector.broadcast %squeeze3A_1760 : f32 to vector<16xf32>
    %mul3A_1766 = arith.mulf %mul3A_1765, %get3A_1764 : vector<16xf32>
    %add3A_1767 = arith.addf %add3A_1758, %mul3A_1766 : vector<16xf32>
    %slice3A_1768 = vector.extract_strided_slice %get3A_1752 {offsets = [1], sizes = [1], strides = [1]} : vector<16xf32> to vector<1xf32>
    %squeeze3A_1769 = vector.extract %slice3A_1768[0] : f32 from vector<1xf32>
    %get3A_1770 = arith.constant 1 : i32
    %get3A_1771 = arith.index_cast %get3A_1770 : i32 to index
    %get3A_1772 = arith.constant 0 : index
    %get3A_1773 = tpu.vector_load %arg7[%get3A_1771, %get3A_1772] {strides = array<i32>} : memref<16x16xf32, #tpu.memory_space<vmem>>, vector<16xf32>,
    %mul3A_1774 = vector.broadcast %squeeze3A_1769 : f32 to vector<16xf32>
    %mul3A_1775 = arith.mulf %mul3A_1774, %get3A_1773 : vector<16xf32>
    %add3A_1776 = arith.addf %add3A_1767, %mul3A_1775 : vector<16xf32>
    %slice3A_1777 = vector.extract_strided_slice %get3A_1752 {offsets = [2], sizes = [1], strides = [1]} : vector<16xf32> to vector<1xf32>
    %squeeze3A_1778 = vector.extract %slice3A_1777[0] : f32 from vector<1xf32>
    %get3A_1779 = arith.constant 2 : i32
    %get3A_1780 = arith.index_cast %get3A_1779 : i32 to index
    %get3A_1781 = arith.constant 0 : index
    %get3A_1782 = tpu.vector_load %arg7[%get3A_1780, %get3A_1781] {strides = array<i32>} : memref<16x16xf32, #tpu.memory_space<vmem>>, vector<16xf32>,
    %mul3A_1783 = vector.broadcast %squeeze3A_1778 : f32 to vector<16xf32>
    %mul3A_1784 = arith.mulf %mul3A_1783, %get3A_1782 : vector<16xf32>
    %add3A_1785 = arith.addf %add3A_1776, %mul3A_1784 : vector<16xf32>
    %slice3A_1786 = vector.extract_strided_slice %get3A_1752 {offsets = [3], sizes = [1], strides = [1]} : vector<16xf32> to vector<1xf32>
    %squeeze3A_1787 = vector.extract %slice3A_1786[0] : f32 from vector<1xf32>
    %get3A_1788 = arith.constant 3 : i32
    %get3A_1789 = arith.index_cast %get3A_1788 : i32 to index
    %get3A_1790 = arith.constant 0 : index
    %get3A_1791 = tpu.vector_load %arg7[%get3A_1789, %get3A_1790] {strides = array<i32>} : memref<16x16xf32, #tpu.memory_space<vmem>>, vector<16xf32>,
    %mul3A_1792 = vector.broadcast %squeeze3A_1787 : f32 to vector<16xf32>
    %mul3A_1793 = arith.mulf %mul3A_1792, %get3A_1791 : vector<16xf32>
    %add3A_1794 = arith.addf %add3A_1785, %mul3A_1793 : vector<16xf32>
    %slice3A_1795 = vector.extract_strided_slice %get3A_1752 {offsets = [4], sizes = [1], strides = [1]} : vector<16xf32> to vector<1xf32>
    %squeeze3A_1796 = vector.extract %slice3A_1795[0] : f32 from vector<1xf32>
    %get3A_1797 = arith.constant 4 : i32
    %get3A_1798 = arith.index_cast %get3A_1797 : i32 to index
    %get3A_1799 = arith.constant 0 : index
    %get3A_1800 = tpu.vector_load %arg7[%get3A_1798, %get3A_1799] {strides = array<i32>} : memref<16x16xf32, #tpu.memory_space<vmem>>, vector<16xf32>,
    %mul3A_1801 = vector.broadcast %squeeze3A_1796 : f32 to vector<16xf32>
    %mul3A_1802 = arith.mulf %mul3A_1801, %get3A_1800 : vector<16xf32>
    %add3A_1803 = arith.addf %add3A_1794, %mul3A_1802 : vector<16xf32>
    %slice3A_1804 = vector.extract_strided_slice %get3A_1752 {offsets = [5], sizes = [1], strides = [1]} : vector<16xf32> to vector<1xf32>
    %squeeze3A_1805 = vector.extract %slice3A_1804[0] : f32 from vector<1xf32>
    %get3A_1806 = arith.constant 5 : i32
    %get3A_1807 = arith.index_cast %get3A_1806 : i32 to index
    %get3A_1808 = arith.constant 0 : index
    %get3A_1809 = tpu.vector_load %arg7[%get3A_1807, %get3A_1808] {strides = array<i32>} : memref<16x16xf32, #tpu.memory_space<vmem>>, vector<16xf32>,
    %mul3A_1810 = vector.broadcast %squeeze3A_1805 : f32 to vector<16xf32>
    %mul3A_1811 = arith.mulf %mul3A_1810, %get3A_1809 : vector<16xf32>
    %add3A_1812 = arith.addf %add3A_1803, %mul3A_1811 : vector<16xf32>
    %slice3A_1813 = vector.extract_strided_slice %get3A_1752 {offsets = [6], sizes = [1], strides = [1]} : vector<16xf32> to vector<1xf32>
    %squeeze3A_1814 = vector.extract %slice3A_1813[0] : f32 from vector<1xf32>
    %get3A_1815 = arith.constant 6 : i32
    %get3A_1816 = arith.index_cast %get3A_1815 : i32 to index
    %get3A_1817 = arith.constant 0 : index
    %get3A_1818 = tpu.vector_load %arg7[%get3A_1816, %get3A_1817] {strides = array<i32>} : memref<16x16xf32, #tpu.memory_space<vmem>>, vector<16xf32>,
    %mul3A_1819 = vector.broadcast %squeeze3A_1814 : f32 to vector<16xf32>
    %mul3A_1820 = arith.mulf %mul3A_1819, %get3A_1818 : vector<16xf32>
    %add3A_1821 = arith.addf %add3A_1812, %mul3A_1820 : vector<16xf32>
    %slice3A_1822 = vector.extract_strided_slice %get3A_1752 {offsets = [7], sizes = [1], strides = [1]} : vector<16xf32> to vector<1xf32>
    %squeeze3A_1823 = vector.extract %slice3A_1822[0] : f32 from vector<1xf32>
    %get3A_1824 = arith.constant 7 : i32
    %get3A_1825 = arith.index_cast %get3A_1824 : i32 to index
    %get3A_1826 = arith.constant 0 : index
    %get3A_1827 = tpu.vector_load %arg7[%get3A_1825, %get3A_1826] {strides = array<i32>} : memref<16x16xf32, #tpu.memory_space<vmem>>, vector<16xf32>,
    %mul3A_1828 = vector.broadcast %squeeze3A_1823 : f32 to vector<16xf32>
    %mul3A_1829 = arith.mulf %mul3A_1828, %get3A_1827 : vector<16xf32>
    %add3A_1830 = arith.addf %add3A_1821, %mul3A_1829 : vector<16xf32>
    %slice3A_1831 = vector.extract_strided_slice %get3A_1752 {offsets = [8], sizes = [1], strides = [1]} : vector<16xf32> to vector<1xf32>
    %squeeze3A_1832 = vector.extract %slice3A_1831[0] : f32 from vector<1xf32>
    %get3A_1833 = arith.constant 8 : i32
    %get3A_1834 = arith.index_cast %get3A_1833 : i32 to index
    %get3A_1835 = arith.constant 0 : index
    %get3A_1836 = tpu.vector_load %arg7[%get3A_1834, %get3A_1835] {strides = array<i32>} : memref<16x16xf32, #tpu.memory_space<vmem>>, vector<16xf32>,
    %mul3A_1837 = vector.broadcast %squeeze3A_1832 : f32 to vector<16xf32>
    %mul3A_1838 = arith.mulf %mul3A_1837, %get3A_1836 : vector<16xf32>
    %add3A_1839 = arith.addf %add3A_1830, %mul3A_1838 : vector<16xf32>
    %slice3A_1840 = vector.extract_strided_slice %get3A_1752 {offsets = [9], sizes = [1], strides = [1]} : vector<16xf32> to vector<1xf32>
    %squeeze3A_1841 = vector.extract %slice3A_1840[0] : f32 from vector<1xf32>
    %get3A_1842 = arith.constant 9 : i32
    %get3A_1843 = arith.index_cast %get3A_1842 : i32 to index
    %get3A_1844 = arith.constant 0 : index
    %get3A_1845 = tpu.vector_load %arg7[%get3A_1843, %get3A_1844] {strides = array<i32>} : memref<16x16xf32, #tpu.memory_space<vmem>>, vector<16xf32>,
    %mul3A_1846 = vector.broadcast %squeeze3A_1841 : f32 to vector<16xf32>
    %mul3A_1847 = arith.mulf %mul3A_1846, %get3A_1845 : vector<16xf32>
    %add3A_1848 = arith.addf %add3A_1839, %mul3A_1847 : vector<16xf32>
    %slice3A_1849 = vector.extract_strided_slice %get3A_1752 {offsets = [10], sizes = [1], strides = [1]} : vector<16xf32> to vector<1xf32>
    %squeeze3A_1850 = vector.extract %slice3A_1849[0] : f32 from vector<1xf32>
    %get3A_1851 = arith.constant 10 : i32
    %get3A_1852 = arith.index_cast %get3A_1851 : i32 to index
    %get3A_1853 = arith.constant 0 : index
    %get3A_1854 = tpu.vector_load %arg7[%get3A_1852, %get3A_1853] {strides = array<i32>} : memref<16x16xf32, #tpu.memory_space<vmem>>, vector<16xf32>,
    %mul3A_1855 = vector.broadcast %squeeze3A_1850 : f32 to vector<16xf32>
    %mul3A_1856 = arith.mulf %mul3A_1855, %get3A_1854 : vector<16xf32>
    %add3A_1857 = arith.addf %add3A_1848, %mul3A_1856 : vector<16xf32>
    %slice3A_1858 = vector.extract_strided_slice %get3A_1752 {offsets = [11], sizes = [1], strides = [1]} : vector<16xf32> to vector<1xf32>
    %squeeze3A_1859 = vector.extract %slice3A_1858[0] : f32 from vector<1xf32>
    %get3A_1860 = arith.constant 11 : i32
    %get3A_1861 = arith.index_cast %get3A_1860 : i32 to index
    %get3A_1862 = arith.constant 0 : index
    %get3A_1863 = tpu.vector_load %arg7[%get3A_1861, %get3A_1862] {strides = array<i32>} : memref<16x16xf32, #tpu.memory_space<vmem>>, vector<16xf32>,
    %mul3A_1864 = vector.broadcast %squeeze3A_1859 : f32 to vector<16xf32>
    %mul3A_1865 = arith.mulf %mul3A_1864, %get3A_1863 : vector<16xf32>
    %add3A_1866 = arith.addf %add3A_1857, %mul3A_1865 : vector<16xf32>
    %slice3A_1867 = vector.extract_strided_slice %get3A_1752 {offsets = [12], sizes = [1], strides = [1]} : vector<16xf32> to vector<1xf32>
    %squeeze3A_1868 = vector.extract %slice3A_1867[0] : f32 from vector<1xf32>
    %get3A_1869 = arith.constant 12 : i32
    %get3A_1870 = arith.index_cast %get3A_1869 : i32 to index
    %get3A_1871 = arith.constant 0 : index
    %get3A_1872 = tpu.vector_load %arg7[%get3A_1870, %get3A_1871] {strides = array<i32>} : memref<16x16xf32, #tpu.memory_space<vmem>>, vector<16xf32>,
    %mul3A_1873 = vector.broadcast %squeeze3A_1868 : f32 to vector<16xf32>
    %mul3A_1874 = arith.mulf %mul3A_1873, %get3A_1872 : vector<16xf32>
    %add3A_1875 = arith.addf %add3A_1866, %mul3A_1874 : vector<16xf32>
    %slice3A_1876 = vector.extract_strided_slice %get3A_1752 {offsets = [13], sizes = [1], strides = [1]} : vector<16xf32> to vector<1xf32>
    %squeeze3A_1877 = vector.extract %slice3A_1876[0] : f32 from vector<1xf32>
    %get3A_1878 = arith.constant 13 : i32
    %get3A_1879 = arith.index_cast %get3A_1878 : i32 to index
    %get3A_1880 = arith.constant 0 : index
    %get3A_1881 = tpu.vector_load %arg7[%get3A_1879, %get3A_1880] {strides = array<i32>} : memref<16x16xf32, #tpu.memory_space<vmem>>, vector<16xf32>,
    %mul3A_1882 = vector.broadcast %squeeze3A_1877 : f32 to vector<16xf32>
    %mul3A_1883 = arith.mulf %mul3A_1882, %get3A_1881 : vector<16xf32>
    %add3A_1884 = arith.addf %add3A_1875, %mul3A_1883 : vector<16xf32>
    %slice3A_1885 = vector.extract_strided_slice %get3A_1752 {offsets = [14], sizes = [1], strides = [1]} : vector<16xf32> to vector<1xf32>
    %squeeze3A_1886 = vector.extract %slice3A_1885[0] : f32 from vector<1xf32>
    %get3A_1887 = arith.constant 14 : i32
    %get3A_1888 = arith.index_cast %get3A_1887 : i32 to index
    %get3A_1889 = arith.constant 0 : index
    %get3A_1890 = tpu.vector_load %arg7[%get3A_1888, %get3A_1889] {strides = array<i32>} : memref<16x16xf32, #tpu.memory_space<vmem>>, vector<16xf32>,
    %mul3A_1891 = vector.broadcast %squeeze3A_1886 : f32 to vector<16xf32>
    %mul3A_1892 = arith.mulf %mul3A_1891, %get3A_1890 : vector<16xf32>
    %add3A_1893 = arith.addf %add3A_1884, %mul3A_1892 : vector<16xf32>
    %slice3A_1894 = vector.extract_strided_slice %get3A_1752 {offsets = [15], sizes = [1], strides = [1]} : vector<16xf32> to vector<1xf32>
    %squeeze3A_1895 = vector.extract %slice3A_1894[0] : f32 from vector<1xf32>
    %get3A_1896 = arith.constant 15 : i32
    %get3A_1897 = arith.index_cast %get3A_1896 : i32 to index
    %get3A_1898 = arith.constant 0 : index
    %get3A_1899 = tpu.vector_load %arg7[%get3A_1897, %get3A_1898] {strides = array<i32>} : memref<16x16xf32, #tpu.memory_space<vmem>>, vector<16xf32>,
    %mul3A_1900 = vector.broadcast %squeeze3A_1895 : f32 to vector<16xf32>
    %mul3A_1901 = arith.mulf %mul3A_1900, %get3A_1899 : vector<16xf32>
    %add3A_1902 = arith.addf %add3A_1893, %mul3A_1901 : vector<16xf32>
    %swap3A_1903 = arith.constant 11 : i32
    %swap3A_1904 = arith.index_cast %swap3A_1903 : i32 to index
    %swap3A_1905 = arith.constant 0 : index
    %swap3A_1906 = tpu.vector_load %arg10[%swap3A_1904, %swap3A_1905] {strides = array<i32>} : memref<16x16xf32, #tpu.memory_space<vmem>>, vector<16xf32>,
    tpu.vector_store %arg10[%swap3A_1904, %swap3A_1905], %add3A_1902 {strides = array<i32>} : memref<16x16xf32, #tpu.memory_space<vmem>>, vector<16xf32>,
    %get3A_1907 = arith.constant 12 : i32
    %get3A_1908 = arith.index_cast %get3A_1907 : i32 to index
    %get3A_1909 = arith.constant 0 : index
    %get3A_1910 = tpu.vector_load %arg8[%get3A_1908, %get3A_1909] {strides = array<i32>} : memref<16x16xf32, #tpu.memory_space<vmem>>, vector<16xf32>,
    %broadcast_in_dim3A_1911 = arith.constant 0.000000e+00 : f32
    %broadcast_in_dim3A_1912 = vector.broadcast %broadcast_in_dim3A_1911 : f32 to vector<16xf32>
    %slice3A_1913 = vector.extract_strided_slice %get3A_14 {offsets = [12], sizes = [1], strides = [1]} : vector<16xf32> to vector<1xf32>
    %squeeze3A_1914 = vector.extract %slice3A_1913[0] : f32 from vector<1xf32>
    %add3A_1915 = vector.broadcast %squeeze3A_1914 : f32 to vector<16xf32>
    %add3A_1916 = arith.addf %broadcast_in_dim3A_1912, %add3A_1915 : vector<16xf32>
    %slice3A_1917 = vector.extract_strided_slice %get3A_1910 {offsets = [0], sizes = [1], strides = [1]} : vector<16xf32> to vector<1xf32>
    %squeeze3A_1918 = vector.extract %slice3A_1917[0] : f32 from vector<1xf32>
    %get3A_1919 = arith.constant 0 : i32
    %get3A_1920 = arith.index_cast %get3A_1919 : i32 to index
    %get3A_1921 = arith.constant 0 : index
    %get3A_1922 = tpu.vector_load %arg7[%get3A_1920, %get3A_1921] {strides = array<i32>} : memref<16x16xf32, #tpu.memory_space<vmem>>, vector<16xf32>,
    %mul3A_1923 = vector.broadcast %squeeze3A_1918 : f32 to vector<16xf32>
    %mul3A_1924 = arith.mulf %mul3A_1923, %get3A_1922 : vector<16xf32>
    %add3A_1925 = arith.addf %add3A_1916, %mul3A_1924 : vector<16xf32>
    %slice3A_1926 = vector.extract_strided_slice %get3A_1910 {offsets = [1], sizes = [1], strides = [1]} : vector<16xf32> to vector<1xf32>
    %squeeze3A_1927 = vector.extract %slice3A_1926[0] : f32 from vector<1xf32>
    %get3A_1928 = arith.constant 1 : i32
    %get3A_1929 = arith.index_cast %get3A_1928 : i32 to index
    %get3A_1930 = arith.constant 0 : index
    %get3A_1931 = tpu.vector_load %arg7[%get3A_1929, %get3A_1930] {strides = array<i32>} : memref<16x16xf32, #tpu.memory_space<vmem>>, vector<16xf32>,
    %mul3A_1932 = vector.broadcast %squeeze3A_1927 : f32 to vector<16xf32>
    %mul3A_1933 = arith.mulf %mul3A_1932, %get3A_1931 : vector<16xf32>
    %add3A_1934 = arith.addf %add3A_1925, %mul3A_1933 : vector<16xf32>
    %slice3A_1935 = vector.extract_strided_slice %get3A_1910 {offsets = [2], sizes = [1], strides = [1]} : vector<16xf32> to vector<1xf32>
    %squeeze3A_1936 = vector.extract %slice3A_1935[0] : f32 from vector<1xf32>
    %get3A_1937 = arith.constant 2 : i32
    %get3A_1938 = arith.index_cast %get3A_1937 : i32 to index
    %get3A_1939 = arith.constant 0 : index
    %get3A_1940 = tpu.vector_load %arg7[%get3A_1938, %get3A_1939] {strides = array<i32>} : memref<16x16xf32, #tpu.memory_space<vmem>>, vector<16xf32>,
    %mul3A_1941 = vector.broadcast %squeeze3A_1936 : f32 to vector<16xf32>
    %mul3A_1942 = arith.mulf %mul3A_1941, %get3A_1940 : vector<16xf32>
    %add3A_1943 = arith.addf %add3A_1934, %mul3A_1942 : vector<16xf32>
    %slice3A_1944 = vector.extract_strided_slice %get3A_1910 {offsets = [3], sizes = [1], strides = [1]} : vector<16xf32> to vector<1xf32>
    %squeeze3A_1945 = vector.extract %slice3A_1944[0] : f32 from vector<1xf32>
    %get3A_1946 = arith.constant 3 : i32
    %get3A_1947 = arith.index_cast %get3A_1946 : i32 to index
    %get3A_1948 = arith.constant 0 : index
    %get3A_1949 = tpu.vector_load %arg7[%get3A_1947, %get3A_1948] {strides = array<i32>} : memref<16x16xf32, #tpu.memory_space<vmem>>, vector<16xf32>,
    %mul3A_1950 = vector.broadcast %squeeze3A_1945 : f32 to vector<16xf32>
    %mul3A_1951 = arith.mulf %mul3A_1950, %get3A_1949 : vector<16xf32>
    %add3A_1952 = arith.addf %add3A_1943, %mul3A_1951 : vector<16xf32>
    %slice3A_1953 = vector.extract_strided_slice %get3A_1910 {offsets = [4], sizes = [1], strides = [1]} : vector<16xf32> to vector<1xf32>
    %squeeze3A_1954 = vector.extract %slice3A_1953[0] : f32 from vector<1xf32>
    %get3A_1955 = arith.constant 4 : i32
    %get3A_1956 = arith.index_cast %get3A_1955 : i32 to index
    %get3A_1957 = arith.constant 0 : index
    %get3A_1958 = tpu.vector_load %arg7[%get3A_1956, %get3A_1957] {strides = array<i32>} : memref<16x16xf32, #tpu.memory_space<vmem>>, vector<16xf32>,
    %mul3A_1959 = vector.broadcast %squeeze3A_1954 : f32 to vector<16xf32>
    %mul3A_1960 = arith.mulf %mul3A_1959, %get3A_1958 : vector<16xf32>
    %add3A_1961 = arith.addf %add3A_1952, %mul3A_1960 : vector<16xf32>
    %slice3A_1962 = vector.extract_strided_slice %get3A_1910 {offsets = [5], sizes = [1], strides = [1]} : vector<16xf32> to vector<1xf32>
    %squeeze3A_1963 = vector.extract %slice3A_1962[0] : f32 from vector<1xf32>
    %get3A_1964 = arith.constant 5 : i32
    %get3A_1965 = arith.index_cast %get3A_1964 : i32 to index
    %get3A_1966 = arith.constant 0 : index
    %get3A_1967 = tpu.vector_load %arg7[%get3A_1965, %get3A_1966] {strides = array<i32>} : memref<16x16xf32, #tpu.memory_space<vmem>>, vector<16xf32>,
    %mul3A_1968 = vector.broadcast %squeeze3A_1963 : f32 to vector<16xf32>
    %mul3A_1969 = arith.mulf %mul3A_1968, %get3A_1967 : vector<16xf32>
    %add3A_1970 = arith.addf %add3A_1961, %mul3A_1969 : vector<16xf32>
    %slice3A_1971 = vector.extract_strided_slice %get3A_1910 {offsets = [6], sizes = [1], strides = [1]} : vector<16xf32> to vector<1xf32>
    %squeeze3A_1972 = vector.extract %slice3A_1971[0] : f32 from vector<1xf32>
    %get3A_1973 = arith.constant 6 : i32
    %get3A_1974 = arith.index_cast %get3A_1973 : i32 to index
    %get3A_1975 = arith.constant 0 : index
    %get3A_1976 = tpu.vector_load %arg7[%get3A_1974, %get3A_1975] {strides = array<i32>} : memref<16x16xf32, #tpu.memory_space<vmem>>, vector<16xf32>,
    %mul3A_1977 = vector.broadcast %squeeze3A_1972 : f32 to vector<16xf32>
    %mul3A_1978 = arith.mulf %mul3A_1977, %get3A_1976 : vector<16xf32>
    %add3A_1979 = arith.addf %add3A_1970, %mul3A_1978 : vector<16xf32>
    %slice3A_1980 = vector.extract_strided_slice %get3A_1910 {offsets = [7], sizes = [1], strides = [1]} : vector<16xf32> to vector<1xf32>
    %squeeze3A_1981 = vector.extract %slice3A_1980[0] : f32 from vector<1xf32>
    %get3A_1982 = arith.constant 7 : i32
    %get3A_1983 = arith.index_cast %get3A_1982 : i32 to index
    %get3A_1984 = arith.constant 0 : index
    %get3A_1985 = tpu.vector_load %arg7[%get3A_1983, %get3A_1984] {strides = array<i32>} : memref<16x16xf32, #tpu.memory_space<vmem>>, vector<16xf32>,
    %mul3A_1986 = vector.broadcast %squeeze3A_1981 : f32 to vector<16xf32>
    %mul3A_1987 = arith.mulf %mul3A_1986, %get3A_1985 : vector<16xf32>
    %add3A_1988 = arith.addf %add3A_1979, %mul3A_1987 : vector<16xf32>
    %slice3A_1989 = vector.extract_strided_slice %get3A_1910 {offsets = [8], sizes = [1], strides = [1]} : vector<16xf32> to vector<1xf32>
    %squeeze3A_1990 = vector.extract %slice3A_1989[0] : f32 from vector<1xf32>
    %get3A_1991 = arith.constant 8 : i32
    %get3A_1992 = arith.index_cast %get3A_1991 : i32 to index
    %get3A_1993 = arith.constant 0 : index
    %get3A_1994 = tpu.vector_load %arg7[%get3A_1992, %get3A_1993] {strides = array<i32>} : memref<16x16xf32, #tpu.memory_space<vmem>>, vector<16xf32>,
    %mul3A_1995 = vector.broadcast %squeeze3A_1990 : f32 to vector<16xf32>
    %mul3A_1996 = arith.mulf %mul3A_1995, %get3A_1994 : vector<16xf32>
    %add3A_1997 = arith.addf %add3A_1988, %mul3A_1996 : vector<16xf32>
    %slice3A_1998 = vector.extract_strided_slice %get3A_1910 {offsets = [9], sizes = [1], strides = [1]} : vector<16xf32> to vector<1xf32>
    %squeeze3A_1999 = vector.extract %slice3A_1998[0] : f32 from vector<1xf32>
    %get3A_2000 = arith.constant 9 : i32
    %get3A_2001 = arith.index_cast %get3A_2000 : i32 to index
    %get3A_2002 = arith.constant 0 : index
    %get3A_2003 = tpu.vector_load %arg7[%get3A_2001, %get3A_2002] {strides = array<i32>} : memref<16x16xf32, #tpu.memory_space<vmem>>, vector<16xf32>,
    %mul3A_2004 = vector.broadcast %squeeze3A_1999 : f32 to vector<16xf32>
    %mul3A_2005 = arith.mulf %mul3A_2004, %get3A_2003 : vector<16xf32>
    %add3A_2006 = arith.addf %add3A_1997, %mul3A_2005 : vector<16xf32>
    %slice3A_2007 = vector.extract_strided_slice %get3A_1910 {offsets = [10], sizes = [1], strides = [1]} : vector<16xf32> to vector<1xf32>
    %squeeze3A_2008 = vector.extract %slice3A_2007[0] : f32 from vector<1xf32>
    %get3A_2009 = arith.constant 10 : i32
    %get3A_2010 = arith.index_cast %get3A_2009 : i32 to index
    %get3A_2011 = arith.constant 0 : index
    %get3A_2012 = tpu.vector_load %arg7[%get3A_2010, %get3A_2011] {strides = array<i32>} : memref<16x16xf32, #tpu.memory_space<vmem>>, vector<16xf32>,
    %mul3A_2013 = vector.broadcast %squeeze3A_2008 : f32 to vector<16xf32>
    %mul3A_2014 = arith.mulf %mul3A_2013, %get3A_2012 : vector<16xf32>
    %add3A_2015 = arith.addf %add3A_2006, %mul3A_2014 : vector<16xf32>
    %slice3A_2016 = vector.extract_strided_slice %get3A_1910 {offsets = [11], sizes = [1], strides = [1]} : vector<16xf32> to vector<1xf32>
    %squeeze3A_2017 = vector.extract %slice3A_2016[0] : f32 from vector<1xf32>
    %get3A_2018 = arith.constant 11 : i32
    %get3A_2019 = arith.index_cast %get3A_2018 : i32 to index
    %get3A_2020 = arith.constant 0 : index
    %get3A_2021 = tpu.vector_load %arg7[%get3A_2019, %get3A_2020] {strides = array<i32>} : memref<16x16xf32, #tpu.memory_space<vmem>>, vector<16xf32>,
    %mul3A_2022 = vector.broadcast %squeeze3A_2017 : f32 to vector<16xf32>
    %mul3A_2023 = arith.mulf %mul3A_2022, %get3A_2021 : vector<16xf32>
    %add3A_2024 = arith.addf %add3A_2015, %mul3A_2023 : vector<16xf32>
    %slice3A_2025 = vector.extract_strided_slice %get3A_1910 {offsets = [12], sizes = [1], strides = [1]} : vector<16xf32> to vector<1xf32>
    %squeeze3A_2026 = vector.extract %slice3A_2025[0] : f32 from vector<1xf32>
    %get3A_2027 = arith.constant 12 : i32
    %get3A_2028 = arith.index_cast %get3A_2027 : i32 to index
    %get3A_2029 = arith.constant 0 : index
    %get3A_2030 = tpu.vector_load %arg7[%get3A_2028, %get3A_2029] {strides = array<i32>} : memref<16x16xf32, #tpu.memory_space<vmem>>, vector<16xf32>,
    %mul3A_2031 = vector.broadcast %squeeze3A_2026 : f32 to vector<16xf32>
    %mul3A_2032 = arith.mulf %mul3A_2031, %get3A_2030 : vector<16xf32>
    %add3A_2033 = arith.addf %add3A_2024, %mul3A_2032 : vector<16xf32>
    %slice3A_2034 = vector.extract_strided_slice %get3A_1910 {offsets = [13], sizes = [1], strides = [1]} : vector<16xf32> to vector<1xf32>
    %squeeze3A_2035 = vector.extract %slice3A_2034[0] : f32 from vector<1xf32>
    %get3A_2036 = arith.constant 13 : i32
    %get3A_2037 = arith.index_cast %get3A_2036 : i32 to index
    %get3A_2038 = arith.constant 0 : index
    %get3A_2039 = tpu.vector_load %arg7[%get3A_2037, %get3A_2038] {strides = array<i32>} : memref<16x16xf32, #tpu.memory_space<vmem>>, vector<16xf32>,
    %mul3A_2040 = vector.broadcast %squeeze3A_2035 : f32 to vector<16xf32>
    %mul3A_2041 = arith.mulf %mul3A_2040, %get3A_2039 : vector<16xf32>
    %add3A_2042 = arith.addf %add3A_2033, %mul3A_2041 : vector<16xf32>
    %slice3A_2043 = vector.extract_strided_slice %get3A_1910 {offsets = [14], sizes = [1], strides = [1]} : vector<16xf32> to vector<1xf32>
    %squeeze3A_2044 = vector.extract %slice3A_2043[0] : f32 from vector<1xf32>
    %get3A_2045 = arith.constant 14 : i32
    %get3A_2046 = arith.index_cast %get3A_2045 : i32 to index
    %get3A_2047 = arith.constant 0 : index
    %get3A_2048 = tpu.vector_load %arg7[%get3A_2046, %get3A_2047] {strides = array<i32>} : memref<16x16xf32, #tpu.memory_space<vmem>>, vector<16xf32>,
    %mul3A_2049 = vector.broadcast %squeeze3A_2044 : f32 to vector<16xf32>
    %mul3A_2050 = arith.mulf %mul3A_2049, %get3A_2048 : vector<16xf32>
    %add3A_2051 = arith.addf %add3A_2042, %mul3A_2050 : vector<16xf32>
    %slice3A_2052 = vector.extract_strided_slice %get3A_1910 {offsets = [15], sizes = [1], strides = [1]} : vector<16xf32> to vector<1xf32>
    %squeeze3A_2053 = vector.extract %slice3A_2052[0] : f32 from vector<1xf32>
    %get3A_2054 = arith.constant 15 : i32
    %get3A_2055 = arith.index_cast %get3A_2054 : i32 to index
    %get3A_2056 = arith.constant 0 : index
    %get3A_2057 = tpu.vector_load %arg7[%get3A_2055, %get3A_2056] {strides = array<i32>} : memref<16x16xf32, #tpu.memory_space<vmem>>, vector<16xf32>,
    %mul3A_2058 = vector.broadcast %squeeze3A_2053 : f32 to vector<16xf32>
    %mul3A_2059 = arith.mulf %mul3A_2058, %get3A_2057 : vector<16xf32>
    %add3A_2060 = arith.addf %add3A_2051, %mul3A_2059 : vector<16xf32>
    %swap3A_2061 = arith.constant 12 : i32
    %swap3A_2062 = arith.index_cast %swap3A_2061 : i32 to index
    %swap3A_2063 = arith.constant 0 : index
    %swap3A_2064 = tpu.vector_load %arg10[%swap3A_2062, %swap3A_2063] {strides = array<i32>} : memref<16x16xf32, #tpu.memory_space<vmem>>, vector<16xf32>,
    tpu.vector_store %arg10[%swap3A_2062, %swap3A_2063], %add3A_2060 {strides = array<i32>} : memref<16x16xf32, #tpu.memory_space<vmem>>, vector<16xf32>,
    %get3A_2065 = arith.constant 13 : i32
    %get3A_2066 = arith.index_cast %get3A_2065 : i32 to index
    %get3A_2067 = arith.constant 0 : index
    %get3A_2068 = tpu.vector_load %arg8[%get3A_2066, %get3A_2067] {strides = array<i32>} : memref<16x16xf32, #tpu.memory_space<vmem>>, vector<16xf32>,
    %broadcast_in_dim3A_2069 = arith.constant 0.000000e+00 : f32
    %broadcast_in_dim3A_2070 = vector.broadcast %broadcast_in_dim3A_2069 : f32 to vector<16xf32>
    %slice3A_2071 = vector.extract_strided_slice %get3A_14 {offsets = [13], sizes = [1], strides = [1]} : vector<16xf32> to vector<1xf32>
    %squeeze3A_2072 = vector.extract %slice3A_2071[0] : f32 from vector<1xf32>
    %add3A_2073 = vector.broadcast %squeeze3A_2072 : f32 to vector<16xf32>
    %add3A_2074 = arith.addf %broadcast_in_dim3A_2070, %add3A_2073 : vector<16xf32>
    %slice3A_2075 = vector.extract_strided_slice %get3A_2068 {offsets = [0], sizes = [1], strides = [1]} : vector<16xf32> to vector<1xf32>
    %squeeze3A_2076 = vector.extract %slice3A_2075[0] : f32 from vector<1xf32>
    %get3A_2077 = arith.constant 0 : i32
    %get3A_2078 = arith.index_cast %get3A_2077 : i32 to index
    %get3A_2079 = arith.constant 0 : index
    %get3A_2080 = tpu.vector_load %arg7[%get3A_2078, %get3A_2079] {strides = array<i32>} : memref<16x16xf32, #tpu.memory_space<vmem>>, vector<16xf32>,
    %mul3A_2081 = vector.broadcast %squeeze3A_2076 : f32 to vector<16xf32>
    %mul3A_2082 = arith.mulf %mul3A_2081, %get3A_2080 : vector<16xf32>
    %add3A_2083 = arith.addf %add3A_2074, %mul3A_2082 : vector<16xf32>
    %slice3A_2084 = vector.extract_strided_slice %get3A_2068 {offsets = [1], sizes = [1], strides = [1]} : vector<16xf32> to vector<1xf32>
    %squeeze3A_2085 = vector.extract %slice3A_2084[0] : f32 from vector<1xf32>
    %get3A_2086 = arith.constant 1 : i32
    %get3A_2087 = arith.index_cast %get3A_2086 : i32 to index
    %get3A_2088 = arith.constant 0 : index
    %get3A_2089 = tpu.vector_load %arg7[%get3A_2087, %get3A_2088] {strides = array<i32>} : memref<16x16xf32, #tpu.memory_space<vmem>>, vector<16xf32>,
    %mul3A_2090 = vector.broadcast %squeeze3A_2085 : f32 to vector<16xf32>
    %mul3A_2091 = arith.mulf %mul3A_2090, %get3A_2089 : vector<16xf32>
    %add3A_2092 = arith.addf %add3A_2083, %mul3A_2091 : vector<16xf32>
    %slice3A_2093 = vector.extract_strided_slice %get3A_2068 {offsets = [2], sizes = [1], strides = [1]} : vector<16xf32> to vector<1xf32>
    %squeeze3A_2094 = vector.extract %slice3A_2093[0] : f32 from vector<1xf32>
    %get3A_2095 = arith.constant 2 : i32
    %get3A_2096 = arith.index_cast %get3A_2095 : i32 to index
    %get3A_2097 = arith.constant 0 : index
    %get3A_2098 = tpu.vector_load %arg7[%get3A_2096, %get3A_2097] {strides = array<i32>} : memref<16x16xf32, #tpu.memory_space<vmem>>, vector<16xf32>,
    %mul3A_2099 = vector.broadcast %squeeze3A_2094 : f32 to vector<16xf32>
    %mul3A_2100 = arith.mulf %mul3A_2099, %get3A_2098 : vector<16xf32>
    %add3A_2101 = arith.addf %add3A_2092, %mul3A_2100 : vector<16xf32>
    %slice3A_2102 = vector.extract_strided_slice %get3A_2068 {offsets = [3], sizes = [1], strides = [1]} : vector<16xf32> to vector<1xf32>
    %squeeze3A_2103 = vector.extract %slice3A_2102[0] : f32 from vector<1xf32>
    %get3A_2104 = arith.constant 3 : i32
    %get3A_2105 = arith.index_cast %get3A_2104 : i32 to index
    %get3A_2106 = arith.constant 0 : index
    %get3A_2107 = tpu.vector_load %arg7[%get3A_2105, %get3A_2106] {strides = array<i32>} : memref<16x16xf32, #tpu.memory_space<vmem>>, vector<16xf32>,
    %mul3A_2108 = vector.broadcast %squeeze3A_2103 : f32 to vector<16xf32>
    %mul3A_2109 = arith.mulf %mul3A_2108, %get3A_2107 : vector<16xf32>
    %add3A_2110 = arith.addf %add3A_2101, %mul3A_2109 : vector<16xf32>
    %slice3A_2111 = vector.extract_strided_slice %get3A_2068 {offsets = [4], sizes = [1], strides = [1]} : vector<16xf32> to vector<1xf32>
    %squeeze3A_2112 = vector.extract %slice3A_2111[0] : f32 from vector<1xf32>
    %get3A_2113 = arith.constant 4 : i32
    %get3A_2114 = arith.index_cast %get3A_2113 : i32 to index
    %get3A_2115 = arith.constant 0 : index
    %get3A_2116 = tpu.vector_load %arg7[%get3A_2114, %get3A_2115] {strides = array<i32>} : memref<16x16xf32, #tpu.memory_space<vmem>>, vector<16xf32>,
    %mul3A_2117 = vector.broadcast %squeeze3A_2112 : f32 to vector<16xf32>
    %mul3A_2118 = arith.mulf %mul3A_2117, %get3A_2116 : vector<16xf32>
    %add3A_2119 = arith.addf %add3A_2110, %mul3A_2118 : vector<16xf32>
    %slice3A_2120 = vector.extract_strided_slice %get3A_2068 {offsets = [5], sizes = [1], strides = [1]} : vector<16xf32> to vector<1xf32>
    %squeeze3A_2121 = vector.extract %slice3A_2120[0] : f32 from vector<1xf32>
    %get3A_2122 = arith.constant 5 : i32
    %get3A_2123 = arith.index_cast %get3A_2122 : i32 to index
    %get3A_2124 = arith.constant 0 : index
    %get3A_2125 = tpu.vector_load %arg7[%get3A_2123, %get3A_2124] {strides = array<i32>} : memref<16x16xf32, #tpu.memory_space<vmem>>, vector<16xf32>,
    %mul3A_2126 = vector.broadcast %squeeze3A_2121 : f32 to vector<16xf32>
    %mul3A_2127 = arith.mulf %mul3A_2126, %get3A_2125 : vector<16xf32>
    %add3A_2128 = arith.addf %add3A_2119, %mul3A_2127 : vector<16xf32>
    %slice3A_2129 = vector.extract_strided_slice %get3A_2068 {offsets = [6], sizes = [1], strides = [1]} : vector<16xf32> to vector<1xf32>
    %squeeze3A_2130 = vector.extract %slice3A_2129[0] : f32 from vector<1xf32>
    %get3A_2131 = arith.constant 6 : i32
    %get3A_2132 = arith.index_cast %get3A_2131 : i32 to index
    %get3A_2133 = arith.constant 0 : index
    %get3A_2134 = tpu.vector_load %arg7[%get3A_2132, %get3A_2133] {strides = array<i32>} : memref<16x16xf32, #tpu.memory_space<vmem>>, vector<16xf32>,
    %mul3A_2135 = vector.broadcast %squeeze3A_2130 : f32 to vector<16xf32>
    %mul3A_2136 = arith.mulf %mul3A_2135, %get3A_2134 : vector<16xf32>
    %add3A_2137 = arith.addf %add3A_2128, %mul3A_2136 : vector<16xf32>
    %slice3A_2138 = vector.extract_strided_slice %get3A_2068 {offsets = [7], sizes = [1], strides = [1]} : vector<16xf32> to vector<1xf32>
    %squeeze3A_2139 = vector.extract %slice3A_2138[0] : f32 from vector<1xf32>
    %get3A_2140 = arith.constant 7 : i32
    %get3A_2141 = arith.index_cast %get3A_2140 : i32 to index
    %get3A_2142 = arith.constant 0 : index
    %get3A_2143 = tpu.vector_load %arg7[%get3A_2141, %get3A_2142] {strides = array<i32>} : memref<16x16xf32, #tpu.memory_space<vmem>>, vector<16xf32>,
    %mul3A_2144 = vector.broadcast %squeeze3A_2139 : f32 to vector<16xf32>
    %mul3A_2145 = arith.mulf %mul3A_2144, %get3A_2143 : vector<16xf32>
    %add3A_2146 = arith.addf %add3A_2137, %mul3A_2145 : vector<16xf32>
    %slice3A_2147 = vector.extract_strided_slice %get3A_2068 {offsets = [8], sizes = [1], strides = [1]} : vector<16xf32> to vector<1xf32>
    %squeeze3A_2148 = vector.extract %slice3A_2147[0] : f32 from vector<1xf32>
    %get3A_2149 = arith.constant 8 : i32
    %get3A_2150 = arith.index_cast %get3A_2149 : i32 to index
    %get3A_2151 = arith.constant 0 : index
    %get3A_2152 = tpu.vector_load %arg7[%get3A_2150, %get3A_2151] {strides = array<i32>} : memref<16x16xf32, #tpu.memory_space<vmem>>, vector<16xf32>,
    %mul3A_2153 = vector.broadcast %squeeze3A_2148 : f32 to vector<16xf32>
    %mul3A_2154 = arith.mulf %mul3A_2153, %get3A_2152 : vector<16xf32>
    %add3A_2155 = arith.addf %add3A_2146, %mul3A_2154 : vector<16xf32>
    %slice3A_2156 = vector.extract_strided_slice %get3A_2068 {offsets = [9], sizes = [1], strides = [1]} : vector<16xf32> to vector<1xf32>
    %squeeze3A_2157 = vector.extract %slice3A_2156[0] : f32 from vector<1xf32>
    %get3A_2158 = arith.constant 9 : i32
    %get3A_2159 = arith.index_cast %get3A_2158 : i32 to index
    %get3A_2160 = arith.constant 0 : index
    %get3A_2161 = tpu.vector_load %arg7[%get3A_2159, %get3A_2160] {strides = array<i32>} : memref<16x16xf32, #tpu.memory_space<vmem>>, vector<16xf32>,
    %mul3A_2162 = vector.broadcast %squeeze3A_2157 : f32 to vector<16xf32>
    %mul3A_2163 = arith.mulf %mul3A_2162, %get3A_2161 : vector<16xf32>
    %add3A_2164 = arith.addf %add3A_2155, %mul3A_2163 : vector<16xf32>
    %slice3A_2165 = vector.extract_strided_slice %get3A_2068 {offsets = [10], sizes = [1], strides = [1]} : vector<16xf32> to vector<1xf32>
    %squeeze3A_2166 = vector.extract %slice3A_2165[0] : f32 from vector<1xf32>
    %get3A_2167 = arith.constant 10 : i32
    %get3A_2168 = arith.index_cast %get3A_2167 : i32 to index
    %get3A_2169 = arith.constant 0 : index
    %get3A_2170 = tpu.vector_load %arg7[%get3A_2168, %get3A_2169] {strides = array<i32>} : memref<16x16xf32, #tpu.memory_space<vmem>>, vector<16xf32>,
    %mul3A_2171 = vector.broadcast %squeeze3A_2166 : f32 to vector<16xf32>
    %mul3A_2172 = arith.mulf %mul3A_2171, %get3A_2170 : vector<16xf32>
    %add3A_2173 = arith.addf %add3A_2164, %mul3A_2172 : vector<16xf32>
    %slice3A_2174 = vector.extract_strided_slice %get3A_2068 {offsets = [11], sizes = [1], strides = [1]} : vector<16xf32> to vector<1xf32>
    %squeeze3A_2175 = vector.extract %slice3A_2174[0] : f32 from vector<1xf32>
    %get3A_2176 = arith.constant 11 : i32
    %get3A_2177 = arith.index_cast %get3A_2176 : i32 to index
    %get3A_2178 = arith.constant 0 : index
    %get3A_2179 = tpu.vector_load %arg7[%get3A_2177, %get3A_2178] {strides = array<i32>} : memref<16x16xf32, #tpu.memory_space<vmem>>, vector<16xf32>,
    %mul3A_2180 = vector.broadcast %squeeze3A_2175 : f32 to vector<16xf32>
    %mul3A_2181 = arith.mulf %mul3A_2180, %get3A_2179 : vector<16xf32>
    %add3A_2182 = arith.addf %add3A_2173, %mul3A_2181 : vector<16xf32>
    %slice3A_2183 = vector.extract_strided_slice %get3A_2068 {offsets = [12], sizes = [1], strides = [1]} : vector<16xf32> to vector<1xf32>
    %squeeze3A_2184 = vector.extract %slice3A_2183[0] : f32 from vector<1xf32>
    %get3A_2185 = arith.constant 12 : i32
    %get3A_2186 = arith.index_cast %get3A_2185 : i32 to index
    %get3A_2187 = arith.constant 0 : index
    %get3A_2188 = tpu.vector_load %arg7[%get3A_2186, %get3A_2187] {strides = array<i32>} : memref<16x16xf32, #tpu.memory_space<vmem>>, vector<16xf32>,
    %mul3A_2189 = vector.broadcast %squeeze3A_2184 : f32 to vector<16xf32>
    %mul3A_2190 = arith.mulf %mul3A_2189, %get3A_2188 : vector<16xf32>
    %add3A_2191 = arith.addf %add3A_2182, %mul3A_2190 : vector<16xf32>
    %slice3A_2192 = vector.extract_strided_slice %get3A_2068 {offsets = [13], sizes = [1], strides = [1]} : vector<16xf32> to vector<1xf32>
    %squeeze3A_2193 = vector.extract %slice3A_2192[0] : f32 from vector<1xf32>
    %get3A_2194 = arith.constant 13 : i32
    %get3A_2195 = arith.index_cast %get3A_2194 : i32 to index
    %get3A_2196 = arith.constant 0 : index
    %get3A_2197 = tpu.vector_load %arg7[%get3A_2195, %get3A_2196] {strides = array<i32>} : memref<16x16xf32, #tpu.memory_space<vmem>>, vector<16xf32>,
    %mul3A_2198 = vector.broadcast %squeeze3A_2193 : f32 to vector<16xf32>
    %mul3A_2199 = arith.mulf %mul3A_2198, %get3A_2197 : vector<16xf32>
    %add3A_2200 = arith.addf %add3A_2191, %mul3A_2199 : vector<16xf32>
    %slice3A_2201 = vector.extract_strided_slice %get3A_2068 {offsets = [14], sizes = [1], strides = [1]} : vector<16xf32> to vector<1xf32>
    %squeeze3A_2202 = vector.extract %slice3A_2201[0] : f32 from vector<1xf32>
    %get3A_2203 = arith.constant 14 : i32
    %get3A_2204 = arith.index_cast %get3A_2203 : i32 to index
    %get3A_2205 = arith.constant 0 : index
    %get3A_2206 = tpu.vector_load %arg7[%get3A_2204, %get3A_2205] {strides = array<i32>} : memref<16x16xf32, #tpu.memory_space<vmem>>, vector<16xf32>,
    %mul3A_2207 = vector.broadcast %squeeze3A_2202 : f32 to vector<16xf32>
    %mul3A_2208 = arith.mulf %mul3A_2207, %get3A_2206 : vector<16xf32>
    %add3A_2209 = arith.addf %add3A_2200, %mul3A_2208 : vector<16xf32>
    %slice3A_2210 = vector.extract_strided_slice %get3A_2068 {offsets = [15], sizes = [1], strides = [1]} : vector<16xf32> to vector<1xf32>
    %squeeze3A_2211 = vector.extract %slice3A_2210[0] : f32 from vector<1xf32>
    %get3A_2212 = arith.constant 15 : i32
    %get3A_2213 = arith.index_cast %get3A_2212 : i32 to index
    %get3A_2214 = arith.constant 0 : index
    %get3A_2215 = tpu.vector_load %arg7[%get3A_2213, %get3A_2214] {strides = array<i32>} : memref<16x16xf32, #tpu.memory_space<vmem>>, vector<16xf32>,
    %mul3A_2216 = vector.broadcast %squeeze3A_2211 : f32 to vector<16xf32>
    %mul3A_2217 = arith.mulf %mul3A_2216, %get3A_2215 : vector<16xf32>
    %add3A_2218 = arith.addf %add3A_2209, %mul3A_2217 : vector<16xf32>
    %swap3A_2219 = arith.constant 13 : i32
    %swap3A_2220 = arith.index_cast %swap3A_2219 : i32 to index
    %swap3A_2221 = arith.constant 0 : index
    %swap3A_2222 = tpu.vector_load %arg10[%swap3A_2220, %swap3A_2221] {strides = array<i32>} : memref<16x16xf32, #tpu.memory_space<vmem>>, vector<16xf32>,
    tpu.vector_store %arg10[%swap3A_2220, %swap3A_2221], %add3A_2218 {strides = array<i32>} : memref<16x16xf32, #tpu.memory_space<vmem>>, vector<16xf32>,
    %get3A_2223 = arith.constant 14 : i32
    %get3A_2224 = arith.index_cast %get3A_2223 : i32 to index
    %get3A_2225 = arith.constant 0 : index
    %get3A_2226 = tpu.vector_load %arg8[%get3A_2224, %get3A_2225] {strides = array<i32>} : memref<16x16xf32, #tpu.memory_space<vmem>>, vector<16xf32>,
    %broadcast_in_dim3A_2227 = arith.constant 0.000000e+00 : f32
    %broadcast_in_dim3A_2228 = vector.broadcast %broadcast_in_dim3A_2227 : f32 to vector<16xf32>
    %slice3A_2229 = vector.extract_strided_slice %get3A_14 {offsets = [14], sizes = [1], strides = [1]} : vector<16xf32> to vector<1xf32>
    %squeeze3A_2230 = vector.extract %slice3A_2229[0] : f32 from vector<1xf32>
    %add3A_2231 = vector.broadcast %squeeze3A_2230 : f32 to vector<16xf32>
    %add3A_2232 = arith.addf %broadcast_in_dim3A_2228, %add3A_2231 : vector<16xf32>
    %slice3A_2233 = vector.extract_strided_slice %get3A_2226 {offsets = [0], sizes = [1], strides = [1]} : vector<16xf32> to vector<1xf32>
    %squeeze3A_2234 = vector.extract %slice3A_2233[0] : f32 from vector<1xf32>
    %get3A_2235 = arith.constant 0 : i32
    %get3A_2236 = arith.index_cast %get3A_2235 : i32 to index
    %get3A_2237 = arith.constant 0 : index
    %get3A_2238 = tpu.vector_load %arg7[%get3A_2236, %get3A_2237] {strides = array<i32>} : memref<16x16xf32, #tpu.memory_space<vmem>>, vector<16xf32>,
    %mul3A_2239 = vector.broadcast %squeeze3A_2234 : f32 to vector<16xf32>
    %mul3A_2240 = arith.mulf %mul3A_2239, %get3A_2238 : vector<16xf32>
    %add3A_2241 = arith.addf %add3A_2232, %mul3A_2240 : vector<16xf32>
    %slice3A_2242 = vector.extract_strided_slice %get3A_2226 {offsets = [1], sizes = [1], strides = [1]} : vector<16xf32> to vector<1xf32>
    %squeeze3A_2243 = vector.extract %slice3A_2242[0] : f32 from vector<1xf32>
    %get3A_2244 = arith.constant 1 : i32
    %get3A_2245 = arith.index_cast %get3A_2244 : i32 to index
    %get3A_2246 = arith.constant 0 : index
    %get3A_2247 = tpu.vector_load %arg7[%get3A_2245, %get3A_2246] {strides = array<i32>} : memref<16x16xf32, #tpu.memory_space<vmem>>, vector<16xf32>,
    %mul3A_2248 = vector.broadcast %squeeze3A_2243 : f32 to vector<16xf32>
    %mul3A_2249 = arith.mulf %mul3A_2248, %get3A_2247 : vector<16xf32>
    %add3A_2250 = arith.addf %add3A_2241, %mul3A_2249 : vector<16xf32>
    %slice3A_2251 = vector.extract_strided_slice %get3A_2226 {offsets = [2], sizes = [1], strides = [1]} : vector<16xf32> to vector<1xf32>
    %squeeze3A_2252 = vector.extract %slice3A_2251[0] : f32 from vector<1xf32>
    %get3A_2253 = arith.constant 2 : i32
    %get3A_2254 = arith.index_cast %get3A_2253 : i32 to index
    %get3A_2255 = arith.constant 0 : index
    %get3A_2256 = tpu.vector_load %arg7[%get3A_2254, %get3A_2255] {strides = array<i32>} : memref<16x16xf32, #tpu.memory_space<vmem>>, vector<16xf32>,
    %mul3A_2257 = vector.broadcast %squeeze3A_2252 : f32 to vector<16xf32>
    %mul3A_2258 = arith.mulf %mul3A_2257, %get3A_2256 : vector<16xf32>
    %add3A_2259 = arith.addf %add3A_2250, %mul3A_2258 : vector<16xf32>
    %slice3A_2260 = vector.extract_strided_slice %get3A_2226 {offsets = [3], sizes = [1], strides = [1]} : vector<16xf32> to vector<1xf32>
    %squeeze3A_2261 = vector.extract %slice3A_2260[0] : f32 from vector<1xf32>
    %get3A_2262 = arith.constant 3 : i32
    %get3A_2263 = arith.index_cast %get3A_2262 : i32 to index
    %get3A_2264 = arith.constant 0 : index
    %get3A_2265 = tpu.vector_load %arg7[%get3A_2263, %get3A_2264] {strides = array<i32>} : memref<16x16xf32, #tpu.memory_space<vmem>>, vector<16xf32>,
    %mul3A_2266 = vector.broadcast %squeeze3A_2261 : f32 to vector<16xf32>
    %mul3A_2267 = arith.mulf %mul3A_2266, %get3A_2265 : vector<16xf32>
    %add3A_2268 = arith.addf %add3A_2259, %mul3A_2267 : vector<16xf32>
    %slice3A_2269 = vector.extract_strided_slice %get3A_2226 {offsets = [4], sizes = [1], strides = [1]} : vector<16xf32> to vector<1xf32>
    %squeeze3A_2270 = vector.extract %slice3A_2269[0] : f32 from vector<1xf32>
    %get3A_2271 = arith.constant 4 : i32
    %get3A_2272 = arith.index_cast %get3A_2271 : i32 to index
    %get3A_2273 = arith.constant 0 : index
    %get3A_2274 = tpu.vector_load %arg7[%get3A_2272, %get3A_2273] {strides = array<i32>} : memref<16x16xf32, #tpu.memory_space<vmem>>, vector<16xf32>,
    %mul3A_2275 = vector.broadcast %squeeze3A_2270 : f32 to vector<16xf32>
    %mul3A_2276 = arith.mulf %mul3A_2275, %get3A_2274 : vector<16xf32>
    %add3A_2277 = arith.addf %add3A_2268, %mul3A_2276 : vector<16xf32>
    %slice3A_2278 = vector.extract_strided_slice %get3A_2226 {offsets = [5], sizes = [1], strides = [1]} : vector<16xf32> to vector<1xf32>
    %squeeze3A_2279 = vector.extract %slice3A_2278[0] : f32 from vector<1xf32>
    %get3A_2280 = arith.constant 5 : i32
    %get3A_2281 = arith.index_cast %get3A_2280 : i32 to index
    %get3A_2282 = arith.constant 0 : index
    %get3A_2283 = tpu.vector_load %arg7[%get3A_2281, %get3A_2282] {strides = array<i32>} : memref<16x16xf32, #tpu.memory_space<vmem>>, vector<16xf32>,
    %mul3A_2284 = vector.broadcast %squeeze3A_2279 : f32 to vector<16xf32>
    %mul3A_2285 = arith.mulf %mul3A_2284, %get3A_2283 : vector<16xf32>
    %add3A_2286 = arith.addf %add3A_2277, %mul3A_2285 : vector<16xf32>
    %slice3A_2287 = vector.extract_strided_slice %get3A_2226 {offsets = [6], sizes = [1], strides = [1]} : vector<16xf32> to vector<1xf32>
    %squeeze3A_2288 = vector.extract %slice3A_2287[0] : f32 from vector<1xf32>
    %get3A_2289 = arith.constant 6 : i32
    %get3A_2290 = arith.index_cast %get3A_2289 : i32 to index
    %get3A_2291 = arith.constant 0 : index
    %get3A_2292 = tpu.vector_load %arg7[%get3A_2290, %get3A_2291] {strides = array<i32>} : memref<16x16xf32, #tpu.memory_space<vmem>>, vector<16xf32>,
    %mul3A_2293 = vector.broadcast %squeeze3A_2288 : f32 to vector<16xf32>
    %mul3A_2294 = arith.mulf %mul3A_2293, %get3A_2292 : vector<16xf32>
    %add3A_2295 = arith.addf %add3A_2286, %mul3A_2294 : vector<16xf32>
    %slice3A_2296 = vector.extract_strided_slice %get3A_2226 {offsets = [7], sizes = [1], strides = [1]} : vector<16xf32> to vector<1xf32>
    %squeeze3A_2297 = vector.extract %slice3A_2296[0] : f32 from vector<1xf32>
    %get3A_2298 = arith.constant 7 : i32
    %get3A_2299 = arith.index_cast %get3A_2298 : i32 to index
    %get3A_2300 = arith.constant 0 : index
    %get3A_2301 = tpu.vector_load %arg7[%get3A_2299, %get3A_2300] {strides = array<i32>} : memref<16x16xf32, #tpu.memory_space<vmem>>, vector<16xf32>,
    %mul3A_2302 = vector.broadcast %squeeze3A_2297 : f32 to vector<16xf32>
    %mul3A_2303 = arith.mulf %mul3A_2302, %get3A_2301 : vector<16xf32>
    %add3A_2304 = arith.addf %add3A_2295, %mul3A_2303 : vector<16xf32>
    %slice3A_2305 = vector.extract_strided_slice %get3A_2226 {offsets = [8], sizes = [1], strides = [1]} : vector<16xf32> to vector<1xf32>
    %squeeze3A_2306 = vector.extract %slice3A_2305[0] : f32 from vector<1xf32>
    %get3A_2307 = arith.constant 8 : i32
    %get3A_2308 = arith.index_cast %get3A_2307 : i32 to index
    %get3A_2309 = arith.constant 0 : index
    %get3A_2310 = tpu.vector_load %arg7[%get3A_2308, %get3A_2309] {strides = array<i32>} : memref<16x16xf32, #tpu.memory_space<vmem>>, vector<16xf32>,
    %mul3A_2311 = vector.broadcast %squeeze3A_2306 : f32 to vector<16xf32>
    %mul3A_2312 = arith.mulf %mul3A_2311, %get3A_2310 : vector<16xf32>
    %add3A_2313 = arith.addf %add3A_2304, %mul3A_2312 : vector<16xf32>
    %slice3A_2314 = vector.extract_strided_slice %get3A_2226 {offsets = [9], sizes = [1], strides = [1]} : vector<16xf32> to vector<1xf32>
    %squeeze3A_2315 = vector.extract %slice3A_2314[0] : f32 from vector<1xf32>
    %get3A_2316 = arith.constant 9 : i32
    %get3A_2317 = arith.index_cast %get3A_2316 : i32 to index
    %get3A_2318 = arith.constant 0 : index
    %get3A_2319 = tpu.vector_load %arg7[%get3A_2317, %get3A_2318] {strides = array<i32>} : memref<16x16xf32, #tpu.memory_space<vmem>>, vector<16xf32>,
    %mul3A_2320 = vector.broadcast %squeeze3A_2315 : f32 to vector<16xf32>
    %mul3A_2321 = arith.mulf %mul3A_2320, %get3A_2319 : vector<16xf32>
    %add3A_2322 = arith.addf %add3A_2313, %mul3A_2321 : vector<16xf32>
    %slice3A_2323 = vector.extract_strided_slice %get3A_2226 {offsets = [10], sizes = [1], strides = [1]} : vector<16xf32> to vector<1xf32>
    %squeeze3A_2324 = vector.extract %slice3A_2323[0] : f32 from vector<1xf32>
    %get3A_2325 = arith.constant 10 : i32
    %get3A_2326 = arith.index_cast %get3A_2325 : i32 to index
    %get3A_2327 = arith.constant 0 : index
    %get3A_2328 = tpu.vector_load %arg7[%get3A_2326, %get3A_2327] {strides = array<i32>} : memref<16x16xf32, #tpu.memory_space<vmem>>, vector<16xf32>,
    %mul3A_2329 = vector.broadcast %squeeze3A_2324 : f32 to vector<16xf32>
    %mul3A_2330 = arith.mulf %mul3A_2329, %get3A_2328 : vector<16xf32>
    %add3A_2331 = arith.addf %add3A_2322, %mul3A_2330 : vector<16xf32>
    %slice3A_2332 = vector.extract_strided_slice %get3A_2226 {offsets = [11], sizes = [1], strides = [1]} : vector<16xf32> to vector<1xf32>
    %squeeze3A_2333 = vector.extract %slice3A_2332[0] : f32 from vector<1xf32>
    %get3A_2334 = arith.constant 11 : i32
    %get3A_2335 = arith.index_cast %get3A_2334 : i32 to index
    %get3A_2336 = arith.constant 0 : index
    %get3A_2337 = tpu.vector_load %arg7[%get3A_2335, %get3A_2336] {strides = array<i32>} : memref<16x16xf32, #tpu.memory_space<vmem>>, vector<16xf32>,
    %mul3A_2338 = vector.broadcast %squeeze3A_2333 : f32 to vector<16xf32>
    %mul3A_2339 = arith.mulf %mul3A_2338, %get3A_2337 : vector<16xf32>
    %add3A_2340 = arith.addf %add3A_2331, %mul3A_2339 : vector<16xf32>
    %slice3A_2341 = vector.extract_strided_slice %get3A_2226 {offsets = [12], sizes = [1], strides = [1]} : vector<16xf32> to vector<1xf32>
    %squeeze3A_2342 = vector.extract %slice3A_2341[0] : f32 from vector<1xf32>
    %get3A_2343 = arith.constant 12 : i32
    %get3A_2344 = arith.index_cast %get3A_2343 : i32 to index
    %get3A_2345 = arith.constant 0 : index
    %get3A_2346 = tpu.vector_load %arg7[%get3A_2344, %get3A_2345] {strides = array<i32>} : memref<16x16xf32, #tpu.memory_space<vmem>>, vector<16xf32>,
    %mul3A_2347 = vector.broadcast %squeeze3A_2342 : f32 to vector<16xf32>
    %mul3A_2348 = arith.mulf %mul3A_2347, %get3A_2346 : vector<16xf32>
    %add3A_2349 = arith.addf %add3A_2340, %mul3A_2348 : vector<16xf32>
    %slice3A_2350 = vector.extract_strided_slice %get3A_2226 {offsets = [13], sizes = [1], strides = [1]} : vector<16xf32> to vector<1xf32>
    %squeeze3A_2351 = vector.extract %slice3A_2350[0] : f32 from vector<1xf32>
    %get3A_2352 = arith.constant 13 : i32
    %get3A_2353 = arith.index_cast %get3A_2352 : i32 to index
    %get3A_2354 = arith.constant 0 : index
    %get3A_2355 = tpu.vector_load %arg7[%get3A_2353, %get3A_2354] {strides = array<i32>} : memref<16x16xf32, #tpu.memory_space<vmem>>, vector<16xf32>,
    %mul3A_2356 = vector.broadcast %squeeze3A_2351 : f32 to vector<16xf32>
    %mul3A_2357 = arith.mulf %mul3A_2356, %get3A_2355 : vector<16xf32>
    %add3A_2358 = arith.addf %add3A_2349, %mul3A_2357 : vector<16xf32>
    %slice3A_2359 = vector.extract_strided_slice %get3A_2226 {offsets = [14], sizes = [1], strides = [1]} : vector<16xf32> to vector<1xf32>
    %squeeze3A_2360 = vector.extract %slice3A_2359[0] : f32 from vector<1xf32>
    %get3A_2361 = arith.constant 14 : i32
    %get3A_2362 = arith.index_cast %get3A_2361 : i32 to index
    %get3A_2363 = arith.constant 0 : index
    %get3A_2364 = tpu.vector_load %arg7[%get3A_2362, %get3A_2363] {strides = array<i32>} : memref<16x16xf32, #tpu.memory_space<vmem>>, vector<16xf32>,
    %mul3A_2365 = vector.broadcast %squeeze3A_2360 : f32 to vector<16xf32>
    %mul3A_2366 = arith.mulf %mul3A_2365, %get3A_2364 : vector<16xf32>
    %add3A_2367 = arith.addf %add3A_2358, %mul3A_2366 : vector<16xf32>
    %slice3A_2368 = vector.extract_strided_slice %get3A_2226 {offsets = [15], sizes = [1], strides = [1]} : vector<16xf32> to vector<1xf32>
    %squeeze3A_2369 = vector.extract %slice3A_2368[0] : f32 from vector<1xf32>
    %get3A_2370 = arith.constant 15 : i32
    %get3A_2371 = arith.index_cast %get3A_2370 : i32 to index
    %get3A_2372 = arith.constant 0 : index
    %get3A_2373 = tpu.vector_load %arg7[%get3A_2371, %get3A_2372] {strides = array<i32>} : memref<16x16xf32, #tpu.memory_space<vmem>>, vector<16xf32>,
    %mul3A_2374 = vector.broadcast %squeeze3A_2369 : f32 to vector<16xf32>
    %mul3A_2375 = arith.mulf %mul3A_2374, %get3A_2373 : vector<16xf32>
    %add3A_2376 = arith.addf %add3A_2367, %mul3A_2375 : vector<16xf32>
    %swap3A_2377 = arith.constant 14 : i32
    %swap3A_2378 = arith.index_cast %swap3A_2377 : i32 to index
    %swap3A_2379 = arith.constant 0 : index
    %swap3A_2380 = tpu.vector_load %arg10[%swap3A_2378, %swap3A_2379] {strides = array<i32>} : memref<16x16xf32, #tpu.memory_space<vmem>>, vector<16xf32>,
    tpu.vector_store %arg10[%swap3A_2378, %swap3A_2379], %add3A_2376 {strides = array<i32>} : memref<16x16xf32, #tpu.memory_space<vmem>>, vector<16xf32>,
    %get3A_2381 = arith.constant 15 : i32
    %get3A_2382 = arith.index_cast %get3A_2381 : i32 to index
    %get3A_2383 = arith.constant 0 : index
    %get3A_2384 = tpu.vector_load %arg8[%get3A_2382, %get3A_2383] {strides = array<i32>} : memref<16x16xf32, #tpu.memory_space<vmem>>, vector<16xf32>,
    %broadcast_in_dim3A_2385 = arith.constant 0.000000e+00 : f32
    %broadcast_in_dim3A_2386 = vector.broadcast %broadcast_in_dim3A_2385 : f32 to vector<16xf32>
    %slice3A_2387 = vector.extract_strided_slice %get3A_14 {offsets = [15], sizes = [1], strides = [1]} : vector<16xf32> to vector<1xf32>
    %squeeze3A_2388 = vector.extract %slice3A_2387[0] : f32 from vector<1xf32>
    %add3A_2389 = vector.broadcast %squeeze3A_2388 : f32 to vector<16xf32>
    %add3A_2390 = arith.addf %broadcast_in_dim3A_2386, %add3A_2389 : vector<16xf32>
    %slice3A_2391 = vector.extract_strided_slice %get3A_2384 {offsets = [0], sizes = [1], strides = [1]} : vector<16xf32> to vector<1xf32>
    %squeeze3A_2392 = vector.extract %slice3A_2391[0] : f32 from vector<1xf32>
    %get3A_2393 = arith.constant 0 : i32
    %get3A_2394 = arith.index_cast %get3A_2393 : i32 to index
    %get3A_2395 = arith.constant 0 : index
    %get3A_2396 = tpu.vector_load %arg7[%get3A_2394, %get3A_2395] {strides = array<i32>} : memref<16x16xf32, #tpu.memory_space<vmem>>, vector<16xf32>,
    %mul3A_2397 = vector.broadcast %squeeze3A_2392 : f32 to vector<16xf32>
    %mul3A_2398 = arith.mulf %mul3A_2397, %get3A_2396 : vector<16xf32>
    %add3A_2399 = arith.addf %add3A_2390, %mul3A_2398 : vector<16xf32>
    %slice3A_2400 = vector.extract_strided_slice %get3A_2384 {offsets = [1], sizes = [1], strides = [1]} : vector<16xf32> to vector<1xf32>
    %squeeze3A_2401 = vector.extract %slice3A_2400[0] : f32 from vector<1xf32>
    %get3A_2402 = arith.constant 1 : i32
    %get3A_2403 = arith.index_cast %get3A_2402 : i32 to index
    %get3A_2404 = arith.constant 0 : index
    %get3A_2405 = tpu.vector_load %arg7[%get3A_2403, %get3A_2404] {strides = array<i32>} : memref<16x16xf32, #tpu.memory_space<vmem>>, vector<16xf32>,
    %mul3A_2406 = vector.broadcast %squeeze3A_2401 : f32 to vector<16xf32>
    %mul3A_2407 = arith.mulf %mul3A_2406, %get3A_2405 : vector<16xf32>
    %add3A_2408 = arith.addf %add3A_2399, %mul3A_2407 : vector<16xf32>
    %slice3A_2409 = vector.extract_strided_slice %get3A_2384 {offsets = [2], sizes = [1], strides = [1]} : vector<16xf32> to vector<1xf32>
    %squeeze3A_2410 = vector.extract %slice3A_2409[0] : f32 from vector<1xf32>
    %get3A_2411 = arith.constant 2 : i32
    %get3A_2412 = arith.index_cast %get3A_2411 : i32 to index
    %get3A_2413 = arith.constant 0 : index
    %get3A_2414 = tpu.vector_load %arg7[%get3A_2412, %get3A_2413] {strides = array<i32>} : memref<16x16xf32, #tpu.memory_space<vmem>>, vector<16xf32>,
    %mul3A_2415 = vector.broadcast %squeeze3A_2410 : f32 to vector<16xf32>
    %mul3A_2416 = arith.mulf %mul3A_2415, %get3A_2414 : vector<16xf32>
    %add3A_2417 = arith.addf %add3A_2408, %mul3A_2416 : vector<16xf32>
    %slice3A_2418 = vector.extract_strided_slice %get3A_2384 {offsets = [3], sizes = [1], strides = [1]} : vector<16xf32> to vector<1xf32>
    %squeeze3A_2419 = vector.extract %slice3A_2418[0] : f32 from vector<1xf32>
    %get3A_2420 = arith.constant 3 : i32
    %get3A_2421 = arith.index_cast %get3A_2420 : i32 to index
    %get3A_2422 = arith.constant 0 : index
    %get3A_2423 = tpu.vector_load %arg7[%get3A_2421, %get3A_2422] {strides = array<i32>} : memref<16x16xf32, #tpu.memory_space<vmem>>, vector<16xf32>,
    %mul3A_2424 = vector.broadcast %squeeze3A_2419 : f32 to vector<16xf32>
    %mul3A_2425 = arith.mulf %mul3A_2424, %get3A_2423 : vector<16xf32>
    %add3A_2426 = arith.addf %add3A_2417, %mul3A_2425 : vector<16xf32>
    %slice3A_2427 = vector.extract_strided_slice %get3A_2384 {offsets = [4], sizes = [1], strides = [1]} : vector<16xf32> to vector<1xf32>
    %squeeze3A_2428 = vector.extract %slice3A_2427[0] : f32 from vector<1xf32>
    %get3A_2429 = arith.constant 4 : i32
    %get3A_2430 = arith.index_cast %get3A_2429 : i32 to index
    %get3A_2431 = arith.constant 0 : index
    %get3A_2432 = tpu.vector_load %arg7[%get3A_2430, %get3A_2431] {strides = array<i32>} : memref<16x16xf32, #tpu.memory_space<vmem>>, vector<16xf32>,
    %mul3A_2433 = vector.broadcast %squeeze3A_2428 : f32 to vector<16xf32>
    %mul3A_2434 = arith.mulf %mul3A_2433, %get3A_2432 : vector<16xf32>
    %add3A_2435 = arith.addf %add3A_2426, %mul3A_2434 : vector<16xf32>
    %slice3A_2436 = vector.extract_strided_slice %get3A_2384 {offsets = [5], sizes = [1], strides = [1]} : vector<16xf32> to vector<1xf32>
    %squeeze3A_2437 = vector.extract %slice3A_2436[0] : f32 from vector<1xf32>
    %get3A_2438 = arith.constant 5 : i32
    %get3A_2439 = arith.index_cast %get3A_2438 : i32 to index
    %get3A_2440 = arith.constant 0 : index
    %get3A_2441 = tpu.vector_load %arg7[%get3A_2439, %get3A_2440] {strides = array<i32>} : memref<16x16xf32, #tpu.memory_space<vmem>>, vector<16xf32>,
    %mul3A_2442 = vector.broadcast %squeeze3A_2437 : f32 to vector<16xf32>
    %mul3A_2443 = arith.mulf %mul3A_2442, %get3A_2441 : vector<16xf32>
    %add3A_2444 = arith.addf %add3A_2435, %mul3A_2443 : vector<16xf32>
    %slice3A_2445 = vector.extract_strided_slice %get3A_2384 {offsets = [6], sizes = [1], strides = [1]} : vector<16xf32> to vector<1xf32>
    %squeeze3A_2446 = vector.extract %slice3A_2445[0] : f32 from vector<1xf32>
    %get3A_2447 = arith.constant 6 : i32
    %get3A_2448 = arith.index_cast %get3A_2447 : i32 to index
    %get3A_2449 = arith.constant 0 : index
    %get3A_2450 = tpu.vector_load %arg7[%get3A_2448, %get3A_2449] {strides = array<i32>} : memref<16x16xf32, #tpu.memory_space<vmem>>, vector<16xf32>,
    %mul3A_2451 = vector.broadcast %squeeze3A_2446 : f32 to vector<16xf32>
    %mul3A_2452 = arith.mulf %mul3A_2451, %get3A_2450 : vector<16xf32>
    %add3A_2453 = arith.addf %add3A_2444, %mul3A_2452 : vector<16xf32>
    %slice3A_2454 = vector.extract_strided_slice %get3A_2384 {offsets = [7], sizes = [1], strides = [1]} : vector<16xf32> to vector<1xf32>
    %squeeze3A_2455 = vector.extract %slice3A_2454[0] : f32 from vector<1xf32>
    %get3A_2456 = arith.constant 7 : i32
    %get3A_2457 = arith.index_cast %get3A_2456 : i32 to index
    %get3A_2458 = arith.constant 0 : index
    %get3A_2459 = tpu.vector_load %arg7[%get3A_2457, %get3A_2458] {strides = array<i32>} : memref<16x16xf32, #tpu.memory_space<vmem>>, vector<16xf32>,
    %mul3A_2460 = vector.broadcast %squeeze3A_2455 : f32 to vector<16xf32>
    %mul3A_2461 = arith.mulf %mul3A_2460, %get3A_2459 : vector<16xf32>
    %add3A_2462 = arith.addf %add3A_2453, %mul3A_2461 : vector<16xf32>
    %slice3A_2463 = vector.extract_strided_slice %get3A_2384 {offsets = [8], sizes = [1], strides = [1]} : vector<16xf32> to vector<1xf32>
    %squeeze3A_2464 = vector.extract %slice3A_2463[0] : f32 from vector<1xf32>
    %get3A_2465 = arith.constant 8 : i32
    %get3A_2466 = arith.index_cast %get3A_2465 : i32 to index
    %get3A_2467 = arith.constant 0 : index
    %get3A_2468 = tpu.vector_load %arg7[%get3A_2466, %get3A_2467] {strides = array<i32>} : memref<16x16xf32, #tpu.memory_space<vmem>>, vector<16xf32>,
    %mul3A_2469 = vector.broadcast %squeeze3A_2464 : f32 to vector<16xf32>
    %mul3A_2470 = arith.mulf %mul3A_2469, %get3A_2468 : vector<16xf32>
    %add3A_2471 = arith.addf %add3A_2462, %mul3A_2470 : vector<16xf32>
    %slice3A_2472 = vector.extract_strided_slice %get3A_2384 {offsets = [9], sizes = [1], strides = [1]} : vector<16xf32> to vector<1xf32>
    %squeeze3A_2473 = vector.extract %slice3A_2472[0] : f32 from vector<1xf32>
    %get3A_2474 = arith.constant 9 : i32
    %get3A_2475 = arith.index_cast %get3A_2474 : i32 to index
    %get3A_2476 = arith.constant 0 : index
    %get3A_2477 = tpu.vector_load %arg7[%get3A_2475, %get3A_2476] {strides = array<i32>} : memref<16x16xf32, #tpu.memory_space<vmem>>, vector<16xf32>,
    %mul3A_2478 = vector.broadcast %squeeze3A_2473 : f32 to vector<16xf32>
    %mul3A_2479 = arith.mulf %mul3A_2478, %get3A_2477 : vector<16xf32>
    %add3A_2480 = arith.addf %add3A_2471, %mul3A_2479 : vector<16xf32>
    %slice3A_2481 = vector.extract_strided_slice %get3A_2384 {offsets = [10], sizes = [1], strides = [1]} : vector<16xf32> to vector<1xf32>
    %squeeze3A_2482 = vector.extract %slice3A_2481[0] : f32 from vector<1xf32>
    %get3A_2483 = arith.constant 10 : i32
    %get3A_2484 = arith.index_cast %get3A_2483 : i32 to index
    %get3A_2485 = arith.constant 0 : index
    %get3A_2486 = tpu.vector_load %arg7[%get3A_2484, %get3A_2485] {strides = array<i32>} : memref<16x16xf32, #tpu.memory_space<vmem>>, vector<16xf32>,
    %mul3A_2487 = vector.broadcast %squeeze3A_2482 : f32 to vector<16xf32>
    %mul3A_2488 = arith.mulf %mul3A_2487, %get3A_2486 : vector<16xf32>
    %add3A_2489 = arith.addf %add3A_2480, %mul3A_2488 : vector<16xf32>
    %slice3A_2490 = vector.extract_strided_slice %get3A_2384 {offsets = [11], sizes = [1], strides = [1]} : vector<16xf32> to vector<1xf32>
    %squeeze3A_2491 = vector.extract %slice3A_2490[0] : f32 from vector<1xf32>
    %get3A_2492 = arith.constant 11 : i32
    %get3A_2493 = arith.index_cast %get3A_2492 : i32 to index
    %get3A_2494 = arith.constant 0 : index
    %get3A_2495 = tpu.vector_load %arg7[%get3A_2493, %get3A_2494] {strides = array<i32>} : memref<16x16xf32, #tpu.memory_space<vmem>>, vector<16xf32>,
    %mul3A_2496 = vector.broadcast %squeeze3A_2491 : f32 to vector<16xf32>
    %mul3A_2497 = arith.mulf %mul3A_2496, %get3A_2495 : vector<16xf32>
    %add3A_2498 = arith.addf %add3A_2489, %mul3A_2497 : vector<16xf32>
    %slice3A_2499 = vector.extract_strided_slice %get3A_2384 {offsets = [12], sizes = [1], strides = [1]} : vector<16xf32> to vector<1xf32>
    %squeeze3A_2500 = vector.extract %slice3A_2499[0] : f32 from vector<1xf32>
    %get3A_2501 = arith.constant 12 : i32
    %get3A_2502 = arith.index_cast %get3A_2501 : i32 to index
    %get3A_2503 = arith.constant 0 : index
    %get3A_2504 = tpu.vector_load %arg7[%get3A_2502, %get3A_2503] {strides = array<i32>} : memref<16x16xf32, #tpu.memory_space<vmem>>, vector<16xf32>,
    %mul3A_2505 = vector.broadcast %squeeze3A_2500 : f32 to vector<16xf32>
    %mul3A_2506 = arith.mulf %mul3A_2505, %get3A_2504 : vector<16xf32>
    %add3A_2507 = arith.addf %add3A_2498, %mul3A_2506 : vector<16xf32>
    %slice3A_2508 = vector.extract_strided_slice %get3A_2384 {offsets = [13], sizes = [1], strides = [1]} : vector<16xf32> to vector<1xf32>
    %squeeze3A_2509 = vector.extract %slice3A_2508[0] : f32 from vector<1xf32>
    %get3A_2510 = arith.constant 13 : i32
    %get3A_2511 = arith.index_cast %get3A_2510 : i32 to index
    %get3A_2512 = arith.constant 0 : index
    %get3A_2513 = tpu.vector_load %arg7[%get3A_2511, %get3A_2512] {strides = array<i32>} : memref<16x16xf32, #tpu.memory_space<vmem>>, vector<16xf32>,
    %mul3A_2514 = vector.broadcast %squeeze3A_2509 : f32 to vector<16xf32>
    %mul3A_2515 = arith.mulf %mul3A_2514, %get3A_2513 : vector<16xf32>
    %add3A_2516 = arith.addf %add3A_2507, %mul3A_2515 : vector<16xf32>
    %slice3A_2517 = vector.extract_strided_slice %get3A_2384 {offsets = [14], sizes = [1], strides = [1]} : vector<16xf32> to vector<1xf32>
    %squeeze3A_2518 = vector.extract %slice3A_2517[0] : f32 from vector<1xf32>
    %get3A_2519 = arith.constant 14 : i32
    %get3A_2520 = arith.index_cast %get3A_2519 : i32 to index
    %get3A_2521 = arith.constant 0 : index
    %get3A_2522 = tpu.vector_load %arg7[%get3A_2520, %get3A_2521] {strides = array<i32>} : memref<16x16xf32, #tpu.memory_space<vmem>>, vector<16xf32>,
    %mul3A_2523 = vector.broadcast %squeeze3A_2518 : f32 to vector<16xf32>
    %mul3A_2524 = arith.mulf %mul3A_2523, %get3A_2522 : vector<16xf32>
    %add3A_2525 = arith.addf %add3A_2516, %mul3A_2524 : vector<16xf32>
    %slice3A_2526 = vector.extract_strided_slice %get3A_2384 {offsets = [15], sizes = [1], strides = [1]} : vector<16xf32> to vector<1xf32>
    %squeeze3A_2527 = vector.extract %slice3A_2526[0] : f32 from vector<1xf32>
    %get3A_2528 = arith.constant 15 : i32
    %get3A_2529 = arith.index_cast %get3A_2528 : i32 to index
    %get3A_2530 = arith.constant 0 : index
    %get3A_2531 = tpu.vector_load %arg7[%get3A_2529, %get3A_2530] {strides = array<i32>} : memref<16x16xf32, #tpu.memory_space<vmem>>, vector<16xf32>,
    %mul3A_2532 = vector.broadcast %squeeze3A_2527 : f32 to vector<16xf32>
    %mul3A_2533 = arith.mulf %mul3A_2532, %get3A_2531 : vector<16xf32>
    %add3A_2534 = arith.addf %add3A_2525, %mul3A_2533 : vector<16xf32>
    %swap3A_2535 = arith.constant 15 : i32
    %swap3A_2536 = arith.index_cast %swap3A_2535 : i32 to index
    %swap3A_2537 = arith.constant 0 : index
    %swap3A_2538 = tpu.vector_load %arg10[%swap3A_2536, %swap3A_2537] {strides = array<i32>} : memref<16x16xf32, #tpu.memory_space<vmem>>, vector<16xf32>,
    tpu.vector_store %arg10[%swap3A_2536, %swap3A_2537], %add3A_2534 {strides = array<i32>} : memref<16x16xf32, #tpu.memory_space<vmem>>, vector<16xf32>,
    %broadcast_in_dim3A_2539 = arith.constant 0 : i32
    %broadcast_in_dim3A_2540 = vector.broadcast %broadcast_in_dim3A_2539 : i32 to vector<16xi32>
    %broadcast_in_dim3A_2541 = arith.constant 1 : i32
    %broadcast_in_dim3A_2542 = vector.broadcast %broadcast_in_dim3A_2541 : i32 to vector<16xi32>
    %broadcast_in_dim3A_2543 = arith.constant 2 : i32
    %broadcast_in_dim3A_2544 = vector.broadcast %broadcast_in_dim3A_2543 : i32 to vector<16xi32>
    %broadcast_in_dim3A_2545 = arith.constant 3 : i32
    %broadcast_in_dim3A_2546 = vector.broadcast %broadcast_in_dim3A_2545 : i32 to vector<16xi32>
    %broadcast_in_dim3A_2547 = arith.constant 4 : i32
    %broadcast_in_dim3A_2548 = vector.broadcast %broadcast_in_dim3A_2547 : i32 to vector<16xi32>
    %broadcast_in_dim3A_2549 = arith.constant 5 : i32
    %broadcast_in_dim3A_2550 = vector.broadcast %broadcast_in_dim3A_2549 : i32 to vector<16xi32>
    %broadcast_in_dim3A_2551 = arith.constant 6 : i32
    %broadcast_in_dim3A_2552 = vector.broadcast %broadcast_in_dim3A_2551 : i32 to vector<16xi32>
    %broadcast_in_dim3A_2553 = arith.constant 7 : i32
    %broadcast_in_dim3A_2554 = vector.broadcast %broadcast_in_dim3A_2553 : i32 to vector<16xi32>
    %broadcast_in_dim3A_2555 = arith.constant 8 : i32
    %broadcast_in_dim3A_2556 = vector.broadcast %broadcast_in_dim3A_2555 : i32 to vector<16xi32>
    %broadcast_in_dim3A_2557 = arith.constant 9 : i32
    %broadcast_in_dim3A_2558 = vector.broadcast %broadcast_in_dim3A_2557 : i32 to vector<16xi32>
    %broadcast_in_dim3A_2559 = arith.constant 10 : i32
    %broadcast_in_dim3A_2560 = vector.broadcast %broadcast_in_dim3A_2559 : i32 to vector<16xi32>
    %broadcast_in_dim3A_2561 = arith.constant 11 : i32
    %broadcast_in_dim3A_2562 = vector.broadcast %broadcast_in_dim3A_2561 : i32 to vector<16xi32>
    %broadcast_in_dim3A_2563 = arith.constant 12 : i32
    %broadcast_in_dim3A_2564 = vector.broadcast %broadcast_in_dim3A_2563 : i32 to vector<16xi32>
    %broadcast_in_dim3A_2565 = arith.constant 13 : i32
    %broadcast_in_dim3A_2566 = vector.broadcast %broadcast_in_dim3A_2565 : i32 to vector<16xi32>
    %broadcast_in_dim3A_2567 = arith.constant 14 : i32
    %broadcast_in_dim3A_2568 = vector.broadcast %broadcast_in_dim3A_2567 : i32 to vector<16xi32>
    %broadcast_in_dim3A_2569 = arith.constant 15 : i32
    %broadcast_in_dim3A_2570 = vector.broadcast %broadcast_in_dim3A_2569 : i32 to vector<16xi32>
    %shift_right_arithmetic3A = arith.constant 1 : i32
    %shift_right_arithmetic3A_2571 = arith.shrsi %select_n3A, %shift_right_arithmetic3A : i32
    %while3A = arith.constant 0 : i32
    %while3A_2572 = arith.constant 0 : i32
    %while3A_2573 = arith.subi %shift_right_arithmetic3A_2571, %while3A_2572 : i32
    %while3A_2574 = arith.addi %while3A_2572, %while3A_2573 : i32
    %while3A_2575 = arith.constant 1 : i32
    %while3A_2576 = arith.divsi %while3A_2573, %while3A_2575 : i32
    %while3A_2577 = arith.muli %while3A_2576, %while3A_2575 : i32
    %while3A_2578 = arith.addi %while3A_2572, %while3A_2577 : i32
    %while3A_2579 = arith.constant 1 : i32
    scf.for %while3A_2591 = %while3A_2572 to %while3A_2578 step %while3A_2579  : i32 {
      %mul3A_2592 = arith.constant 2 : i32
      %mul3A_2593 = arith.muli %mul3A_2592, %while3A_2591 : i32
      %add3A_2594 = arith.constant 0 : i32
      %add3A_2595 = arith.addi %mul3A_2593, %add3A_2594 : i32
      %dma_wait3A_2596 = arith.constant 0 : i32
      %dma_wait3A_2597 = tpu.memref_slice %arg2[%dma_wait3A_2596] : memref<1600000xi32, #tpu.memory_space<hbm>> -> memref<3200xi32, #tpu.memory_space<hbm>>
      %dma_wait3A_2598 = arith.constant 0 : i32
      %dma_wait3A_2599 = tpu.memref_slice %arg2[%dma_wait3A_2598] : memref<1600000xi32, #tpu.memory_space<hbm>> -> memref<3200xi32, #tpu.memory_space<hbm>>
      tpu.wait_dma2 semaphore(%arg15 : memref<!tpu.dma_semaphore, #tpu.memory_space<semaphore_mem>>) src(%dma_wait3A_2599 : memref<3200xi32, #tpu.memory_space<hbm>>) dst(%arg11 : memref<3200xi32, #tpu.memory_space<vmem>>)
      %gt3A = arith.constant 1 : i32
      %gt3A_2600 = arith.cmpi sgt, %add3A_2595, %gt3A : i32
      %convert_element_type3A_2601 = arith.extui %gt3A_2600 : i1 to i32
      %cond3A_2602 = arith.constant 0 : i32
      %cond3A_2603 = arith.cmpi ne, %convert_element_type3A_2601, %cond3A_2602 : i32
      scf.if %cond3A_2603 {
        %dma_wait3A_2676 = arith.constant 0 : i32
        %dma_wait3A_2677 = tpu.memref_slice %arg6[%dma_wait3A_2676] : memref<25600000xf32, #tpu.memory_space<hbm>> -> memref<51200xf32, #tpu.memory_space<hbm>>
        %dma_wait3A_2678 = arith.constant 0 : i32
        %dma_wait3A_2679 = tpu.memref_slice %arg6[%dma_wait3A_2678] : memref<25600000xf32, #tpu.memory_space<hbm>> -> memref<51200xf32, #tpu.memory_space<hbm>>
        tpu.wait_dma2 semaphore(%arg17 : memref<!tpu.dma_semaphore, #tpu.memory_space<semaphore_mem>>) src(%arg13 : memref<51200xf32, #tpu.memory_space<vmem>>) dst(%dma_wait3A_2679 : memref<51200xf32, #tpu.memory_space<hbm>>)
      } else {
      }
      %parallel_loop3A = arith.constant 0 : i32
      %parallel_loop3A_2604 = arith.constant 200 : i32
      %parallel_loop3A_2605 = arith.constant 1 : i32
      scf.for %parallel_loop3A_2676 = %parallel_loop3A to %parallel_loop3A_2604 step %parallel_loop3A_2605  : i32 {
        %parallel_loop3A_2677 = arith.constant 16 : i32
        %parallel_loop3A_2678 = arith.muli %parallel_loop3A_2676, %parallel_loop3A_2677 : i32
        %parallel_loop3A_2679 = arith.index_cast %parallel_loop3A_2678 : i32 to index
        %parallel_loop3A_2680 = tpu.vector_load %arg11[%parallel_loop3A_2679] {strides = array<i32>} : memref<3200xi32, #tpu.memory_space<vmem>>, vector<16xi32>,
        %parallel_loop3A_2681 = arith.constant 3 : i32
        %parallel_loop3A_2682 = arith.shrsi %parallel_loop3A_2676, %parallel_loop3A_2681 : i32
        %parallel_loop3A_2683 = arith.constant 1024 : i32
        %parallel_loop3A_2684 = arith.muli %parallel_loop3A_2682, %parallel_loop3A_2683 : i32
        %parallel_loop3A_2685 = arith.constant 7 : i32
        %parallel_loop3A_2686 = arith.andi %parallel_loop3A_2676, %parallel_loop3A_2685 : i32
        %parallel_loop3A_2687 = arith.constant 16 : i32
        %parallel_loop3A_2688 = arith.muli %parallel_loop3A_2686, %parallel_loop3A_2687 : i32
        %parallel_loop3A_2689 = arith.addi %parallel_loop3A_2684, %parallel_loop3A_2688 : i32
        %parallel_loop3A_2690 = tpu.vector_load_idx %arg10[%broadcast_in_dim3A_2540, %parallel_loop3A_2680] : memref<16x16xf32, #tpu.memory_space<vmem>>[vector<16xi32>, vector<16xi32>], vector<16xf32>,
        %parallel_loop3A_2691 = arith.constant 0 : i32
        %parallel_loop3A_2692 = arith.addi %parallel_loop3A_2689, %parallel_loop3A_2691 : i32
        %parallel_loop3A_2693 = arith.index_cast %parallel_loop3A_2692 : i32 to index
        %parallel_loop3A_2694 = tpu.vector_load %arg13[%parallel_loop3A_2693] {strides = array<i32>} : memref<51200xf32, #tpu.memory_space<vmem>>, vector<16xf32>,
        tpu.vector_store %arg13[%parallel_loop3A_2693], %parallel_loop3A_2690 {strides = array<i32>} : memref<51200xf32, #tpu.memory_space<vmem>>, vector<16xf32>,
        %parallel_loop3A_2695 = tpu.vector_load_idx %arg10[%broadcast_in_dim3A_2542, %parallel_loop3A_2680] : memref<16x16xf32, #tpu.memory_space<vmem>>[vector<16xi32>, vector<16xi32>], vector<16xf32>,
        %parallel_loop3A_2696 = arith.constant 128 : i32
        %parallel_loop3A_2697 = arith.addi %parallel_loop3A_2689, %parallel_loop3A_2696 : i32
        %parallel_loop3A_2698 = arith.index_cast %parallel_loop3A_2697 : i32 to index
        %parallel_loop3A_2699 = tpu.vector_load %arg13[%parallel_loop3A_2698] {strides = array<i32>} : memref<51200xf32, #tpu.memory_space<vmem>>, vector<16xf32>,
        tpu.vector_store %arg13[%parallel_loop3A_2698], %parallel_loop3A_2695 {strides = array<i32>} : memref<51200xf32, #tpu.memory_space<vmem>>, vector<16xf32>,
        %parallel_loop3A_2700 = tpu.vector_load_idx %arg10[%broadcast_in_dim3A_2544, %parallel_loop3A_2680] : memref<16x16xf32, #tpu.memory_space<vmem>>[vector<16xi32>, vector<16xi32>], vector<16xf32>,
        %parallel_loop3A_2701 = arith.constant 256 : i32
        %parallel_loop3A_2702 = arith.addi %parallel_loop3A_2689, %parallel_loop3A_2701 : i32
        %parallel_loop3A_2703 = arith.index_cast %parallel_loop3A_2702 : i32 to index
        %parallel_loop3A_2704 = tpu.vector_load %arg13[%parallel_loop3A_2703] {strides = array<i32>} : memref<51200xf32, #tpu.memory_space<vmem>>, vector<16xf32>,
        tpu.vector_store %arg13[%parallel_loop3A_2703], %parallel_loop3A_2700 {strides = array<i32>} : memref<51200xf32, #tpu.memory_space<vmem>>, vector<16xf32>,
        %parallel_loop3A_2705 = tpu.vector_load_idx %arg10[%broadcast_in_dim3A_2546, %parallel_loop3A_2680] : memref<16x16xf32, #tpu.memory_space<vmem>>[vector<16xi32>, vector<16xi32>], vector<16xf32>,
        %parallel_loop3A_2706 = arith.constant 384 : i32
        %parallel_loop3A_2707 = arith.addi %parallel_loop3A_2689, %parallel_loop3A_2706 : i32
        %parallel_loop3A_2708 = arith.index_cast %parallel_loop3A_2707 : i32 to index
        %parallel_loop3A_2709 = tpu.vector_load %arg13[%parallel_loop3A_2708] {strides = array<i32>} : memref<51200xf32, #tpu.memory_space<vmem>>, vector<16xf32>,
        tpu.vector_store %arg13[%parallel_loop3A_2708], %parallel_loop3A_2705 {strides = array<i32>} : memref<51200xf32, #tpu.memory_space<vmem>>, vector<16xf32>,
        %parallel_loop3A_2710 = tpu.vector_load_idx %arg10[%broadcast_in_dim3A_2548, %parallel_loop3A_2680] : memref<16x16xf32, #tpu.memory_space<vmem>>[vector<16xi32>, vector<16xi32>], vector<16xf32>,
        %parallel_loop3A_2711 = arith.constant 512 : i32
        %parallel_loop3A_2712 = arith.addi %parallel_loop3A_2689, %parallel_loop3A_2711 : i32
        %parallel_loop3A_2713 = arith.index_cast %parallel_loop3A_2712 : i32 to index
        %parallel_loop3A_2714 = tpu.vector_load %arg13[%parallel_loop3A_2713] {strides = array<i32>} : memref<51200xf32, #tpu.memory_space<vmem>>, vector<16xf32>,
        tpu.vector_store %arg13[%parallel_loop3A_2713], %parallel_loop3A_2710 {strides = array<i32>} : memref<51200xf32, #tpu.memory_space<vmem>>, vector<16xf32>,
        %parallel_loop3A_2715 = tpu.vector_load_idx %arg10[%broadcast_in_dim3A_2550, %parallel_loop3A_2680] : memref<16x16xf32, #tpu.memory_space<vmem>>[vector<16xi32>, vector<16xi32>], vector<16xf32>,
        %parallel_loop3A_2716 = arith.constant 640 : i32
        %parallel_loop3A_2717 = arith.addi %parallel_loop3A_2689, %parallel_loop3A_2716 : i32
        %parallel_loop3A_2718 = arith.index_cast %parallel_loop3A_2717 : i32 to index
        %parallel_loop3A_2719 = tpu.vector_load %arg13[%parallel_loop3A_2718] {strides = array<i32>} : memref<51200xf32, #tpu.memory_space<vmem>>, vector<16xf32>,
        tpu.vector_store %arg13[%parallel_loop3A_2718], %parallel_loop3A_2715 {strides = array<i32>} : memref<51200xf32, #tpu.memory_space<vmem>>, vector<16xf32>,
        %parallel_loop3A_2720 = tpu.vector_load_idx %arg10[%broadcast_in_dim3A_2552, %parallel_loop3A_2680] : memref<16x16xf32, #tpu.memory_space<vmem>>[vector<16xi32>, vector<16xi32>], vector<16xf32>,
        %parallel_loop3A_2721 = arith.constant 768 : i32
        %parallel_loop3A_2722 = arith.addi %parallel_loop3A_2689, %parallel_loop3A_2721 : i32
        %parallel_loop3A_2723 = arith.index_cast %parallel_loop3A_2722 : i32 to index
        %parallel_loop3A_2724 = tpu.vector_load %arg13[%parallel_loop3A_2723] {strides = array<i32>} : memref<51200xf32, #tpu.memory_space<vmem>>, vector<16xf32>,
        tpu.vector_store %arg13[%parallel_loop3A_2723], %parallel_loop3A_2720 {strides = array<i32>} : memref<51200xf32, #tpu.memory_space<vmem>>, vector<16xf32>,
        %parallel_loop3A_2725 = tpu.vector_load_idx %arg10[%broadcast_in_dim3A_2554, %parallel_loop3A_2680] : memref<16x16xf32, #tpu.memory_space<vmem>>[vector<16xi32>, vector<16xi32>], vector<16xf32>,
        %parallel_loop3A_2726 = arith.constant 896 : i32
        %parallel_loop3A_2727 = arith.addi %parallel_loop3A_2689, %parallel_loop3A_2726 : i32
        %parallel_loop3A_2728 = arith.index_cast %parallel_loop3A_2727 : i32 to index
        %parallel_loop3A_2729 = tpu.vector_load %arg13[%parallel_loop3A_2728] {strides = array<i32>} : memref<51200xf32, #tpu.memory_space<vmem>>, vector<16xf32>,
        tpu.vector_store %arg13[%parallel_loop3A_2728], %parallel_loop3A_2725 {strides = array<i32>} : memref<51200xf32, #tpu.memory_space<vmem>>, vector<16xf32>,
        %parallel_loop3A_2730 = tpu.vector_load_idx %arg10[%broadcast_in_dim3A_2556, %parallel_loop3A_2680] : memref<16x16xf32, #tpu.memory_space<vmem>>[vector<16xi32>, vector<16xi32>], vector<16xf32>,
        %parallel_loop3A_2731 = arith.constant 25600 : i32
        %parallel_loop3A_2732 = arith.addi %parallel_loop3A_2689, %parallel_loop3A_2731 : i32
        %parallel_loop3A_2733 = arith.index_cast %parallel_loop3A_2732 : i32 to index
        %parallel_loop3A_2734 = tpu.vector_load %arg13[%parallel_loop3A_2733] {strides = array<i32>} : memref<51200xf32, #tpu.memory_space<vmem>>, vector<16xf32>,
        tpu.vector_store %arg13[%parallel_loop3A_2733], %parallel_loop3A_2730 {strides = array<i32>} : memref<51200xf32, #tpu.memory_space<vmem>>, vector<16xf32>,
        %parallel_loop3A_2735 = tpu.vector_load_idx %arg10[%broadcast_in_dim3A_2558, %parallel_loop3A_2680] : memref<16x16xf32, #tpu.memory_space<vmem>>[vector<16xi32>, vector<16xi32>], vector<16xf32>,
        %parallel_loop3A_2736 = arith.constant 25728 : i32
        %parallel_loop3A_2737 = arith.addi %parallel_loop3A_2689, %parallel_loop3A_2736 : i32
        %parallel_loop3A_2738 = arith.index_cast %parallel_loop3A_2737 : i32 to index
        %parallel_loop3A_2739 = tpu.vector_load %arg13[%parallel_loop3A_2738] {strides = array<i32>} : memref<51200xf32, #tpu.memory_space<vmem>>, vector<16xf32>,
        tpu.vector_store %arg13[%parallel_loop3A_2738], %parallel_loop3A_2735 {strides = array<i32>} : memref<51200xf32, #tpu.memory_space<vmem>>, vector<16xf32>,
        %parallel_loop3A_2740 = tpu.vector_load_idx %arg10[%broadcast_in_dim3A_2560, %parallel_loop3A_2680] : memref<16x16xf32, #tpu.memory_space<vmem>>[vector<16xi32>, vector<16xi32>], vector<16xf32>,
        %parallel_loop3A_2741 = arith.constant 25856 : i32
        %parallel_loop3A_2742 = arith.addi %parallel_loop3A_2689, %parallel_loop3A_2741 : i32
        %parallel_loop3A_2743 = arith.index_cast %parallel_loop3A_2742 : i32 to index
        %parallel_loop3A_2744 = tpu.vector_load %arg13[%parallel_loop3A_2743] {strides = array<i32>} : memref<51200xf32, #tpu.memory_space<vmem>>, vector<16xf32>,
        tpu.vector_store %arg13[%parallel_loop3A_2743], %parallel_loop3A_2740 {strides = array<i32>} : memref<51200xf32, #tpu.memory_space<vmem>>, vector<16xf32>,
        %parallel_loop3A_2745 = tpu.vector_load_idx %arg10[%broadcast_in_dim3A_2562, %parallel_loop3A_2680] : memref<16x16xf32, #tpu.memory_space<vmem>>[vector<16xi32>, vector<16xi32>], vector<16xf32>,
        %parallel_loop3A_2746 = arith.constant 25984 : i32
        %parallel_loop3A_2747 = arith.addi %parallel_loop3A_2689, %parallel_loop3A_2746 : i32
        %parallel_loop3A_2748 = arith.index_cast %parallel_loop3A_2747 : i32 to index
        %parallel_loop3A_2749 = tpu.vector_load %arg13[%parallel_loop3A_2748] {strides = array<i32>} : memref<51200xf32, #tpu.memory_space<vmem>>, vector<16xf32>,
        tpu.vector_store %arg13[%parallel_loop3A_2748], %parallel_loop3A_2745 {strides = array<i32>} : memref<51200xf32, #tpu.memory_space<vmem>>, vector<16xf32>,
        %parallel_loop3A_2750 = tpu.vector_load_idx %arg10[%broadcast_in_dim3A_2564, %parallel_loop3A_2680] : memref<16x16xf32, #tpu.memory_space<vmem>>[vector<16xi32>, vector<16xi32>], vector<16xf32>,
        %parallel_loop3A_2751 = arith.constant 26112 : i32
        %parallel_loop3A_2752 = arith.addi %parallel_loop3A_2689, %parallel_loop3A_2751 : i32
        %parallel_loop3A_2753 = arith.index_cast %parallel_loop3A_2752 : i32 to index
        %parallel_loop3A_2754 = tpu.vector_load %arg13[%parallel_loop3A_2753] {strides = array<i32>} : memref<51200xf32, #tpu.memory_space<vmem>>, vector<16xf32>,
        tpu.vector_store %arg13[%parallel_loop3A_2753], %parallel_loop3A_2750 {strides = array<i32>} : memref<51200xf32, #tpu.memory_space<vmem>>, vector<16xf32>,
        %parallel_loop3A_2755 = tpu.vector_load_idx %arg10[%broadcast_in_dim3A_2566, %parallel_loop3A_2680] : memref<16x16xf32, #tpu.memory_space<vmem>>[vector<16xi32>, vector<16xi32>], vector<16xf32>,
        %parallel_loop3A_2756 = arith.constant 26240 : i32
        %parallel_loop3A_2757 = arith.addi %parallel_loop3A_2689, %parallel_loop3A_2756 : i32
        %parallel_loop3A_2758 = arith.index_cast %parallel_loop3A_2757 : i32 to index
        %parallel_loop3A_2759 = tpu.vector_load %arg13[%parallel_loop3A_2758] {strides = array<i32>} : memref<51200xf32, #tpu.memory_space<vmem>>, vector<16xf32>,
        tpu.vector_store %arg13[%parallel_loop3A_2758], %parallel_loop3A_2755 {strides = array<i32>} : memref<51200xf32, #tpu.memory_space<vmem>>, vector<16xf32>,
        %parallel_loop3A_2760 = tpu.vector_load_idx %arg10[%broadcast_in_dim3A_2568, %parallel_loop3A_2680] : memref<16x16xf32, #tpu.memory_space<vmem>>[vector<16xi32>, vector<16xi32>], vector<16xf32>,
        %parallel_loop3A_2761 = arith.constant 26368 : i32
        %parallel_loop3A_2762 = arith.addi %parallel_loop3A_2689, %parallel_loop3A_2761 : i32
        %parallel_loop3A_2763 = arith.index_cast %parallel_loop3A_2762 : i32 to index
        %parallel_loop3A_2764 = tpu.vector_load %arg13[%parallel_loop3A_2763] {strides = array<i32>} : memref<51200xf32, #tpu.memory_space<vmem>>, vector<16xf32>,
        tpu.vector_store %arg13[%parallel_loop3A_2763], %parallel_loop3A_2760 {strides = array<i32>} : memref<51200xf32, #tpu.memory_space<vmem>>, vector<16xf32>,
        %parallel_loop3A_2765 = tpu.vector_load_idx %arg10[%broadcast_in_dim3A_2570, %parallel_loop3A_2680] : memref<16x16xf32, #tpu.memory_space<vmem>>[vector<16xi32>, vector<16xi32>], vector<16xf32>,
        %parallel_loop3A_2766 = arith.constant 26496 : i32
        %parallel_loop3A_2767 = arith.addi %parallel_loop3A_2689, %parallel_loop3A_2766 : i32
        %parallel_loop3A_2768 = arith.index_cast %parallel_loop3A_2767 : i32 to index
        %parallel_loop3A_2769 = tpu.vector_load %arg13[%parallel_loop3A_2768] {strides = array<i32>} : memref<51200xf32, #tpu.memory_space<vmem>>, vector<16xf32>,
        tpu.vector_store %arg13[%parallel_loop3A_2768], %parallel_loop3A_2765 {strides = array<i32>} : memref<51200xf32, #tpu.memory_space<vmem>>, vector<16xf32>,
      } {sc.loop_unroll_factor = 4 : i64, sc.parallel_access}
      %mul3A_2606 = arith.constant 32 : i32
      %mul3A_2607 = arith.muli %mul3A_2606, %add3A_2595 : i32
      %add3A_2608 = arith.addi %add3A, %mul3A_2607 : i32
      %mul3A_2609 = arith.constant 25600 : i32
      %mul3A_2610 = arith.muli %add3A_2608, %mul3A_2609 : i32
      %dma_start3A_2611 = arith.constant 0 : i32
      %dma_start3A_2612 = tpu.memref_slice %arg13[%dma_start3A_2611] : memref<51200xf32, #tpu.memory_space<vmem>> -> memref<25600xf32, #tpu.memory_space<vmem>>
      %dma_start3A_2613 = tpu.memref_slice %arg6[%mul3A_2610] : memref<25600000xf32, #tpu.memory_space<hbm>> -> memref<25600xf32, #tpu.memory_space<hbm>>
      %dma_start3A_2614 = tpu.memref_slice %arg6[%mul3A_2610] : memref<25600000xf32, #tpu.memory_space<hbm>> -> memref<25600xf32, #tpu.memory_space<hbm>>
      %dma_start3A_2615 = arith.constant 0 : i32
      %dma_start3A_2616 = tpu.memref_slice %arg13[%dma_start3A_2615] : memref<51200xf32, #tpu.memory_space<vmem>> -> memref<25600xf32, #tpu.memory_space<vmem>>
      tpu.enqueue_dma source(%dma_start3A_2616 : memref<25600xf32, #tpu.memory_space<vmem>>) target(%dma_start3A_2614 : memref<25600xf32, #tpu.memory_space<hbm>>) target_semaphore(%arg17 : memref<!tpu.dma_semaphore, #tpu.memory_space<semaphore_mem>>)
      %mul3A_2617 = arith.constant 25600 : i32
      %mul3A_2618 = arith.muli %add3A_2608, %mul3A_2617 : i32
      %add3A_2619 = arith.constant 12800000 : i32
      %add3A_2620 = arith.addi %add3A_2619, %mul3A_2618 : i32
      %dma_start3A_2621 = arith.constant 25600 : i32
      %dma_start3A_2622 = tpu.memref_slice %arg13[%dma_start3A_2621] : memref<51200xf32, #tpu.memory_space<vmem>> -> memref<25600xf32, #tpu.memory_space<vmem>>
      %dma_start3A_2623 = tpu.memref_slice %arg6[%add3A_2620] : memref<25600000xf32, #tpu.memory_space<hbm>> -> memref<25600xf32, #tpu.memory_space<hbm>>
      %dma_start3A_2624 = tpu.memref_slice %arg6[%add3A_2620] : memref<25600000xf32, #tpu.memory_space<hbm>> -> memref<25600xf32, #tpu.memory_space<hbm>>
      %dma_start3A_2625 = arith.constant 25600 : i32
      %dma_start3A_2626 = tpu.memref_slice %arg13[%dma_start3A_2625] : memref<51200xf32, #tpu.memory_space<vmem>> -> memref<25600xf32, #tpu.memory_space<vmem>>
      tpu.enqueue_dma source(%dma_start3A_2626 : memref<25600xf32, #tpu.memory_space<vmem>>) target(%dma_start3A_2624 : memref<25600xf32, #tpu.memory_space<hbm>>) target_semaphore(%arg17 : memref<!tpu.dma_semaphore, #tpu.memory_space<semaphore_mem>>)
      %add3A_2627 = arith.constant 2 : i32
      %add3A_2628 = arith.addi %add3A_2595, %add3A_2627 : i32
      %lt3A_2629 = arith.cmpi slt, %add3A_2628, %select_n3A : i32
      %convert_element_type3A_2630 = arith.extui %lt3A_2629 : i1 to i32
      %cond3A_2631 = arith.constant 0 : i32
      %cond3A_2632 = arith.cmpi ne, %convert_element_type3A_2630, %cond3A_2631 : i32
      scf.if %cond3A_2632 {
        %add3A_2676 = arith.constant 2 : i32
        %add3A_2677 = arith.addi %add3A_2595, %add3A_2676 : i32
        %mul3A_2678 = arith.constant 32 : i32
        %mul3A_2679 = arith.muli %mul3A_2678, %add3A_2677 : i32
        %add3A_2680 = arith.addi %add3A, %mul3A_2679 : i32
        %mul3A_2681 = arith.constant 3200 : i32
        %mul3A_2682 = arith.muli %add3A_2680, %mul3A_2681 : i32
        %dma_start3A_2683 = tpu.memref_slice %arg2[%mul3A_2682] : memref<1600000xi32, #tpu.memory_space<hbm>> -> memref<3200xi32, #tpu.memory_space<hbm>>
        %dma_start3A_2684 = tpu.memref_slice %arg2[%mul3A_2682] : memref<1600000xi32, #tpu.memory_space<hbm>> -> memref<3200xi32, #tpu.memory_space<hbm>>
        tpu.enqueue_dma source(%dma_start3A_2684 : memref<3200xi32, #tpu.memory_space<hbm>>) target(%arg11 : memref<3200xi32, #tpu.memory_space<vmem>>) target_semaphore(%arg15 : memref<!tpu.dma_semaphore, #tpu.memory_space<semaphore_mem>>)
      } else {
      }
      %mul3A_2633 = arith.constant 2 : i32
      %mul3A_2634 = arith.muli %mul3A_2633, %while3A_2591 : i32
      %add3A_2635 = arith.constant 1 : i32
      %add3A_2636 = arith.addi %mul3A_2634, %add3A_2635 : i32
      %dma_wait3A_2637 = arith.constant 0 : i32
      %dma_wait3A_2638 = tpu.memref_slice %arg2[%dma_wait3A_2637] : memref<1600000xi32, #tpu.memory_space<hbm>> -> memref<3200xi32, #tpu.memory_space<hbm>>
      %dma_wait3A_2639 = arith.constant 0 : i32
      %dma_wait3A_2640 = tpu.memref_slice %arg2[%dma_wait3A_2639] : memref<1600000xi32, #tpu.memory_space<hbm>> -> memref<3200xi32, #tpu.memory_space<hbm>>
      tpu.wait_dma2 semaphore(%arg16 : memref<!tpu.dma_semaphore, #tpu.memory_space<semaphore_mem>>) src(%dma_wait3A_2640 : memref<3200xi32, #tpu.memory_space<hbm>>) dst(%arg12 : memref<3200xi32, #tpu.memory_space<vmem>>)
      %gt3A_2641 = arith.constant 1 : i32
      %gt3A_2642 = arith.cmpi sgt, %add3A_2636, %gt3A_2641 : i32
      %convert_element_type3A_2643 = arith.extui %gt3A_2642 : i1 to i32
      %cond3A_2644 = arith.constant 0 : i32
      %cond3A_2645 = arith.cmpi ne, %convert_element_type3A_2643, %cond3A_2644 : i32
      scf.if %cond3A_2645 {
        %dma_wait3A_2676 = arith.constant 0 : i32
        %dma_wait3A_2677 = tpu.memref_slice %arg6[%dma_wait3A_2676] : memref<25600000xf32, #tpu.memory_space<hbm>> -> memref<51200xf32, #tpu.memory_space<hbm>>
        %dma_wait3A_2678 = arith.constant 0 : i32
        %dma_wait3A_2679 = tpu.memref_slice %arg6[%dma_wait3A_2678] : memref<25600000xf32, #tpu.memory_space<hbm>> -> memref<51200xf32, #tpu.memory_space<hbm>>
        tpu.wait_dma2 semaphore(%arg18 : memref<!tpu.dma_semaphore, #tpu.memory_space<semaphore_mem>>) src(%arg14 : memref<51200xf32, #tpu.memory_space<vmem>>) dst(%dma_wait3A_2679 : memref<51200xf32, #tpu.memory_space<hbm>>)
      } else {
      }
      %parallel_loop3A_2646 = arith.constant 0 : i32
      %parallel_loop3A_2647 = arith.constant 200 : i32
      %parallel_loop3A_2648 = arith.constant 1 : i32
      scf.for %parallel_loop3A_2676 = %parallel_loop3A_2646 to %parallel_loop3A_2647 step %parallel_loop3A_2648  : i32 {
        %parallel_loop3A_2677 = arith.constant 16 : i32
        %parallel_loop3A_2678 = arith.muli %parallel_loop3A_2676, %parallel_loop3A_2677 : i32
        %parallel_loop3A_2679 = arith.index_cast %parallel_loop3A_2678 : i32 to index
        %parallel_loop3A_2680 = tpu.vector_load %arg12[%parallel_loop3A_2679] {strides = array<i32>} : memref<3200xi32, #tpu.memory_space<vmem>>, vector<16xi32>,
        %parallel_loop3A_2681 = arith.constant 3 : i32
        %parallel_loop3A_2682 = arith.shrsi %parallel_loop3A_2676, %parallel_loop3A_2681 : i32
        %parallel_loop3A_2683 = arith.constant 1024 : i32
        %parallel_loop3A_2684 = arith.muli %parallel_loop3A_2682, %parallel_loop3A_2683 : i32
        %parallel_loop3A_2685 = arith.constant 7 : i32
        %parallel_loop3A_2686 = arith.andi %parallel_loop3A_2676, %parallel_loop3A_2685 : i32
        %parallel_loop3A_2687 = arith.constant 16 : i32
        %parallel_loop3A_2688 = arith.muli %parallel_loop3A_2686, %parallel_loop3A_2687 : i32
        %parallel_loop3A_2689 = arith.addi %parallel_loop3A_2684, %parallel_loop3A_2688 : i32
        %parallel_loop3A_2690 = tpu.vector_load_idx %arg10[%broadcast_in_dim3A_2540, %parallel_loop3A_2680] : memref<16x16xf32, #tpu.memory_space<vmem>>[vector<16xi32>, vector<16xi32>], vector<16xf32>,
        %parallel_loop3A_2691 = arith.constant 0 : i32
        %parallel_loop3A_2692 = arith.addi %parallel_loop3A_2689, %parallel_loop3A_2691 : i32
        %parallel_loop3A_2693 = arith.index_cast %parallel_loop3A_2692 : i32 to index
        %parallel_loop3A_2694 = tpu.vector_load %arg14[%parallel_loop3A_2693] {strides = array<i32>} : memref<51200xf32, #tpu.memory_space<vmem>>, vector<16xf32>,
        tpu.vector_store %arg14[%parallel_loop3A_2693], %parallel_loop3A_2690 {strides = array<i32>} : memref<51200xf32, #tpu.memory_space<vmem>>, vector<16xf32>,
        %parallel_loop3A_2695 = tpu.vector_load_idx %arg10[%broadcast_in_dim3A_2542, %parallel_loop3A_2680] : memref<16x16xf32, #tpu.memory_space<vmem>>[vector<16xi32>, vector<16xi32>], vector<16xf32>,
        %parallel_loop3A_2696 = arith.constant 128 : i32
        %parallel_loop3A_2697 = arith.addi %parallel_loop3A_2689, %parallel_loop3A_2696 : i32
        %parallel_loop3A_2698 = arith.index_cast %parallel_loop3A_2697 : i32 to index
        %parallel_loop3A_2699 = tpu.vector_load %arg14[%parallel_loop3A_2698] {strides = array<i32>} : memref<51200xf32, #tpu.memory_space<vmem>>, vector<16xf32>,
        tpu.vector_store %arg14[%parallel_loop3A_2698], %parallel_loop3A_2695 {strides = array<i32>} : memref<51200xf32, #tpu.memory_space<vmem>>, vector<16xf32>,
        %parallel_loop3A_2700 = tpu.vector_load_idx %arg10[%broadcast_in_dim3A_2544, %parallel_loop3A_2680] : memref<16x16xf32, #tpu.memory_space<vmem>>[vector<16xi32>, vector<16xi32>], vector<16xf32>,
        %parallel_loop3A_2701 = arith.constant 256 : i32
        %parallel_loop3A_2702 = arith.addi %parallel_loop3A_2689, %parallel_loop3A_2701 : i32
        %parallel_loop3A_2703 = arith.index_cast %parallel_loop3A_2702 : i32 to index
        %parallel_loop3A_2704 = tpu.vector_load %arg14[%parallel_loop3A_2703] {strides = array<i32>} : memref<51200xf32, #tpu.memory_space<vmem>>, vector<16xf32>,
        tpu.vector_store %arg14[%parallel_loop3A_2703], %parallel_loop3A_2700 {strides = array<i32>} : memref<51200xf32, #tpu.memory_space<vmem>>, vector<16xf32>,
        %parallel_loop3A_2705 = tpu.vector_load_idx %arg10[%broadcast_in_dim3A_2546, %parallel_loop3A_2680] : memref<16x16xf32, #tpu.memory_space<vmem>>[vector<16xi32>, vector<16xi32>], vector<16xf32>,
        %parallel_loop3A_2706 = arith.constant 384 : i32
        %parallel_loop3A_2707 = arith.addi %parallel_loop3A_2689, %parallel_loop3A_2706 : i32
        %parallel_loop3A_2708 = arith.index_cast %parallel_loop3A_2707 : i32 to index
        %parallel_loop3A_2709 = tpu.vector_load %arg14[%parallel_loop3A_2708] {strides = array<i32>} : memref<51200xf32, #tpu.memory_space<vmem>>, vector<16xf32>,
        tpu.vector_store %arg14[%parallel_loop3A_2708], %parallel_loop3A_2705 {strides = array<i32>} : memref<51200xf32, #tpu.memory_space<vmem>>, vector<16xf32>,
        %parallel_loop3A_2710 = tpu.vector_load_idx %arg10[%broadcast_in_dim3A_2548, %parallel_loop3A_2680] : memref<16x16xf32, #tpu.memory_space<vmem>>[vector<16xi32>, vector<16xi32>], vector<16xf32>,
        %parallel_loop3A_2711 = arith.constant 512 : i32
        %parallel_loop3A_2712 = arith.addi %parallel_loop3A_2689, %parallel_loop3A_2711 : i32
        %parallel_loop3A_2713 = arith.index_cast %parallel_loop3A_2712 : i32 to index
        %parallel_loop3A_2714 = tpu.vector_load %arg14[%parallel_loop3A_2713] {strides = array<i32>} : memref<51200xf32, #tpu.memory_space<vmem>>, vector<16xf32>,
        tpu.vector_store %arg14[%parallel_loop3A_2713], %parallel_loop3A_2710 {strides = array<i32>} : memref<51200xf32, #tpu.memory_space<vmem>>, vector<16xf32>,
        %parallel_loop3A_2715 = tpu.vector_load_idx %arg10[%broadcast_in_dim3A_2550, %parallel_loop3A_2680] : memref<16x16xf32, #tpu.memory_space<vmem>>[vector<16xi32>, vector<16xi32>], vector<16xf32>,
        %parallel_loop3A_2716 = arith.constant 640 : i32
        %parallel_loop3A_2717 = arith.addi %parallel_loop3A_2689, %parallel_loop3A_2716 : i32
        %parallel_loop3A_2718 = arith.index_cast %parallel_loop3A_2717 : i32 to index
        %parallel_loop3A_2719 = tpu.vector_load %arg14[%parallel_loop3A_2718] {strides = array<i32>} : memref<51200xf32, #tpu.memory_space<vmem>>, vector<16xf32>,
        tpu.vector_store %arg14[%parallel_loop3A_2718], %parallel_loop3A_2715 {strides = array<i32>} : memref<51200xf32, #tpu.memory_space<vmem>>, vector<16xf32>,
        %parallel_loop3A_2720 = tpu.vector_load_idx %arg10[%broadcast_in_dim3A_2552, %parallel_loop3A_2680] : memref<16x16xf32, #tpu.memory_space<vmem>>[vector<16xi32>, vector<16xi32>], vector<16xf32>,
        %parallel_loop3A_2721 = arith.constant 768 : i32
        %parallel_loop3A_2722 = arith.addi %parallel_loop3A_2689, %parallel_loop3A_2721 : i32
        %parallel_loop3A_2723 = arith.index_cast %parallel_loop3A_2722 : i32 to index
        %parallel_loop3A_2724 = tpu.vector_load %arg14[%parallel_loop3A_2723] {strides = array<i32>} : memref<51200xf32, #tpu.memory_space<vmem>>, vector<16xf32>,
        tpu.vector_store %arg14[%parallel_loop3A_2723], %parallel_loop3A_2720 {strides = array<i32>} : memref<51200xf32, #tpu.memory_space<vmem>>, vector<16xf32>,
        %parallel_loop3A_2725 = tpu.vector_load_idx %arg10[%broadcast_in_dim3A_2554, %parallel_loop3A_2680] : memref<16x16xf32, #tpu.memory_space<vmem>>[vector<16xi32>, vector<16xi32>], vector<16xf32>,
        %parallel_loop3A_2726 = arith.constant 896 : i32
        %parallel_loop3A_2727 = arith.addi %parallel_loop3A_2689, %parallel_loop3A_2726 : i32
        %parallel_loop3A_2728 = arith.index_cast %parallel_loop3A_2727 : i32 to index
        %parallel_loop3A_2729 = tpu.vector_load %arg14[%parallel_loop3A_2728] {strides = array<i32>} : memref<51200xf32, #tpu.memory_space<vmem>>, vector<16xf32>,
        tpu.vector_store %arg14[%parallel_loop3A_2728], %parallel_loop3A_2725 {strides = array<i32>} : memref<51200xf32, #tpu.memory_space<vmem>>, vector<16xf32>,
        %parallel_loop3A_2730 = tpu.vector_load_idx %arg10[%broadcast_in_dim3A_2556, %parallel_loop3A_2680] : memref<16x16xf32, #tpu.memory_space<vmem>>[vector<16xi32>, vector<16xi32>], vector<16xf32>,
        %parallel_loop3A_2731 = arith.constant 25600 : i32
        %parallel_loop3A_2732 = arith.addi %parallel_loop3A_2689, %parallel_loop3A_2731 : i32
        %parallel_loop3A_2733 = arith.index_cast %parallel_loop3A_2732 : i32 to index
        %parallel_loop3A_2734 = tpu.vector_load %arg14[%parallel_loop3A_2733] {strides = array<i32>} : memref<51200xf32, #tpu.memory_space<vmem>>, vector<16xf32>,
        tpu.vector_store %arg14[%parallel_loop3A_2733], %parallel_loop3A_2730 {strides = array<i32>} : memref<51200xf32, #tpu.memory_space<vmem>>, vector<16xf32>,
        %parallel_loop3A_2735 = tpu.vector_load_idx %arg10[%broadcast_in_dim3A_2558, %parallel_loop3A_2680] : memref<16x16xf32, #tpu.memory_space<vmem>>[vector<16xi32>, vector<16xi32>], vector<16xf32>,
        %parallel_loop3A_2736 = arith.constant 25728 : i32
        %parallel_loop3A_2737 = arith.addi %parallel_loop3A_2689, %parallel_loop3A_2736 : i32
        %parallel_loop3A_2738 = arith.index_cast %parallel_loop3A_2737 : i32 to index
        %parallel_loop3A_2739 = tpu.vector_load %arg14[%parallel_loop3A_2738] {strides = array<i32>} : memref<51200xf32, #tpu.memory_space<vmem>>, vector<16xf32>,
        tpu.vector_store %arg14[%parallel_loop3A_2738], %parallel_loop3A_2735 {strides = array<i32>} : memref<51200xf32, #tpu.memory_space<vmem>>, vector<16xf32>,
        %parallel_loop3A_2740 = tpu.vector_load_idx %arg10[%broadcast_in_dim3A_2560, %parallel_loop3A_2680] : memref<16x16xf32, #tpu.memory_space<vmem>>[vector<16xi32>, vector<16xi32>], vector<16xf32>,
        %parallel_loop3A_2741 = arith.constant 25856 : i32
        %parallel_loop3A_2742 = arith.addi %parallel_loop3A_2689, %parallel_loop3A_2741 : i32
        %parallel_loop3A_2743 = arith.index_cast %parallel_loop3A_2742 : i32 to index
        %parallel_loop3A_2744 = tpu.vector_load %arg14[%parallel_loop3A_2743] {strides = array<i32>} : memref<51200xf32, #tpu.memory_space<vmem>>, vector<16xf32>,
        tpu.vector_store %arg14[%parallel_loop3A_2743], %parallel_loop3A_2740 {strides = array<i32>} : memref<51200xf32, #tpu.memory_space<vmem>>, vector<16xf32>,
        %parallel_loop3A_2745 = tpu.vector_load_idx %arg10[%broadcast_in_dim3A_2562, %parallel_loop3A_2680] : memref<16x16xf32, #tpu.memory_space<vmem>>[vector<16xi32>, vector<16xi32>], vector<16xf32>,
        %parallel_loop3A_2746 = arith.constant 25984 : i32
        %parallel_loop3A_2747 = arith.addi %parallel_loop3A_2689, %parallel_loop3A_2746 : i32
        %parallel_loop3A_2748 = arith.index_cast %parallel_loop3A_2747 : i32 to index
        %parallel_loop3A_2749 = tpu.vector_load %arg14[%parallel_loop3A_2748] {strides = array<i32>} : memref<51200xf32, #tpu.memory_space<vmem>>, vector<16xf32>,
        tpu.vector_store %arg14[%parallel_loop3A_2748], %parallel_loop3A_2745 {strides = array<i32>} : memref<51200xf32, #tpu.memory_space<vmem>>, vector<16xf32>,
        %parallel_loop3A_2750 = tpu.vector_load_idx %arg10[%broadcast_in_dim3A_2564, %parallel_loop3A_2680] : memref<16x16xf32, #tpu.memory_space<vmem>>[vector<16xi32>, vector<16xi32>], vector<16xf32>,
        %parallel_loop3A_2751 = arith.constant 26112 : i32
        %parallel_loop3A_2752 = arith.addi %parallel_loop3A_2689, %parallel_loop3A_2751 : i32
        %parallel_loop3A_2753 = arith.index_cast %parallel_loop3A_2752 : i32 to index
        %parallel_loop3A_2754 = tpu.vector_load %arg14[%parallel_loop3A_2753] {strides = array<i32>} : memref<51200xf32, #tpu.memory_space<vmem>>, vector<16xf32>,
        tpu.vector_store %arg14[%parallel_loop3A_2753], %parallel_loop3A_2750 {strides = array<i32>} : memref<51200xf32, #tpu.memory_space<vmem>>, vector<16xf32>,
        %parallel_loop3A_2755 = tpu.vector_load_idx %arg10[%broadcast_in_dim3A_2566, %parallel_loop3A_2680] : memref<16x16xf32, #tpu.memory_space<vmem>>[vector<16xi32>, vector<16xi32>], vector<16xf32>,
        %parallel_loop3A_2756 = arith.constant 26240 : i32
        %parallel_loop3A_2757 = arith.addi %parallel_loop3A_2689, %parallel_loop3A_2756 : i32
        %parallel_loop3A_2758 = arith.index_cast %parallel_loop3A_2757 : i32 to index
        %parallel_loop3A_2759 = tpu.vector_load %arg14[%parallel_loop3A_2758] {strides = array<i32>} : memref<51200xf32, #tpu.memory_space<vmem>>, vector<16xf32>,
        tpu.vector_store %arg14[%parallel_loop3A_2758], %parallel_loop3A_2755 {strides = array<i32>} : memref<51200xf32, #tpu.memory_space<vmem>>, vector<16xf32>,
        %parallel_loop3A_2760 = tpu.vector_load_idx %arg10[%broadcast_in_dim3A_2568, %parallel_loop3A_2680] : memref<16x16xf32, #tpu.memory_space<vmem>>[vector<16xi32>, vector<16xi32>], vector<16xf32>,
        %parallel_loop3A_2761 = arith.constant 26368 : i32
        %parallel_loop3A_2762 = arith.addi %parallel_loop3A_2689, %parallel_loop3A_2761 : i32
        %parallel_loop3A_2763 = arith.index_cast %parallel_loop3A_2762 : i32 to index
        %parallel_loop3A_2764 = tpu.vector_load %arg14[%parallel_loop3A_2763] {strides = array<i32>} : memref<51200xf32, #tpu.memory_space<vmem>>, vector<16xf32>,
        tpu.vector_store %arg14[%parallel_loop3A_2763], %parallel_loop3A_2760 {strides = array<i32>} : memref<51200xf32, #tpu.memory_space<vmem>>, vector<16xf32>,
        %parallel_loop3A_2765 = tpu.vector_load_idx %arg10[%broadcast_in_dim3A_2570, %parallel_loop3A_2680] : memref<16x16xf32, #tpu.memory_space<vmem>>[vector<16xi32>, vector<16xi32>], vector<16xf32>,
        %parallel_loop3A_2766 = arith.constant 26496 : i32
        %parallel_loop3A_2767 = arith.addi %parallel_loop3A_2689, %parallel_loop3A_2766 : i32
        %parallel_loop3A_2768 = arith.index_cast %parallel_loop3A_2767 : i32 to index
        %parallel_loop3A_2769 = tpu.vector_load %arg14[%parallel_loop3A_2768] {strides = array<i32>} : memref<51200xf32, #tpu.memory_space<vmem>>, vector<16xf32>,
        tpu.vector_store %arg14[%parallel_loop3A_2768], %parallel_loop3A_2765 {strides = array<i32>} : memref<51200xf32, #tpu.memory_space<vmem>>, vector<16xf32>,
      } {sc.loop_unroll_factor = 4 : i64, sc.parallel_access}
      %mul3A_2649 = arith.constant 32 : i32
      %mul3A_2650 = arith.muli %mul3A_2649, %add3A_2636 : i32
      %add3A_2651 = arith.addi %add3A, %mul3A_2650 : i32
      %mul3A_2652 = arith.constant 25600 : i32
      %mul3A_2653 = arith.muli %add3A_2651, %mul3A_2652 : i32
      %dma_start3A_2654 = arith.constant 0 : i32
      %dma_start3A_2655 = tpu.memref_slice %arg14[%dma_start3A_2654] : memref<51200xf32, #tpu.memory_space<vmem>> -> memref<25600xf32, #tpu.memory_space<vmem>>
      %dma_start3A_2656 = tpu.memref_slice %arg6[%mul3A_2653] : memref<25600000xf32, #tpu.memory_space<hbm>> -> memref<25600xf32, #tpu.memory_space<hbm>>
      %dma_start3A_2657 = tpu.memref_slice %arg6[%mul3A_2653] : memref<25600000xf32, #tpu.memory_space<hbm>> -> memref<25600xf32, #tpu.memory_space<hbm>>
      %dma_start3A_2658 = arith.constant 0 : i32
      %dma_start3A_2659 = tpu.memref_slice %arg14[%dma_start3A_2658] : memref<51200xf32, #tpu.memory_space<vmem>> -> memref<25600xf32, #tpu.memory_space<vmem>>
      tpu.enqueue_dma source(%dma_start3A_2659 : memref<25600xf32, #tpu.memory_space<vmem>>) target(%dma_start3A_2657 : memref<25600xf32, #tpu.memory_space<hbm>>) target_semaphore(%arg18 : memref<!tpu.dma_semaphore, #tpu.memory_space<semaphore_mem>>)
      %mul3A_2660 = arith.constant 25600 : i32
      %mul3A_2661 = arith.muli %add3A_2651, %mul3A_2660 : i32
      %add3A_2662 = arith.constant 12800000 : i32
      %add3A_2663 = arith.addi %add3A_2662, %mul3A_2661 : i32
      %dma_start3A_2664 = arith.constant 25600 : i32
      %dma_start3A_2665 = tpu.memref_slice %arg14[%dma_start3A_2664] : memref<51200xf32, #tpu.memory_space<vmem>> -> memref<25600xf32, #tpu.memory_space<vmem>>
      %dma_start3A_2666 = tpu.memref_slice %arg6[%add3A_2663] : memref<25600000xf32, #tpu.memory_space<hbm>> -> memref<25600xf32, #tpu.memory_space<hbm>>
      %dma_start3A_2667 = tpu.memref_slice %arg6[%add3A_2663] : memref<25600000xf32, #tpu.memory_space<hbm>> -> memref<25600xf32, #tpu.memory_space<hbm>>
      %dma_start3A_2668 = arith.constant 25600 : i32
      %dma_start3A_2669 = tpu.memref_slice %arg14[%dma_start3A_2668] : memref<51200xf32, #tpu.memory_space<vmem>> -> memref<25600xf32, #tpu.memory_space<vmem>>
      tpu.enqueue_dma source(%dma_start3A_2669 : memref<25600xf32, #tpu.memory_space<vmem>>) target(%dma_start3A_2667 : memref<25600xf32, #tpu.memory_space<hbm>>) target_semaphore(%arg18 : memref<!tpu.dma_semaphore, #tpu.memory_space<semaphore_mem>>)
      %add3A_2670 = arith.constant 2 : i32
      %add3A_2671 = arith.addi %add3A_2636, %add3A_2670 : i32
      %lt3A_2672 = arith.cmpi slt, %add3A_2671, %select_n3A : i32
      %convert_element_type3A_2673 = arith.extui %lt3A_2672 : i1 to i32
      %cond3A_2674 = arith.constant 0 : i32
      %cond3A_2675 = arith.cmpi ne, %convert_element_type3A_2673, %cond3A_2674 : i32
      scf.if %cond3A_2675 {
        %add3A_2676 = arith.constant 2 : i32
        %add3A_2677 = arith.addi %add3A_2636, %add3A_2676 : i32
        %mul3A_2678 = arith.constant 32 : i32
        %mul3A_2679 = arith.muli %mul3A_2678, %add3A_2677 : i32
        %add3A_2680 = arith.addi %add3A, %mul3A_2679 : i32
        %mul3A_2681 = arith.constant 3200 : i32
        %mul3A_2682 = arith.muli %add3A_2680, %mul3A_2681 : i32
        %dma_start3A_2683 = tpu.memref_slice %arg2[%mul3A_2682] : memref<1600000xi32, #tpu.memory_space<hbm>> -> memref<3200xi32, #tpu.memory_space<hbm>>
        %dma_start3A_2684 = tpu.memref_slice %arg2[%mul3A_2682] : memref<1600000xi32, #tpu.memory_space<hbm>> -> memref<3200xi32, #tpu.memory_space<hbm>>
        tpu.enqueue_dma source(%dma_start3A_2684 : memref<3200xi32, #tpu.memory_space<hbm>>) target(%arg12 : memref<3200xi32, #tpu.memory_space<vmem>>) target_semaphore(%arg16 : memref<!tpu.dma_semaphore, #tpu.memory_space<semaphore_mem>>)
      } else {
      }
    }
    %while3A_2580 = arith.constant 1 : i32
    scf.for %while3A_2591 = %while3A_2578 to %while3A_2574 step %while3A_2580  : i32 {
      %mul3A_2592 = arith.constant 2 : i32
      %mul3A_2593 = arith.muli %mul3A_2592, %while3A_2591 : i32
      %add3A_2594 = arith.constant 0 : i32
      %add3A_2595 = arith.addi %mul3A_2593, %add3A_2594 : i32
      %dma_wait3A_2596 = arith.constant 0 : i32
      %dma_wait3A_2597 = tpu.memref_slice %arg2[%dma_wait3A_2596] : memref<1600000xi32, #tpu.memory_space<hbm>> -> memref<3200xi32, #tpu.memory_space<hbm>>
      %dma_wait3A_2598 = arith.constant 0 : i32
      %dma_wait3A_2599 = tpu.memref_slice %arg2[%dma_wait3A_2598] : memref<1600000xi32, #tpu.memory_space<hbm>> -> memref<3200xi32, #tpu.memory_space<hbm>>
      tpu.wait_dma2 semaphore(%arg15 : memref<!tpu.dma_semaphore, #tpu.memory_space<semaphore_mem>>) src(%dma_wait3A_2599 : memref<3200xi32, #tpu.memory_space<hbm>>) dst(%arg11 : memref<3200xi32, #tpu.memory_space<vmem>>)
      %gt3A = arith.constant 1 : i32
      %gt3A_2600 = arith.cmpi sgt, %add3A_2595, %gt3A : i32
      %convert_element_type3A_2601 = arith.extui %gt3A_2600 : i1 to i32
      %cond3A_2602 = arith.constant 0 : i32
      %cond3A_2603 = arith.cmpi ne, %convert_element_type3A_2601, %cond3A_2602 : i32
      scf.if %cond3A_2603 {
        %dma_wait3A_2676 = arith.constant 0 : i32
        %dma_wait3A_2677 = tpu.memref_slice %arg6[%dma_wait3A_2676] : memref<25600000xf32, #tpu.memory_space<hbm>> -> memref<51200xf32, #tpu.memory_space<hbm>>
        %dma_wait3A_2678 = arith.constant 0 : i32
        %dma_wait3A_2679 = tpu.memref_slice %arg6[%dma_wait3A_2678] : memref<25600000xf32, #tpu.memory_space<hbm>> -> memref<51200xf32, #tpu.memory_space<hbm>>
        tpu.wait_dma2 semaphore(%arg17 : memref<!tpu.dma_semaphore, #tpu.memory_space<semaphore_mem>>) src(%arg13 : memref<51200xf32, #tpu.memory_space<vmem>>) dst(%dma_wait3A_2679 : memref<51200xf32, #tpu.memory_space<hbm>>)
      } else {
      }
      %parallel_loop3A = arith.constant 0 : i32
      %parallel_loop3A_2604 = arith.constant 200 : i32
      %parallel_loop3A_2605 = arith.constant 1 : i32
      scf.for %parallel_loop3A_2676 = %parallel_loop3A to %parallel_loop3A_2604 step %parallel_loop3A_2605  : i32 {
        %parallel_loop3A_2677 = arith.constant 16 : i32
        %parallel_loop3A_2678 = arith.muli %parallel_loop3A_2676, %parallel_loop3A_2677 : i32
        %parallel_loop3A_2679 = arith.index_cast %parallel_loop3A_2678 : i32 to index
        %parallel_loop3A_2680 = tpu.vector_load %arg11[%parallel_loop3A_2679] {strides = array<i32>} : memref<3200xi32, #tpu.memory_space<vmem>>, vector<16xi32>,
        %parallel_loop3A_2681 = arith.constant 3 : i32
        %parallel_loop3A_2682 = arith.shrsi %parallel_loop3A_2676, %parallel_loop3A_2681 : i32
        %parallel_loop3A_2683 = arith.constant 1024 : i32
        %parallel_loop3A_2684 = arith.muli %parallel_loop3A_2682, %parallel_loop3A_2683 : i32
        %parallel_loop3A_2685 = arith.constant 7 : i32
        %parallel_loop3A_2686 = arith.andi %parallel_loop3A_2676, %parallel_loop3A_2685 : i32
        %parallel_loop3A_2687 = arith.constant 16 : i32
        %parallel_loop3A_2688 = arith.muli %parallel_loop3A_2686, %parallel_loop3A_2687 : i32
        %parallel_loop3A_2689 = arith.addi %parallel_loop3A_2684, %parallel_loop3A_2688 : i32
        %parallel_loop3A_2690 = tpu.vector_load_idx %arg10[%broadcast_in_dim3A_2540, %parallel_loop3A_2680] : memref<16x16xf32, #tpu.memory_space<vmem>>[vector<16xi32>, vector<16xi32>], vector<16xf32>,
        %parallel_loop3A_2691 = arith.constant 0 : i32
        %parallel_loop3A_2692 = arith.addi %parallel_loop3A_2689, %parallel_loop3A_2691 : i32
        %parallel_loop3A_2693 = arith.index_cast %parallel_loop3A_2692 : i32 to index
        %parallel_loop3A_2694 = tpu.vector_load %arg13[%parallel_loop3A_2693] {strides = array<i32>} : memref<51200xf32, #tpu.memory_space<vmem>>, vector<16xf32>,
        tpu.vector_store %arg13[%parallel_loop3A_2693], %parallel_loop3A_2690 {strides = array<i32>} : memref<51200xf32, #tpu.memory_space<vmem>>, vector<16xf32>,
        %parallel_loop3A_2695 = tpu.vector_load_idx %arg10[%broadcast_in_dim3A_2542, %parallel_loop3A_2680] : memref<16x16xf32, #tpu.memory_space<vmem>>[vector<16xi32>, vector<16xi32>], vector<16xf32>,
        %parallel_loop3A_2696 = arith.constant 128 : i32
        %parallel_loop3A_2697 = arith.addi %parallel_loop3A_2689, %parallel_loop3A_2696 : i32
        %parallel_loop3A_2698 = arith.index_cast %parallel_loop3A_2697 : i32 to index
        %parallel_loop3A_2699 = tpu.vector_load %arg13[%parallel_loop3A_2698] {strides = array<i32>} : memref<51200xf32, #tpu.memory_space<vmem>>, vector<16xf32>,
        tpu.vector_store %arg13[%parallel_loop3A_2698], %parallel_loop3A_2695 {strides = array<i32>} : memref<51200xf32, #tpu.memory_space<vmem>>, vector<16xf32>,
        %parallel_loop3A_2700 = tpu.vector_load_idx %arg10[%broadcast_in_dim3A_2544, %parallel_loop3A_2680] : memref<16x16xf32, #tpu.memory_space<vmem>>[vector<16xi32>, vector<16xi32>], vector<16xf32>,
        %parallel_loop3A_2701 = arith.constant 256 : i32
        %parallel_loop3A_2702 = arith.addi %parallel_loop3A_2689, %parallel_loop3A_2701 : i32
        %parallel_loop3A_2703 = arith.index_cast %parallel_loop3A_2702 : i32 to index
        %parallel_loop3A_2704 = tpu.vector_load %arg13[%parallel_loop3A_2703] {strides = array<i32>} : memref<51200xf32, #tpu.memory_space<vmem>>, vector<16xf32>,
        tpu.vector_store %arg13[%parallel_loop3A_2703], %parallel_loop3A_2700 {strides = array<i32>} : memref<51200xf32, #tpu.memory_space<vmem>>, vector<16xf32>,
        %parallel_loop3A_2705 = tpu.vector_load_idx %arg10[%broadcast_in_dim3A_2546, %parallel_loop3A_2680] : memref<16x16xf32, #tpu.memory_space<vmem>>[vector<16xi32>, vector<16xi32>], vector<16xf32>,
        %parallel_loop3A_2706 = arith.constant 384 : i32
        %parallel_loop3A_2707 = arith.addi %parallel_loop3A_2689, %parallel_loop3A_2706 : i32
        %parallel_loop3A_2708 = arith.index_cast %parallel_loop3A_2707 : i32 to index
        %parallel_loop3A_2709 = tpu.vector_load %arg13[%parallel_loop3A_2708] {strides = array<i32>} : memref<51200xf32, #tpu.memory_space<vmem>>, vector<16xf32>,
        tpu.vector_store %arg13[%parallel_loop3A_2708], %parallel_loop3A_2705 {strides = array<i32>} : memref<51200xf32, #tpu.memory_space<vmem>>, vector<16xf32>,
        %parallel_loop3A_2710 = tpu.vector_load_idx %arg10[%broadcast_in_dim3A_2548, %parallel_loop3A_2680] : memref<16x16xf32, #tpu.memory_space<vmem>>[vector<16xi32>, vector<16xi32>], vector<16xf32>,
        %parallel_loop3A_2711 = arith.constant 512 : i32
        %parallel_loop3A_2712 = arith.addi %parallel_loop3A_2689, %parallel_loop3A_2711 : i32
        %parallel_loop3A_2713 = arith.index_cast %parallel_loop3A_2712 : i32 to index
        %parallel_loop3A_2714 = tpu.vector_load %arg13[%parallel_loop3A_2713] {strides = array<i32>} : memref<51200xf32, #tpu.memory_space<vmem>>, vector<16xf32>,
        tpu.vector_store %arg13[%parallel_loop3A_2713], %parallel_loop3A_2710 {strides = array<i32>} : memref<51200xf32, #tpu.memory_space<vmem>>, vector<16xf32>,
        %parallel_loop3A_2715 = tpu.vector_load_idx %arg10[%broadcast_in_dim3A_2550, %parallel_loop3A_2680] : memref<16x16xf32, #tpu.memory_space<vmem>>[vector<16xi32>, vector<16xi32>], vector<16xf32>,
        %parallel_loop3A_2716 = arith.constant 640 : i32
        %parallel_loop3A_2717 = arith.addi %parallel_loop3A_2689, %parallel_loop3A_2716 : i32
        %parallel_loop3A_2718 = arith.index_cast %parallel_loop3A_2717 : i32 to index
        %parallel_loop3A_2719 = tpu.vector_load %arg13[%parallel_loop3A_2718] {strides = array<i32>} : memref<51200xf32, #tpu.memory_space<vmem>>, vector<16xf32>,
        tpu.vector_store %arg13[%parallel_loop3A_2718], %parallel_loop3A_2715 {strides = array<i32>} : memref<51200xf32, #tpu.memory_space<vmem>>, vector<16xf32>,
        %parallel_loop3A_2720 = tpu.vector_load_idx %arg10[%broadcast_in_dim3A_2552, %parallel_loop3A_2680] : memref<16x16xf32, #tpu.memory_space<vmem>>[vector<16xi32>, vector<16xi32>], vector<16xf32>,
        %parallel_loop3A_2721 = arith.constant 768 : i32
        %parallel_loop3A_2722 = arith.addi %parallel_loop3A_2689, %parallel_loop3A_2721 : i32
        %parallel_loop3A_2723 = arith.index_cast %parallel_loop3A_2722 : i32 to index
        %parallel_loop3A_2724 = tpu.vector_load %arg13[%parallel_loop3A_2723] {strides = array<i32>} : memref<51200xf32, #tpu.memory_space<vmem>>, vector<16xf32>,
        tpu.vector_store %arg13[%parallel_loop3A_2723], %parallel_loop3A_2720 {strides = array<i32>} : memref<51200xf32, #tpu.memory_space<vmem>>, vector<16xf32>,
        %parallel_loop3A_2725 = tpu.vector_load_idx %arg10[%broadcast_in_dim3A_2554, %parallel_loop3A_2680] : memref<16x16xf32, #tpu.memory_space<vmem>>[vector<16xi32>, vector<16xi32>], vector<16xf32>,
        %parallel_loop3A_2726 = arith.constant 896 : i32
        %parallel_loop3A_2727 = arith.addi %parallel_loop3A_2689, %parallel_loop3A_2726 : i32
        %parallel_loop3A_2728 = arith.index_cast %parallel_loop3A_2727 : i32 to index
        %parallel_loop3A_2729 = tpu.vector_load %arg13[%parallel_loop3A_2728] {strides = array<i32>} : memref<51200xf32, #tpu.memory_space<vmem>>, vector<16xf32>,
        tpu.vector_store %arg13[%parallel_loop3A_2728], %parallel_loop3A_2725 {strides = array<i32>} : memref<51200xf32, #tpu.memory_space<vmem>>, vector<16xf32>,
        %parallel_loop3A_2730 = tpu.vector_load_idx %arg10[%broadcast_in_dim3A_2556, %parallel_loop3A_2680] : memref<16x16xf32, #tpu.memory_space<vmem>>[vector<16xi32>, vector<16xi32>], vector<16xf32>,
        %parallel_loop3A_2731 = arith.constant 25600 : i32
        %parallel_loop3A_2732 = arith.addi %parallel_loop3A_2689, %parallel_loop3A_2731 : i32
        %parallel_loop3A_2733 = arith.index_cast %parallel_loop3A_2732 : i32 to index
        %parallel_loop3A_2734 = tpu.vector_load %arg13[%parallel_loop3A_2733] {strides = array<i32>} : memref<51200xf32, #tpu.memory_space<vmem>>, vector<16xf32>,
        tpu.vector_store %arg13[%parallel_loop3A_2733], %parallel_loop3A_2730 {strides = array<i32>} : memref<51200xf32, #tpu.memory_space<vmem>>, vector<16xf32>,
        %parallel_loop3A_2735 = tpu.vector_load_idx %arg10[%broadcast_in_dim3A_2558, %parallel_loop3A_2680] : memref<16x16xf32, #tpu.memory_space<vmem>>[vector<16xi32>, vector<16xi32>], vector<16xf32>,
        %parallel_loop3A_2736 = arith.constant 25728 : i32
        %parallel_loop3A_2737 = arith.addi %parallel_loop3A_2689, %parallel_loop3A_2736 : i32
        %parallel_loop3A_2738 = arith.index_cast %parallel_loop3A_2737 : i32 to index
        %parallel_loop3A_2739 = tpu.vector_load %arg13[%parallel_loop3A_2738] {strides = array<i32>} : memref<51200xf32, #tpu.memory_space<vmem>>, vector<16xf32>,
        tpu.vector_store %arg13[%parallel_loop3A_2738], %parallel_loop3A_2735 {strides = array<i32>} : memref<51200xf32, #tpu.memory_space<vmem>>, vector<16xf32>,
        %parallel_loop3A_2740 = tpu.vector_load_idx %arg10[%broadcast_in_dim3A_2560, %parallel_loop3A_2680] : memref<16x16xf32, #tpu.memory_space<vmem>>[vector<16xi32>, vector<16xi32>], vector<16xf32>,
        %parallel_loop3A_2741 = arith.constant 25856 : i32
        %parallel_loop3A_2742 = arith.addi %parallel_loop3A_2689, %parallel_loop3A_2741 : i32
        %parallel_loop3A_2743 = arith.index_cast %parallel_loop3A_2742 : i32 to index
        %parallel_loop3A_2744 = tpu.vector_load %arg13[%parallel_loop3A_2743] {strides = array<i32>} : memref<51200xf32, #tpu.memory_space<vmem>>, vector<16xf32>,
        tpu.vector_store %arg13[%parallel_loop3A_2743], %parallel_loop3A_2740 {strides = array<i32>} : memref<51200xf32, #tpu.memory_space<vmem>>, vector<16xf32>,
        %parallel_loop3A_2745 = tpu.vector_load_idx %arg10[%broadcast_in_dim3A_2562, %parallel_loop3A_2680] : memref<16x16xf32, #tpu.memory_space<vmem>>[vector<16xi32>, vector<16xi32>], vector<16xf32>,
        %parallel_loop3A_2746 = arith.constant 25984 : i32
        %parallel_loop3A_2747 = arith.addi %parallel_loop3A_2689, %parallel_loop3A_2746 : i32
        %parallel_loop3A_2748 = arith.index_cast %parallel_loop3A_2747 : i32 to index
        %parallel_loop3A_2749 = tpu.vector_load %arg13[%parallel_loop3A_2748] {strides = array<i32>} : memref<51200xf32, #tpu.memory_space<vmem>>, vector<16xf32>,
        tpu.vector_store %arg13[%parallel_loop3A_2748], %parallel_loop3A_2745 {strides = array<i32>} : memref<51200xf32, #tpu.memory_space<vmem>>, vector<16xf32>,
        %parallel_loop3A_2750 = tpu.vector_load_idx %arg10[%broadcast_in_dim3A_2564, %parallel_loop3A_2680] : memref<16x16xf32, #tpu.memory_space<vmem>>[vector<16xi32>, vector<16xi32>], vector<16xf32>,
        %parallel_loop3A_2751 = arith.constant 26112 : i32
        %parallel_loop3A_2752 = arith.addi %parallel_loop3A_2689, %parallel_loop3A_2751 : i32
        %parallel_loop3A_2753 = arith.index_cast %parallel_loop3A_2752 : i32 to index
        %parallel_loop3A_2754 = tpu.vector_load %arg13[%parallel_loop3A_2753] {strides = array<i32>} : memref<51200xf32, #tpu.memory_space<vmem>>, vector<16xf32>,
        tpu.vector_store %arg13[%parallel_loop3A_2753], %parallel_loop3A_2750 {strides = array<i32>} : memref<51200xf32, #tpu.memory_space<vmem>>, vector<16xf32>,
        %parallel_loop3A_2755 = tpu.vector_load_idx %arg10[%broadcast_in_dim3A_2566, %parallel_loop3A_2680] : memref<16x16xf32, #tpu.memory_space<vmem>>[vector<16xi32>, vector<16xi32>], vector<16xf32>,
        %parallel_loop3A_2756 = arith.constant 26240 : i32
        %parallel_loop3A_2757 = arith.addi %parallel_loop3A_2689, %parallel_loop3A_2756 : i32
        %parallel_loop3A_2758 = arith.index_cast %parallel_loop3A_2757 : i32 to index
        %parallel_loop3A_2759 = tpu.vector_load %arg13[%parallel_loop3A_2758] {strides = array<i32>} : memref<51200xf32, #tpu.memory_space<vmem>>, vector<16xf32>,
        tpu.vector_store %arg13[%parallel_loop3A_2758], %parallel_loop3A_2755 {strides = array<i32>} : memref<51200xf32, #tpu.memory_space<vmem>>, vector<16xf32>,
        %parallel_loop3A_2760 = tpu.vector_load_idx %arg10[%broadcast_in_dim3A_2568, %parallel_loop3A_2680] : memref<16x16xf32, #tpu.memory_space<vmem>>[vector<16xi32>, vector<16xi32>], vector<16xf32>,
        %parallel_loop3A_2761 = arith.constant 26368 : i32
        %parallel_loop3A_2762 = arith.addi %parallel_loop3A_2689, %parallel_loop3A_2761 : i32
        %parallel_loop3A_2763 = arith.index_cast %parallel_loop3A_2762 : i32 to index
        %parallel_loop3A_2764 = tpu.vector_load %arg13[%parallel_loop3A_2763] {strides = array<i32>} : memref<51200xf32, #tpu.memory_space<vmem>>, vector<16xf32>,
        tpu.vector_store %arg13[%parallel_loop3A_2763], %parallel_loop3A_2760 {strides = array<i32>} : memref<51200xf32, #tpu.memory_space<vmem>>, vector<16xf32>,
        %parallel_loop3A_2765 = tpu.vector_load_idx %arg10[%broadcast_in_dim3A_2570, %parallel_loop3A_2680] : memref<16x16xf32, #tpu.memory_space<vmem>>[vector<16xi32>, vector<16xi32>], vector<16xf32>,
        %parallel_loop3A_2766 = arith.constant 26496 : i32
        %parallel_loop3A_2767 = arith.addi %parallel_loop3A_2689, %parallel_loop3A_2766 : i32
        %parallel_loop3A_2768 = arith.index_cast %parallel_loop3A_2767 : i32 to index
        %parallel_loop3A_2769 = tpu.vector_load %arg13[%parallel_loop3A_2768] {strides = array<i32>} : memref<51200xf32, #tpu.memory_space<vmem>>, vector<16xf32>,
        tpu.vector_store %arg13[%parallel_loop3A_2768], %parallel_loop3A_2765 {strides = array<i32>} : memref<51200xf32, #tpu.memory_space<vmem>>, vector<16xf32>,
      } {sc.loop_unroll_factor = 4 : i64, sc.parallel_access}
      %mul3A_2606 = arith.constant 32 : i32
      %mul3A_2607 = arith.muli %mul3A_2606, %add3A_2595 : i32
      %add3A_2608 = arith.addi %add3A, %mul3A_2607 : i32
      %mul3A_2609 = arith.constant 25600 : i32
      %mul3A_2610 = arith.muli %add3A_2608, %mul3A_2609 : i32
      %dma_start3A_2611 = arith.constant 0 : i32
      %dma_start3A_2612 = tpu.memref_slice %arg13[%dma_start3A_2611] : memref<51200xf32, #tpu.memory_space<vmem>> -> memref<25600xf32, #tpu.memory_space<vmem>>
      %dma_start3A_2613 = tpu.memref_slice %arg6[%mul3A_2610] : memref<25600000xf32, #tpu.memory_space<hbm>> -> memref<25600xf32, #tpu.memory_space<hbm>>
      %dma_start3A_2614 = tpu.memref_slice %arg6[%mul3A_2610] : memref<25600000xf32, #tpu.memory_space<hbm>> -> memref<25600xf32, #tpu.memory_space<hbm>>
      %dma_start3A_2615 = arith.constant 0 : i32
      %dma_start3A_2616 = tpu.memref_slice %arg13[%dma_start3A_2615] : memref<51200xf32, #tpu.memory_space<vmem>> -> memref<25600xf32, #tpu.memory_space<vmem>>
      tpu.enqueue_dma source(%dma_start3A_2616 : memref<25600xf32, #tpu.memory_space<vmem>>) target(%dma_start3A_2614 : memref<25600xf32, #tpu.memory_space<hbm>>) target_semaphore(%arg17 : memref<!tpu.dma_semaphore, #tpu.memory_space<semaphore_mem>>)
      %mul3A_2617 = arith.constant 25600 : i32
      %mul3A_2618 = arith.muli %add3A_2608, %mul3A_2617 : i32
      %add3A_2619 = arith.constant 12800000 : i32
      %add3A_2620 = arith.addi %add3A_2619, %mul3A_2618 : i32
      %dma_start3A_2621 = arith.constant 25600 : i32
      %dma_start3A_2622 = tpu.memref_slice %arg13[%dma_start3A_2621] : memref<51200xf32, #tpu.memory_space<vmem>> -> memref<25600xf32, #tpu.memory_space<vmem>>
      %dma_start3A_2623 = tpu.memref_slice %arg6[%add3A_2620] : memref<25600000xf32, #tpu.memory_space<hbm>> -> memref<25600xf32, #tpu.memory_space<hbm>>
      %dma_start3A_2624 = tpu.memref_slice %arg6[%add3A_2620] : memref<25600000xf32, #tpu.memory_space<hbm>> -> memref<25600xf32, #tpu.memory_space<hbm>>
      %dma_start3A_2625 = arith.constant 25600 : i32
      %dma_start3A_2626 = tpu.memref_slice %arg13[%dma_start3A_2625] : memref<51200xf32, #tpu.memory_space<vmem>> -> memref<25600xf32, #tpu.memory_space<vmem>>
      tpu.enqueue_dma source(%dma_start3A_2626 : memref<25600xf32, #tpu.memory_space<vmem>>) target(%dma_start3A_2624 : memref<25600xf32, #tpu.memory_space<hbm>>) target_semaphore(%arg17 : memref<!tpu.dma_semaphore, #tpu.memory_space<semaphore_mem>>)
      %add3A_2627 = arith.constant 2 : i32
      %add3A_2628 = arith.addi %add3A_2595, %add3A_2627 : i32
      %lt3A_2629 = arith.cmpi slt, %add3A_2628, %select_n3A : i32
      %convert_element_type3A_2630 = arith.extui %lt3A_2629 : i1 to i32
      %cond3A_2631 = arith.constant 0 : i32
      %cond3A_2632 = arith.cmpi ne, %convert_element_type3A_2630, %cond3A_2631 : i32
      scf.if %cond3A_2632 {
        %add3A_2676 = arith.constant 2 : i32
        %add3A_2677 = arith.addi %add3A_2595, %add3A_2676 : i32
        %mul3A_2678 = arith.constant 32 : i32
        %mul3A_2679 = arith.muli %mul3A_2678, %add3A_2677 : i32
        %add3A_2680 = arith.addi %add3A, %mul3A_2679 : i32
        %mul3A_2681 = arith.constant 3200 : i32
        %mul3A_2682 = arith.muli %add3A_2680, %mul3A_2681 : i32
        %dma_start3A_2683 = tpu.memref_slice %arg2[%mul3A_2682] : memref<1600000xi32, #tpu.memory_space<hbm>> -> memref<3200xi32, #tpu.memory_space<hbm>>
        %dma_start3A_2684 = tpu.memref_slice %arg2[%mul3A_2682] : memref<1600000xi32, #tpu.memory_space<hbm>> -> memref<3200xi32, #tpu.memory_space<hbm>>
        tpu.enqueue_dma source(%dma_start3A_2684 : memref<3200xi32, #tpu.memory_space<hbm>>) target(%arg11 : memref<3200xi32, #tpu.memory_space<vmem>>) target_semaphore(%arg15 : memref<!tpu.dma_semaphore, #tpu.memory_space<semaphore_mem>>)
      } else {
      }
      %mul3A_2633 = arith.constant 2 : i32
      %mul3A_2634 = arith.muli %mul3A_2633, %while3A_2591 : i32
      %add3A_2635 = arith.constant 1 : i32
      %add3A_2636 = arith.addi %mul3A_2634, %add3A_2635 : i32
      %dma_wait3A_2637 = arith.constant 0 : i32
      %dma_wait3A_2638 = tpu.memref_slice %arg2[%dma_wait3A_2637] : memref<1600000xi32, #tpu.memory_space<hbm>> -> memref<3200xi32, #tpu.memory_space<hbm>>
      %dma_wait3A_2639 = arith.constant 0 : i32
      %dma_wait3A_2640 = tpu.memref_slice %arg2[%dma_wait3A_2639] : memref<1600000xi32, #tpu.memory_space<hbm>> -> memref<3200xi32, #tpu.memory_space<hbm>>
      tpu.wait_dma2 semaphore(%arg16 : memref<!tpu.dma_semaphore, #tpu.memory_space<semaphore_mem>>) src(%dma_wait3A_2640 : memref<3200xi32, #tpu.memory_space<hbm>>) dst(%arg12 : memref<3200xi32, #tpu.memory_space<vmem>>)
      %gt3A_2641 = arith.constant 1 : i32
      %gt3A_2642 = arith.cmpi sgt, %add3A_2636, %gt3A_2641 : i32
      %convert_element_type3A_2643 = arith.extui %gt3A_2642 : i1 to i32
      %cond3A_2644 = arith.constant 0 : i32
      %cond3A_2645 = arith.cmpi ne, %convert_element_type3A_2643, %cond3A_2644 : i32
      scf.if %cond3A_2645 {
        %dma_wait3A_2676 = arith.constant 0 : i32
        %dma_wait3A_2677 = tpu.memref_slice %arg6[%dma_wait3A_2676] : memref<25600000xf32, #tpu.memory_space<hbm>> -> memref<51200xf32, #tpu.memory_space<hbm>>
        %dma_wait3A_2678 = arith.constant 0 : i32
        %dma_wait3A_2679 = tpu.memref_slice %arg6[%dma_wait3A_2678] : memref<25600000xf32, #tpu.memory_space<hbm>> -> memref<51200xf32, #tpu.memory_space<hbm>>
        tpu.wait_dma2 semaphore(%arg18 : memref<!tpu.dma_semaphore, #tpu.memory_space<semaphore_mem>>) src(%arg14 : memref<51200xf32, #tpu.memory_space<vmem>>) dst(%dma_wait3A_2679 : memref<51200xf32, #tpu.memory_space<hbm>>)
      } else {
      }
      %parallel_loop3A_2646 = arith.constant 0 : i32
      %parallel_loop3A_2647 = arith.constant 200 : i32
      %parallel_loop3A_2648 = arith.constant 1 : i32
      scf.for %parallel_loop3A_2676 = %parallel_loop3A_2646 to %parallel_loop3A_2647 step %parallel_loop3A_2648  : i32 {
        %parallel_loop3A_2677 = arith.constant 16 : i32
        %parallel_loop3A_2678 = arith.muli %parallel_loop3A_2676, %parallel_loop3A_2677 : i32
        %parallel_loop3A_2679 = arith.index_cast %parallel_loop3A_2678 : i32 to index
        %parallel_loop3A_2680 = tpu.vector_load %arg12[%parallel_loop3A_2679] {strides = array<i32>} : memref<3200xi32, #tpu.memory_space<vmem>>, vector<16xi32>,
        %parallel_loop3A_2681 = arith.constant 3 : i32
        %parallel_loop3A_2682 = arith.shrsi %parallel_loop3A_2676, %parallel_loop3A_2681 : i32
        %parallel_loop3A_2683 = arith.constant 1024 : i32
        %parallel_loop3A_2684 = arith.muli %parallel_loop3A_2682, %parallel_loop3A_2683 : i32
        %parallel_loop3A_2685 = arith.constant 7 : i32
        %parallel_loop3A_2686 = arith.andi %parallel_loop3A_2676, %parallel_loop3A_2685 : i32
        %parallel_loop3A_2687 = arith.constant 16 : i32
        %parallel_loop3A_2688 = arith.muli %parallel_loop3A_2686, %parallel_loop3A_2687 : i32
        %parallel_loop3A_2689 = arith.addi %parallel_loop3A_2684, %parallel_loop3A_2688 : i32
        %parallel_loop3A_2690 = tpu.vector_load_idx %arg10[%broadcast_in_dim3A_2540, %parallel_loop3A_2680] : memref<16x16xf32, #tpu.memory_space<vmem>>[vector<16xi32>, vector<16xi32>], vector<16xf32>,
        %parallel_loop3A_2691 = arith.constant 0 : i32
        %parallel_loop3A_2692 = arith.addi %parallel_loop3A_2689, %parallel_loop3A_2691 : i32
        %parallel_loop3A_2693 = arith.index_cast %parallel_loop3A_2692 : i32 to index
        %parallel_loop3A_2694 = tpu.vector_load %arg14[%parallel_loop3A_2693] {strides = array<i32>} : memref<51200xf32, #tpu.memory_space<vmem>>, vector<16xf32>,
        tpu.vector_store %arg14[%parallel_loop3A_2693], %parallel_loop3A_2690 {strides = array<i32>} : memref<51200xf32, #tpu.memory_space<vmem>>, vector<16xf32>,
        %parallel_loop3A_2695 = tpu.vector_load_idx %arg10[%broadcast_in_dim3A_2542, %parallel_loop3A_2680] : memref<16x16xf32, #tpu.memory_space<vmem>>[vector<16xi32>, vector<16xi32>], vector<16xf32>,
        %parallel_loop3A_2696 = arith.constant 128 : i32
        %parallel_loop3A_2697 = arith.addi %parallel_loop3A_2689, %parallel_loop3A_2696 : i32
        %parallel_loop3A_2698 = arith.index_cast %parallel_loop3A_2697 : i32 to index
        %parallel_loop3A_2699 = tpu.vector_load %arg14[%parallel_loop3A_2698] {strides = array<i32>} : memref<51200xf32, #tpu.memory_space<vmem>>, vector<16xf32>,
        tpu.vector_store %arg14[%parallel_loop3A_2698], %parallel_loop3A_2695 {strides = array<i32>} : memref<51200xf32, #tpu.memory_space<vmem>>, vector<16xf32>,
        %parallel_loop3A_2700 = tpu.vector_load_idx %arg10[%broadcast_in_dim3A_2544, %parallel_loop3A_2680] : memref<16x16xf32, #tpu.memory_space<vmem>>[vector<16xi32>, vector<16xi32>], vector<16xf32>,
        %parallel_loop3A_2701 = arith.constant 256 : i32
        %parallel_loop3A_2702 = arith.addi %parallel_loop3A_2689, %parallel_loop3A_2701 : i32
        %parallel_loop3A_2703 = arith.index_cast %parallel_loop3A_2702 : i32 to index
        %parallel_loop3A_2704 = tpu.vector_load %arg14[%parallel_loop3A_2703] {strides = array<i32>} : memref<51200xf32, #tpu.memory_space<vmem>>, vector<16xf32>,
        tpu.vector_store %arg14[%parallel_loop3A_2703], %parallel_loop3A_2700 {strides = array<i32>} : memref<51200xf32, #tpu.memory_space<vmem>>, vector<16xf32>,
        %parallel_loop3A_2705 = tpu.vector_load_idx %arg10[%broadcast_in_dim3A_2546, %parallel_loop3A_2680] : memref<16x16xf32, #tpu.memory_space<vmem>>[vector<16xi32>, vector<16xi32>], vector<16xf32>,
        %parallel_loop3A_2706 = arith.constant 384 : i32
        %parallel_loop3A_2707 = arith.addi %parallel_loop3A_2689, %parallel_loop3A_2706 : i32
        %parallel_loop3A_2708 = arith.index_cast %parallel_loop3A_2707 : i32 to index
        %parallel_loop3A_2709 = tpu.vector_load %arg14[%parallel_loop3A_2708] {strides = array<i32>} : memref<51200xf32, #tpu.memory_space<vmem>>, vector<16xf32>,
        tpu.vector_store %arg14[%parallel_loop3A_2708], %parallel_loop3A_2705 {strides = array<i32>} : memref<51200xf32, #tpu.memory_space<vmem>>, vector<16xf32>,
        %parallel_loop3A_2710 = tpu.vector_load_idx %arg10[%broadcast_in_dim3A_2548, %parallel_loop3A_2680] : memref<16x16xf32, #tpu.memory_space<vmem>>[vector<16xi32>, vector<16xi32>], vector<16xf32>,
        %parallel_loop3A_2711 = arith.constant 512 : i32
        %parallel_loop3A_2712 = arith.addi %parallel_loop3A_2689, %parallel_loop3A_2711 : i32
        %parallel_loop3A_2713 = arith.index_cast %parallel_loop3A_2712 : i32 to index
        %parallel_loop3A_2714 = tpu.vector_load %arg14[%parallel_loop3A_2713] {strides = array<i32>} : memref<51200xf32, #tpu.memory_space<vmem>>, vector<16xf32>,
        tpu.vector_store %arg14[%parallel_loop3A_2713], %parallel_loop3A_2710 {strides = array<i32>} : memref<51200xf32, #tpu.memory_space<vmem>>, vector<16xf32>,
        %parallel_loop3A_2715 = tpu.vector_load_idx %arg10[%broadcast_in_dim3A_2550, %parallel_loop3A_2680] : memref<16x16xf32, #tpu.memory_space<vmem>>[vector<16xi32>, vector<16xi32>], vector<16xf32>,
        %parallel_loop3A_2716 = arith.constant 640 : i32
        %parallel_loop3A_2717 = arith.addi %parallel_loop3A_2689, %parallel_loop3A_2716 : i32
        %parallel_loop3A_2718 = arith.index_cast %parallel_loop3A_2717 : i32 to index
        %parallel_loop3A_2719 = tpu.vector_load %arg14[%parallel_loop3A_2718] {strides = array<i32>} : memref<51200xf32, #tpu.memory_space<vmem>>, vector<16xf32>,
        tpu.vector_store %arg14[%parallel_loop3A_2718], %parallel_loop3A_2715 {strides = array<i32>} : memref<51200xf32, #tpu.memory_space<vmem>>, vector<16xf32>,
        %parallel_loop3A_2720 = tpu.vector_load_idx %arg10[%broadcast_in_dim3A_2552, %parallel_loop3A_2680] : memref<16x16xf32, #tpu.memory_space<vmem>>[vector<16xi32>, vector<16xi32>], vector<16xf32>,
        %parallel_loop3A_2721 = arith.constant 768 : i32
        %parallel_loop3A_2722 = arith.addi %parallel_loop3A_2689, %parallel_loop3A_2721 : i32
        %parallel_loop3A_2723 = arith.index_cast %parallel_loop3A_2722 : i32 to index
        %parallel_loop3A_2724 = tpu.vector_load %arg14[%parallel_loop3A_2723] {strides = array<i32>} : memref<51200xf32, #tpu.memory_space<vmem>>, vector<16xf32>,
        tpu.vector_store %arg14[%parallel_loop3A_2723], %parallel_loop3A_2720 {strides = array<i32>} : memref<51200xf32, #tpu.memory_space<vmem>>, vector<16xf32>,
        %parallel_loop3A_2725 = tpu.vector_load_idx %arg10[%broadcast_in_dim3A_2554, %parallel_loop3A_2680] : memref<16x16xf32, #tpu.memory_space<vmem>>[vector<16xi32>, vector<16xi32>], vector<16xf32>,
        %parallel_loop3A_2726 = arith.constant 896 : i32
        %parallel_loop3A_2727 = arith.addi %parallel_loop3A_2689, %parallel_loop3A_2726 : i32
        %parallel_loop3A_2728 = arith.index_cast %parallel_loop3A_2727 : i32 to index
        %parallel_loop3A_2729 = tpu.vector_load %arg14[%parallel_loop3A_2728] {strides = array<i32>} : memref<51200xf32, #tpu.memory_space<vmem>>, vector<16xf32>,
        tpu.vector_store %arg14[%parallel_loop3A_2728], %parallel_loop3A_2725 {strides = array<i32>} : memref<51200xf32, #tpu.memory_space<vmem>>, vector<16xf32>,
        %parallel_loop3A_2730 = tpu.vector_load_idx %arg10[%broadcast_in_dim3A_2556, %parallel_loop3A_2680] : memref<16x16xf32, #tpu.memory_space<vmem>>[vector<16xi32>, vector<16xi32>], vector<16xf32>,
        %parallel_loop3A_2731 = arith.constant 25600 : i32
        %parallel_loop3A_2732 = arith.addi %parallel_loop3A_2689, %parallel_loop3A_2731 : i32
        %parallel_loop3A_2733 = arith.index_cast %parallel_loop3A_2732 : i32 to index
        %parallel_loop3A_2734 = tpu.vector_load %arg14[%parallel_loop3A_2733] {strides = array<i32>} : memref<51200xf32, #tpu.memory_space<vmem>>, vector<16xf32>,
        tpu.vector_store %arg14[%parallel_loop3A_2733], %parallel_loop3A_2730 {strides = array<i32>} : memref<51200xf32, #tpu.memory_space<vmem>>, vector<16xf32>,
        %parallel_loop3A_2735 = tpu.vector_load_idx %arg10[%broadcast_in_dim3A_2558, %parallel_loop3A_2680] : memref<16x16xf32, #tpu.memory_space<vmem>>[vector<16xi32>, vector<16xi32>], vector<16xf32>,
        %parallel_loop3A_2736 = arith.constant 25728 : i32
        %parallel_loop3A_2737 = arith.addi %parallel_loop3A_2689, %parallel_loop3A_2736 : i32
        %parallel_loop3A_2738 = arith.index_cast %parallel_loop3A_2737 : i32 to index
        %parallel_loop3A_2739 = tpu.vector_load %arg14[%parallel_loop3A_2738] {strides = array<i32>} : memref<51200xf32, #tpu.memory_space<vmem>>, vector<16xf32>,
        tpu.vector_store %arg14[%parallel_loop3A_2738], %parallel_loop3A_2735 {strides = array<i32>} : memref<51200xf32, #tpu.memory_space<vmem>>, vector<16xf32>,
        %parallel_loop3A_2740 = tpu.vector_load_idx %arg10[%broadcast_in_dim3A_2560, %parallel_loop3A_2680] : memref<16x16xf32, #tpu.memory_space<vmem>>[vector<16xi32>, vector<16xi32>], vector<16xf32>,
        %parallel_loop3A_2741 = arith.constant 25856 : i32
        %parallel_loop3A_2742 = arith.addi %parallel_loop3A_2689, %parallel_loop3A_2741 : i32
        %parallel_loop3A_2743 = arith.index_cast %parallel_loop3A_2742 : i32 to index
        %parallel_loop3A_2744 = tpu.vector_load %arg14[%parallel_loop3A_2743] {strides = array<i32>} : memref<51200xf32, #tpu.memory_space<vmem>>, vector<16xf32>,
        tpu.vector_store %arg14[%parallel_loop3A_2743], %parallel_loop3A_2740 {strides = array<i32>} : memref<51200xf32, #tpu.memory_space<vmem>>, vector<16xf32>,
        %parallel_loop3A_2745 = tpu.vector_load_idx %arg10[%broadcast_in_dim3A_2562, %parallel_loop3A_2680] : memref<16x16xf32, #tpu.memory_space<vmem>>[vector<16xi32>, vector<16xi32>], vector<16xf32>,
        %parallel_loop3A_2746 = arith.constant 25984 : i32
        %parallel_loop3A_2747 = arith.addi %parallel_loop3A_2689, %parallel_loop3A_2746 : i32
        %parallel_loop3A_2748 = arith.index_cast %parallel_loop3A_2747 : i32 to index
        %parallel_loop3A_2749 = tpu.vector_load %arg14[%parallel_loop3A_2748] {strides = array<i32>} : memref<51200xf32, #tpu.memory_space<vmem>>, vector<16xf32>,
        tpu.vector_store %arg14[%parallel_loop3A_2748], %parallel_loop3A_2745 {strides = array<i32>} : memref<51200xf32, #tpu.memory_space<vmem>>, vector<16xf32>,
        %parallel_loop3A_2750 = tpu.vector_load_idx %arg10[%broadcast_in_dim3A_2564, %parallel_loop3A_2680] : memref<16x16xf32, #tpu.memory_space<vmem>>[vector<16xi32>, vector<16xi32>], vector<16xf32>,
        %parallel_loop3A_2751 = arith.constant 26112 : i32
        %parallel_loop3A_2752 = arith.addi %parallel_loop3A_2689, %parallel_loop3A_2751 : i32
        %parallel_loop3A_2753 = arith.index_cast %parallel_loop3A_2752 : i32 to index
        %parallel_loop3A_2754 = tpu.vector_load %arg14[%parallel_loop3A_2753] {strides = array<i32>} : memref<51200xf32, #tpu.memory_space<vmem>>, vector<16xf32>,
        tpu.vector_store %arg14[%parallel_loop3A_2753], %parallel_loop3A_2750 {strides = array<i32>} : memref<51200xf32, #tpu.memory_space<vmem>>, vector<16xf32>,
        %parallel_loop3A_2755 = tpu.vector_load_idx %arg10[%broadcast_in_dim3A_2566, %parallel_loop3A_2680] : memref<16x16xf32, #tpu.memory_space<vmem>>[vector<16xi32>, vector<16xi32>], vector<16xf32>,
        %parallel_loop3A_2756 = arith.constant 26240 : i32
        %parallel_loop3A_2757 = arith.addi %parallel_loop3A_2689, %parallel_loop3A_2756 : i32
        %parallel_loop3A_2758 = arith.index_cast %parallel_loop3A_2757 : i32 to index
        %parallel_loop3A_2759 = tpu.vector_load %arg14[%parallel_loop3A_2758] {strides = array<i32>} : memref<51200xf32, #tpu.memory_space<vmem>>, vector<16xf32>,
        tpu.vector_store %arg14[%parallel_loop3A_2758], %parallel_loop3A_2755 {strides = array<i32>} : memref<51200xf32, #tpu.memory_space<vmem>>, vector<16xf32>,
        %parallel_loop3A_2760 = tpu.vector_load_idx %arg10[%broadcast_in_dim3A_2568, %parallel_loop3A_2680] : memref<16x16xf32, #tpu.memory_space<vmem>>[vector<16xi32>, vector<16xi32>], vector<16xf32>,
        %parallel_loop3A_2761 = arith.constant 26368 : i32
        %parallel_loop3A_2762 = arith.addi %parallel_loop3A_2689, %parallel_loop3A_2761 : i32
        %parallel_loop3A_2763 = arith.index_cast %parallel_loop3A_2762 : i32 to index
        %parallel_loop3A_2764 = tpu.vector_load %arg14[%parallel_loop3A_2763] {strides = array<i32>} : memref<51200xf32, #tpu.memory_space<vmem>>, vector<16xf32>,
        tpu.vector_store %arg14[%parallel_loop3A_2763], %parallel_loop3A_2760 {strides = array<i32>} : memref<51200xf32, #tpu.memory_space<vmem>>, vector<16xf32>,
        %parallel_loop3A_2765 = tpu.vector_load_idx %arg10[%broadcast_in_dim3A_2570, %parallel_loop3A_2680] : memref<16x16xf32, #tpu.memory_space<vmem>>[vector<16xi32>, vector<16xi32>], vector<16xf32>,
        %parallel_loop3A_2766 = arith.constant 26496 : i32
        %parallel_loop3A_2767 = arith.addi %parallel_loop3A_2689, %parallel_loop3A_2766 : i32
        %parallel_loop3A_2768 = arith.index_cast %parallel_loop3A_2767 : i32 to index
        %parallel_loop3A_2769 = tpu.vector_load %arg14[%parallel_loop3A_2768] {strides = array<i32>} : memref<51200xf32, #tpu.memory_space<vmem>>, vector<16xf32>,
        tpu.vector_store %arg14[%parallel_loop3A_2768], %parallel_loop3A_2765 {strides = array<i32>} : memref<51200xf32, #tpu.memory_space<vmem>>, vector<16xf32>,
      } {sc.loop_unroll_factor = 4 : i64, sc.parallel_access}
      %mul3A_2649 = arith.constant 32 : i32
      %mul3A_2650 = arith.muli %mul3A_2649, %add3A_2636 : i32
      %add3A_2651 = arith.addi %add3A, %mul3A_2650 : i32
      %mul3A_2652 = arith.constant 25600 : i32
      %mul3A_2653 = arith.muli %add3A_2651, %mul3A_2652 : i32
      %dma_start3A_2654 = arith.constant 0 : i32
      %dma_start3A_2655 = tpu.memref_slice %arg14[%dma_start3A_2654] : memref<51200xf32, #tpu.memory_space<vmem>> -> memref<25600xf32, #tpu.memory_space<vmem>>
      %dma_start3A_2656 = tpu.memref_slice %arg6[%mul3A_2653] : memref<25600000xf32, #tpu.memory_space<hbm>> -> memref<25600xf32, #tpu.memory_space<hbm>>
      %dma_start3A_2657 = tpu.memref_slice %arg6[%mul3A_2653] : memref<25600000xf32, #tpu.memory_space<hbm>> -> memref<25600xf32, #tpu.memory_space<hbm>>
      %dma_start3A_2658 = arith.constant 0 : i32
      %dma_start3A_2659 = tpu.memref_slice %arg14[%dma_start3A_2658] : memref<51200xf32, #tpu.memory_space<vmem>> -> memref<25600xf32, #tpu.memory_space<vmem>>
      tpu.enqueue_dma source(%dma_start3A_2659 : memref<25600xf32, #tpu.memory_space<vmem>>) target(%dma_start3A_2657 : memref<25600xf32, #tpu.memory_space<hbm>>) target_semaphore(%arg18 : memref<!tpu.dma_semaphore, #tpu.memory_space<semaphore_mem>>)
      %mul3A_2660 = arith.constant 25600 : i32
      %mul3A_2661 = arith.muli %add3A_2651, %mul3A_2660 : i32
      %add3A_2662 = arith.constant 12800000 : i32
      %add3A_2663 = arith.addi %add3A_2662, %mul3A_2661 : i32
      %dma_start3A_2664 = arith.constant 25600 : i32
      %dma_start3A_2665 = tpu.memref_slice %arg14[%dma_start3A_2664] : memref<51200xf32, #tpu.memory_space<vmem>> -> memref<25600xf32, #tpu.memory_space<vmem>>
      %dma_start3A_2666 = tpu.memref_slice %arg6[%add3A_2663] : memref<25600000xf32, #tpu.memory_space<hbm>> -> memref<25600xf32, #tpu.memory_space<hbm>>
      %dma_start3A_2667 = tpu.memref_slice %arg6[%add3A_2663] : memref<25600000xf32, #tpu.memory_space<hbm>> -> memref<25600xf32, #tpu.memory_space<hbm>>
      %dma_start3A_2668 = arith.constant 25600 : i32
      %dma_start3A_2669 = tpu.memref_slice %arg14[%dma_start3A_2668] : memref<51200xf32, #tpu.memory_space<vmem>> -> memref<25600xf32, #tpu.memory_space<vmem>>
      tpu.enqueue_dma source(%dma_start3A_2669 : memref<25600xf32, #tpu.memory_space<vmem>>) target(%dma_start3A_2667 : memref<25600xf32, #tpu.memory_space<hbm>>) target_semaphore(%arg18 : memref<!tpu.dma_semaphore, #tpu.memory_space<semaphore_mem>>)
      %add3A_2670 = arith.constant 2 : i32
      %add3A_2671 = arith.addi %add3A_2636, %add3A_2670 : i32
      %lt3A_2672 = arith.cmpi slt, %add3A_2671, %select_n3A : i32
      %convert_element_type3A_2673 = arith.extui %lt3A_2672 : i1 to i32
      %cond3A_2674 = arith.constant 0 : i32
      %cond3A_2675 = arith.cmpi ne, %convert_element_type3A_2673, %cond3A_2674 : i32
      scf.if %cond3A_2675 {
        %add3A_2676 = arith.constant 2 : i32
        %add3A_2677 = arith.addi %add3A_2636, %add3A_2676 : i32
        %mul3A_2678 = arith.constant 32 : i32
        %mul3A_2679 = arith.muli %mul3A_2678, %add3A_2677 : i32
        %add3A_2680 = arith.addi %add3A, %mul3A_2679 : i32
        %mul3A_2681 = arith.constant 3200 : i32
        %mul3A_2682 = arith.muli %add3A_2680, %mul3A_2681 : i32
        %dma_start3A_2683 = tpu.memref_slice %arg2[%mul3A_2682] : memref<1600000xi32, #tpu.memory_space<hbm>> -> memref<3200xi32, #tpu.memory_space<hbm>>
        %dma_start3A_2684 = tpu.memref_slice %arg2[%mul3A_2682] : memref<1600000xi32, #tpu.memory_space<hbm>> -> memref<3200xi32, #tpu.memory_space<hbm>>
        tpu.enqueue_dma source(%dma_start3A_2684 : memref<3200xi32, #tpu.memory_space<hbm>>) target(%arg12 : memref<3200xi32, #tpu.memory_space<vmem>>) target_semaphore(%arg16 : memref<!tpu.dma_semaphore, #tpu.memory_space<semaphore_mem>>)
      } else {
      }
    }
    %and3A = arith.constant 1 : i32
    %and3A_2581 = arith.andi %select_n3A, %and3A : i32
    %eq3A = arith.constant 1 : i32
    %eq3A_2582 = arith.cmpi eq, %and3A_2581, %eq3A : i32
    %convert_element_type3A = arith.extui %eq3A_2582 : i1 to i32
    %cond3A = arith.constant 0 : i32
    %cond3A_2583 = arith.cmpi ne, %convert_element_type3A, %cond3A : i32
    scf.if %cond3A_2583 {
      %sub3A = arith.constant 1 : i32
      %sub3A_2591 = arith.subi %select_n3A, %sub3A : i32
      %dma_wait3A_2592 = arith.constant 0 : i32
      %dma_wait3A_2593 = tpu.memref_slice %arg2[%dma_wait3A_2592] : memref<1600000xi32, #tpu.memory_space<hbm>> -> memref<3200xi32, #tpu.memory_space<hbm>>
      %dma_wait3A_2594 = arith.constant 0 : i32
      %dma_wait3A_2595 = tpu.memref_slice %arg2[%dma_wait3A_2594] : memref<1600000xi32, #tpu.memory_space<hbm>> -> memref<3200xi32, #tpu.memory_space<hbm>>
      tpu.wait_dma2 semaphore(%arg15 : memref<!tpu.dma_semaphore, #tpu.memory_space<semaphore_mem>>) src(%dma_wait3A_2595 : memref<3200xi32, #tpu.memory_space<hbm>>) dst(%arg11 : memref<3200xi32, #tpu.memory_space<vmem>>)
      %gt3A = arith.constant 1 : i32
      %gt3A_2596 = arith.cmpi sgt, %sub3A_2591, %gt3A : i32
      %convert_element_type3A_2597 = arith.extui %gt3A_2596 : i1 to i32
      %cond3A_2598 = arith.constant 0 : i32
      %cond3A_2599 = arith.cmpi ne, %convert_element_type3A_2597, %cond3A_2598 : i32
      scf.if %cond3A_2599 {
        %dma_wait3A_2629 = arith.constant 0 : i32
        %dma_wait3A_2630 = tpu.memref_slice %arg6[%dma_wait3A_2629] : memref<25600000xf32, #tpu.memory_space<hbm>> -> memref<51200xf32, #tpu.memory_space<hbm>>
        %dma_wait3A_2631 = arith.constant 0 : i32
        %dma_wait3A_2632 = tpu.memref_slice %arg6[%dma_wait3A_2631] : memref<25600000xf32, #tpu.memory_space<hbm>> -> memref<51200xf32, #tpu.memory_space<hbm>>
        tpu.wait_dma2 semaphore(%arg17 : memref<!tpu.dma_semaphore, #tpu.memory_space<semaphore_mem>>) src(%arg13 : memref<51200xf32, #tpu.memory_space<vmem>>) dst(%dma_wait3A_2632 : memref<51200xf32, #tpu.memory_space<hbm>>)
      } else {
      }
      %parallel_loop3A = arith.constant 0 : i32
      %parallel_loop3A_2600 = arith.constant 200 : i32
      %parallel_loop3A_2601 = arith.constant 1 : i32
      scf.for %parallel_loop3A_2629 = %parallel_loop3A to %parallel_loop3A_2600 step %parallel_loop3A_2601  : i32 {
        %parallel_loop3A_2630 = arith.constant 16 : i32
        %parallel_loop3A_2631 = arith.muli %parallel_loop3A_2629, %parallel_loop3A_2630 : i32
        %parallel_loop3A_2632 = arith.index_cast %parallel_loop3A_2631 : i32 to index
        %parallel_loop3A_2633 = tpu.vector_load %arg11[%parallel_loop3A_2632] {strides = array<i32>} : memref<3200xi32, #tpu.memory_space<vmem>>, vector<16xi32>,
        %parallel_loop3A_2634 = arith.constant 3 : i32
        %parallel_loop3A_2635 = arith.shrsi %parallel_loop3A_2629, %parallel_loop3A_2634 : i32
        %parallel_loop3A_2636 = arith.constant 1024 : i32
        %parallel_loop3A_2637 = arith.muli %parallel_loop3A_2635, %parallel_loop3A_2636 : i32
        %parallel_loop3A_2638 = arith.constant 7 : i32
        %parallel_loop3A_2639 = arith.andi %parallel_loop3A_2629, %parallel_loop3A_2638 : i32
        %parallel_loop3A_2640 = arith.constant 16 : i32
        %parallel_loop3A_2641 = arith.muli %parallel_loop3A_2639, %parallel_loop3A_2640 : i32
        %parallel_loop3A_2642 = arith.addi %parallel_loop3A_2637, %parallel_loop3A_2641 : i32
        %parallel_loop3A_2643 = tpu.vector_load_idx %arg10[%broadcast_in_dim3A_2540, %parallel_loop3A_2633] : memref<16x16xf32, #tpu.memory_space<vmem>>[vector<16xi32>, vector<16xi32>], vector<16xf32>,
        %parallel_loop3A_2644 = arith.constant 0 : i32
        %parallel_loop3A_2645 = arith.addi %parallel_loop3A_2642, %parallel_loop3A_2644 : i32
        %parallel_loop3A_2646 = arith.index_cast %parallel_loop3A_2645 : i32 to index
        %parallel_loop3A_2647 = tpu.vector_load %arg13[%parallel_loop3A_2646] {strides = array<i32>} : memref<51200xf32, #tpu.memory_space<vmem>>, vector<16xf32>,
        tpu.vector_store %arg13[%parallel_loop3A_2646], %parallel_loop3A_2643 {strides = array<i32>} : memref<51200xf32, #tpu.memory_space<vmem>>, vector<16xf32>,
        %parallel_loop3A_2648 = tpu.vector_load_idx %arg10[%broadcast_in_dim3A_2542, %parallel_loop3A_2633] : memref<16x16xf32, #tpu.memory_space<vmem>>[vector<16xi32>, vector<16xi32>], vector<16xf32>,
        %parallel_loop3A_2649 = arith.constant 128 : i32
        %parallel_loop3A_2650 = arith.addi %parallel_loop3A_2642, %parallel_loop3A_2649 : i32
        %parallel_loop3A_2651 = arith.index_cast %parallel_loop3A_2650 : i32 to index
        %parallel_loop3A_2652 = tpu.vector_load %arg13[%parallel_loop3A_2651] {strides = array<i32>} : memref<51200xf32, #tpu.memory_space<vmem>>, vector<16xf32>,
        tpu.vector_store %arg13[%parallel_loop3A_2651], %parallel_loop3A_2648 {strides = array<i32>} : memref<51200xf32, #tpu.memory_space<vmem>>, vector<16xf32>,
        %parallel_loop3A_2653 = tpu.vector_load_idx %arg10[%broadcast_in_dim3A_2544, %parallel_loop3A_2633] : memref<16x16xf32, #tpu.memory_space<vmem>>[vector<16xi32>, vector<16xi32>], vector<16xf32>,
        %parallel_loop3A_2654 = arith.constant 256 : i32
        %parallel_loop3A_2655 = arith.addi %parallel_loop3A_2642, %parallel_loop3A_2654 : i32
        %parallel_loop3A_2656 = arith.index_cast %parallel_loop3A_2655 : i32 to index
        %parallel_loop3A_2657 = tpu.vector_load %arg13[%parallel_loop3A_2656] {strides = array<i32>} : memref<51200xf32, #tpu.memory_space<vmem>>, vector<16xf32>,
        tpu.vector_store %arg13[%parallel_loop3A_2656], %parallel_loop3A_2653 {strides = array<i32>} : memref<51200xf32, #tpu.memory_space<vmem>>, vector<16xf32>,
        %parallel_loop3A_2658 = tpu.vector_load_idx %arg10[%broadcast_in_dim3A_2546, %parallel_loop3A_2633] : memref<16x16xf32, #tpu.memory_space<vmem>>[vector<16xi32>, vector<16xi32>], vector<16xf32>,
        %parallel_loop3A_2659 = arith.constant 384 : i32
        %parallel_loop3A_2660 = arith.addi %parallel_loop3A_2642, %parallel_loop3A_2659 : i32
        %parallel_loop3A_2661 = arith.index_cast %parallel_loop3A_2660 : i32 to index
        %parallel_loop3A_2662 = tpu.vector_load %arg13[%parallel_loop3A_2661] {strides = array<i32>} : memref<51200xf32, #tpu.memory_space<vmem>>, vector<16xf32>,
        tpu.vector_store %arg13[%parallel_loop3A_2661], %parallel_loop3A_2658 {strides = array<i32>} : memref<51200xf32, #tpu.memory_space<vmem>>, vector<16xf32>,
        %parallel_loop3A_2663 = tpu.vector_load_idx %arg10[%broadcast_in_dim3A_2548, %parallel_loop3A_2633] : memref<16x16xf32, #tpu.memory_space<vmem>>[vector<16xi32>, vector<16xi32>], vector<16xf32>,
        %parallel_loop3A_2664 = arith.constant 512 : i32
        %parallel_loop3A_2665 = arith.addi %parallel_loop3A_2642, %parallel_loop3A_2664 : i32
        %parallel_loop3A_2666 = arith.index_cast %parallel_loop3A_2665 : i32 to index
        %parallel_loop3A_2667 = tpu.vector_load %arg13[%parallel_loop3A_2666] {strides = array<i32>} : memref<51200xf32, #tpu.memory_space<vmem>>, vector<16xf32>,
        tpu.vector_store %arg13[%parallel_loop3A_2666], %parallel_loop3A_2663 {strides = array<i32>} : memref<51200xf32, #tpu.memory_space<vmem>>, vector<16xf32>,
        %parallel_loop3A_2668 = tpu.vector_load_idx %arg10[%broadcast_in_dim3A_2550, %parallel_loop3A_2633] : memref<16x16xf32, #tpu.memory_space<vmem>>[vector<16xi32>, vector<16xi32>], vector<16xf32>,
        %parallel_loop3A_2669 = arith.constant 640 : i32
        %parallel_loop3A_2670 = arith.addi %parallel_loop3A_2642, %parallel_loop3A_2669 : i32
        %parallel_loop3A_2671 = arith.index_cast %parallel_loop3A_2670 : i32 to index
        %parallel_loop3A_2672 = tpu.vector_load %arg13[%parallel_loop3A_2671] {strides = array<i32>} : memref<51200xf32, #tpu.memory_space<vmem>>, vector<16xf32>,
        tpu.vector_store %arg13[%parallel_loop3A_2671], %parallel_loop3A_2668 {strides = array<i32>} : memref<51200xf32, #tpu.memory_space<vmem>>, vector<16xf32>,
        %parallel_loop3A_2673 = tpu.vector_load_idx %arg10[%broadcast_in_dim3A_2552, %parallel_loop3A_2633] : memref<16x16xf32, #tpu.memory_space<vmem>>[vector<16xi32>, vector<16xi32>], vector<16xf32>,
        %parallel_loop3A_2674 = arith.constant 768 : i32
        %parallel_loop3A_2675 = arith.addi %parallel_loop3A_2642, %parallel_loop3A_2674 : i32
        %parallel_loop3A_2676 = arith.index_cast %parallel_loop3A_2675 : i32 to index
        %parallel_loop3A_2677 = tpu.vector_load %arg13[%parallel_loop3A_2676] {strides = array<i32>} : memref<51200xf32, #tpu.memory_space<vmem>>, vector<16xf32>,
        tpu.vector_store %arg13[%parallel_loop3A_2676], %parallel_loop3A_2673 {strides = array<i32>} : memref<51200xf32, #tpu.memory_space<vmem>>, vector<16xf32>,
        %parallel_loop3A_2678 = tpu.vector_load_idx %arg10[%broadcast_in_dim3A_2554, %parallel_loop3A_2633] : memref<16x16xf32, #tpu.memory_space<vmem>>[vector<16xi32>, vector<16xi32>], vector<16xf32>,
        %parallel_loop3A_2679 = arith.constant 896 : i32
        %parallel_loop3A_2680 = arith.addi %parallel_loop3A_2642, %parallel_loop3A_2679 : i32
        %parallel_loop3A_2681 = arith.index_cast %parallel_loop3A_2680 : i32 to index
        %parallel_loop3A_2682 = tpu.vector_load %arg13[%parallel_loop3A_2681] {strides = array<i32>} : memref<51200xf32, #tpu.memory_space<vmem>>, vector<16xf32>,
        tpu.vector_store %arg13[%parallel_loop3A_2681], %parallel_loop3A_2678 {strides = array<i32>} : memref<51200xf32, #tpu.memory_space<vmem>>, vector<16xf32>,
        %parallel_loop3A_2683 = tpu.vector_load_idx %arg10[%broadcast_in_dim3A_2556, %parallel_loop3A_2633] : memref<16x16xf32, #tpu.memory_space<vmem>>[vector<16xi32>, vector<16xi32>], vector<16xf32>,
        %parallel_loop3A_2684 = arith.constant 25600 : i32
        %parallel_loop3A_2685 = arith.addi %parallel_loop3A_2642, %parallel_loop3A_2684 : i32
        %parallel_loop3A_2686 = arith.index_cast %parallel_loop3A_2685 : i32 to index
        %parallel_loop3A_2687 = tpu.vector_load %arg13[%parallel_loop3A_2686] {strides = array<i32>} : memref<51200xf32, #tpu.memory_space<vmem>>, vector<16xf32>,
        tpu.vector_store %arg13[%parallel_loop3A_2686], %parallel_loop3A_2683 {strides = array<i32>} : memref<51200xf32, #tpu.memory_space<vmem>>, vector<16xf32>,
        %parallel_loop3A_2688 = tpu.vector_load_idx %arg10[%broadcast_in_dim3A_2558, %parallel_loop3A_2633] : memref<16x16xf32, #tpu.memory_space<vmem>>[vector<16xi32>, vector<16xi32>], vector<16xf32>,
        %parallel_loop3A_2689 = arith.constant 25728 : i32
        %parallel_loop3A_2690 = arith.addi %parallel_loop3A_2642, %parallel_loop3A_2689 : i32
        %parallel_loop3A_2691 = arith.index_cast %parallel_loop3A_2690 : i32 to index
        %parallel_loop3A_2692 = tpu.vector_load %arg13[%parallel_loop3A_2691] {strides = array<i32>} : memref<51200xf32, #tpu.memory_space<vmem>>, vector<16xf32>,
        tpu.vector_store %arg13[%parallel_loop3A_2691], %parallel_loop3A_2688 {strides = array<i32>} : memref<51200xf32, #tpu.memory_space<vmem>>, vector<16xf32>,
        %parallel_loop3A_2693 = tpu.vector_load_idx %arg10[%broadcast_in_dim3A_2560, %parallel_loop3A_2633] : memref<16x16xf32, #tpu.memory_space<vmem>>[vector<16xi32>, vector<16xi32>], vector<16xf32>,
        %parallel_loop3A_2694 = arith.constant 25856 : i32
        %parallel_loop3A_2695 = arith.addi %parallel_loop3A_2642, %parallel_loop3A_2694 : i32
        %parallel_loop3A_2696 = arith.index_cast %parallel_loop3A_2695 : i32 to index
        %parallel_loop3A_2697 = tpu.vector_load %arg13[%parallel_loop3A_2696] {strides = array<i32>} : memref<51200xf32, #tpu.memory_space<vmem>>, vector<16xf32>,
        tpu.vector_store %arg13[%parallel_loop3A_2696], %parallel_loop3A_2693 {strides = array<i32>} : memref<51200xf32, #tpu.memory_space<vmem>>, vector<16xf32>,
        %parallel_loop3A_2698 = tpu.vector_load_idx %arg10[%broadcast_in_dim3A_2562, %parallel_loop3A_2633] : memref<16x16xf32, #tpu.memory_space<vmem>>[vector<16xi32>, vector<16xi32>], vector<16xf32>,
        %parallel_loop3A_2699 = arith.constant 25984 : i32
        %parallel_loop3A_2700 = arith.addi %parallel_loop3A_2642, %parallel_loop3A_2699 : i32
        %parallel_loop3A_2701 = arith.index_cast %parallel_loop3A_2700 : i32 to index
        %parallel_loop3A_2702 = tpu.vector_load %arg13[%parallel_loop3A_2701] {strides = array<i32>} : memref<51200xf32, #tpu.memory_space<vmem>>, vector<16xf32>,
        tpu.vector_store %arg13[%parallel_loop3A_2701], %parallel_loop3A_2698 {strides = array<i32>} : memref<51200xf32, #tpu.memory_space<vmem>>, vector<16xf32>,
        %parallel_loop3A_2703 = tpu.vector_load_idx %arg10[%broadcast_in_dim3A_2564, %parallel_loop3A_2633] : memref<16x16xf32, #tpu.memory_space<vmem>>[vector<16xi32>, vector<16xi32>], vector<16xf32>,
        %parallel_loop3A_2704 = arith.constant 26112 : i32
        %parallel_loop3A_2705 = arith.addi %parallel_loop3A_2642, %parallel_loop3A_2704 : i32
        %parallel_loop3A_2706 = arith.index_cast %parallel_loop3A_2705 : i32 to index
        %parallel_loop3A_2707 = tpu.vector_load %arg13[%parallel_loop3A_2706] {strides = array<i32>} : memref<51200xf32, #tpu.memory_space<vmem>>, vector<16xf32>,
        tpu.vector_store %arg13[%parallel_loop3A_2706], %parallel_loop3A_2703 {strides = array<i32>} : memref<51200xf32, #tpu.memory_space<vmem>>, vector<16xf32>,
        %parallel_loop3A_2708 = tpu.vector_load_idx %arg10[%broadcast_in_dim3A_2566, %parallel_loop3A_2633] : memref<16x16xf32, #tpu.memory_space<vmem>>[vector<16xi32>, vector<16xi32>], vector<16xf32>,
        %parallel_loop3A_2709 = arith.constant 26240 : i32
        %parallel_loop3A_2710 = arith.addi %parallel_loop3A_2642, %parallel_loop3A_2709 : i32
        %parallel_loop3A_2711 = arith.index_cast %parallel_loop3A_2710 : i32 to index
        %parallel_loop3A_2712 = tpu.vector_load %arg13[%parallel_loop3A_2711] {strides = array<i32>} : memref<51200xf32, #tpu.memory_space<vmem>>, vector<16xf32>,
        tpu.vector_store %arg13[%parallel_loop3A_2711], %parallel_loop3A_2708 {strides = array<i32>} : memref<51200xf32, #tpu.memory_space<vmem>>, vector<16xf32>,
        %parallel_loop3A_2713 = tpu.vector_load_idx %arg10[%broadcast_in_dim3A_2568, %parallel_loop3A_2633] : memref<16x16xf32, #tpu.memory_space<vmem>>[vector<16xi32>, vector<16xi32>], vector<16xf32>,
        %parallel_loop3A_2714 = arith.constant 26368 : i32
        %parallel_loop3A_2715 = arith.addi %parallel_loop3A_2642, %parallel_loop3A_2714 : i32
        %parallel_loop3A_2716 = arith.index_cast %parallel_loop3A_2715 : i32 to index
        %parallel_loop3A_2717 = tpu.vector_load %arg13[%parallel_loop3A_2716] {strides = array<i32>} : memref<51200xf32, #tpu.memory_space<vmem>>, vector<16xf32>,
        tpu.vector_store %arg13[%parallel_loop3A_2716], %parallel_loop3A_2713 {strides = array<i32>} : memref<51200xf32, #tpu.memory_space<vmem>>, vector<16xf32>,
        %parallel_loop3A_2718 = tpu.vector_load_idx %arg10[%broadcast_in_dim3A_2570, %parallel_loop3A_2633] : memref<16x16xf32, #tpu.memory_space<vmem>>[vector<16xi32>, vector<16xi32>], vector<16xf32>,
        %parallel_loop3A_2719 = arith.constant 26496 : i32
        %parallel_loop3A_2720 = arith.addi %parallel_loop3A_2642, %parallel_loop3A_2719 : i32
        %parallel_loop3A_2721 = arith.index_cast %parallel_loop3A_2720 : i32 to index
        %parallel_loop3A_2722 = tpu.vector_load %arg13[%parallel_loop3A_2721] {strides = array<i32>} : memref<51200xf32, #tpu.memory_space<vmem>>, vector<16xf32>,
        tpu.vector_store %arg13[%parallel_loop3A_2721], %parallel_loop3A_2718 {strides = array<i32>} : memref<51200xf32, #tpu.memory_space<vmem>>, vector<16xf32>,
      } {sc.loop_unroll_factor = 4 : i64, sc.parallel_access}
      %mul3A_2602 = arith.constant 32 : i32
      %mul3A_2603 = arith.muli %mul3A_2602, %sub3A_2591 : i32
      %add3A_2604 = arith.addi %add3A, %mul3A_2603 : i32
      %mul3A_2605 = arith.constant 25600 : i32
      %mul3A_2606 = arith.muli %add3A_2604, %mul3A_2605 : i32
      %dma_start3A_2607 = arith.constant 0 : i32
      %dma_start3A_2608 = tpu.memref_slice %arg13[%dma_start3A_2607] : memref<51200xf32, #tpu.memory_space<vmem>> -> memref<25600xf32, #tpu.memory_space<vmem>>
      %dma_start3A_2609 = tpu.memref_slice %arg6[%mul3A_2606] : memref<25600000xf32, #tpu.memory_space<hbm>> -> memref<25600xf32, #tpu.memory_space<hbm>>
      %dma_start3A_2610 = tpu.memref_slice %arg6[%mul3A_2606] : memref<25600000xf32, #tpu.memory_space<hbm>> -> memref<25600xf32, #tpu.memory_space<hbm>>
      %dma_start3A_2611 = arith.constant 0 : i32
      %dma_start3A_2612 = tpu.memref_slice %arg13[%dma_start3A_2611] : memref<51200xf32, #tpu.memory_space<vmem>> -> memref<25600xf32, #tpu.memory_space<vmem>>
      tpu.enqueue_dma source(%dma_start3A_2612 : memref<25600xf32, #tpu.memory_space<vmem>>) target(%dma_start3A_2610 : memref<25600xf32, #tpu.memory_space<hbm>>) target_semaphore(%arg17 : memref<!tpu.dma_semaphore, #tpu.memory_space<semaphore_mem>>)
      %mul3A_2613 = arith.constant 25600 : i32
      %mul3A_2614 = arith.muli %add3A_2604, %mul3A_2613 : i32
      %add3A_2615 = arith.constant 12800000 : i32
      %add3A_2616 = arith.addi %add3A_2615, %mul3A_2614 : i32
      %dma_start3A_2617 = arith.constant 25600 : i32
      %dma_start3A_2618 = tpu.memref_slice %arg13[%dma_start3A_2617] : memref<51200xf32, #tpu.memory_space<vmem>> -> memref<25600xf32, #tpu.memory_space<vmem>>
      %dma_start3A_2619 = tpu.memref_slice %arg6[%add3A_2616] : memref<25600000xf32, #tpu.memory_space<hbm>> -> memref<25600xf32, #tpu.memory_space<hbm>>
      %dma_start3A_2620 = tpu.memref_slice %arg6[%add3A_2616] : memref<25600000xf32, #tpu.memory_space<hbm>> -> memref<25600xf32, #tpu.memory_space<hbm>>
      %dma_start3A_2621 = arith.constant 25600 : i32
      %dma_start3A_2622 = tpu.memref_slice %arg13[%dma_start3A_2621] : memref<51200xf32, #tpu.memory_space<vmem>> -> memref<25600xf32, #tpu.memory_space<vmem>>
      tpu.enqueue_dma source(%dma_start3A_2622 : memref<25600xf32, #tpu.memory_space<vmem>>) target(%dma_start3A_2620 : memref<25600xf32, #tpu.memory_space<hbm>>) target_semaphore(%arg17 : memref<!tpu.dma_semaphore, #tpu.memory_space<semaphore_mem>>)
      %add3A_2623 = arith.constant 2 : i32
      %add3A_2624 = arith.addi %sub3A_2591, %add3A_2623 : i32
      %lt3A_2625 = arith.cmpi slt, %add3A_2624, %select_n3A : i32
      %convert_element_type3A_2626 = arith.extui %lt3A_2625 : i1 to i32
      %cond3A_2627 = arith.constant 0 : i32
      %cond3A_2628 = arith.cmpi ne, %convert_element_type3A_2626, %cond3A_2627 : i32
      scf.if %cond3A_2628 {
        %add3A_2629 = arith.constant 2 : i32
        %add3A_2630 = arith.addi %sub3A_2591, %add3A_2629 : i32
        %mul3A_2631 = arith.constant 32 : i32
        %mul3A_2632 = arith.muli %mul3A_2631, %add3A_2630 : i32
        %add3A_2633 = arith.addi %add3A, %mul3A_2632 : i32
        %mul3A_2634 = arith.constant 3200 : i32
        %mul3A_2635 = arith.muli %add3A_2633, %mul3A_2634 : i32
        %dma_start3A_2636 = tpu.memref_slice %arg2[%mul3A_2635] : memref<1600000xi32, #tpu.memory_space<hbm>> -> memref<3200xi32, #tpu.memory_space<hbm>>
        %dma_start3A_2637 = tpu.memref_slice %arg2[%mul3A_2635] : memref<1600000xi32, #tpu.memory_space<hbm>> -> memref<3200xi32, #tpu.memory_space<hbm>>
        tpu.enqueue_dma source(%dma_start3A_2637 : memref<3200xi32, #tpu.memory_space<hbm>>) target(%arg11 : memref<3200xi32, #tpu.memory_space<vmem>>) target_semaphore(%arg15 : memref<!tpu.dma_semaphore, #tpu.memory_space<semaphore_mem>>)
      } else {
      }
    } else {
    }
    %dma_wait3A = arith.constant 0 : i32
    %dma_wait3A_2584 = tpu.memref_slice %arg6[%dma_wait3A] : memref<25600000xf32, #tpu.memory_space<hbm>> -> memref<51200xf32, #tpu.memory_space<hbm>>
    %dma_wait3A_2585 = arith.constant 0 : i32
    %dma_wait3A_2586 = tpu.memref_slice %arg6[%dma_wait3A_2585] : memref<25600000xf32, #tpu.memory_space<hbm>> -> memref<51200xf32, #tpu.memory_space<hbm>>
    tpu.wait_dma2 semaphore(%arg17 : memref<!tpu.dma_semaphore, #tpu.memory_space<semaphore_mem>>) src(%arg13 : memref<51200xf32, #tpu.memory_space<vmem>>) dst(%dma_wait3A_2586 : memref<51200xf32, #tpu.memory_space<hbm>>)
    %dma_wait3A_2587 = arith.constant 0 : i32
    %dma_wait3A_2588 = tpu.memref_slice %arg6[%dma_wait3A_2587] : memref<25600000xf32, #tpu.memory_space<hbm>> -> memref<51200xf32, #tpu.memory_space<hbm>>
    %dma_wait3A_2589 = arith.constant 0 : i32
    %dma_wait3A_2590 = tpu.memref_slice %arg6[%dma_wait3A_2589] : memref<25600000xf32, #tpu.memory_space<hbm>> -> memref<51200xf32, #tpu.memory_space<hbm>>
    tpu.wait_dma2 semaphore(%arg18 : memref<!tpu.dma_semaphore, #tpu.memory_space<semaphore_mem>>) src(%arg14 : memref<51200xf32, #tpu.memory_space<vmem>>) dst(%dma_wait3A_2590 : memref<51200xf32, #tpu.memory_space<hbm>>)
    return
  }
}

module attributes {stable_mosaic.version = 14 : i64} {
  func.func @_node_mlp_body(%arg0: i32, %arg1: memref<5000x128xf32, #tpu.memory_space<vmem>>, %arg2: memref<128x128xf32, #tpu.memory_space<vmem>>, %arg3: memref<1x128xf32, #tpu.memory_space<vmem>>, %arg4: memref<5000x128xf32, #tpu.memory_space<vmem>>) attributes {dimension_semantics = [#tpu.dimension_semantics<arbitrary>], iteration_bounds = array<i64: 20>, scalar_prefetch = 0 : i64, scratch_operands = 0 : i64, tpu.core_type = #tpu.core_type<tc>, window_params = [{transform_indices = @transform_0, window_bounds = array<i64: 5000, 128>}, {pipeline_mode = #tpu.pipeline_mode<synchronous>, transform_indices = @transform_1, window_bounds = array<i64: 128, 128>}, {pipeline_mode = #tpu.pipeline_mode<synchronous>, transform_indices = @transform_2, window_bounds = array<i64: 1, 128>}, {transform_indices = @transform_3, window_bounds = array<i64: 5000, 128>}]} {
    %get3A = arith.constant 0 : index
    %get3A_0 = arith.constant 0 : index
    %get3A_1 = vector.load %arg1[%get3A, %get3A_0] : memref<5000x128xf32, #tpu.memory_space<vmem>>, vector<5000x128xf32>
    %get3A_2 = arith.constant 0 : index
    %get3A_3 = arith.constant 0 : index
    %get3A_4 = vector.load %arg2[%get3A_2, %get3A_3] : memref<128x128xf32, #tpu.memory_space<vmem>>, vector<128x128xf32>
    %dot_general3A = arith.constant dense<0.000000e+00> : vector<5000x128xf32>
    %dot_general3A_5 = tpu.matmul %get3A_1, %get3A_4, %dot_general3A {dimension_numbers = #tpu.dot_dimension_numbers<[1], [0], [0], [1], [0, 0, 1, 1], [], []>, transpose_lhs_hint = false} : vector<5000x128xf32>, vector<128x128xf32>, vector<5000x128xf32> -> vector<5000x128xf32>
    %get3A_6 = arith.constant 0 : index
    %get3A_7 = arith.constant 0 : index
    %get3A_8 = vector.load %arg3[%get3A_6, %get3A_7] : memref<1x128xf32, #tpu.memory_space<vmem>>, vector<1x128xf32>
    %add3A = vector.broadcast %get3A_8 : vector<1x128xf32> to vector<5000x128xf32>
    %add3A_9 = arith.addf %dot_general3A_5, %add3A : vector<5000x128xf32>
    %swap3A = arith.constant 0 : index
    %swap3A_10 = arith.constant 0 : index
    %swap3A_11 = vector.load %arg4[%swap3A, %swap3A_10] : memref<5000x128xf32, #tpu.memory_space<vmem>>, vector<5000x128xf32>
    tpu.vector_store %arg4[%swap3A, %swap3A_10], %add3A_9 {strides = array<i32>} : memref<5000x128xf32, #tpu.memory_space<vmem>>, vector<5000x128xf32>,
    return
  }
  func.func @transform_0(%arg0: i32) -> (i32, i32) {
    %c0_i32 = arith.constant 0 : i32
    %c0_i32_0 = arith.constant 0 : i32
    return %arg0, %c0_i32 : i32, i32
  }
  func.func @transform_1(%arg0: i32) -> (i32, i32) {
    %c0_i32 = arith.constant 0 : i32
    %c0_i32_0 = arith.constant 0 : i32
    %c0_i32_1 = arith.constant 0 : i32
    return %c0_i32, %c0_i32_0 : i32, i32
  }
  func.func @transform_2(%arg0: i32) -> (i32, i32) {
    %c0_i32 = arith.constant 0 : i32
    %c0_i32_0 = arith.constant 0 : i32
    %c0_i32_1 = arith.constant 0 : i32
    return %c0_i32, %c0_i32_0 : i32, i32
  }
  func.func @transform_3(%arg0: i32) -> (i32, i32) {
    %c0_i32 = arith.constant 0 : i32
    %c0_i32_0 = arith.constant 0 : i32
    return %arg0, %c0_i32 : i32, i32
  }
}

</mosaic_0001>

<sc_bundles>
// kernel: kernel.4.cloned.1.call-start
scs
__scs_entry_jumppad:
0x0: {  	(pc) =	sbr.rel $0x88, $3  }
0x1: {  	(tag) =	ssettag $0x0;
	lr =	simm.s32 $0x1  }
0x2: {  	[smem:$0x3F9A] =	sst lr;
	_ =	strace $0xD0000000  }
0x3: {  	_ = 	snop  }
0x4: {  	_ = 	snop  }
0x5: {  	_ = 	snop  }
0x6: {  	_ = 	snop  }
0x7: {  	_ = 	snop  }
__scs_overlays_trampoline_lowered:
0x8: {  	[smem:$0x3FA9] =	sst s0  }
0x9: {  	[smem:$0x3FAA] =	sst s1  }
0xa: {  	[smem:$0x3FAB] =	sst s2  }
0xb: {  	[smem:$0x3FAC] =	sst s3  }
0xc: {  	[smem:$0x3FAD] =	sst s4  }
0xd: {  	[smem:$0x3FAE] =	sst s5  }
0xe: {  	[smem:$0x3FAF] =	sst s6  }
0xf: {  	[smem:$0x3FB0] =	sst s7  }
0x10: {  	[smem:$0x3FB1] =	sst s8  }
0x11: {  	[smem:$0x3FB2] =	sst s9;
	s0 =	simm.s32 @!p0 $0x0  }
0x12: {  	s1 =	sld [smem:$0x3F98];
	s0 =	simm.s32 @p0 $0x1  }
0x13: {  	[smem:$0x3FB3] =	sst s0;
	s0 =	simm.s32 @!p1 $0x0  }
0x14: {  	s2 =	sld [smem:$0x3F97];
	s0 =	simm.s32 @p1 $0x1  }
0x15: {  	[smem:$0x3FB4] =	sst s0;
	s0 =	simm.s32 @!p2 $0x0  }
0x16: {  	s3 =	sld [smem:$0x3FDB];
	s0 =	simm.s32 @p2 $0x1  }
0x17: {  	s4 =	simm.s32 $0x1BF5;
	[smem:$0x3FB6] =	sst s0  }
0x18: {  	s0 =	sld [smem:$0x3F99];
	_ =	swait.ge [sflag:s4], $0x0  }
0x19: {  	s7 =	sld [smem:$0x3F9A]  }
0x1a: {  	s8 =	sadd.s32 $0xFFFFE003, lr  }
0x1b: {  	s9 =	sadd.s32 $0xFFFFFEF7, lr;
	s5 =	simm.s32 $0xFFFFFFFF;
	p2 =	slt.u32 s8, $0xFFFFF086  }
0x1c: {  	p1 =	slt.u32 s9, $0xF7A;
	s5 =	simm.s32 @!p2 $0x0  }
0x1d: {  	s5 =	simm.s32 @p1 $0x1;
	p0 =	seq.s32 s7, s2  }
0x1e: {  	s7 =	smul.u32 @!p0 $0xF7A, s2;
	p2 =	seq.s32 @!p0 s5, $0x0  }
0x1f: {  	s9 =	smul.u32 $0xF7A, s1;
	s8 =	simm.s32 @!p0 $0x1BF5;
	p2 =	por !p2, p0  }
0x20: {  	[sflag:s8] =	ssyncset.s32 @!p0 $0xFFFFF086;
	s6 =	sadd.s32 @!p0 s3, s7;
	s7 =	simm.s32 @!p0 $0x108  }
0x21: {  	s3 =	sadd.s32 s3, s9;
	s6 =	sadd.s32 @!p0 $0x88, s6;
	s7 =	simm.s32 @p2 $0x1082  }
0x22: {  	[simem:s7], [sflag:s8] =	dma.local @!p0 [hbm:s6], $0xF7A  }
0x23: {  	s9 =	sor.u32 $0xD0000000, s2;
	s6 =	simm.s32 $0x108;
	_ =	swait.ge @!p0 [sflag:s8], $0x0  }
0x24: {  	s3 =	sadd.s32 $0x88, s3;
	s6 =	simm.s32 @!p1 $0x1082;
	[sflag:s4] =	ssyncset.s32 $0xFFFFF086  }
0x25: {  	[simem:s6], [sflag:s4] =	dma.local [hbm:s3], $0xF7A  }
0x26: {  	[smem:$0x3F9A] =	sst s1;
	(tag) =	ssettag s2;
	_ =	strace s9  }
0x27: {  	s1 =	sld [smem:$0x3FAA]  }
0x28: {  	s2 =	sld [smem:$0x3FAB]  }
0x29: {  	s4 =	sld [smem:$0x3FAD]  }
0x2a: {  	p0 =	seq.s32 s5, $0x0;
	s5 =	sld [smem:$0x3FAE]  }
0x2b: {  	s6 =	sld [smem:$0x3FAF]  }
0x2c: {  	s7 =	sld [smem:$0x3FB0]  }
0x2d: {  	s3 =	simm.s32 $0x108;
	s8 =	sld [smem:$0x3FB1]  }
0x2e: {  	s3 =	simm.s32 @!p0 $0x1082;
	s9 =	sld [smem:$0x3FB2]  }
0x2f: {  	lr =	sadd.s32 s0, s3;
	s0 =	sld [smem:$0x3FA9]  }
0x30: {  	s3 =	sld [smem:$0x3FAC]  }
0x31: {  	[smem:$0x3FB5] =	sst s10  }
0x32: {  	s10 =	sld [smem:$0x3FB3];
	_ =	sdelay $0x3  }
0x33: {  	p0 =	seq.s32 s10, $0x1;
	s10 =	sld [smem:$0x3FB5];
	_ =	sdelay $0x3  }
0x34: {  	[smem:$0x3FB5] =	sst s10  }
0x35: {  	s10 =	sld [smem:$0x3FB4];
	_ =	sdelay $0x3  }
0x36: {  	p1 =	seq.s32 s10, $0x1;
	s10 =	sld [smem:$0x3FB5];
	_ =	sdelay $0x3  }
0x37: {  	[smem:$0x3FB5] =	sst s10  }
0x38: {  	s10 =	sld [smem:$0x3FB6]  }
0x39: {  	_ = 	snop;
	(pc) =	sbr.ind lr, $3  }
0x3a: {  	_ = 	snop  }
0x3b: {  	_ = 	snop  }
0x3c: {  	p2 =	seq.s32 s10, $0x1;
	s10 =	sld [smem:$0x3FB5]  }
0x3d: {  	_ =	shalt  }
0x3e: {  	_ =	shalt  }
0x3f: {  	_ =	shalt  }
0x40: {  	_ =	shalt  }
0x41: {  	_ =	shalt  }
0x42: {  	_ =	shalt  }
0x43: {  	_ =	shalt  }
0x44: {  	_ =	shalt  }
0x45: {  	_ =	shalt  }
0x46: {  	_ =	shalt  }
0x47: {  	_ =	shalt  }
0x48: {  	_ =	shalt  }
0x49: {  	_ =	shalt  }
0x4a: {  	_ =	shalt  }
0x4b: {  	_ =	shalt  }
0x4c: {  	_ =	shalt  }
0x4d: {  	_ =	shalt  }
0x4e: {  	_ =	shalt  }
0x4f: {  	_ =	shalt  }
0x50: {  	_ =	shalt  }
0x51: {  	_ =	shalt  }
0x52: {  	_ =	shalt  }
0x53: {  	_ =	shalt  }
0x54: {  	_ =	shalt  }
0x55: {  	_ =	shalt  }
0x56: {  	_ =	shalt  }
0x57: {  	_ =	shalt  }
0x58: {  	_ =	shalt  }
0x59: {  	_ =	shalt  }
0x5a: {  	_ =	shalt  }
0x5b: {  	_ =	shalt  }
0x5c: {  	_ =	shalt  }
0x5d: {  	_ =	shalt  }
0x5e: {  	_ =	shalt  }
0x5f: {  	_ =	shalt  }
0x60: {  	_ =	shalt  }
0x61: {  	_ =	shalt  }
0x62: {  	_ =	shalt  }
0x63: {  	_ =	shalt  }
0x64: {  	_ =	shalt  }
0x65: {  	_ =	shalt  }
0x66: {  	_ =	shalt  }
0x67: {  	_ =	shalt  }
0x68: {  	_ =	shalt  }
0x69: {  	_ =	shalt  }
0x6a: {  	_ =	shalt  }
0x6b: {  	_ =	shalt  }
0x6c: {  	_ =	shalt  }
0x6d: {  	_ =	shalt  }
0x6e: {  	_ =	shalt  }
0x6f: {  	_ =	shalt  }
0x70: {  	_ =	shalt  }
0x71: {  	_ =	shalt  }
0x72: {  	_ =	shalt  }
0x73: {  	_ =	shalt  }
0x74: {  	_ =	shalt  }
0x75: {  	_ =	shalt  }
0x76: {  	_ =	shalt  }
0x77: {  	_ =	shalt  }
0x78: {  	_ =	shalt  }
0x79: {  	_ =	shalt  }
0x7a: {  	_ =	shalt  }
0x7b: {  	_ =	shalt  }
0x7c: {  	_ =	shalt  }
0x7d: {  	_ =	shalt  }
0x7e: {  	_ =	shalt  }
0x7f: {  	_ =	shalt  }
0x80: {  	_ =	shalt  }
0x81: {  	_ =	shalt  }
0x82: {  	_ =	shalt  }
0x83: {  	_ =	shalt  }
0x84: {  	_ =	shalt  }
0x85: {  	_ =	shalt  }
0x86: {  	_ =	shalt  }
0x87: {  	_ =	shalt  }
.Lfunc_end0:
.L_simem_size_0:
called_computation_lowered:
.L_overlay_start_0:
0x88: {  	s2 =	sld [smem:$0x3FD9]  }
0x89: {  	s3 =	sld [smem:$0x3FFE];
	_ =	sdelay $0x1  }
0x8a: {  	s1 =	srdreg.scid  }
0x8b: {  	s0 =	sand.u32 $0x1, s1  }
0x8c: {  	s14 =	sshll.u32 s0, $0xA;
	s2 =	sadd.s32 s3, s2  }
0x8d: {  	s2 =	sadd.s32 s2, s14  }
0x8e: {  	[smem:$0x3FC1] =	sst s2  }
0x8f: {  	_ = 	snop  }
0x90: {  	s2 =	sld [smem:$0x3FD0];
	_ =	sdelay $0x1  }
0x91: {  	s15 =	sld [smem:$0x3FC8]  }
0x92: {  	s5 =	simm.s32 $0xA;
	s6 =	simm.s32 $0x10;
	s4 =	sld [smem:$0x3FC3]  }
0x93: {  	[smem:s6], [sflag:s5] =	dma.local [hbm:s2], $0x1  }
0x94: {  	_ =	swait.eq [sflag:s5], $0x1  }
0x95: {  	[sflag:s5] =	ssyncset.done $0x0  }
0x96: {  	[sflag:s5] =	ssyncadd.s32 $0xFFFFFFFF  }
0x97: {  	s16 =	sld [smem:$0x11];
	(tm) =	ssettm $0x1  }
0x98: {  	s17 =	sld [smem:$0x3FFB];
	_ =	sdelay $0x3  }
0x99: {  	_ =	strace s17  }
0x9a: {  	s5 =	sld [smem:$0x3FFC];
	_ =	sdelay $0x3  }
0x9b: {  	_ =	strace s5  }
0x9c: {  	s5 =	sld [smem:$0x3FFD];
	_ =	sdelay $0x3  }
0x9d: {  	_ =	strace s5  }
0x9e: {  	_ =	strace $0x8FFFFFFF  }
0x9f: {  	s18 =	sld [smem:$0x3FDB];
	_ =	sdelay $0x1  }
0xa0: {  	s19 =	simm.s32 $_scs_section_size  }
0xa1: {  	s7 =	simm.s32 $_size__tile_overlayer_lowered;
	s8 =	simm.s32 $_tile_overlayer_lowered  }
0xa2: {  	s22 =	simm.s32 $0x1BFF;
	s21 =	sshll.u32 s8, $0x1;
	s5 =	sadd.s32 s19, s18  }
0xa3: {  	s9 =	simm.s32 $0x0;
	s20 =	sshll.u32 s7, $0x1;
	s7 =	sadd.s32 s21, s5  }
0xa4: {  	[timem:s9], [sflag:s22] =	dma.local [hbm:s7], s20  }
0xa5: {  	_ =	swait.ge [sflag:s22], s20  }
0xa6: {  	s6 =	ssub.s32 $0x0, s20;
	[sflag:s22] =	ssyncset.done $0x0  }
0xa7: {  	[sflag:s22] =	ssyncadd.s32 s6;
	_ =	sdelay $0x1  }
0xa8: {  	s23 =	simm.s32 $0x1B8B  }
0xa9: {  	_ =	swait.ge [sflag:s23], $0x1  }
0xaa: {  	[sflag:s23] =	ssyncset.done $0x0  }
0xab: {  	s25 =	simm.s32 $0x1B8E;
	s24 =	sld [smem:$0x3FFE];
	[sflag:s23] =	ssyncadd.s32 $0xFFFFFFFF  }
0xac: {  	s26 =	simm.s32 $execute0_lowered;
	[smem:$0x3FD2] =	sst s25  }
0xad: {  	s7 =	sshll.u32 s26, $0x1;
	_ =	strace $0x80000046;
	[dreg:$0x1] =	wrdreg $0xFFFFFFFF  }
0xae: {  	s28 =	simm.s32 $_size_execute0_lowered;
	s5 =	sadd.s32 s5, s7;
	[dreg:$0x0] =	wrdreg $0x0  }
0xaf: {  	s7 =	sshll.u32 s28, $0x1;
	[dreg:$0x2] =	wrdreg s5  }
0xb0: {  	[dreg:$0x3] =	wrdreg s7  }
0xb1: {  	[dreg:$0x4] =	wrdreg $0xC0  }
0xb2: {  	_ =	task [dreg:s9], $0x5FFFF  }
0xb3: {  	[dreg:$0x1] =	wrdreg $0xFFFFFFFF  }
0xb4: {  	[dreg:$0x0] =	wrdreg $0x60  }
0xb5: {  	[dreg:$0x2] =	wrdreg s15  }
0xb6: {  	[dreg:$0x3] =	wrdreg s24  }
0xb7: {  	[dreg:$0x4] =	wrdreg s4  }
0xb8: {  	[dreg:$0x5] =	wrdreg s16  }
0xb9: {  	[dreg:$0x6] =	wrdreg $0x9  }
0xba: {  	_ =	task.clear_ibuf [dreg:s9], $0x7FFFF;
	_ =	strace $0x90000046  }
0xbb: {  	s29 =	simm.s32 $0x9;
	_ =	strace $0x80000048  }
0xbc: {  	_ =	swait.ge [sflag:s29], $0x1  }
0xbd: {  	[sflag:s29] =	ssyncadd.s32 $0xFFFFFFFF  }
0xbe: {  	_ =	strace $0x90000048  }
0xbf: {  	_ =	sfence  }
0xc0: {  	s30 =	sld [smem:$0x0];
	_ =	sdelay $0x2  }
0xc1: {  	s31 =	sshll.u32 s1, $0xD;
	s1 =	sshrl.u32 s1, $0x2  }
0xc2: {  	s3 =	sand.u32 $0x4000, s31;
	s1 =	sadd.s32 s1, s30  }
0xc3: {  	s0 =	sor.u32 s3, s0;
	s1 =	sshll.u32 s1, $0x11  }
0xc4: {  	s0 =	sor.u32 s1, s0  }
0xc5: {  	s0 =	sadd.s32 $0x8F2B, s0  }
0xc6: {  	[sflag:s0] =	ssyncadd.remote.s32 $0x1  }
0xc7: {  	_ =	sfence.sel $0xFFFF  }
0xc8: {  	[dreg:$0x0] =	wrdreg $0xFFFFFFFF;
	(pc) =	sbr.abs _section_cstart, $3  }
0xc9: {  	[dreg:$0x1] =	wrdreg $0xFFFFFFFF  }
0xca: {  	_ =	task.clear_ibuf [dreg:s9], $0x2FFFF;
	_ =	strace $0x9FFFFFFF  }
0xcb: {  	(tm) =	ssettm $0x7FFFFFFF  }
tec
execute0_lowered:
.L_overlay_start_1:
0x0: {  	(tag) =	ssettag $0x1  }
0x1: {  	s1 =	rddreg [dreg:$0x0]  }
0x2: {  	s0 =	rddreg [dreg:$0x1]  }
0x3: {  	s4 =	rddreg [dreg:$0x3];
	s5 =	simm.s32 $0x0  }
0x4: {  	s3 =	stileid.u32;
	s2 =	srdreg.scid;
	s6 =	simm.s32 $0x10  }
0x5: {  	s21 =	simm.s32 $0x1;
	s28 =	simm.s32 $0x14810;
	[smem:$0x7FF] =	sst s5  }
0x6: {  	p0 =	slt.u32 s3, $0xA;
	s2 =	sand.u32 $0x1, s2;
	s3 =	sshll.u32 s3, $0x1  }
0x7: {  	s8 =	sadd.s32 $0xA00, s0;
	s0 =	sadd.s32 $0x800, s0;
	s6 =	simm.s32 @!p0 $0xF  }
0x8: {  	_ =	strace $0x80000047;
	s7 =	sor.u32 s2, s3;
	[dreg:$0x5] =	wrdreg s8  }
0x9: {  	[dreg:$0x6] =	wrdreg s0;
	s24 =	ssub.s32 $0x2, s2;
	s23 =	smul.u32 $0xC80, s7  }
0xa: {  	s22 =	sshll.u32 s6, $0x5;
	s26 =	sshrl.u32 s24, $0x1;
	s9 =	smul.u32 $0x190, s7  }
0xb: {  	s12 =	sshrl.u32 s6, $0x1;
	s31 =	sand.u32 $0x1, s6;
	s3 =	sor.u32 s7, s22  }
0xc: {  	s0 =	ssub.s32 s24, s26;
	s22 =	simm.s32 $0x210;
	s24 =	simm.s32 $0x8010  }
0xd: {  	p0 =	seq.s32 s31, $0x0;
	s25 =	smul.u32 $0x6400, s3;
	s8 =	sshrl.u32 s23, $0x3  }
0xe: {  	s30 =	sadd.s32 s1, s9;
	s0 =	smax.u32 s0, $0x1;
	s29 =	sadd.s32 s1, s8  }
.Ltmp0:
0xf: {  	[dreg:$0x7] =	wrdreg s30;
	s2 =	sadd.s32 $0xFFF38000, s25;
	(pc) =	sbr.rel .LBB2_1-.Ltmp0, $4  }
0x10: {  	[dreg:$0xb] =	wrdreg s0;
	s3 =	sadd.s32 $0x3200, s29;
	s2 =	sshrl.u32 s2, $0x3  }
0x11: {  	s26 =	simm.s32 $0xE410;
	[dreg:$0x8] =	wrdreg s3;
	s2 =	sadd.s32 s4, s2  }
0x12: {  	s23 =	simm.s32 $0x1C10;
	[dreg:$0x9] =	wrdreg s2;
	s2 =	sadd.s32 $0x186A00, s2  }
0x13: {  	s25 =	simm.s32 $0x2;
	s3 =	simm.s32 $0x0;
	[dreg:$0xa] =	wrdreg s2  }
.LBB2_11:
0x14: {  	s0 =	simm.s32 $0x3  }
0x15: {  	_ =	swait.ge [sflag:s0], $0xC800  }
0x16: {  	[sflag:s0] =	ssyncset.done $0x0  }
0x17: {  	s2 =	simm.s32 $0x4;
	[sflag:s0] =	ssyncadd.s32 $0xFFFF3800  }
0x18: {  	_ =	swait.ge [sflag:s2], $0xC800  }
0x19: {  	s3 =	sadd.s32 $0x1, s3;
	s31 =	rddreg [dreg:$0xb]  }
0x1a: {  	p1 =	sne.s32 s3, s31  }
.Ltmp1:
0x1b: {  	_ = 	snop;
	(pc) =	sbr.rel @!p1 .LBB2_12-.Ltmp1, $3  }
0x1c: {  	_ =	sdelay $0x1  }
0x1d: {  	[sflag:s2] =	ssyncset.done $0x0  }
0x1e: {  	[sflag:s2] =	ssyncadd.s32 $0xFFFF3800  }
.LBB2_1:
0x1f: {  	[dreg:$0xc] =	wrdreg s3  }
0x20: {  	s0 =	rddreg [dreg:$0x7];
	s2 =	simm.s32 $0x310  }
0x21: {  	[tilespmem:s2], [sflag:$0x1] =	stream.linear.gather [hbm4b:s0+s5], $0xC80, $0x38;
	[tilespmem:$0x1AC10] =	vst v63  }
0x22: {  	s16 =	rddreg [dreg:$0x8];
	s17 =	simm.s32 $0xF90  }
0x23: {  	[tilespmem:s17], [sflag:$0x2] =	stream.linear.gather [hbm4b:s16+s5], $0xC80, $0x38;
	[tilespmem:$0x1AC10] =	vst v63  }
0x24: {  	s18 =	rddreg [dreg:$0x5];
	s19 =	simm.s32 $0x5  }
0x25: {  	[tilespmem:s5], [sflag:$0x5] =	stream.linear.gather [hbm4b:s18+s5], $0x100, $0x38;
	[tilespmem:$0x1AC10] =	vst v63  }
0x26: {  	_ =	swait.ge [sflag:s19], $0x100  }
0x27: {  	[sflag:s19] =	ssyncset.done $0x0  }
0x28: {  	s29 =	simm.s32 $0x100;
	s20 =	rddreg [dreg:$0x6];
	[sflag:s19] =	ssyncadd.s32 $0xFFFFFF00  }
0x29: {  	[tilespmem:s29], [sflag:$0x5] =	stream.linear.gather [hbm4b:s20+s5], $0x100, $0x38;
	[tilespmem:$0x1AC10] =	vst v63  }
0x2a: {  	_ =	swait.ge [sflag:s19], $0x100  }
0x2b: {  	[sflag:s19] =	ssyncset.done $0x0  }
0x2c: {  	[sflag:s19] =	ssyncadd.s32 $0xFFFFFF00  }
0x2d: {  	s31 =	simm.s32 $0x200;
	s30 =	rddreg [dreg:$0x2]  }
0x2e: {  	[tilespmem:s31], [sflag:$0x5] =	stream.linear.gather [hbm4b:s30+s5], $0x10, $0x38;
	[tilespmem:$0x1AC10] =	vst v63  }
0x2f: {  	_ =	swait.ge [sflag:s19], $0x10  }
0x30: {  	[sflag:s19] =	ssyncset.done $0x0  }
0x31: {  	[sflag:s19] =	ssyncadd.s32 $0xFFFFFFF0  }
0x32: {  	v0 =	vld [tilespmem:$0x200]  }
0x33: {  	v1 =	vld [tilespmem:$0x100]  }
0x34: {  	v2 =	vld [tilespmem:$0x0]  }
0x35: {  	v3 =	vld [tilespmem:$0x10]  }
0x36: {  	v4 =	vld [tilespmem:$0x20]  }
0x37: {  	v5 =	vld [tilespmem:$0x30]  }
0x38: {  	v22 =	vld [tilespmem:$0x110];
	v13 =	vbroadcast v1, $0x0;
	v15 =	vbroadcast v1, $0x1  }
0x39: {  	v6 =	vld [tilespmem:$0x40];
	v57 =	vbroadcast v1, $0x2;
	v19 =	vbroadcast v1, $0x3  }
0x3a: {  	v7 =	vld [tilespmem:$0x50];
	v20 =	vbroadcast v1, $0x4;
	v58 =	vbroadcast v1, $0x5  }
0x3b: {  	v8 =	vld [tilespmem:$0x60];
	v60 =	vbroadcast v1, $0x6;
	v23 =	vbroadcast v1, $0x7  }
0x3c: {  	v9 =	vld [tilespmem:$0x70];
	v24 =	vbroadcast v1, $0x8;
	v62 =	vbroadcast v1, $0x9  }
0x3d: {  	v10 =	vld [tilespmem:$0x80];
	v32 =	vbroadcast v22, $0x0;
	v27 =	vbroadcast v1, $0xA  }
0x3e: {  	v11 =	vld [tilespmem:$0x90];
	v34 =	vbroadcast v22, $0x1;
	v35 =	vbroadcast v1, $0xB  }
0x3f: {  	v12 =	vld [tilespmem:$0xA0];
	v37 =	vbroadcast v22, $0x2;
	v39 =	vbroadcast v1, $0xC  }
0x40: {  	v14 =	vld [tilespmem:$0xB0];
	v42 =	vbroadcast v22, $0x3;
	v44 =	vbroadcast v1, $0xD  }
0x41: {  	v16 =	vld [tilespmem:$0xC0];
	v0 =	vadd.f32 $0.0e+00, v0;
	v47 =	vbroadcast v22, $0x4;
	v49 =	vbroadcast v1, $0xE  }
0x42: {  	v21 =	vld [tilespmem:$0xF0];
	v52 =	vbroadcast v22, $0x5;
	v1 =	vbroadcast v1, $0xF  }
0x43: {  	v59 =	vld [tilespmem:$0x0];
	v55 =	vbroadcast v22, $0x6;
	v17 =	vbroadcast v0, $0x0  }
0x44: {  	v61 =	vld [tilespmem:$0x10];
	v2 =	vmul.f32 v2, v13;
	v3 =	vmul.f32 v3, v15  }
0x45: {  	v25 =	vld [tilespmem:$0x20];
	v4 =	vmul.f32 v4, v57;
	v5 =	vmul.f32 v5, v19  }
0x46: {  	v26 =	vld [tilespmem:$0x30];
	v6 =	vmul.f32 v6, v20;
	v7 =	vmul.f32 v7, v58  }
0x47: {  	v63 =	vld [tilespmem:$0x40];
	v8 =	vmul.f32 v8, v60;
	v9 =	vmul.f32 v9, v23  }
0x48: {  	v33 =	vld [tilespmem:$0x50];
	v10 =	vmul.f32 v10, v24;
	v11 =	vmul.f32 v11, v62  }
0x49: {  	v29 =	vld [tilespmem:$0x60];
	v28 =	vbroadcast v0, $0x1;
	v15 =	vmul.f32 v59, v32  }
0x4a: {  	v56 =	vld [tilespmem:$0xD0];
	v12 =	vmul.f32 v12, v27;
	v19 =	vmul.f32 v61, v34  }
0x4b: {  	v18 =	vld [tilespmem:$0xE0];
	v14 =	vmul.f32 v14, v35;
	v41 =	vmul.f32 v25, v37  }
0x4c: {  	v36 =	vld [tilespmem:$0x80];
	v46 =	vmul.f32 v26, v42;
	v51 =	vmul.f32 v63, v47  }
0x4d: {  	v40 =	vld [tilespmem:$0xA0];
	v54 =	vmul.f32 v33, v52;
	v1 =	vmul.f32 v21, v1;
	v2 =	vadd.f32 v2, v17  }
0x4e: {  	v30 =	vld [tilespmem:$0x70];
	v57 =	vbroadcast v22, $0x7;
	v59 =	vmul.f32 v29, v55;
	v15 =	vadd.f32 v15, v28  }
0x4f: {  	v50 =	vld [tilespmem:$0xE0];
	v60 =	vbroadcast v22, $0x8;
	v62 =	vbroadcast v22, $0x9;
	v2 =	vadd.f32 v3, v2  }
0x50: {  	v33 =	vbroadcast v22, $0xA;
	v35 =	vbroadcast v22, $0xB;
	v15 =	vadd.f32 v19, v15;
	v3 =	vld [tilespmem:$0x120]  }
0x51: {  	v38 =	vld [tilespmem:$0x90];
	v42 =	vbroadcast v22, $0xE;
	v32 =	vmul.f32 v36, v60;
	v2 =	vadd.f32 v4, v2  }
0x52: {  	v43 =	vld [tilespmem:$0xB0];
	v37 =	vmul.f32 v40, v33;
	v40 =	vbroadcast v22, $0xD;
	v15 =	vadd.f32 v41, v15  }
0x53: {  	v4 =	vmul.f32 v16, v39;
	v41 =	vld [tilespmem:$0x70];
	v2 =	vadd.f32 v5, v2;
	v5 =	vmul.f32 v56, v44  }
0x54: {  	v58 =	vld [tilespmem:$0x10];
	v15 =	vadd.f32 v46, v15;
	v44 =	vbroadcast v22, $0xF;
	v46 =	vmul.f32 v50, v42  }
0x55: {  	v61 =	vld [tilespmem:$0x20];
	v47 =	vbroadcast v3, $0x0;
	v52 =	vbroadcast v3, $0x2  }
0x56: {  	v56 =	vld [tilespmem:$0x0];
	v55 =	vbroadcast v3, $0x4;
	v60 =	vbroadcast v3, $0x7  }
0x57: {  	v24 =	vld [tilespmem:$0x130];
	v2 =	vadd.f32 v6, v2;
	v6 =	vmul.f32 v18, v49;
	v49 =	vbroadcast v0, $0x2  }
0x58: {  	v45 =	vld [tilespmem:$0xC0];
	v15 =	vadd.f32 v51, v15;
	v51 =	vbroadcast v3, $0x1;
	v19 =	vmul.f32 v41, v60  }
0x59: {  	v48 =	vld [tilespmem:$0xD0];
	v41 =	vbroadcast v3, $0xA;
	v2 =	vadd.f32 v7, v2;
	v7 =	vmul.f32 v30, v57  }
0x5a: {  	v34 =	vld [tilespmem:$0x40];
	v15 =	vadd.f32 v54, v15;
	v54 =	vmul.f32 v58, v51;
	v58 =	vbroadcast v3, $0x5  }
0x5b: {  	v53 =	vld [tilespmem:$0xF0];
	v13 =	vmul.f32 v56, v47;
	v56 =	vmul.f32 v61, v52  }
0x5c: {  	v61 =	vld [tilespmem:$0x0];
	v47 =	vbroadcast v24, $0x3;
	v52 =	vbroadcast v24, $0x4;
	v2 =	vadd.f32 v8, v2  }
0x5d: {  	v31 =	vld [tilespmem:$0x40];
	v15 =	vadd.f32 v59, v15;
	v8 =	vmul.f32 v38, v62;
	v38 =	vbroadcast v22, $0xC  }
0x5e: {  	v42 =	vld [tilespmem:$0x60];
	v59 =	vbroadcast v3, $0x6;
	v2 =	vadd.f32 v9, v2;
	v9 =	vmul.f32 v43, v35  }
0x5f: {  	v7 =	vadd.f32 v7, v15;
	v43 =	vld [tilespmem:$0x80];
	v15 =	vmul.f32 v34, v55;
	v34 =	vbroadcast v24, $0x0  }
0x60: {  	v62 =	vbroadcast v3, $0x8;
	v16 =	vmul.f32 v45, v38;
	v35 =	vld [tilespmem:$0x30];
	v2 =	vadd.f32 v10, v2  }
0x61: {  	v63 =	vld [tilespmem:$0x30];
	v7 =	vadd.f32 v32, v7;
	v38 =	vmul.f32 v61, v34;
	v61 =	vbroadcast v24, $0x6  }
0x62: {  	v20 =	vld [tilespmem:$0xC0];
	v10 =	vmul.f32 v48, v40;
	v2 =	vadd.f32 v11, v2;
	v11 =	vmul.f32 v53, v44  }
0x63: {  	v48 =	vld [tilespmem:$0xA0];
	v7 =	vadd.f32 v8, v7;
	v53 =	vbroadcast v3, $0x3;
	v32 =	vmul.f32 v42, v61  }
0x64: {  	v21 =	vld [tilespmem:$0xE0];
	v8 =	vmul.f32 v43, v62;
	v43 =	vbroadcast v24, $0x2  }
0x65: {  	v26 =	vld [tilespmem:$0xF0];
	v51 =	vmul.f32 v35, v47;
	v2 =	vadd.f32 v12, v2;
	v7 =	vadd.f32 v37, v7  }
0x66: {  	v36 =	vld [tilespmem:$0x50];
	v47 =	vbroadcast v24, $0xC;
	v57 =	vmul.f32 v63, v53;
	v12 =	vadd.f32 v13, v49  }
0x67: {  	v33 =	vld [tilespmem:$0x20];
	v49 =	vbroadcast v3, $0xC;
	v2 =	vadd.f32 v14, v2;
	v7 =	vadd.f32 v9, v7  }
0x68: {  	v25 =	vld [tilespmem:$0xD0];
	v37 =	vbroadcast v0, $0x3;
	v9 =	vadd.f32 v54, v12;
	v12 =	vmul.f32 v48, v41  }
0x69: {  	v39 =	vld [tilespmem:$0x60];
	v14 =	vmul.f32 v20, v49;
	v2 =	vadd.f32 v4, v2;
	v7 =	vadd.f32 v16, v7  }
0x6a: {  	v45 =	vld [tilespmem:$0x90];
	v54 =	vbroadcast v3, $0xD;
	v4 =	vadd.f32 v56, v9;
	v56 =	vmul.f32 v31, v52  }
0x6b: {  	v63 =	vld [tilespmem:$0x10];
	v2 =	vadd.f32 v5, v2;
	v7 =	vadd.f32 v10, v7;
	v10 =	vmul.f32 v36, v58  }
0x6c: {  	v30 =	vld [tilespmem:$0xD0];
	v36 =	vbroadcast v3, $0x9;
	v5 =	vmul.f32 v33, v43  }
0x6d: {  	v50 =	vld [tilespmem:$0xB0];
	v4 =	vadd.f32 v57, v4;
	v57 =	vbroadcast v24, $0x5;
	v2 =	vadd.f32 v6, v2  }
0x6e: {  	v60 =	vld [tilespmem:$0xE0];
	v6 =	vmul.f32 v39, v59;
	v7 =	vadd.f32 v46, v7;
	v39 =	vbroadcast v24, $0x1  }
0x6f: {  	v55 =	vld [tilespmem:$0xC0];
	v13 =	vmul.f32 v45, v36;
	v45 =	vbroadcast v3, $0xB;
	v2 =	vadd.f32 v1, v2  }
0x70: {  	v40 =	vld [tilespmem:$0x50];
	v1 =	vadd.f32 v11, v7;
	v7 =	vadd.f32 v38, v37;
	v11 =	vmul.f32 v63, v39  }
0x71: {  	v44 =	vld [tilespmem:$0x70];
	v4 =	vadd.f32 v15, v4;
	v15 =	vmul.f32 v30, v54;
	v59 =	vbroadcast v3, $0xE  }
0x72: {  	v48 =	vld [tilespmem:$0x90];
	v3 =	vbroadcast v3, $0xF;
	v36 =	vbroadcast v24, $0x8;
	v7 =	vadd.f32 v11, v7  }
0x73: {  	v53 =	vld [tilespmem:$0xB0];
	v9 =	vmul.f32 v50, v45;
	v4 =	vadd.f32 v10, v4;
	v63 =	vbroadcast v24, $0x7  }
0x74: {  	v46 =	vld [tilespmem:$0x80];
	v17 =	vmul.f32 v21, v59;
	v3 =	vmul.f32 v26, v3;
	v5 =	vadd.f32 v5, v7  }
0x75: {  	v50 =	vld [tilespmem:$0xA0];
	v37 =	vbroadcast v24, $0x9;
	v39 =	vbroadcast v24, $0xA;
	v4 =	vadd.f32 v6, v4  }
0x76: {  	v58 =	vld [tilespmem:$0xD0];
	v11 =	vmul.f32 v40, v57;
	v34 =	vmul.f32 v44, v63;
	v5 =	vadd.f32 v51, v5  }
0x77: {  	v40 =	vbroadcast v24, $0xB;
	v43 =	vmul.f32 v48, v37;
	v4 =	vadd.f32 v19, v4;
	v19 =	vld [tilespmem:$0x170]  }
0x78: {  	v48 =	vbroadcast v24, $0xD;
	v57 =	vbroadcast v0, $0x4;
	v7 =	vadd.f32 v56, v5;
	v5 =	vld [tilespmem:$0x140]  }
0x79: {  	v62 =	vld [tilespmem:$0xF0];
	v42 =	vmul.f32 v46, v36;
	v18 =	vmul.f32 v53, v40  }
0x7a: {  	v35 =	vld [tilespmem:$0x10];
	v45 =	vmul.f32 v50, v39;
	v50 =	vbroadcast v24, $0xE;
	v7 =	vadd.f32 v11, v7  }
0x7b: {  	v41 =	vld [tilespmem:$0x30];
	v52 =	vmul.f32 v58, v48;
	v24 =	vbroadcast v24, $0xF;
	v4 =	vadd.f32 v8, v4  }
0x7c: {  	v49 =	vld [tilespmem:$0x60];
	v54 =	vmul.f32 v60, v50;
	v7 =	vadd.f32 v32, v7;
	v32 =	vbroadcast v19, $0x2  }
0x7d: {  	v33 =	vld [tilespmem:$0x0];
	v4 =	vadd.f32 v13, v4;
	v58 =	vbroadcast v5, $0x0;
	v60 =	vbroadcast v5, $0x1  }
0x7e: {  	v38 =	vld [tilespmem:$0x20];
	v61 =	vbroadcast v5, $0x2;
	v36 =	vbroadcast v5, $0x6  }
0x7f: {  	v51 =	vld [tilespmem:$0x70];
	v4 =	vadd.f32 v12, v4;
	v39 =	vbroadcast v5, $0x7;
	v48 =	vbroadcast v5, $0x9  }
0x80: {  	v44 =	vld [tilespmem:$0x40];
	v6 =	vadd.f32 v34, v7;
	v7 =	vmul.f32 v55, v47;
	v55 =	vmul.f32 v62, v24  }
0x81: {  	v46 =	vld [tilespmem:$0x50];
	v4 =	vadd.f32 v9, v4;
	v62 =	vbroadcast v5, $0x3;
	v34 =	vbroadcast v5, $0x4  }
0x82: {  	v30 =	vld [tilespmem:$0xB0];
	v16 =	vmul.f32 v33, v58;
	v9 =	vmul.f32 v35, v60  }
0x83: {  	v53 =	vld [tilespmem:$0x80];
	v4 =	vadd.f32 v14, v4;
	v63 =	vmul.f32 v38, v61;
	v35 =	vbroadcast v5, $0x5  }
0x84: {  	v14 =	vld [tilespmem:$0x150];
	v12 =	vmul.f32 v51, v39;
	v6 =	vadd.f32 v42, v6;
	v33 =	vmul.f32 v41, v62  }
0x85: {  	v59 =	vld [tilespmem:$0xA0];
	v4 =	vadd.f32 v15, v4;
	v38 =	vmul.f32 v44, v34;
	v42 =	vbroadcast v5, $0x8  }
0x86: {  	v56 =	vld [tilespmem:$0x90];
	v62 =	vbroadcast v5, $0xC;
	v15 =	vmul.f32 v46, v35;
	v8 =	vadd.f32 v16, v57  }
0x87: {  	v24 =	vld [tilespmem:$0xC0];
	v57 =	vbroadcast v5, $0xB;
	v4 =	vadd.f32 v17, v4;
	v17 =	vmul.f32 v49, v36  }
0x88: {  	v21 =	vld [tilespmem:$0xE0];
	v6 =	vadd.f32 v43, v6;
	v43 =	vbroadcast v0, $0x5;
	v16 =	vmul.f32 v53, v42  }
0x89: {  	v37 =	vld [tilespmem:$0x0];
	v36 =	vbroadcast v5, $0xD;
	v41 =	vbroadcast v14, $0x0  }
0x8a: {  	v40 =	vld [tilespmem:$0x10];
	v46 =	vbroadcast v14, $0x1;
	v50 =	vbroadcast v14, $0x2  }
0x8b: {  	v47 =	vld [tilespmem:$0x30];
	v8 =	vadd.f32 v9, v8;
	v9 =	vmul.f32 v56, v48;
	v60 =	vbroadcast v14, $0x4  }
0x8c: {  	v49 =	vld [tilespmem:$0x40];
	v34 =	vbroadcast v14, $0x5;
	v11 =	vmul.f32 v24, v62;
	v6 =	vadd.f32 v45, v6  }
0x8d: {  	v58 =	vld [tilespmem:$0x80];
	v39 =	vbroadcast v14, $0x6;
	v62 =	vbroadcast v14, $0xE  }
0x8e: {  	v51 =	vld [tilespmem:$0x50];
	v45 =	vmul.f32 v37, v41;
	v41 =	vbroadcast v5, $0xE;
	v6 =	vadd.f32 v18, v6  }
0x8f: {  	v13 =	vmul.f32 v40, v46;
	v8 =	vadd.f32 v63, v8;
	v40 =	vld [tilespmem:$0xD0];
	v46 =	vbroadcast v14, $0x8  }
0x90: {  	v44 =	vld [tilespmem:$0x20];
	v20 =	vmul.f32 v21, v41;
	v41 =	vbroadcast v0, $0x6;
	v6 =	vadd.f32 v7, v6  }
0x91: {  	v61 =	vld [tilespmem:$0x90];
	v7 =	vadd.f32 v33, v8;
	v8 =	vmul.f32 v30, v57;
	v33 =	vmul.f32 v49, v60  }
0x92: {  	v35 =	vld [tilespmem:$0xB0];
	v49 =	vmul.f32 v58, v46;
	v60 =	vbroadcast v14, $0xD;
	v6 =	vadd.f32 v52, v6  }
0x93: {  	v18 =	vld [tilespmem:$0xF0];
	v52 =	vbroadcast v5, $0xA;
	v7 =	vadd.f32 v38, v7;
	v38 =	vmul.f32 v51, v34  }
0x94: {  	v42 =	vld [tilespmem:$0xE0];
	v4 =	vadd.f32 v3, v4;
	v5 =	vbroadcast v5, $0xF;
	v34 =	vmul.f32 v40, v60  }
0x95: {  	v53 =	vld [tilespmem:$0x60];
	v6 =	vadd.f32 v54, v6;
	v54 =	vmul.f32 v44, v50;
	v10 =	vmul.f32 v59, v52  }
0x96: {  	v56 =	vld [tilespmem:$0x70];
	v7 =	vadd.f32 v15, v7;
	v15 =	vmul.f32 v25, v36;
	v44 =	vbroadcast v14, $0x7  }
0x97: {  	v63 =	vld [tilespmem:$0xA0];
	v50 =	vbroadcast v14, $0x9;
	v52 =	vbroadcast v14, $0xA;
	v3 =	vadd.f32 v55, v6  }
0x98: {  	v5 =	vmul.f32 v18, v5;
	v6 =	vadd.f32 v45, v43;
	v17 =	vadd.f32 v17, v7;
	v7 =	vld [tilespmem:$0x160]  }
0x99: {  	v36 =	vmul.f32 v42, v62;
	v55 =	vbroadcast v14, $0x3  }
0x9a: {  	v48 =	vld [tilespmem:$0x0];
	v43 =	vmul.f32 v53, v39;
	v53 =	vbroadcast v14, $0xB;
	v6 =	vadd.f32 v13, v6  }
0x9b: {  	v51 =	vld [tilespmem:$0x10];
	v59 =	vmul.f32 v47, v55;
	v47 =	vmul.f32 v56, v44  }
0x9c: {  	v55 =	vmul.f32 v61, v50;
	v56 =	vld [tilespmem:$0x30];
	v13 =	vmul.f32 v63, v52;
	v6 =	vadd.f32 v54, v6  }
0x9d: {  	v12 =	vadd.f32 v12, v17;
	v57 =	vmul.f32 v35, v53;
	v63 =	vld [tilespmem:$0x60];
	v39 =	vbroadcast v7, $0x1  }
0x9e: {  	v37 =	vld [tilespmem:$0xC0];
	v42 =	vbroadcast v7, $0x2;
	v46 =	vbroadcast v7, $0x3;
	v6 =	vadd.f32 v59, v6  }
0x9f: {  	v45 =	vld [tilespmem:$0xF0];
	v12 =	vadd.f32 v16, v12;
	v52 =	vbroadcast v7, $0x6;
	v62 =	vbroadcast v7, $0x8  }
0xa0: {  	v54 =	vld [tilespmem:$0x20];
	v59 =	vbroadcast v14, $0xC;
	v14 =	vbroadcast v14, $0xF;
	v6 =	vadd.f32 v33, v6  }
0xa1: {  	v50 =	vld [tilespmem:$0x0];
	v9 =	vadd.f32 v9, v12;
	v44 =	vmul.f32 v51, v39;
	v51 =	vmul.f32 v56, v46  }
0xa2: {  	v18 =	vmul.f32 v63, v52;
	v56 =	vbroadcast v19, $0x0;
	v6 =	vadd.f32 v38, v6  }
0xa3: {  	v9 =	vadd.f32 v10, v9;
	v33 =	vmul.f32 v37, v59;
	v37 =	vld [tilespmem:$0x80];
	v38 =	vbroadcast v7, $0x0  }
0xa4: {  	v58 =	vld [tilespmem:$0x40];
	v52 =	vbroadcast v7, $0xD;
	v14 =	vmul.f32 v45, v14;
	v6 =	vadd.f32 v43, v6  }
0xa5: {  	v26 =	vld [tilespmem:$0xD0];
	v45 =	vmul.f32 v54, v42;
	v8 =	vadd.f32 v8, v9;
	v9 =	vmul.f32 v48, v38  }
0xa6: {  	v30 =	vld [tilespmem:$0xF0];
	v60 =	vmul.f32 v50, v56;
	v50 =	vbroadcast v19, $0x6;
	v6 =	vadd.f32 v47, v6  }
0xa7: {  	v43 =	vld [tilespmem:$0xA0];
	v8 =	vadd.f32 v11, v8;
	v48 =	vbroadcast v7, $0x4;
	v9 =	vadd.f32 v9, v41  }
0xa8: {  	v61 =	vld [tilespmem:$0x50];
	v38 =	vbroadcast v7, $0xA;
	v11 =	vmul.f32 v37, v62;
	v6 =	vadd.f32 v49, v6  }
0xa9: {  	v37 =	vld [tilespmem:$0x50];
	v8 =	vadd.f32 v15, v8;
	v15 =	vmul.f32 v58, v48;
	v9 =	vadd.f32 v44, v9  }
0xaa: {  	v47 =	vld [tilespmem:$0xB0];
	v58 =	vbroadcast v0, $0x7;
	v41 =	vbroadcast v19, $0x4;
	v6 =	vadd.f32 v55, v6  }
0xab: {  	v49 =	vbroadcast v7, $0x5;
	v8 =	vadd.f32 v20, v8;
	v55 =	vld [tilespmem:$0x10];
	v9 =	vadd.f32 v45, v9  }
0xac: {  	v53 =	vld [tilespmem:$0xC0];
	v12 =	vmul.f32 v43, v38;
	v45 =	vbroadcast v19, $0x5;
	v6 =	vadd.f32 v13, v6  }
0xad: {  	v39 =	vld [tilespmem:$0x60];
	v43 =	vbroadcast v7, $0xB;
	v54 =	vmul.f32 v61, v49;
	v9 =	vadd.f32 v51, v9  }
0xae: {  	v40 =	vld [tilespmem:$0x90];
	v61 =	vbroadcast v19, $0x1;
	v49 =	vmul.f32 v37, v45;
	v6 =	vadd.f32 v57, v6  }
0xaf: {  	v35 =	vld [tilespmem:$0x70];
	v57 =	vbroadcast v7, $0x7;
	v9 =	vadd.f32 v15, v9;
	v15 =	vmul.f32 v47, v43  }
0xb0: {  	v59 =	vld [tilespmem:$0x20];
	v47 =	vbroadcast v7, $0xC;
	v21 =	vmul.f32 v55, v61;
	v6 =	vadd.f32 v33, v6  }
0xb1: {  	v63 =	vld [tilespmem:$0x30];
	v55 =	vbroadcast v19, $0x7;
	v33 =	vbroadcast v7, $0x9;
	v9 =	vadd.f32 v54, v9  }
0xb2: {  	v42 =	vld [tilespmem:$0x70];
	v16 =	vmul.f32 v53, v47;
	v54 =	vmul.f32 v39, v50;
	v6 =	vadd.f32 v34, v6  }
0xb3: {  	v48 =	vld [tilespmem:$0xA0];
	v39 =	vbroadcast v19, $0xC;
	v10 =	vmul.f32 v40, v33;
	v9 =	vadd.f32 v18, v9  }
0xb4: {  	v46 =	vld [tilespmem:$0x90];
	v18 =	vmul.f32 v26, v52;
	v33 =	vbroadcast v19, $0xA;
	v13 =	vadd.f32 v36, v6  }
0xb5: {  	v44 =	vld [tilespmem:$0x80];
	v6 =	vadd.f32 v5, v8;
	v8 =	vmul.f32 v35, v57;
	v35 =	vmul.f32 v59, v32  }
0xb6: {  	v51 =	vld [tilespmem:$0xB0];
	v36 =	vbroadcast v19, $0x3;
	v57 =	vbroadcast v7, $0xE  }
0xb7: {  	v34 =	vld [tilespmem:$0x40];
	v59 =	vmul.f32 v42, v55;
	v7 =	vbroadcast v7, $0xF  }
0xb8: {  	v53 =	vld [tilespmem:$0xC0];
	v38 =	vmul.f32 v48, v33;
	v5 =	vadd.f32 v14, v13;
	v14 =	vadd.f32 v60, v58  }
0xb9: {  	v56 =	vld [tilespmem:$0xD0];
	v42 =	vbroadcast v19, $0xD;
	v40 =	vmul.f32 v63, v36  }
0xba: {  	v61 =	vld [tilespmem:$0xF0];
	v60 =	vbroadcast v19, $0x8;
	v63 =	vbroadcast v19, $0x9;
	v14 =	vadd.f32 v21, v14  }
0xbb: {  	v13 =	vld [tilespmem:$0xE0];
	v8 =	vadd.f32 v8, v9;
	v7 =	vmul.f32 v30, v7;
	v36 =	vbroadcast v19, $0xB  }
0xbc: {  	v9 =	vld [tilespmem:$0x180];
	v17 =	vmul.f32 v34, v41;
	v62 =	vmul.f32 v44, v60;
	v14 =	vadd.f32 v35, v14  }
0xbd: {  	v8 =	vadd.f32 v11, v8;
	v41 =	vmul.f32 v51, v36;
	v11 =	vmul.f32 v53, v39  }
0xbe: {  	v37 =	vld [tilespmem:$0x20];
	v44 =	vbroadcast v19, $0xE;
	v19 =	vbroadcast v19, $0xF;
	v14 =	vadd.f32 v40, v14  }
0xbf: {  	v58 =	vld [tilespmem:$0xE0];
	v53 =	vbroadcast v0, $0x8;
	v35 =	vmul.f32 v46, v63  }
0xc0: {  	v43 =	vld [tilespmem:$0x40];
	v46 =	vmul.f32 v56, v42;
	v50 =	vmul.f32 v61, v19;
	v14 =	vadd.f32 v17, v14  }
0xc1: {  	v21 =	vld [tilespmem:$0x190];
	v8 =	vadd.f32 v10, v8;
	v13 =	vmul.f32 v13, v57;
	v48 =	vbroadcast v9, $0x0  }
0xc2: {  	v32 =	vld [tilespmem:$0x0];
	v51 =	vbroadcast v9, $0x1;
	v55 =	vbroadcast v9, $0x2;
	v14 =	vadd.f32 v49, v14  }
0xc3: {  	v47 =	vld [tilespmem:$0x60];
	v57 =	vbroadcast v9, $0x3;
	v61 =	vbroadcast v9, $0x5  }
0xc4: {  	v34 =	vld [tilespmem:$0x10];
	v8 =	vadd.f32 v12, v8;
	v12 =	vmul.f32 v58, v44;
	v14 =	vadd.f32 v54, v14  }
0xc5: {  	v56 =	vld [tilespmem:$0x90];
	v58 =	vbroadcast v9, $0x4;
	v60 =	vmul.f32 v37, v55  }
0xc6: {  	v40 =	vld [tilespmem:$0x30];
	v36 =	vbroadcast v21, $0x0;
	v37 =	vbroadcast v9, $0x6;
	v14 =	vadd.f32 v59, v14  }
0xc7: {  	v8 =	vadd.f32 v15, v8;
	v15 =	vmul.f32 v32, v48;
	v33 =	vmul.f32 v43, v58;
	v59 =	vld [tilespmem:$0x0]  }
0xc8: {  	v52 =	vld [tilespmem:$0x80];
	v43 =	vbroadcast v9, $0x7;
	v42 =	vmul.f32 v47, v37;
	v14 =	vadd.f32 v62, v14  }
0xc9: {  	v29 =	vld [tilespmem:$0xE0];
	v8 =	vadd.f32 v16, v8;
	v54 =	vmul.f32 v34, v51;
	v51 =	vbroadcast v9, $0x9  }
0xca: {  	v31 =	vld [tilespmem:$0xF0];
	v47 =	vbroadcast v9, $0x8;
	v15 =	vadd.f32 v15, v53;
	v14 =	vadd.f32 v35, v14  }
0xcb: {  	v45 =	vld [tilespmem:$0x50];
	v63 =	vmul.f32 v40, v57;
	v8 =	vadd.f32 v18, v8;
	v55 =	vmul.f32 v56, v51  }
0xcc: {  	v34 =	vld [tilespmem:$0x10];
	v56 =	vbroadcast v9, $0xA;
	v40 =	vmul.f32 v59, v36;
	v10 =	vadd.f32 v38, v14  }
0xcd: {  	v8 =	vadd.f32 v13, v8;
	v59 =	vbroadcast v21, $0x5;
	v14 =	vmul.f32 v52, v47;
	v52 =	vld [tilespmem:$0x50]  }
0xce: {  	v49 =	vld [tilespmem:$0x70];
	v38 =	vbroadcast v0, $0x9;
	v47 =	vbroadcast v9, $0xE;
	v10 =	vadd.f32 v41, v10  }
0xcf: {  	v48 =	vld [tilespmem:$0x40];
	v8 =	vadd.f32 v7, v8;
	v36 =	vbroadcast v9, $0xC;
	v41 =	vbroadcast v21, $0x1  }
0xd0: {  	v62 =	vld [tilespmem:$0xA0];
	v17 =	vadd.f32 v40, v38;
	v16 =	vmul.f32 v29, v47;
	v10 =	vadd.f32 v11, v10  }
0xd1: {  	v30 =	vld [tilespmem:$0xD0];
	v22 =	vmul.f32 v34, v41;
	v11 =	vadd.f32 v54, v15;
	v54 =	vbroadcast v21, $0x4  }
0xd2: {  	v39 =	vld [tilespmem:$0x20];
	v41 =	vbroadcast v9, $0xD;
	v32 =	vmul.f32 v52, v59;
	v10 =	vadd.f32 v46, v10  }
0xd3: {  	v35 =	vld [tilespmem:$0xB0];
	v59 =	vbroadcast v21, $0xD;
	v46 =	vmul.f32 v49, v43;
	v11 =	vadd.f32 v60, v11  }
0xd4: {  	v44 =	vld [tilespmem:$0x30];
	v58 =	vmul.f32 v48, v54;
	v10 =	vadd.f32 v12, v10;
	v12 =	vmul.f32 v45, v61  }
0xd5: {  	v57 =	vld [tilespmem:$0x60];
	v17 =	vadd.f32 v22, v17;
	v45 =	vbroadcast v21, $0x2;
	v61 =	vmul.f32 v62, v56  }
0xd6: {  	v34 =	vld [tilespmem:$0x90];
	v11 =	vadd.f32 v63, v11;
	v62 =	vbroadcast v9, $0xB;
	v9 =	vbroadcast v9, $0xF  }
0xd7: {  	v60 =	vld [tilespmem:$0x70];
	v7 =	vadd.f32 v50, v10;
	v49 =	vmul.f32 v39, v45;
	v50 =	vbroadcast v21, $0x3  }
0xd8: {  	v63 =	vld [tilespmem:$0x80];
	v11 =	vadd.f32 v33, v11;
	v33 =	vbroadcast v21, $0x6;
	v35 =	vmul.f32 v35, v62  }
0xd9: {  	v10 =	vld [tilespmem:$0xC0];
	v39 =	vbroadcast v21, $0x7;
	v9 =	vmul.f32 v31, v9  }
0xda: {  	v45 =	vld [tilespmem:$0xD0];
	v17 =	vadd.f32 v49, v17;
	v53 =	vmul.f32 v44, v50;
	v38 =	vmul.f32 v57, v33  }
0xdb: {  	v37 =	vld [tilespmem:$0xA0];
	v11 =	vadd.f32 v12, v11;
	v44 =	vbroadcast v21, $0x8;
	v50 =	vbroadcast v21, $0x9  }
0xdc: {  	v24 =	vld [tilespmem:$0x1B0];
	v43 =	vmul.f32 v60, v39;
	v57 =	vbroadcast v21, $0xC;
	v17 =	vadd.f32 v53, v17  }
0xdd: {  	v11 =	vadd.f32 v42, v11;
	v42 =	vld [tilespmem:$0xC0];
	v49 =	vmul.f32 v63, v44;
	v52 =	vmul.f32 v34, v50  }
0xde: {  	v51 =	vld [tilespmem:$0xF0];
	v53 =	vbroadcast v21, $0xA;
	v10 =	vmul.f32 v10, v36  }
0xdf: {  	v63 =	vmul.f32 v45, v59;
	v17 =	vadd.f32 v58, v17;
	v11 =	vadd.f32 v46, v11  }
0xe0: {  	v40 =	vld [tilespmem:$0xB0];
	v46 =	vmul.f32 v30, v41;
	v20 =	vmul.f32 v37, v53  }
0xe1: {  	v17 =	vadd.f32 v32, v17;
	v14 =	vadd.f32 v14, v11;
	v11 =	vld [tilespmem:$0x1A0];
	v32 =	vbroadcast v21, $0xF  }
0xe2: {  	v48 =	vld [tilespmem:$0xE0];
	v19 =	vmul.f32 v42, v57;
	v57 =	vbroadcast v24, $0x1  }
0xe3: {  	v56 =	vld [tilespmem:$0x10];
	v13 =	vadd.f32 v55, v14;
	v55 =	vbroadcast v21, $0xB;
	v37 =	vmul.f32 v51, v32  }
0xe4: {  	v60 =	vld [tilespmem:$0x30];
	v17 =	vadd.f32 v38, v17;
	v38 =	vbroadcast v0, $0xA;
	v32 =	vbroadcast v24, $0x8  }
0xe5: {  	v58 =	vld [tilespmem:$0x20];
	v13 =	vadd.f32 v61, v13;
	v14 =	vmul.f32 v40, v55;
	v61 =	vbroadcast v21, $0xE  }
0xe6: {  	v33 =	vld [tilespmem:$0x50];
	v17 =	vadd.f32 v43, v17;
	v40 =	vbroadcast v11, $0x1;
	v42 =	vbroadcast v11, $0x2  }
0xe7: {  	v43 =	vbroadcast v11, $0x3;
	v53 =	vbroadcast v11, $0x5  }
0xe8: {  	v54 =	vld [tilespmem:$0x0];
	v59 =	vbroadcast v11, $0x6;
	v17 =	vadd.f32 v49, v17;
	v34 =	vmul.f32 v48, v61  }
0xe9: {  	v23 =	vld [tilespmem:$0x1D0];
	v12 =	vadd.f32 v35, v13;
	v35 =	vbroadcast v11, $0x0;
	v45 =	vmul.f32 v56, v40  }
0xea: {  	v44 =	vld [tilespmem:$0x0];
	v15 =	vmul.f32 v58, v42;
	v48 =	vmul.f32 v60, v43;
	v17 =	vadd.f32 v52, v17  }
0xeb: {  	v41 =	vld [tilespmem:$0x70];
	v58 =	vmul.f32 v33, v53;
	v33 =	vbroadcast v11, $0x7  }
0xec: {  	v49 =	vld [tilespmem:$0x10];
	v43 =	vbroadcast v24, $0x4;
	v10 =	vadd.f32 v10, v12;
	v17 =	vadd.f32 v20, v17  }
0xed: {  	v62 =	vld [tilespmem:$0x40];
	v39 =	vmul.f32 v54, v35;
	v52 =	vbroadcast v24, $0x0  }
0xee: {  	v47 =	vld [tilespmem:$0x80];
	v54 =	vbroadcast v0, $0xB;
	v10 =	vadd.f32 v46, v10;
	v14 =	vadd.f32 v14, v17  }
0xef: {  	v36 =	vld [tilespmem:$0x60];
	v46 =	vbroadcast v11, $0x4;
	v56 =	vmul.f32 v44, v52;
	v18 =	vadd.f32 v39, v38  }
0xf0: {  	v55 =	vld [tilespmem:$0x20];
	v38 =	vmul.f32 v41, v33;
	v39 =	vbroadcast v11, $0x8;
	v14 =	vadd.f32 v19, v14  }
0xf1: {  	v51 =	vld [tilespmem:$0x90];
	v22 =	vmul.f32 v49, v57;
	v49 =	vbroadcast v24, $0x5  }
0xf2: {  	v61 =	vld [tilespmem:$0xB0];
	v10 =	vadd.f32 v16, v10;
	v50 =	vmul.f32 v62, v46;
	v13 =	vadd.f32 v63, v14  }
0xf3: {  	v57 =	vld [tilespmem:$0x80];
	v62 =	vbroadcast v24, $0x2;
	v44 =	vmul.f32 v47, v39  }
0xf4: {  	v52 =	vld [tilespmem:$0x70];
	v9 =	vadd.f32 v9, v10;
	v63 =	vmul.f32 v36, v59;
	v13 =	vadd.f32 v34, v13  }
0xf5: {  	v60 =	vld [tilespmem:$0x30];
	v14 =	vadd.f32 v45, v18;
	v36 =	vmul.f32 v55, v62;
	v45 =	vbroadcast v11, $0x9  }
0xf6: {  	v40 =	vld [tilespmem:$0x50];
	v55 =	vbroadcast v24, $0x6;
	v10 =	vadd.f32 v37, v13;
	v13 =	vadd.f32 v56, v54  }
0xf7: {  	v59 =	vbroadcast v24, $0x7;
	v62 =	vbroadcast v11, $0xC;
	v34 =	vld [tilespmem:$0x40];
	v14 =	vadd.f32 v15, v14  }
0xf8: {  	v53 =	vld [tilespmem:$0xF0];
	v20 =	vmul.f32 v57, v32;
	v37 =	vbroadcast v24, $0x3;
	v13 =	vadd.f32 v22, v13  }
0xf9: {  	v12 =	vld [tilespmem:$0xA0];
	v32 =	vbroadcast v23, $0xB;
	v21 =	vmul.f32 v52, v59;
	v14 =	vadd.f32 v48, v14  }
0xfa: {  	v35 =	vld [tilespmem:$0xC0];
	v52 =	vbroadcast v24, $0xE;
	v42 =	vmul.f32 v60, v37;
	v13 =	vadd.f32 v36, v13  }
0xfb: {  	v46 =	vld [tilespmem:$0x60];
	v59 =	vbroadcast v0, $0xC;
	v54 =	vmul.f32 v40, v49;
	v14 =	vadd.f32 v50, v14  }
0xfc: {  	v41 =	vld [tilespmem:$0xD0];
	v56 =	vbroadcast v11, $0xB;
	v48 =	vmul.f32 v34, v43;
	v13 =	vadd.f32 v42, v13  }
0xfd: {  	v47 =	vld [tilespmem:$0xE0];
	v40 =	vbroadcast v11, $0xE;
	v49 =	vbroadcast v24, $0xC;
	v14 =	vadd.f32 v58, v14  }
0xfe: {  	v33 =	vld [tilespmem:$0xB0];
	v50 =	vmul.f32 v51, v45;
	v51 =	vbroadcast v11, $0xA;
	v13 =	vadd.f32 v48, v13  }
0xff: {  	v60 =	vld [tilespmem:$0x90];
	v34 =	vmul.f32 v35, v62;
	v35 =	vbroadcast v11, $0xD;
	v14 =	vadd.f32 v63, v14  }
0x100: {  	v61 =	vmul.f32 v61, v56;
	v58 =	vmul.f32 v46, v55;
	v36 =	vld [tilespmem:$0xC0];
	v13 =	vadd.f32 v54, v13  }
0x101: {  	v37 =	vbroadcast v24, $0x9;
	v39 =	vmul.f32 v41, v35;
	v41 =	vld [tilespmem:$0xE0];
	v14 =	vadd.f32 v38, v14  }
0x102: {  	v19 =	vmul.f32 v47, v40;
	v43 =	vld [tilespmem:$0xF0];
	v11 =	vbroadcast v11, $0xF;
	v13 =	vadd.f32 v58, v13  }
0x103: {  	v12 =	vmul.f32 v12, v51;
	v63 =	vld [tilespmem:$0xA0];
	v14 =	vadd.f32 v44, v14;
	v44 =	vbroadcast v24, $0xB  }
0x104: {  	v11 =	vmul.f32 v53, v11;
	v42 =	vbroadcast v24, $0xA;
	v38 =	vld [tilespmem:$0xD0];
	v13 =	vadd.f32 v21, v13  }
0x105: {  	v54 =	vmul.f32 v36, v49;
	v47 =	vmul.f32 v33, v44;
	v44 =	vld [tilespmem:$0x20]  }
0x106: {  	v57 =	vmul.f32 v41, v52;
	v41 =	vbroadcast v23, $0x0;
	v20 =	vadd.f32 v20, v13;
	v13 =	vld [tilespmem:$0x1C0]  }
0x107: {  	v56 =	vld [tilespmem:$0x40];
	v52 =	vbroadcast v23, $0x2;
	v14 =	vadd.f32 v50, v14;
	v50 =	vbroadcast v24, $0xD  }
0x108: {  	v46 =	vld [tilespmem:$0x0];
	v45 =	vmul.f32 v63, v42;
	v24 =	vbroadcast v24, $0xF  }
0x109: {  	v51 =	vld [tilespmem:$0x20];
	v21 =	vmul.f32 v60, v37;
	v55 =	vmul.f32 v38, v50  }
0x10a: {  	v53 =	vld [tilespmem:$0x30];
	v12 =	vadd.f32 v12, v14;
	v58 =	vmul.f32 v43, v24;
	v43 =	vbroadcast v0, $0xD  }
0x10b: {  	v48 =	vld [tilespmem:$0x10];
	v25 =	vmul.f32 v44, v52;
	v20 =	vadd.f32 v21, v20;
	v60 =	vbroadcast v13, $0x0  }
0x10c: {  	v33 =	vld [tilespmem:$0x0];
	v12 =	vadd.f32 v61, v12;
	v62 =	vbroadcast v13, $0x1;
	v63 =	vbroadcast v13, $0x2  }
0x10d: {  	v61 =	vld [tilespmem:$0x50];
	v20 =	vadd.f32 v45, v20;
	v35 =	vbroadcast v13, $0x3;
	v42 =	vbroadcast v13, $0x4  }
0x10e: {  	v12 =	vadd.f32 v34, v12;
	v49 =	vbroadcast v13, $0x5;
	v52 =	vbroadcast v13, $0xC  }
0x10f: {  	v14 =	vadd.f32 v47, v20;
	v47 =	vbroadcast v23, $0x1;
	v34 =	vmul.f32 v46, v60  }
0x110: {  	v38 =	vld [tilespmem:$0x10];
	v12 =	vadd.f32 v39, v12;
	v16 =	vmul.f32 v48, v62;
	v37 =	vmul.f32 v51, v63  }
0x111: {  	v39 =	vmul.f32 v53, v35;
	v46 =	vmul.f32 v33, v41  }
0x112: {  	v40 =	vld [tilespmem:$0x70];
	v12 =	vadd.f32 v19, v12;
	v48 =	vmul.f32 v56, v42;
	v53 =	vmul.f32 v61, v49  }
0x113: {  	v36 =	vld [tilespmem:$0x60];
	v62 =	vbroadcast v23, $0x4;
	v33 =	vbroadcast v13, $0x8  }
0x114: {  	v56 =	vld [tilespmem:$0xA0];
	v42 =	vbroadcast v13, $0xA;
	v14 =	vadd.f32 v54, v14;
	v11 =	vadd.f32 v11, v12  }
0x115: {  	v35 =	vld [tilespmem:$0xC0];
	v19 =	vmul.f32 v38, v47;
	v20 =	vadd.f32 v34, v59;
	v59 =	vbroadcast v13, $0x7  }
0x116: {  	v50 =	vld [tilespmem:$0x30];
	v54 =	vbroadcast v13, $0x6;
	v47 =	vbroadcast v13, $0xB;
	v18 =	vadd.f32 v46, v43  }
0x117: {  	v45 =	vld [tilespmem:$0x80];
	v14 =	vadd.f32 v55, v14;
	v16 =	vadd.f32 v16, v20;
	v63 =	vmul.f32 v40, v59  }
0x118: {  	v34 =	vld [tilespmem:$0x60];
	v18 =	vadd.f32 v19, v18;
	v40 =	vbroadcast v23, $0x6;
	v59 =	vbroadcast v23, $0xA  }
0x119: {  	v14 =	vadd.f32 v57, v14;
	v57 =	vbroadcast v23, $0x3;
	v46 =	vmul.f32 v56, v42  }
0x11a: {  	v51 =	vld [tilespmem:$0x90];
	v19 =	vmul.f32 v35, v52;
	v35 =	vbroadcast v23, $0xC;
	v16 =	vadd.f32 v37, v16  }
0x11b: {  	v55 =	vld [tilespmem:$0x40];
	v37 =	vbroadcast v13, $0x9;
	v12 =	vadd.f32 v58, v14;
	v58 =	vmul.f32 v36, v54  }
0x11c: {  	v61 =	vld [tilespmem:$0xB0];
	v27 =	vmul.f32 v50, v57;
	v36 =	vbroadcast v23, $0x5  }
0x11d: {  	v60 =	vld [tilespmem:$0x50];
	v18 =	vadd.f32 v25, v18;
	v14 =	vmul.f32 v45, v33;
	v24 =	vmul.f32 v34, v40  }
0x11e: {  	v45 =	vbroadcast v23, $0x7;
	v50 =	vbroadcast v23, $0x8;
	v15 =	vadd.f32 v39, v16  }
0x11f: {  	v44 =	vld [tilespmem:$0xE0];
	v57 =	vbroadcast v13, $0xD;
	v40 =	vbroadcast v23, $0xF  }
0x120: {  	v38 =	vld [tilespmem:$0x70];
	v28 =	vmul.f32 v55, v62;
	v18 =	vadd.f32 v27, v18;
	v15 =	vadd.f32 v48, v15  }
0x121: {  	v43 =	vld [tilespmem:$0x80];
	v41 =	vmul.f32 v51, v37;
	v51 =	vmul.f32 v61, v47  }
0x122: {  	v49 =	vld [tilespmem:$0xF0];
	v26 =	vmul.f32 v60, v36;
	v18 =	vadd.f32 v28, v18;
	v15 =	vadd.f32 v53, v15  }
0x123: {  	v56 =	vld [tilespmem:$0xB0];
	v55 =	vbroadcast v23, $0x9;
	v62 =	vbroadcast v13, $0xE  }
0x124: {  	v39 =	vld [tilespmem:$0xD0];
	v13 =	vbroadcast v13, $0xF;
	v18 =	vadd.f32 v26, v18;
	v15 =	vadd.f32 v58, v15  }
0x125: {  	v37 =	vbroadcast v23, $0xD;
	v22 =	vmul.f32 v38, v45;
	v48 =	vld [tilespmem:$0x90]  }
0x126: {  	v54 =	vmul.f32 v43, v50;
	v53 =	vld [tilespmem:$0xA0];
	v18 =	vadd.f32 v24, v18;
	v15 =	vadd.f32 v63, v15  }
0x127: {  	v45 =	vbroadcast v0, $0xE;
	v0 =	vbroadcast v0, $0xF;
	v58 =	vld [tilespmem:$0xC0]  }
0x128: {  	v34 =	vmul.f32 v56, v32;
	v63 =	vld [tilespmem:$0xE0];
	v18 =	vadd.f32 v22, v18;
	v14 =	vadd.f32 v14, v15  }
0x129: {  	v13 =	vmul.f32 v49, v13;
	v61 =	vmul.f32 v39, v57;
	v15 =	vld [tilespmem:$0x1F0]  }
0x12a: {  	v60 =	vld [tilespmem:$0xD0];
	v21 =	vmul.f32 v48, v55;
	v18 =	vadd.f32 v54, v18;
	v14 =	vadd.f32 v41, v14  }
0x12b: {  	v26 =	vmul.f32 v44, v62;
	v39 =	vbroadcast v23, $0xE;
	v41 =	vld [tilespmem:$0x0]  }
0x12c: {  	v31 =	vmul.f32 v53, v59;
	v18 =	vadd.f32 v21, v18;
	v17 =	vadd.f32 v46, v14;
	v14 =	vld [tilespmem:$0x1E0]  }
0x12d: {  	v33 =	vld [tilespmem:$0xF0];
	v38 =	vmul.f32 v58, v35;
	v42 =	vmul.f32 v63, v39  }
0x12e: {  	v36 =	vld [tilespmem:$0x0];
	v18 =	vadd.f32 v31, v18;
	v49 =	vbroadcast v15, $0x0;
	v53 =	vbroadcast v15, $0x1  }
0x12f: {  	v46 =	vld [tilespmem:$0x10];
	v58 =	vbroadcast v15, $0x2;
	v63 =	vbroadcast v15, $0x3;
	v16 =	vadd.f32 v51, v17  }
0x130: {  	v44 =	vld [tilespmem:$0x10];
	v17 =	vmul.f32 v60, v37;
	v18 =	vadd.f32 v34, v18;
	v23 =	vmul.f32 v41, v49  }
0x131: {  	v51 =	vld [tilespmem:$0x20];
	v41 =	vbroadcast v15, $0x5;
	v43 =	vbroadcast v14, $0x0  }
0x132: {  	v48 =	vld [tilespmem:$0x20];
	v16 =	vadd.f32 v19, v16;
	v18 =	vadd.f32 v38, v18;
	v50 =	vbroadcast v14, $0x1  }
0x133: {  	v56 =	vld [tilespmem:$0x30];
	v55 =	vbroadcast v14, $0x2;
	v0 =	vadd.f32 v23, v0;
	v47 =	vmul.f32 v36, v43  }
0x134: {  	v52 =	vld [tilespmem:$0x30];
	v25 =	vmul.f32 v46, v53;
	v60 =	vbroadcast v14, $0x3;
	v20 =	vadd.f32 v61, v16  }
0x135: {  	v61 =	vld [tilespmem:$0x40];
	v17 =	vadd.f32 v17, v18;
	v54 =	vmul.f32 v44, v50;
	v18 =	vadd.f32 v47, v45  }
0x136: {  	v57 =	vld [tilespmem:$0x40];
	v16 =	vmul.f32 v33, v40;
	v0 =	vadd.f32 v25, v0;
	v27 =	vmul.f32 v51, v58  }
0x137: {  	v34 =	vld [tilespmem:$0x50];
	v59 =	vmul.f32 v48, v55;
	v36 =	vbroadcast v15, $0x4;
	v18 =	vadd.f32 v54, v18  }
0x138: {  	v62 =	vld [tilespmem:$0x50];
	v20 =	vadd.f32 v26, v20;
	v26 =	vmul.f32 v56, v63;
	v0 =	vadd.f32 v27, v0  }
0x139: {  	v39 =	vld [tilespmem:$0x60];
	v33 =	vbroadcast v14, $0x4;
	v32 =	vmul.f32 v52, v60;
	v18 =	vadd.f32 v59, v18  }
0x13a: {  	v35 =	vld [tilespmem:$0x60];
	v38 =	vbroadcast v14, $0x5;
	v0 =	vadd.f32 v26, v0;
	v24 =	vmul.f32 v61, v36  }
0x13b: {  	v46 =	vbroadcast v15, $0x6;
	v44 =	vld [tilespmem:$0x70];
	v37 =	vmul.f32 v57, v33;
	v18 =	vadd.f32 v32, v18  }
0x13c: {  	v40 =	vld [tilespmem:$0x70];
	v43 =	vbroadcast v14, $0x6;
	v22 =	vmul.f32 v34, v41;
	v0 =	vadd.f32 v24, v0  }
0x13d: {  	v49 =	vld [tilespmem:$0x80];
	v17 =	vadd.f32 v42, v17;
	v42 =	vmul.f32 v62, v38;
	v18 =	vadd.f32 v37, v18  }
0x13e: {  	v23 =	vmul.f32 v39, v46;
	v51 =	vbroadcast v15, $0x7;
	v45 =	vld [tilespmem:$0x80];
	v0 =	vadd.f32 v22, v0  }
0x13f: {  	v48 =	vbroadcast v14, $0x7;
	v47 =	vmul.f32 v35, v43;
	v54 =	vld [tilespmem:$0x90];
	v18 =	vadd.f32 v42, v18  }
0x140: {  	v50 =	vld [tilespmem:$0x90];
	v56 =	vbroadcast v15, $0x8;
	v25 =	vmul.f32 v44, v51;
	v0 =	vadd.f32 v23, v0  }
0x141: {  	v53 =	vbroadcast v14, $0x8;
	v52 =	vmul.f32 v40, v48;
	v59 =	vld [tilespmem:$0xA0];
	v18 =	vadd.f32 v47, v18  }
0x142: {  	v55 =	vld [tilespmem:$0xA0];
	v27 =	vmul.f32 v49, v56;
	v61 =	vbroadcast v15, $0x9;
	v0 =	vadd.f32 v25, v0  }
0x143: {  	v58 =	vbroadcast v14, $0x9;
	v57 =	vmul.f32 v45, v53;
	v32 =	vld [tilespmem:$0xB0];
	v18 =	vadd.f32 v52, v18  }
0x144: {  	v60 =	vld [tilespmem:$0xB0];
	v34 =	vbroadcast v15, $0xA;
	v26 =	vmul.f32 v54, v61;
	v0 =	vadd.f32 v27, v0  }
0x145: {  	v63 =	vbroadcast v14, $0xA;
	v38 =	vld [tilespmem:$0xC0];
	v62 =	vmul.f32 v50, v58;
	v18 =	vadd.f32 v57, v18  }
0x146: {  	[tilespmem:$0x210] =	vst v2;
	v33 =	vld [tilespmem:$0xC0];
	v41 =	vbroadcast v15, $0xB;
	v40 =	vmul.f32 v59, v34;
	v0 =	vadd.f32 v26, v0  }
0x147: {  	[tilespmem:$0x220] =	vst v1;
	v36 =	vmul.f32 v55, v63;
	v44 =	vld [tilespmem:$0xD0];
	v37 =	vbroadcast v14, $0xB;
	v35 =	vadd.f32 v62, v18  }
0x148: {  	[tilespmem:$0x230] =	vst v4;
	v39 =	vld [tilespmem:$0xD0];
	v46 =	vbroadcast v15, $0xC;
	v22 =	vmul.f32 v32, v41;
	v0 =	vadd.f32 v40, v0  }
0x149: {  	[tilespmem:$0x240] =	vst v3;
	v43 =	vbroadcast v14, $0xC;
	v49 =	vld [tilespmem:$0xE0];
	v42 =	vmul.f32 v60, v37;
	v2 =	vadd.f32 v36, v35  }
0x14a: {  	[tilespmem:$0x250] =	vst v6;
	v51 =	vbroadcast v15, $0xD;
	v45 =	vld [tilespmem:$0xE0];
	v21 =	vmul.f32 v38, v46;
	v0 =	vadd.f32 v22, v0  }
0x14b: {  	[tilespmem:$0x260] =	vst v5;
	v48 =	vbroadcast v14, $0xD;
	v53 =	vld [tilespmem:$0xF0];
	v47 =	vmul.f32 v33, v43;
	v2 =	vadd.f32 v42, v2  }
0x14c: {  	[tilespmem:$0x270] =	vst v8;
	v50 =	vld [tilespmem:$0xF0];
	v55 =	vbroadcast v15, $0xE;
	v54 =	vmul.f32 v44, v51;
	v0 =	vadd.f32 v21, v0  }
0x14d: {  	[tilespmem:$0x280] =	vst v7;
	v1 =	vmul.f32 v39, v48;
	v52 =	vbroadcast v14, $0xE;
	v2 =	vadd.f32 v47, v2  }
0x14e: {  	[tilespmem:$0x290] =	vst v9;
	v58 =	vmul.f32 v49, v55;
	v59 =	vbroadcast v15, $0xF;
	v0 =	vadd.f32 v54, v0  }
0x14f: {  	[tilespmem:$0x2A0] =	vst v10;
	v56 =	vmul.f32 v45, v52;
	v57 =	vbroadcast v14, $0xF;
	v1 =	vadd.f32 v1, v2  }
0x150: {  	[tilespmem:$0x2B0] =	vst v11;
	v60 =	vadd.f32 v13, v20;
	v63 =	vmul.f32 v53, v59;
	v0 =	vadd.f32 v58, v0  }
0x151: {  	[tilespmem:$0x2C0] =	vst v12;
	v61 =	vmul.f32 v50, v57;
	v62 =	vadd.f32 v16, v17;
	v1 =	vadd.f32 v56, v1  }
0x152: {  	[tilespmem:$0x2D0] =	vst v60;
	v0 =	vadd.f32 v63, v0  }
0x153: {  	[tilespmem:$0x2E0] =	vst v62;
	v1 =	vadd.f32 v61, v1  }
0x154: {  	[tilespmem:$0x300] =	vst v0  }
0x155: {  	s0 =	simm.s32 $0x0;
	[tilespmem:$0x2F0] =	vst v1  }
.LBB2_2:
0x156: {  	_ =	swait.ge [sflag:s21], $0xC80  }
0x157: {  	p1 =	seq.s32 s0, $0x0;
	[sflag:s21] =	ssyncset.done $0x0  }
0x158: {  	s2 =	simm.s32 @!p1 $0x3;
	[sflag:s21] =	ssyncadd.s32 $0xFFFFF380  }
0x159: {  	_ =	swait.ge @!p1 [sflag:s2], $0xC800  }
0x15a: {  	[sflag:s2] =	ssyncset.done @!p1 $0x0  }
0x15b: {  	s13 =	simm.s32 $0x330;
	[sflag:s2] =	ssyncadd.s32 @!p1 $0xFFFF3800  }
0x15c: {  	v7 =	vld [tilespmem:s13+$0x10];
	_ =	sdelay $0x1  }
0x15d: {  	v0 =	vld [tilespmem:s13+$0xFFFFFFF0];
	_ =	sdelay $0x2  }
0x15e: {  	v6 =	vld [tilespmem:s13+$0xFFFFFFE0];
	_ =	sdelay $0x1  }
0x15f: {  	v1 =	vld [tilespmem:s13+$0x0]  }
0x160: {  	v2 =	vld.idx.msk [tilespmem:v7+s22+$0x0], $0xffff  }
0x161: {  	s14 =	simm.s32 $0x0;
	v3 =	vadd.s32 $0x10, v7  }
0x162: {  	s3 =	simm.s32 $0x30;
	s2 =	sand.u32 $0x7C00, s14;
	v4 =	vld.idx.msk [tilespmem:v0+s22+$0x0], $0xffff  }
0x163: {  	s3 =	sand.u32 $0x70, s3;
	s2 =	sadd.s32 $0x1C10, s2;
	v5 =	vadd.s32 $0x10, v0  }
0x164: {  	s8 =	simm.s32 $0x10;
	s9 =	sadd.s32 s3, s2  }
0x165: {  	s15 =	sand.u32 $0x50, s8;
	v8 =	vld.idx.msk [tilespmem:v6+s22+$0x0], $0xffff;
	[tilespmem:s9+$0x0] =	vst v2  }
0x166: {  	s8 =	sadd.s32 s15, s2;
	v2 =	vadd.s32 $0x10, v6;
	v3 =	vld.idx.msk [tilespmem:v3+s22+$0x0], $0xffff  }
0x167: {  	s16 =	simm.s32 $0x0;
	v9 =	vld.idx.msk [tilespmem:v1+s22+$0x0], $0xffff;
	[tilespmem:s8+$0x0] =	vst v4;
	v4 =	vadd.s32 $0x20, v7  }
0x168: {  	s3 =	sand.u32 $0x40, s16;
	v10 =	vadd.s32 $0x10, v1;
	v5 =	vld.idx.msk [tilespmem:v5+s22+$0x0], $0xffff  }
0x169: {  	s11 =	simm.s32 $0x20;
	s10 =	sor.u32 s3, s2;
	v11 =	vadd.s32 $0x20, v0  }
0x16a: {  	s17 =	sand.u32 $0x60, s11;
	[tilespmem:s10+$0x0] =	vst v8  }
0x16b: {  	s2 =	sor.u32 s17, s2;
	v2 =	vld.idx.msk [tilespmem:v2+s22+$0x0], $0xffff;
	[tilespmem:s9+$0x80] =	vst v3  }
0x16c: {  	[tilespmem:s2+$0x0] =	vst v9;
	v3 =	vadd.s32 $0x20, v6;
	v4 =	vld.idx.msk [tilespmem:v4+s22+$0x0], $0xffff  }
0x16d: {  	v8 =	vld.idx.msk [tilespmem:v10+s22+$0x0], $0xffff;
	[tilespmem:s8+$0x80] =	vst v5;
	v5 =	vadd.s32 $0x30, v7  }
0x16e: {  	v9 =	vadd.s32 $0x20, v1;
	v10 =	vld.idx.msk [tilespmem:v11+s22+$0x0], $0xffff  }
0x16f: {  	v11 =	vadd.s32 $0x30, v0  }
0x170: {  	[tilespmem:s10+$0x80] =	vst v2  }
0x171: {  	v2 =	vld.idx.msk [tilespmem:v3+s22+$0x0], $0xffff;
	[tilespmem:s9+$0x100] =	vst v4  }
0x172: {  	[tilespmem:s2+$0x80] =	vst v8;
	v3 =	vadd.s32 $0x30, v6;
	v4 =	vld.idx.msk [tilespmem:v5+s22+$0x0], $0xffff  }
0x173: {  	v8 =	vadd.s32 $0x40, v7;
	[tilespmem:s8+$0x100] =	vst v10;
	v5 =	vld.idx.msk [tilespmem:v9+s22+$0x0], $0xffff  }
0x174: {  	v9 =	vadd.s32 $0x30, v1;
	v10 =	vld.idx.msk [tilespmem:v11+s22+$0x0], $0xffff  }
0x175: {  	v11 =	vadd.s32 $0x40, v0  }
0x176: {  	[tilespmem:s10+$0x100] =	vst v2  }
0x177: {  	v2 =	vld.idx.msk [tilespmem:v3+s22+$0x0], $0xffff;
	[tilespmem:s9+$0x180] =	vst v4  }
0x178: {  	v3 =	vadd.s32 $0x40, v6;
	[tilespmem:s2+$0x100] =	vst v5;
	v4 =	vld.idx.msk [tilespmem:v8+s22+$0x0], $0xffff  }
0x179: {  	[tilespmem:s8+$0x180] =	vst v10;
	v5 =	vld.idx.msk [tilespmem:v9+s22+$0x0], $0xffff;
	v8 =	vadd.s32 $0x50, v7  }
0x17a: {  	v9 =	vadd.s32 $0x40, v1;
	v10 =	vld.idx.msk [tilespmem:v11+s22+$0x0], $0xffff  }
0x17b: {  	v11 =	vadd.s32 $0x50, v0  }
0x17c: {  	[tilespmem:s10+$0x180] =	vst v2  }
0x17d: {  	v2 =	vld.idx.msk [tilespmem:v3+s22+$0x0], $0xffff;
	[tilespmem:s9+$0x200] =	vst v4  }
0x17e: {  	v3 =	vadd.s32 $0x50, v6;
	[tilespmem:s2+$0x180] =	vst v5;
	v4 =	vld.idx.msk [tilespmem:v8+s22+$0x0], $0xffff  }
0x17f: {  	[tilespmem:s8+$0x200] =	vst v10;
	v5 =	vld.idx.msk [tilespmem:v9+s22+$0x0], $0xffff;
	v8 =	vadd.s32 $0x60, v7  }
0x180: {  	v9 =	vadd.s32 $0x50, v1;
	v10 =	vld.idx.msk [tilespmem:v11+s22+$0x0], $0xffff  }
0x181: {  	v11 =	vadd.s32 $0x60, v0  }
0x182: {  	[tilespmem:s10+$0x200] =	vst v2  }
0x183: {  	v2 =	vld.idx.msk [tilespmem:v3+s22+$0x0], $0xffff;
	[tilespmem:s9+$0x280] =	vst v4  }
0x184: {  	v3 =	vadd.s32 $0x60, v6;
	[tilespmem:s2+$0x200] =	vst v5;
	v4 =	vld.idx.msk [tilespmem:v8+s22+$0x0], $0xffff  }
0x185: {  	[tilespmem:s8+$0x280] =	vst v10;
	v5 =	vld.idx.msk [tilespmem:v9+s22+$0x0], $0xffff;
	v8 =	vadd.s32 $0x70, v7  }
0x186: {  	v9 =	vadd.s32 $0x60, v1;
	v10 =	vld.idx.msk [tilespmem:v11+s22+$0x0], $0xffff  }
0x187: {  	v11 =	vadd.s32 $0x70, v0  }
0x188: {  	[tilespmem:s10+$0x280] =	vst v2  }
0x189: {  	v2 =	vld.idx.msk [tilespmem:v3+s22+$0x0], $0xffff;
	[tilespmem:s9+$0x300] =	vst v4  }
0x18a: {  	v3 =	vadd.s32 $0x70, v6;
	[tilespmem:s2+$0x280] =	vst v5;
	v4 =	vld.idx.msk [tilespmem:v8+s22+$0x0], $0xffff  }
0x18b: {  	[tilespmem:s8+$0x300] =	vst v10;
	v5 =	vld.idx.msk [tilespmem:v9+s22+$0x0], $0xffff;
	v8 =	vadd.s32 $0x80, v7  }
0x18c: {  	s15 =	simm.s32 $0x60;
	v9 =	vadd.s32 $0x70, v1;
	v10 =	vld.idx.msk [tilespmem:v11+s22+$0x0], $0xffff  }
0x18d: {  	s31 =	sand.u32 $0x60, s15;
	s15 =	simm.s32 $0x3B0;
	v11 =	vadd.s32 $0x80, v0  }
0x18e: {  	v26 =	vld [tilespmem:s15+$0x0];
	[tilespmem:s10+$0x300] =	vst v2  }
0x18f: {  	v12 =	vld.idx.msk [tilespmem:v3+s22+$0x0], $0xffff;
	[tilespmem:s9+$0x380] =	vst v4  }
0x190: {  	[tilespmem:s2+$0x300] =	vst v5;
	v4 =	vld.idx.msk [tilespmem:v8+s22+$0x0], $0xffff  }
0x191: {  	[tilespmem:s8+$0x380] =	vst v10;
	v8 =	vld.idx.msk [tilespmem:v9+s22+$0x0], $0xffff  }
0x192: {  	s18 =	simm.s32 $0x370;
	v10 =	vld.idx.msk [tilespmem:v11+s22+$0x0], $0xffff;
	v11 =	vadd.s32 $0x80, v6  }
0x193: {  	v5 =	vld [tilespmem:s18+$0x10];
	v9 =	vadd.s32 $0x90, v7  }
0x194: {  	v13 =	vadd.s32 $0x80, v1;
	v2 =	vld [tilespmem:s18+$0x0]  }
0x195: {  	v14 =	vadd.s32 $0x90, v0;
	v3 =	vld [tilespmem:s18+$0xFFFFFFF0];
	[tilespmem:s10+$0x380] =	vst v12  }
0x196: {  	[tilespmem:s9+$0x6400] =	vst v4;
	v4 =	vld [tilespmem:s18+$0xFFFFFFE0]  }
0x197: {  	[tilespmem:s2+$0x380] =	vst v8;
	v8 =	vld.idx.msk [tilespmem:v11+s22+$0x0], $0xffff  }
0x198: {  	v9 =	vld.idx.msk [tilespmem:v9+s22+$0x0], $0xffff  }
0x199: {  	[tilespmem:s8+$0x6400] =	vst v10;
	v10 =	vld.idx.msk [tilespmem:v13+s22+$0x0], $0xffff  }
0x19a: {  	v11 =	vadd.s32 $0xA0, v7;
	v12 =	vld.idx.msk [tilespmem:v14+s22+$0x0], $0xffff  }
0x19b: {  	v15 =	vadd.s32 $0x90, v1;
	v14 =	vld.idx.msk [tilespmem:v5+s22+$0x0], $0xffff  }
0x19c: {  	s19 =	simm.s32 $0x200;
	v27 =	vld [tilespmem:s15+$0xFFFFFFE0];
	v13 =	vadd.s32 $0x90, v6  }
0x19d: {  	s20 =	simm.s32 $0x70;
	s3 =	sand.u32 $0x7C00, s19;
	v18 =	vld.idx.msk [tilespmem:v2+s22+$0x0], $0xffff;
	[tilespmem:s10+$0x6400] =	vst v8  }
0x19e: {  	s29 =	sand.u32 $0x70, s20;
	s13 =	sadd.s32 $0x1C10, s3;
	v17 =	vadd.s32 $0xA0, v0;
	v16 =	vld.idx.msk [tilespmem:v3+s22+$0x0], $0xffff;
	[tilespmem:s9+$0x6480] =	vst v9  }
0x19f: {  	s3 =	sadd.s32 s29, s13;
	v9 =	vadd.s32 $0x10, v5;
	[tilespmem:s2+$0x6400] =	vst v10;
	v11 =	vld.idx.msk [tilespmem:v11+s22+$0x0], $0xffff  }
0x1a0: {  	[tilespmem:s3+$0x0] =	vst v14;
	v14 =	vld.idx.msk [tilespmem:v15+s22+$0x0], $0xffff;
	v15 =	vadd.s32 $0x10, v2  }
0x1a1: {  	v19 =	vadd.s32 $0xB0, v7;
	v10 =	vld.idx.msk [tilespmem:v13+s22+$0x0], $0xffff  }
0x1a2: {  	v20 =	vadd.s32 $0x10, v3;
	[tilespmem:s8+$0x6480] =	vst v12;
	v8 =	vld.idx.msk [tilespmem:v4+s22+$0x0], $0xffff  }
0x1a3: {  	s30 =	simm.s32 $0x50;
	s16 =	sor.u32 s31, s13;
	v13 =	vadd.s32 $0x10, v4;
	v17 =	vld.idx.msk [tilespmem:v17+s22+$0x0], $0xffff  }
0x1a4: {  	s11 =	sand.u32 $0x50, s30;
	s14 =	simm.s32 $0x40;
	[tilespmem:s16+$0x0] =	vst v18;
	v12 =	vadd.s32 $0xA0, v6;
	v9 =	vld.idx.msk [tilespmem:v9+s22+$0x0], $0xffff  }
0x1a5: {  	s14 =	sand.u32 $0x40, s14;
	s17 =	sadd.s32 s11, s13;
	[tilespmem:s9+$0x6500] =	vst v11;
	v11 =	vadd.s32 $0x20, v5;
	v15 =	vld.idx.msk [tilespmem:v15+s22+$0x0], $0xffff  }
0x1a6: {  	s19 =	sor.u32 s14, s13;
	[tilespmem:s17+$0x0] =	vst v16;
	v16 =	vld.idx.msk [tilespmem:v19+s22+$0x0], $0xffff;
	v19 =	vadd.s32 $0xA0, v1  }
0x1a7: {  	v18 =	vadd.s32 $0xC0, v7;
	[tilespmem:s19+$0x0] =	vst v8;
	v8 =	vld.idx.msk [tilespmem:v20+s22+$0x0], $0xffff  }
0x1a8: {  	[tilespmem:s10+$0x6480] =	vst v10;
	v20 =	vadd.s32 $0x20, v3;
	v13 =	vld.idx.msk [tilespmem:v13+s22+$0x0], $0xffff  }
0x1a9: {  	v10 =	vadd.s32 $0x20, v4;
	[tilespmem:s3+$0x80] =	vst v9;
	v9 =	vld.idx.msk [tilespmem:v12+s22+$0x0], $0xffff  }
0x1aa: {  	[tilespmem:s2+$0x6480] =	vst v14;
	v12 =	vadd.s32 $0x20, v2;
	v11 =	vld.idx.msk [tilespmem:v11+s22+$0x0], $0xffff  }
0x1ab: {  	v14 =	vadd.s32 $0xB0, v6;
	v19 =	vld.idx.msk [tilespmem:v19+s22+$0x0], $0xffff;
	[tilespmem:s9+$0x6580] =	vst v16  }
0x1ac: {  	[tilespmem:s17+$0x80] =	vst v8;
	v8 =	vadd.s32 $0x30, v5;
	v16 =	vld.idx.msk [tilespmem:v18+s22+$0x0], $0xffff  }
0x1ad: {  	v18 =	vadd.s32 $0xB0, v0;
	[tilespmem:s19+$0x80] =	vst v13;
	v13 =	vld.idx.msk [tilespmem:v20+s22+$0x0], $0xffff  }
0x1ae: {  	[tilespmem:s16+$0x80] =	vst v15;
	v15 =	vadd.s32 $0xD0, v7;
	v10 =	vld.idx.msk [tilespmem:v10+s22+$0x0], $0xffff  }
0x1af: {  	v20 =	vadd.s32 $0x30, v3;
	v12 =	vld.idx.msk [tilespmem:v12+s22+$0x0], $0xffff;
	[tilespmem:s10+$0x6500] =	vst v9  }
0x1b0: {  	v9 =	vadd.s32 $0x30, v4;
	[tilespmem:s3+$0x100] =	vst v11;
	v11 =	vld.idx.msk [tilespmem:v14+s22+$0x0], $0xffff  }
0x1b1: {  	[tilespmem:s8+$0x6500] =	vst v17;
	v14 =	vadd.s32 $0x30, v2;
	v8 =	vld.idx.msk [tilespmem:v8+s22+$0x0], $0xffff  }
0x1b2: {  	v17 =	vadd.s32 $0xB0, v1;
	v18 =	vld.idx.msk [tilespmem:v18+s22+$0x0], $0xffff;
	[tilespmem:s9+$0x6600] =	vst v16  }
0x1b3: {  	[tilespmem:s17+$0x100] =	vst v13;
	v13 =	vadd.s32 $0x40, v5;
	v15 =	vld.idx.msk [tilespmem:v15+s22+$0x0], $0xffff  }
0x1b4: {  	v16 =	vadd.s32 $0xC0, v6;
	[tilespmem:s19+$0x100] =	vst v10;
	v10 =	vld.idx.msk [tilespmem:v20+s22+$0x0], $0xffff  }
0x1b5: {  	v9 =	vld.idx.msk [tilespmem:v9+s22+$0x0], $0xffff;
	[tilespmem:s16+$0x100] =	vst v12;
	v12 =	vadd.s32 $0xE0, v7  }
0x1b6: {  	[tilespmem:s2+$0x6500] =	vst v19;
	v20 =	vadd.s32 $0x40, v3;
	v14 =	vld.idx.msk [tilespmem:v14+s22+$0x0], $0xffff  }
0x1b7: {  	v19 =	vadd.s32 $0x40, v4;
	[tilespmem:s3+$0x180] =	vst v8;
	v8 =	vld.idx.msk [tilespmem:v17+s22+$0x0], $0xffff  }
0x1b8: {  	[tilespmem:s10+$0x6580] =	vst v11;
	v11 =	vadd.s32 $0xC0, v0;
	v13 =	vld.idx.msk [tilespmem:v13+s22+$0x0], $0xffff  }
0x1b9: {  	v17 =	vadd.s32 $0x40, v2;
	v16 =	vld.idx.msk [tilespmem:v16+s22+$0x0], $0xffff;
	[tilespmem:s9+$0x6680] =	vst v15  }
0x1ba: {  	[tilespmem:s17+$0x180] =	vst v10;
	v10 =	vadd.s32 $0x50, v5;
	v12 =	vld.idx.msk [tilespmem:v12+s22+$0x0], $0xffff  }
0x1bb: {  	v15 =	vadd.s32 $0xC0, v1;
	[tilespmem:s19+$0x180] =	vst v9;
	v9 =	vld.idx.msk [tilespmem:v20+s22+$0x0], $0xffff  }
0x1bc: {  	v7 =	vadd.s32 $0xF0, v7;
	[tilespmem:s8+$0x6580] =	vst v18;
	v19 =	vld.idx.msk [tilespmem:v19+s22+$0x0], $0xffff  }
0x1bd: {  	[tilespmem:s16+$0x180] =	vst v14;
	v14 =	vadd.s32 $0x50, v3;
	v11 =	vld.idx.msk [tilespmem:v11+s22+$0x0], $0xffff  }
0x1be: {  	v18 =	vadd.s32 $0x50, v4;
	v17 =	vld.idx.msk [tilespmem:v17+s22+$0x0], $0xffff;
	[tilespmem:s3+$0x200] =	vst v13  }
0x1bf: {  	[tilespmem:s2+$0x6580] =	vst v8;
	v13 =	vadd.s32 $0x50, v2;
	v10 =	vld.idx.msk [tilespmem:v10+s22+$0x0], $0xffff  }
0x1c0: {  	v8 =	vadd.s32 $0xD0, v6;
	v15 =	vld.idx.msk [tilespmem:v15+s22+$0x0], $0xffff;
	[tilespmem:s9+$0x6700] =	vst v12  }
0x1c1: {  	[tilespmem:s17+$0x200] =	vst v9;
	v9 =	vadd.s32 $0x60, v5;
	v7 =	vld.idx.msk [tilespmem:v7+s22+$0x0], $0xffff  }
0x1c2: {  	v12 =	vadd.s32 $0xD0, v0;
	[tilespmem:s19+$0x200] =	vst v19;
	v14 =	vld.idx.msk [tilespmem:v14+s22+$0x0], $0xffff  }
0x1c3: {  	v19 =	vadd.s32 $0x60, v3;
	v18 =	vld.idx.msk [tilespmem:v18+s22+$0x0], $0xffff;
	[tilespmem:s16+$0x200] =	vst v17  }
0x1c4: {  	[tilespmem:s10+$0x6600] =	vst v16;
	v17 =	vadd.s32 $0x60, v4;
	v13 =	vld.idx.msk [tilespmem:v13+s22+$0x0], $0xffff  }
0x1c5: {  	v16 =	vadd.s32 $0x60, v2;
	v8 =	vld.idx.msk [tilespmem:v8+s22+$0x0], $0xffff;
	[tilespmem:s3+$0x280] =	vst v10  }
0x1c6: {  	[tilespmem:s8+$0x6600] =	vst v11;
	v10 =	vadd.s32 $0xD0, v1;
	v9 =	vld.idx.msk [tilespmem:v9+s22+$0x0], $0xffff  }
0x1c7: {  	v11 =	vld.idx.msk [tilespmem:v12+s22+$0x0], $0xffff;
	v12 =	vadd.s32 $0x70, v5;
	[tilespmem:s17+$0x280] =	vst v14  }
0x1c8: {  	v14 =	vadd.s32 $0xE0, v6;
	[tilespmem:s19+$0x280] =	vst v18;
	v18 =	vld.idx.msk [tilespmem:v19+s22+$0x0], $0xffff  }
0x1c9: {  	v19 =	vadd.s32 $0xE0, v0;
	v17 =	vld.idx.msk [tilespmem:v17+s22+$0x0], $0xffff;
	[tilespmem:s16+$0x280] =	vst v13  }
0x1ca: {  	[tilespmem:s2+$0x6600] =	vst v15;
	v13 =	vadd.s32 $0x70, v3;
	v16 =	vld.idx.msk [tilespmem:v16+s22+$0x0], $0xffff  }
0x1cb: {  	v15 =	vadd.s32 $0x70, v4;
	[tilespmem:s3+$0x300] =	vst v9;
	v9 =	vld.idx.msk [tilespmem:v10+s22+$0x0], $0xffff  }
0x1cc: {  	[tilespmem:s10+$0x6680] =	vst v8;
	v10 =	vadd.s32 $0x70, v2;
	v12 =	vld.idx.msk [tilespmem:v12+s22+$0x0], $0xffff  }
0x1cd: {  	v8 =	vadd.s32 $0xE0, v1;
	[tilespmem:s8+$0x6680] =	vst v11;
	v14 =	vld.idx.msk [tilespmem:v14+s22+$0x0], $0xffff  }
0x1ce: {  	[tilespmem:s17+$0x300] =	vst v18;
	v18 =	vld.idx.msk [tilespmem:v19+s22+$0x0], $0xffff  }
0x1cf: {  	v11 =	vadd.s32 $0x80, v5;
	[tilespmem:s19+$0x300] =	vst v17;
	v13 =	vld.idx.msk [tilespmem:v13+s22+$0x0], $0xffff  }
0x1d0: {  	v0 =	vadd.s32 $0xF0, v0;
	v15 =	vld.idx.msk [tilespmem:v15+s22+$0x0], $0xffff;
	[tilespmem:s16+$0x300] =	vst v16  }
0x1d1: {  	v10 =	vld.idx.msk [tilespmem:v10+s22+$0x0], $0xffff;
	[tilespmem:s2+$0x6680] =	vst v9  }
0x1d2: {  	v16 =	vadd.s32 $0x80, v3;
	v9 =	vld.idx.msk [tilespmem:v8+s22+$0x0], $0xffff  }
0x1d3: {  	v6 =	vadd.s32 $0xF0, v6;
	[tilespmem:s3+$0x380] =	vst v12;
	v8 =	vld [tilespmem:s15+$0xFFFFFFF0]  }
0x1d4: {  	v1 =	vadd.s32 $0xF0, v1;
	v11 =	vld.idx.msk [tilespmem:v11+s22+$0x0], $0xffff;
	[tilespmem:s8+$0x6700] =	vst v18  }
0x1d5: {  	v12 =	vadd.s32 $0x90, v5;
	[tilespmem:s17+$0x380] =	vst v13;
	v13 =	vld.idx.msk [tilespmem:v0+s22+$0x0], $0xffff  }
0x1d6: {  	v0 =	vld [tilespmem:s15+$0x10]  }
0x1d7: {  	[tilespmem:s10+$0x6700] =	vst v14;
	v14 =	vld.idx.msk [tilespmem:v16+s22+$0x0], $0xffff;
	v16 =	vadd.s32 $0x80, v4  }
0x1d8: {  	v17 =	vadd.s32 $0x80, v2;
	v6 =	vld.idx.msk [tilespmem:v6+s22+$0x0], $0xffff;
	[tilespmem:s2+$0x6700] =	vst v9  }
0x1d9: {  	[tilespmem:s3+$0x6400] =	vst v11;
	v25 =	vld.idx.msk [tilespmem:v1+s22+$0x0], $0xffff  }
0x1da: {  	[tilespmem:s19+$0x380] =	vst v15;
	v11 =	vld.idx.msk [tilespmem:v12+s22+$0x0], $0xffff  }
0x1db: {  	v18 =	vadd.s32 $0x90, v3;
	[tilespmem:s8+$0x6780] =	vst v13;
	v13 =	vld.idx.msk [tilespmem:v26+s22+$0x0], $0xffff  }
0x1dc: {  	[tilespmem:s16+$0x380] =	vst v10;
	v12 =	vadd.s32 $0xA0, v5;
	v10 =	vld.idx.msk [tilespmem:v16+s22+$0x0], $0xffff  }
0x1dd: {  	[tilespmem:s17+$0x6400] =	vst v14;
	v14 =	vld.idx.msk [tilespmem:v17+s22+$0x0], $0xffff  }
0x1de: {  	[tilespmem:s9+$0x6780] =	vst v7;
	v15 =	vadd.s32 $0x90, v4;
	v17 =	vld.idx.msk [tilespmem:v8+s22+$0x0], $0xffff  }
0x1df: {  	s14 =	simm.s32 $0x400;
	[tilespmem:s10+$0x6780] =	vst v6;
	v16 =	vadd.s32 $0x90, v2;
	v9 =	vld.idx.msk [tilespmem:v0+s22+$0x0], $0xffff  }
0x1e0: {  	s29 =	simm.s32 $0x90;
	s18 =	sand.u32 $0x7C00, s14;
	v6 =	vadd.s32 $0x10, v0;
	v7 =	vld.idx.msk [tilespmem:v18+s22+$0x0], $0xffff;
	[tilespmem:s3+$0x6480] =	vst v11  }
0x1e1: {  	s13 =	simm.s32 $0xB0;
	s9 =	sand.u32 $0x50, s29;
	s8 =	sadd.s32 $0x1C10, s18;
	v11 =	vld.idx.msk [tilespmem:v12+s22+$0x0], $0xffff;
	v12 =	vadd.s32 $0xA0, v3;
	[tilespmem:s19+$0x6400] =	vst v10  }
0x1e2: {  	s20 =	sand.u32 $0x70, s13;
	v19 =	vadd.s32 $0x10, v8;
	s9 =	sadd.s32 s9, s8;
	v10 =	vld.idx.msk [tilespmem:v27+s22+$0x0], $0xffff;
	[tilespmem:s16+$0x6400] =	vst v14  }
0x1e3: {  	s20 =	sadd.s32 s20, s8;
	v18 =	vadd.s32 $0xB0, v5;
	[tilespmem:s9+$0x0] =	vst v17;
	v14 =	vld.idx.msk [tilespmem:v15+s22+$0x0], $0xffff  }
0x1e4: {  	s30 =	simm.s32 $0x80;
	v15 =	vadd.s32 $0x10, v27;
	[tilespmem:s20+$0x0] =	vst v9;
	v9 =	vld.idx.msk [tilespmem:v16+s22+$0x0], $0xffff  }
0x1e5: {  	s31 =	simm.s32 $0xA0;
	s10 =	sand.u32 $0x40, s30;
	[tilespmem:s17+$0x6480] =	vst v7;
	v16 =	vadd.s32 $0x10, v26;
	v6 =	vld.idx.msk [tilespmem:v6+s22+$0x0], $0xffff  }
0x1e6: {  	s11 =	sand.u32 $0x60, s31;
	s10 =	sor.u32 s10, s8;
	v7 =	vadd.s32 $0xA0, v4;
	v12 =	vld.idx.msk [tilespmem:v12+s22+$0x0], $0xffff;
	[tilespmem:s3+$0x6500] =	vst v11  }
0x1e7: {  	s8 =	sor.u32 s11, s8;
	v11 =	vadd.s32 $0x20, v0;
	[tilespmem:s10+$0x0] =	vst v10;
	v10 =	vld.idx.msk [tilespmem:v19+s22+$0x0], $0xffff  }
0x1e8: {  	[tilespmem:s8+$0x0] =	vst v13;
	v17 =	vld.idx.msk [tilespmem:v18+s22+$0x0], $0xffff;
	v18 =	vadd.s32 $0xA0, v2  }
0x1e9: {  	v19 =	vadd.s32 $0x20, v8;
	v15 =	vld.idx.msk [tilespmem:v15+s22+$0x0], $0xffff;
	[tilespmem:s19+$0x6480] =	vst v14  }
0x1ea: {  	v13 =	vadd.s32 $0xC0, v5;
	v16 =	vld.idx.msk [tilespmem:v16+s22+$0x0], $0xffff;
	[tilespmem:s16+$0x6480] =	vst v9  }
0x1eb: {  	v14 =	vadd.s32 $0x20, v27;
	[tilespmem:s20+$0x80] =	vst v6;
	v6 =	vld.idx.msk [tilespmem:v7+s22+$0x0], $0xffff  }
0x1ec: {  	v7 =	vadd.s32 $0x20, v26;
	v11 =	vld.idx.msk [tilespmem:v11+s22+$0x0], $0xffff;
	[tilespmem:s9+$0x80] =	vst v10  }
0x1ed: {  	v9 =	vadd.s32 $0xB0, v4;
	v18 =	vld.idx.msk [tilespmem:v18+s22+$0x0], $0xffff;
	[tilespmem:s3+$0x6580] =	vst v17  }
0x1ee: {  	v10 =	vadd.s32 $0x30, v0;
	[tilespmem:s10+$0x80] =	vst v15;
	v15 =	vld.idx.msk [tilespmem:v19+s22+$0x0], $0xffff  }
0x1ef: {  	[tilespmem:s17+$0x6500] =	vst v12;
	v17 =	vadd.s32 $0xB0, v3;
	v13 =	vld.idx.msk [tilespmem:v13+s22+$0x0], $0xffff  }
0x1f0: {  	v19 =	vadd.s32 $0x30, v8;
	v14 =	vld.idx.msk [tilespmem:v14+s22+$0x0], $0xffff;
	[tilespmem:s8+$0x80] =	vst v16  }
0x1f1: {  	v16 =	vadd.s32 $0xD0, v5;
	v7 =	vld.idx.msk [tilespmem:v7+s22+$0x0], $0xffff;
	[tilespmem:s19+$0x6500] =	vst v6  }
0x1f2: {  	v6 =	vadd.s32 $0x30, v27;
	v9 =	vld.idx.msk [tilespmem:v9+s22+$0x0], $0xffff;
	[tilespmem:s20+$0x100] =	vst v11  }
0x1f3: {  	v11 =	vadd.s32 $0x30, v26;
	v10 =	vld.idx.msk [tilespmem:v10+s22+$0x0], $0xffff;
	[tilespmem:s9+$0x100] =	vst v15  }
0x1f4: {  	v12 =	vadd.s32 $0xB0, v2;
	v17 =	vld.idx.msk [tilespmem:v17+s22+$0x0], $0xffff;
	[tilespmem:s3+$0x6600] =	vst v13  }
0x1f5: {  	v13 =	vadd.s32 $0x40, v0;
	[tilespmem:s10+$0x100] =	vst v14;
	v14 =	vld.idx.msk [tilespmem:v19+s22+$0x0], $0xffff  }
0x1f6: {  	[tilespmem:s16+$0x6500] =	vst v18;
	v15 =	vld.idx.msk [tilespmem:v16+s22+$0x0], $0xffff;
	v16 =	vadd.s32 $0xC0, v4  }
0x1f7: {  	v19 =	vadd.s32 $0x40, v8;
	v6 =	vld.idx.msk [tilespmem:v6+s22+$0x0], $0xffff;
	[tilespmem:s8+$0x100] =	vst v7  }
0x1f8: {  	v7 =	vadd.s32 $0xE0, v5;
	[tilespmem:s19+$0x6580] =	vst v9;
	v11 =	vld.idx.msk [tilespmem:v11+s22+$0x0], $0xffff  }
0x1f9: {  	v18 =	vadd.s32 $0x40, v27;
	[tilespmem:s20+$0x180] =	vst v10;
	v10 =	vld.idx.msk [tilespmem:v12+s22+$0x0], $0xffff  }
0x1fa: {  	v9 =	vadd.s32 $0xC0, v3;
	v13 =	vld.idx.msk [tilespmem:v13+s22+$0x0], $0xffff;
	[tilespmem:s9+$0x180] =	vst v14  }
0x1fb: {  	v12 =	vadd.s32 $0x40, v26;
	v16 =	vld.idx.msk [tilespmem:v16+s22+$0x0], $0xffff;
	[tilespmem:s3+$0x6680] =	vst v15  }
0x1fc: {  	v14 =	vadd.s32 $0x50, v0;
	[tilespmem:s10+$0x180] =	vst v6;
	v6 =	vld.idx.msk [tilespmem:v19+s22+$0x0], $0xffff  }
0x1fd: {  	[tilespmem:s17+$0x6580] =	vst v17;
	v15 =	vadd.s32 $0xC0, v2;
	v7 =	vld.idx.msk [tilespmem:v7+s22+$0x0], $0xffff  }
0x1fe: {  	v5 =	vadd.s32 $0xF0, v5;
	v18 =	vld.idx.msk [tilespmem:v18+s22+$0x0], $0xffff;
	[tilespmem:s8+$0x180] =	vst v11  }
0x1ff: {  	v9 =	vld.idx.msk [tilespmem:v9+s22+$0x0], $0xffff;
	v11 =	vadd.s32 $0x50, v8;
	[tilespmem:s16+$0x6580] =	vst v10  }
0x200: {  	v17 =	vadd.s32 $0x50, v27;
	v12 =	vld.idx.msk [tilespmem:v12+s22+$0x0], $0xffff;
	[tilespmem:s20+$0x200] =	vst v13  }
0x201: {  	v10 =	vadd.s32 $0xD0, v4;
	v14 =	vld.idx.msk [tilespmem:v14+s22+$0x0], $0xffff;
	[tilespmem:s9+$0x200] =	vst v6  }
0x202: {  	v13 =	vadd.s32 $0x50, v26;
	v15 =	vld.idx.msk [tilespmem:v15+s22+$0x0], $0xffff;
	[tilespmem:s3+$0x6700] =	vst v7  }
0x203: {  	v6 =	vadd.s32 $0x60, v0;
	[tilespmem:s19+$0x6600] =	vst v16;
	v5 =	vld.idx.msk [tilespmem:v5+s22+$0x0], $0xffff  }
0x204: {  	v7 =	vadd.s32 $0xD0, v3;
	[tilespmem:s10+$0x200] =	vst v18;
	v11 =	vld.idx.msk [tilespmem:v11+s22+$0x0], $0xffff  }
0x205: {  	v17 =	vld.idx.msk [tilespmem:v17+s22+$0x0], $0xffff;
	[tilespmem:s8+$0x200] =	vst v12;
	v12 =	vadd.s32 $0x60, v8  }
0x206: {  	v16 =	vadd.s32 $0x60, v27;
	[tilespmem:s17+$0x6600] =	vst v9;
	v10 =	vld.idx.msk [tilespmem:v10+s22+$0x0], $0xffff  }
0x207: {  	v1 =	vadd.s32 $0xE0, v4;
	v13 =	vld.idx.msk [tilespmem:v13+s22+$0x0], $0xffff;
	[tilespmem:s20+$0x280] =	vst v14  }
0x208: {  	v14 =	vadd.s32 $0x60, v26;
	v6 =	vld.idx.msk [tilespmem:v6+s22+$0x0], $0xffff;
	[tilespmem:s3+$0x6780] =	vst v5  }
0x209: {  	v9 =	vadd.s32 $0xD0, v2;
	v7 =	vld.idx.msk [tilespmem:v7+s22+$0x0], $0xffff;
	[tilespmem:s9+$0x280] =	vst v11  }
0x20a: {  	v5 =	vadd.s32 $0x70, v0;
	[tilespmem:s10+$0x280] =	vst v17;
	v11 =	vld.idx.msk [tilespmem:v12+s22+$0x0], $0xffff  }
0x20b: {  	v12 =	vadd.s32 $0xE0, v3;
	v16 =	vld.idx.msk [tilespmem:v16+s22+$0x0], $0xffff;
	[tilespmem:s19+$0x6680] =	vst v10  }
0x20c: {  	[tilespmem:s8+$0x280] =	vst v13;
	v13 =	vadd.s32 $0x70, v8;
	v29 =	vld.idx.msk [tilespmem:v1+s22+$0x0], $0xffff  }
0x20d: {  	[tilespmem:s16+$0x6600] =	vst v15;
	v15 =	vadd.s32 $0x70, v27;
	v14 =	vld.idx.msk [tilespmem:v14+s22+$0x0], $0xffff  }
0x20e: {  	v4 =	vadd.s32 $0xF0, v4;
	[tilespmem:s20+$0x300] =	vst v6;
	v6 =	vld.idx.msk [tilespmem:v9+s22+$0x0], $0xffff  }
0x20f: {  	v22 =	vadd.s32 $0x80, v27;
	v24 =	vadd.s32 $0x80, v26;
	v9 =	vadd.s32 $0x70, v26;
	[tilespmem:s17+$0x6680] =	vst v7;
	v5 =	vld.idx.msk [tilespmem:v5+s22+$0x0], $0xffff  }
0x210: {  	v21 =	vadd.s32 $0x90, v26;
	v41 =	vadd.s32 $0xD0, v27;
	v10 =	vadd.s32 $0xE0, v2;
	[tilespmem:s9+$0x300] =	vst v11;
	v30 =	vld.idx.msk [tilespmem:v12+s22+$0x0], $0xffff  }
0x211: {  	v39 =	vadd.s32 $0xE0, v27;
	v34 =	vadd.s32 $0xF0, v2;
	v2 =	vadd.s32 $0x80, v0;
	[tilespmem:s10+$0x300] =	vst v16;
	v33 =	vld.idx.msk [tilespmem:v13+s22+$0x0], $0xffff  }
0x212: {  	v20 =	vadd.s32 $0x90, v27;
	v23 =	vadd.s32 $0x90, v8;
	v3 =	vadd.s32 $0xF0, v3;
	v35 =	vld.idx.msk [tilespmem:v15+s22+$0x0], $0xffff;
	[tilespmem:s19+$0x6700] =	vst v29  }
0x213: {  	v44 =	vadd.s32 $0xD0, v8;
	v38 =	vadd.s32 $0xE0, v8;
	v1 =	vadd.s32 $0x80, v8;
	[tilespmem:s8+$0x300] =	vst v14;
	v29 =	vld.idx.msk [tilespmem:v4+s22+$0x0], $0xffff  }
0x214: {  	v19 =	vadd.s32 $0xA0, v8;
	v18 =	vadd.s32 $0xA0, v26;
	v17 =	vadd.s32 $0xB0, v8;
	v31 =	vld.idx.msk [tilespmem:v9+s22+$0x0], $0xffff;
	[tilespmem:s16+$0x6680] =	vst v6  }
0x215: {  	v16 =	vadd.s32 $0xA0, v27;
	v11 =	vadd.s32 $0xC0, v27;
	v12 =	vadd.s32 $0xC0, v8;
	[tilespmem:s20+$0x380] =	vst v5;
	v28 =	vld.idx.msk [tilespmem:v10+s22+$0x0], $0xffff  }
0x216: {  	v15 =	vadd.s32 $0xB0, v26;
	v13 =	vadd.s32 $0xC0, v26;
	v14 =	vadd.s32 $0xB0, v27;
	v32 =	vld.idx.msk [tilespmem:v2+s22+$0x0], $0xffff;
	[tilespmem:s17+$0x6700] =	vst v30  }
0x217: {  	v9 =	vadd.s32 $0xF0, v27;
	v6 =	vadd.s32 $0xF0, v8;
	v8 =	vadd.s32 $0xF0, v26;
	[tilespmem:s9+$0x380] =	vst v33;
	v27 =	vld.idx.msk [tilespmem:v3+s22+$0x0], $0xffff  }
0x218: {  	s15 =	simm.s32 $0x3F0;
	s11 =	simm.s32 $0x8;
	s3 =	sshll.u32 s0, $0x1;
	v10 =	vadd.s32 $0xD0, v26;
	v30 =	vadd.s32 $0xE0, v26;
	[tilespmem:s10+$0x380] =	vst v35;
	v33 =	vadd.s32 $0x90, v0;
	v26 =	vld.idx.msk [tilespmem:v1+s22+$0x0], $0xffff  }
.LBB2_3:
0x219: {  	_ = 	snop  }
0x21a: {  	[tilespmem:$0x1FFD0] =	vst v30  }
0x21b: {  	v30 =	vld [tilespmem:s15+$0x10];
	[tilespmem:s8+$0x380] =	vst v31  }
0x21c: {  	v36 =	vld [tilespmem:s15+$0xFFFFFFF0];
	[tilespmem:s16+$0x6700] =	vst v28  }
0x21d: {  	[tilespmem:s20+$0x6400] =	vst v32;
	v48 =	vld [tilespmem:s15+$0x0]  }
0x21e: {  	[tilespmem:s19+$0x6780] =	vst v29;
	v28 =	vld.idx.msk [tilespmem:v33+s22+$0x0], $0xffff  }
0x21f: {  	[tilespmem:s17+$0x6780] =	vst v27;
	s17 =	smov.u32 s9;
	v37 =	vld [tilespmem:s15+$0xFFFFFFE0]  }
0x220: {  	[tilespmem:s17+$0x6400] =	vst v26;
	v22 =	vld.idx.msk [tilespmem:v22+s22+$0x0], $0xffff  }
0x221: {  	[tilespmem:$0x1FF80] =	vst v44;
	v23 =	vld.idx.msk [tilespmem:v23+s22+$0x0], $0xffff  }
0x222: {  	[tilespmem:$0x1FF90] =	vst v39;
	v26 =	vadd.s32 $0xA0, v0  }
0x223: {  	v24 =	vld.idx.msk [tilespmem:v24+s22+$0x0], $0xffff;
	[tilespmem:s2+$0x6780] =	vst v25  }
0x224: {  	s19 =	smov.u32 s10;
	v42 =	vld.idx.msk [tilespmem:v30+s22+$0x0], $0xffff;
	[tilespmem:s20+$0x6480] =	vst v28  }
0x225: {  	[tilespmem:s19+$0x6400] =	vst v22  }
0x226: {  	s14 =	sadd.s32 $0x200, s14;
	v52 =	vld.idx.msk [tilespmem:v36+s22+$0x0], $0xffff;
	v1 =	vadd.s32 $0x70, v37;
	[tilespmem:s17+$0x6480] =	vst v23  }
0x227: {  	s13 =	sadd.s32 $0x40, s13;
	s30 =	sand.u32 $0x7C00, s14;
	v53 =	vadd.s32 $0x10, v30;
	v54 =	vld.idx.msk [tilespmem:v26+s22+$0x0], $0xffff;
	[tilespmem:$0x1FFB0] =	vst v1;
	v1 =	vadd.s32 $0x70, v48  }
0x228: {  	s9 =	sadd.s32 $0xFFFFFFD0, s13;
	s2 =	smov.u32 s16;
	s16 =	smov.u32 s8;
	[tilespmem:$0x1FFC0] =	vst v1;
	v55 =	vld.idx.msk [tilespmem:v48+s22+$0x0], $0xffff  }
0x229: {  	s31 =	sand.u32 $0x70, s13;
	s29 =	sadd.s32 $0xFFFFFFE0, s13;
	v40 =	vadd.s32 $0x10, v36;
	s8 =	sadd.s32 $0x1C10, s30;
	v1 =	vadd.s32 $0x80, v36;
	v56 =	vld.idx.msk [tilespmem:v37+s22+$0x0], $0xffff;
	[tilespmem:s16+$0x6400] =	vst v24  }
0x22a: {  	v57 =	vadd.s32 $0xB0, v0;
	s9 =	sand.u32 $0x40, s9;
	s29 =	sand.u32 $0x50, s29;
	s30 =	sadd.s32 s31, s8;
	v58 =	vld.idx.msk [tilespmem:v20+s22+$0x0], $0xffff;
	[tilespmem:$0x1FFF0] =	vst v1  }
0x22b: {  	s10 =	sor.u32 s9, s8;
	s9 =	sadd.s32 s29, s8;
	v43 =	vadd.s32 $0x10, v37;
	v63 =	vld.idx.msk [tilespmem:v19+s22+$0x0], $0xffff;
	[tilespmem:s30+$0x0] =	vst v42  }
0x22c: {  	s18 =	sadd.s32 $0xFFFFFFF0, s13;
	v46 =	vadd.s32 $0x10, v48;
	[tilespmem:s9+$0x0] =	vst v52;
	v53 =	vld.idx.msk [tilespmem:v53+s22+$0x0], $0xffff  }
0x22d: {  	s18 =	sand.u32 $0x60, s18;
	v59 =	vld.idx.msk [tilespmem:v21+s22+$0x0], $0xffff;
	[tilespmem:s20+$0x6500] =	vst v54  }
0x22e: {  	s8 =	sor.u32 s18, s8;
	v1 =	vadd.s32 $0x20, v30;
	v2 =	vld.idx.msk [tilespmem:v40+s22+$0x0], $0xffff;
	[tilespmem:s10+$0x0] =	vst v56  }
0x22f: {  	v57 =	vld.idx.msk [tilespmem:v57+s22+$0x0], $0xffff;
	[tilespmem:s8+$0x0] =	vst v55  }
0x230: {  	v55 =	vadd.s32 $0xC0, v0;
	v5 =	vld.idx.msk [tilespmem:v43+s22+$0x0], $0xffff;
	[tilespmem:s19+$0x6480] =	vst v58  }
0x231: {  	v49 =	vadd.s32 $0x20, v36;
	v7 =	vld.idx.msk [tilespmem:v46+s22+$0x0], $0xffff;
	[tilespmem:s30+$0x80] =	vst v53  }
0x232: {  	v51 =	vadd.s32 $0x20, v37;
	[tilespmem:s16+$0x6480] =	vst v59;
	v53 =	vld.idx.msk [tilespmem:v16+s22+$0x0], $0xffff  }
0x233: {  	v50 =	vadd.s32 $0x20, v48;
	[tilespmem:s9+$0x80] =	vst v2;
	v1 =	vld.idx.msk [tilespmem:v1+s22+$0x0], $0xffff  }
0x234: {  	v58 =	vld.idx.msk [tilespmem:v18+s22+$0x0], $0xffff;
	[tilespmem:s20+$0x6580] =	vst v57  }
0x235: {  	v2 =	vadd.s32 $0x30, v30;
	v55 =	vld.idx.msk [tilespmem:v55+s22+$0x0], $0xffff;
	[tilespmem:s10+$0x80] =	vst v5  }
0x236: {  	v5 =	vld.idx.msk [tilespmem:v49+s22+$0x0], $0xffff;
	[tilespmem:s8+$0x80] =	vst v7  }
0x237: {  	v7 =	vadd.s32 $0xD0, v0;
	[tilespmem:s17+$0x6500] =	vst v63;
	v57 =	vld.idx.msk [tilespmem:v51+s22+$0x0], $0xffff  }
0x238: {  	v47 =	vadd.s32 $0x30, v37;
	v50 =	vld.idx.msk [tilespmem:v50+s22+$0x0], $0xffff;
	[tilespmem:s19+$0x6500] =	vst v53  }
0x239: {  	v45 =	vadd.s32 $0x30, v48;
	[tilespmem:s30+$0x100] =	vst v1;
	v59 =	vld.idx.msk [tilespmem:v17+s22+$0x0], $0xffff  }
0x23a: {  	v44 =	vadd.s32 $0x30, v36;
	v2 =	vld.idx.msk [tilespmem:v2+s22+$0x0], $0xffff;
	[tilespmem:s20+$0x6600] =	vst v55  }
0x23b: {  	v1 =	vld.idx.msk [tilespmem:v14+s22+$0x0], $0xffff;
	[tilespmem:s9+$0x100] =	vst v5  }
0x23c: {  	v7 =	vld.idx.msk [tilespmem:v7+s22+$0x0], $0xffff;
	[tilespmem:s10+$0x100] =	vst v57  }
0x23d: {  	v60 =	vadd.s32 $0xA0, v37;
	v5 =	vadd.s32 $0x40, v30;
	[tilespmem:s8+$0x100] =	vst v50;
	v47 =	vld.idx.msk [tilespmem:v47+s22+$0x0], $0xffff  }
0x23e: {  	v16 =	vmov v60;
	v60 =	vadd.s32 $0xE0, v0;
	v45 =	vld.idx.msk [tilespmem:v45+s22+$0x0], $0xffff;
	[tilespmem:s16+$0x6500] =	vst v58  }
0x23f: {  	v28 =	vmov v41;
	v41 =	vadd.s32 $0x40, v37;
	v44 =	vld.idx.msk [tilespmem:v44+s22+$0x0], $0xffff;
	[tilespmem:s30+$0x180] =	vst v2  }
0x240: {  	v39 =	vadd.s32 $0x40, v36;
	[tilespmem:s19+$0x6580] =	vst v1;
	v2 =	vld.idx.msk [tilespmem:v15+s22+$0x0], $0xffff  }
0x241: {  	[tilespmem:$0x1FFA0] =	vst v38;
	v38 =	vadd.s32 $0x40, v48;
	v1 =	vld.idx.msk [tilespmem:v11+s22+$0x0], $0xffff  }
0x242: {  	v61 =	vadd.s32 $0xB0, v37;
	v5 =	vld.idx.msk [tilespmem:v5+s22+$0x0], $0xffff;
	[tilespmem:s20+$0x6680] =	vst v7  }
0x243: {  	v14 =	vmov v61;
	v61 =	vld.idx.msk [tilespmem:v60+s22+$0x0], $0xffff;
	[tilespmem:s10+$0x180] =	vst v47  }
0x244: {  	v7 =	vadd.s32 $0x50, v30;
	[tilespmem:s9+$0x180] =	vst v44;
	v41 =	vld.idx.msk [tilespmem:v41+s22+$0x0], $0xffff  }
0x245: {  	v25 =	vadd.s32 $0x50, v37;
	v62 =	vadd.s32 $0xA0, v48;
	v39 =	vld.idx.msk [tilespmem:v39+s22+$0x0], $0xffff;
	[tilespmem:s8+$0x180] =	vst v45  }
0x246: {  	v18 =	vmov v62;
	v62 =	vadd.s32 $0xF0, v0;
	v0 =	vmov v30;
	v30 =	vld.idx.msk [tilespmem:v38+s22+$0x0], $0xffff;
	[tilespmem:s16+$0x6580] =	vst v2  }
0x247: {  	[tilespmem:s17+$0x6580] =	vst v59;
	v2 =	vld.idx.msk [tilespmem:v13+s22+$0x0], $0xffff  }
0x248: {  	v3 =	vadd.s32 $0xC0, v36;
	[tilespmem:s30+$0x200] =	vst v5;
	v5 =	vld.idx.msk [tilespmem:v12+s22+$0x0], $0xffff  }
0x249: {  	v4 =	vadd.s32 $0xC0, v48;
	v12 =	vmov v3;
	v3 =	vld.idx.msk [tilespmem:v7+s22+$0x0], $0xffff;
	[tilespmem:s10+$0x200] =	vst v41  }
0x24a: {  	v13 =	vmov v4;
	v4 =	vadd.s32 $0x60, v0;
	[tilespmem:s20+$0x6700] =	vst v61;
	v63 =	vld.idx.msk [tilespmem:v25+s22+$0x0], $0xffff  }
0x24b: {  	v31 =	vadd.s32 $0x60, v37;
	v7 =	vld.idx.msk [tilespmem:v62+s22+$0x0], $0xffff;
	[tilespmem:s19+$0x6600] =	vst v1  }
0x24c: {  	v1 =	vld.idx.msk [tilespmem:v28+s22+$0x0], $0xffff;
	_ =	sdelay $0x1  }
0x24d: {  	v27 =	vadd.s32 $0x50, v36;
	[tilespmem:s30+$0x280] =	vst v3  }
0x24e: {  	v3 =	vld.idx.msk [tilespmem:v4+s22+$0x0], $0xffff;
	[tilespmem:s10+$0x280] =	vst v63  }
0x24f: {  	[tilespmem:s20+$0x6780] =	vst v7;
	v7 =	vld.idx.msk [tilespmem:v31+s22+$0x0], $0xffff  }
0x250: {  	[tilespmem:s19+$0x6680] =	vst v1;
	v1 =	vld [tilespmem:$0x1FF90]  }
0x251: {  	v35 =	vadd.s32 $0x50, v48;
	[tilespmem:s9+$0x200] =	vst v39  }
0x252: {  	v27 =	vld.idx.msk [tilespmem:v27+s22+$0x0], $0xffff;
	[tilespmem:s17+$0x6600] =	vst v5;
	v5 =	vadd.s32 $0x70, v0  }
0x253: {  	v4 =	vld [tilespmem:$0x1FF80];
	_ =	sdelay $0x1  }
0x254: {  	[tilespmem:s8+$0x200] =	vst v30;
	s20 =	smov.u32 s30  }
0x255: {  	v30 =	vld.idx.msk [tilespmem:v35+s22+$0x0], $0xffff;
	[tilespmem:s20+$0x300] =	vst v3  }
0x256: {  	v32 =	vadd.s32 $0x60, v36;
	v3 =	vld.idx.msk [tilespmem:v5+s22+$0x0], $0xffff  }
0x257: {  	v1 =	vld.idx.msk [tilespmem:v1+s22+$0x0], $0xffff  }
0x258: {  	v26 =	vmov v9;
	v9 =	vmov v8;
	v8 =	vmov v34;
	[tilespmem:s10+$0x300] =	vst v7;
	v7 =	vld [tilespmem:$0x1FFB0]  }
0x259: {  	[tilespmem:$0x1FFE0] =	vst v6;
	v33 =	vadd.s32 $0x60, v48;
	v34 =	vadd.s32 $0xD0, v37;
	v5 =	vld [tilespmem:$0x1FFA0]  }
0x25a: {  	v6 =	vadd.s32 $0xD0, v36;
	v4 =	vld.idx.msk [tilespmem:v4+s22+$0x0], $0xffff;
	[tilespmem:s9+$0x280] =	vst v27  }
0x25b: {  	v44 =	vmov v6;
	v6 =	vld.idx.msk [tilespmem:v32+s22+$0x0], $0xffff  }
0x25c: {  	v41 =	vmov v34;
	v34 =	vmov v9;
	v9 =	vld [tilespmem:$0x1FFC0]  }
0x25d: {  	v25 =	vld.idx.msk [tilespmem:v8+s22+$0x0], $0xffff;
	[tilespmem:s8+$0x280] =	vst v30  }
0x25e: {  	v29 =	vadd.s32 $0x70, v36;
	v27 =	vld.idx.msk [tilespmem:v33+s22+$0x0], $0xffff;
	[tilespmem:s16+$0x6600] =	vst v2  }
0x25f: {  	v2 =	vld.idx.msk [tilespmem:v10+s22+$0x0], $0xffff;
	[tilespmem:s17+$0x6680] =	vst v4  }
0x260: {  	[tilespmem:s9+$0x300] =	vst v6;
	v7 =	vld.idx.msk [tilespmem:v7+s22+$0x0], $0xffff  }
0x261: {  	[tilespmem:s19+$0x6700] =	vst v1;
	v1 =	vld [tilespmem:$0x1FFE0]  }
0x262: {  	v5 =	vld.idx.msk [tilespmem:v5+s22+$0x0], $0xffff  }
0x263: {  	v6 =	vld.idx.msk [tilespmem:v29+s22+$0x0], $0xffff;
	_ =	sdelay $0x1  }
0x264: {  	[tilespmem:s8+$0x300] =	vst v27  }
0x265: {  	v31 =	vld.idx.msk [tilespmem:v9+s22+$0x0], $0xffff;
	[tilespmem:s16+$0x6680] =	vst v2  }
0x266: {  	[tilespmem:s17+$0x6700] =	vst v5  }
0x267: {  	v2 =	vld [tilespmem:$0x1FFD0];
	[tilespmem:s9+$0x380] =	vst v6  }
0x268: {  	v27 =	vld.idx.msk [tilespmem:v1+s22+$0x0], $0xffff  }
0x269: {  	v4 =	vadd.s32 $0x80, v0;
	v1 =	vld [tilespmem:$0x1FFF0]  }
0x26a: {  	v22 =	vadd.s32 $0x80, v37  }
0x26b: {  	s11 =	sadd.s32 $0x4, s11;
	v23 =	vadd.s32 $0x90, v36;
	v20 =	vadd.s32 $0x90, v37;
	v19 =	vadd.s32 $0xA0, v36  }
0x26c: {  	p2 =	slt.u32 s11, $0xC4;
	v24 =	vadd.s32 $0x80, v48;
	v52 =	vadd.s32 $0xB0, v36;
	v42 =	vadd.s32 $0xE0, v36  }
.Ltmp2:
0x26d: {  	v36 =	vadd.s32 $0xF0, v36;
	v21 =	vadd.s32 $0x90, v48;
	v40 =	vadd.s32 $0xE0, v48;
	[tilespmem:s20+$0x380] =	vst v3;
	(pc) =	sbr.rel @p2 .LBB2_3-.Ltmp2, $4  }
0x26e: {  	v54 =	vadd.s32 $0xB0, v48;
	v56 =	vadd.s32 $0xC0, v37;
	v43 =	vadd.s32 $0xE0, v37;
	v32 =	vld.idx.msk [tilespmem:v4+s22+$0x0], $0xffff  }
0x26f: {  	v46 =	vadd.s32 $0xD0, v48;
	v37 =	vadd.s32 $0xF0, v37;
	v48 =	vadd.s32 $0xF0, v48;
	v17 =	vmovc v52;
	v29 =	vld.idx.msk [tilespmem:v26+s22+$0x0], $0xffff  }
0x270: {  	v15 =	vmovc v54;
	v11 =	vmovc v56;
	v38 =	vmov v42;
	v39 =	vmov v43;
	v8 =	vmov v48;
	v28 =	vld.idx.msk [tilespmem:v2+s22+$0x0], $0xffff  }
0x271: {  	s15 =	sadd.s32 $0x40, s15;
	v30 =	vmovc v40;
	v33 =	vadd.s32 $0x90, v0;
	v10 =	vmovc v46;
	v9 =	vmov v37;
	v6 =	vmov v36;
	[tilespmem:s10+$0x380] =	vst v7;
	v26 =	vld.idx.msk [tilespmem:v1+s22+$0x0], $0xffff  }
0x272: {  	_ =	sdelay $0x3  }
0x273: {  	v1 =	vld.idx.msk [tilespmem:v22+s22+$0x0], $0xffff  }
0x274: {  	[tilespmem:s8+$0x380] =	vst v31  }
0x275: {  	v2 =	vld.idx.msk [tilespmem:v24+s22+$0x0], $0xffff  }
0x276: {  	[tilespmem:s20+$0x6400] =	vst v32  }
0x277: {  	v3 =	vld.idx.msk [tilespmem:v33+s22+$0x0], $0xffff;
	[tilespmem:s9+$0x6400] =	vst v26  }
0x278: {  	[tilespmem:s10+$0x6400] =	vst v1;
	v1 =	vadd.s32 $0xA0, v0  }
0x279: {  	v5 =	vld.idx.msk [tilespmem:v23+s22+$0x0], $0xffff  }
0x27a: {  	v4 =	vld.idx.msk [tilespmem:v20+s22+$0x0], $0xffff;
	[tilespmem:s8+$0x6400] =	vst v2  }
0x27b: {  	v2 =	vld.idx.msk [tilespmem:v21+s22+$0x0], $0xffff  }
0x27c: {  	[tilespmem:s20+$0x6480] =	vst v3  }
0x27d: {  	v1 =	vld.idx.msk [tilespmem:v1+s22+$0x0], $0xffff  }
0x27e: {  	v3 =	vadd.s32 $0xB0, v0;
	[tilespmem:s9+$0x6480] =	vst v5  }
0x27f: {  	[tilespmem:s10+$0x6480] =	vst v4;
	v5 =	vld.idx.msk [tilespmem:v19+s22+$0x0], $0xffff  }
0x280: {  	v4 =	vld.idx.msk [tilespmem:v16+s22+$0x0], $0xffff;
	[tilespmem:s8+$0x6480] =	vst v2  }
0x281: {  	v2 =	vld.idx.msk [tilespmem:v18+s22+$0x0], $0xffff  }
0x282: {  	[tilespmem:s20+$0x6500] =	vst v1  }
0x283: {  	v1 =	vld.idx.msk [tilespmem:v3+s22+$0x0], $0xffff  }
0x284: {  	v3 =	vadd.s32 $0xC0, v0;
	[tilespmem:s9+$0x6500] =	vst v5  }
0x285: {  	[tilespmem:s10+$0x6500] =	vst v4;
	v5 =	vld.idx.msk [tilespmem:v17+s22+$0x0], $0xffff  }
0x286: {  	v4 =	vld.idx.msk [tilespmem:v14+s22+$0x0], $0xffff;
	[tilespmem:s8+$0x6500] =	vst v2  }
0x287: {  	v2 =	vld.idx.msk [tilespmem:v15+s22+$0x0], $0xffff  }
0x288: {  	[tilespmem:s20+$0x6580] =	vst v1  }
0x289: {  	v1 =	vld.idx.msk [tilespmem:v3+s22+$0x0], $0xffff  }
0x28a: {  	v3 =	vadd.s32 $0xD0, v0;
	[tilespmem:s9+$0x6580] =	vst v5  }
0x28b: {  	[tilespmem:s10+$0x6580] =	vst v4;
	v5 =	vld.idx.msk [tilespmem:v12+s22+$0x0], $0xffff  }
0x28c: {  	v4 =	vld.idx.msk [tilespmem:v11+s22+$0x0], $0xffff;
	[tilespmem:s8+$0x6580] =	vst v2  }
0x28d: {  	v2 =	vld.idx.msk [tilespmem:v13+s22+$0x0], $0xffff  }
0x28e: {  	[tilespmem:s20+$0x6600] =	vst v1  }
0x28f: {  	v1 =	vld.idx.msk [tilespmem:v3+s22+$0x0], $0xffff  }
0x290: {  	v3 =	vadd.s32 $0xE0, v0;
	[tilespmem:s9+$0x6600] =	vst v5  }
0x291: {  	[tilespmem:s10+$0x6600] =	vst v4;
	v5 =	vld.idx.msk [tilespmem:v44+s22+$0x0], $0xffff  }
0x292: {  	v4 =	vld.idx.msk [tilespmem:v41+s22+$0x0], $0xffff;
	[tilespmem:s8+$0x6600] =	vst v2  }
0x293: {  	v2 =	vld.idx.msk [tilespmem:v10+s22+$0x0], $0xffff  }
0x294: {  	[tilespmem:s20+$0x6680] =	vst v1  }
0x295: {  	[tilespmem:s17+$0x6780] =	vst v27;
	v1 =	vld.idx.msk [tilespmem:v3+s22+$0x0], $0xffff  }
0x296: {  	v0 =	vadd.s32 $0xF0, v0;
	[tilespmem:s9+$0x6680] =	vst v5  }
0x297: {  	[tilespmem:s10+$0x6680] =	vst v4;
	v4 =	vld.idx.msk [tilespmem:v38+s22+$0x0], $0xffff  }
0x298: {  	v3 =	vld.idx.msk [tilespmem:v39+s22+$0x0], $0xffff;
	[tilespmem:s8+$0x6680] =	vst v2  }
0x299: {  	[tilespmem:s2+$0x6780] =	vst v25;
	v2 =	vld.idx.msk [tilespmem:v30+s22+$0x0], $0xffff  }
0x29a: {  	[tilespmem:s20+$0x6700] =	vst v1  }
0x29b: {  	[tilespmem:s16+$0x6700] =	vst v28;
	v0 =	vld.idx.msk [tilespmem:v0+s22+$0x0], $0xffff  }
0x29c: {  	[tilespmem:s9+$0x6700] =	vst v4;
	v4 =	vld.idx.msk [tilespmem:v34+s22+$0x0], $0xffff  }
0x29d: {  	[tilespmem:s10+$0x6700] =	vst v3;
	v3 =	vld.idx.msk [tilespmem:v6+s22+$0x0], $0xffff  }
0x29e: {  	v1 =	vld.idx.msk [tilespmem:v9+s22+$0x0], $0xffff;
	[tilespmem:s8+$0x6700] =	vst v2  }
0x29f: {  	[tilespmem:s19+$0x6780] =	vst v29;
	s19 =	sshll.u32 s0, $0x6;
	v2 =	vld.idx.msk [tilespmem:v8+s22+$0x0], $0xffff  }
0x2a0: {  	s2 =	sor.u32 s7, s19;
	[tilespmem:s20+$0x6780] =	vst v0  }
0x2a1: {  	s2 =	smul.u32 $0x6400, s2;
	[tilespmem:s16+$0x6780] =	vst v4  }
0x2a2: {  	[tilespmem:s9+$0x6780] =	vst v3  }
0x2a3: {  	s2 =	sshrl.u32 s2, $0x3;
	[tilespmem:s10+$0x6780] =	vst v1  }
0x2a4: {  	s2 =	sadd.s32 s4, s2;
	[tilespmem:s8+$0x6780] =	vst v2;
	s8 =	sadd.s32 $0x2, s3  }
0x2a5: {  	[hbm4b:s2+s5] =	stream.linear.scatter [tilespmem:s23], [sflag:$0x3], $0x6400, $0x38;
	[tilespmem:$0x1AC10] =	vst v63  }
0x2a6: {  	p2 =	sge.u32 s8, s6  }
0x2a7: {  	s8 =	sshll.u32 @!p2 s8, $0x5  }
0x2a8: {  	s8 =	sor.u32 @!p2 s7, s8  }
0x2a9: {  	s29 =	sadd.s32 $0x186A00, s2;
	s8 =	smul.u32 @!p2 $0x190, s8  }
0x2aa: {  	[hbm4b:s29+s5] =	stream.linear.scatter [tilespmem:s24], [sflag:$0x3], $0x6400, $0x38;
	[tilespmem:$0x1AC10] =	vst v63  }
0x2ab: {  	s9 =	simm.s32 @!p2 $0x0;
	s10 =	simm.s32 @!p2 $0x310;
	s8 =	sadd.s32 @!p2 s1, s8  }
0x2ac: {  	[tilespmem:s10], [sflag:$0x1] =	stream.linear.gather @!p2 [hbm4b:s8+s9], $0xC80, $0x38;
	[tilespmem:$0x1AC10] =	vst v63  }
0x2ad: {  	_ =	swait.ge [sflag:s25], $0xC80  }
0x2ae: {  	[sflag:s25] =	ssyncset.done $0x0  }
0x2af: {  	s8 =	simm.s32 @!p1 $0x4;
	[sflag:s25] =	ssyncadd.s32 $0xFFFFF380  }
0x2b0: {  	_ =	swait.ge @!p1 [sflag:s8], $0xC800  }
0x2b1: {  	[sflag:s8] =	ssyncset.done @!p1 $0x0  }
0x2b2: {  	s31 =	simm.s32 $0xFB0;
	[sflag:s8] =	ssyncadd.s32 @!p1 $0xFFFF3800  }
0x2b3: {  	v7 =	vld [tilespmem:s31+$0x10];
	_ =	sdelay $0x1  }
0x2b4: {  	v0 =	vld [tilespmem:s31+$0xFFFFFFF0];
	_ =	sdelay $0x2  }
0x2b5: {  	v6 =	vld [tilespmem:s31+$0xFFFFFFE0];
	_ =	sdelay $0x1  }
0x2b6: {  	v1 =	vld [tilespmem:s31+$0x0]  }
0x2b7: {  	v2 =	vld.idx.msk [tilespmem:v7+s22+$0x0], $0xffff  }
0x2b8: {  	s9 =	simm.s32 $0x0;
	v3 =	vadd.s32 $0x10, v7  }
0x2b9: {  	s10 =	simm.s32 $0x30;
	s8 =	sand.u32 $0x7C00, s9;
	v4 =	vld.idx.msk [tilespmem:v0+s22+$0x0], $0xffff  }
0x2ba: {  	s13 =	sand.u32 $0x70, s10;
	s11 =	sadd.s32 $0xE410, s8;
	v5 =	vadd.s32 $0x10, v0  }
0x2bb: {  	s14 =	simm.s32 $0x10;
	s9 =	sadd.s32 s13, s11  }
0x2bc: {  	s15 =	sand.u32 $0x50, s14;
	v8 =	vld.idx.msk [tilespmem:v6+s22+$0x0], $0xffff;
	[tilespmem:s9+$0x0] =	vst v2  }
0x2bd: {  	s8 =	sadd.s32 s15, s11;
	v2 =	vadd.s32 $0x10, v6;
	v3 =	vld.idx.msk [tilespmem:v3+s22+$0x0], $0xffff  }
0x2be: {  	s16 =	simm.s32 $0x0;
	v9 =	vld.idx.msk [tilespmem:v1+s22+$0x0], $0xffff;
	[tilespmem:s8+$0x0] =	vst v4;
	v4 =	vadd.s32 $0x20, v7  }
0x2bf: {  	s10 =	sand.u32 $0x40, s16;
	v10 =	vadd.s32 $0x10, v1;
	v5 =	vld.idx.msk [tilespmem:v5+s22+$0x0], $0xffff  }
0x2c0: {  	s13 =	simm.s32 $0x20;
	s10 =	sor.u32 s10, s11;
	v11 =	vadd.s32 $0x20, v0  }
0x2c1: {  	s13 =	sand.u32 $0x60, s13;
	[tilespmem:s10+$0x0] =	vst v8  }
0x2c2: {  	s16 =	sor.u32 s13, s11;
	v2 =	vld.idx.msk [tilespmem:v2+s22+$0x0], $0xffff;
	[tilespmem:s9+$0x80] =	vst v3  }
0x2c3: {  	[tilespmem:s16+$0x0] =	vst v9;
	v3 =	vadd.s32 $0x20, v6;
	v4 =	vld.idx.msk [tilespmem:v4+s22+$0x0], $0xffff  }
0x2c4: {  	v8 =	vld.idx.msk [tilespmem:v10+s22+$0x0], $0xffff;
	[tilespmem:s8+$0x80] =	vst v5;
	v5 =	vadd.s32 $0x30, v7  }
0x2c5: {  	v9 =	vadd.s32 $0x20, v1;
	v10 =	vld.idx.msk [tilespmem:v11+s22+$0x0], $0xffff  }
0x2c6: {  	v11 =	vadd.s32 $0x30, v0  }
0x2c7: {  	[tilespmem:s10+$0x80] =	vst v2  }
0x2c8: {  	v2 =	vld.idx.msk [tilespmem:v3+s22+$0x0], $0xffff;
	[tilespmem:s9+$0x100] =	vst v4  }
0x2c9: {  	[tilespmem:s16+$0x80] =	vst v8;
	v3 =	vadd.s32 $0x30, v6;
	v4 =	vld.idx.msk [tilespmem:v5+s22+$0x0], $0xffff  }
0x2ca: {  	v8 =	vadd.s32 $0x40, v7;
	[tilespmem:s8+$0x100] =	vst v10;
	v5 =	vld.idx.msk [tilespmem:v9+s22+$0x0], $0xffff  }
0x2cb: {  	v9 =	vadd.s32 $0x30, v1;
	v10 =	vld.idx.msk [tilespmem:v11+s22+$0x0], $0xffff  }
0x2cc: {  	v11 =	vadd.s32 $0x40, v0  }
0x2cd: {  	[tilespmem:s10+$0x100] =	vst v2  }
0x2ce: {  	v2 =	vld.idx.msk [tilespmem:v3+s22+$0x0], $0xffff;
	[tilespmem:s9+$0x180] =	vst v4  }
0x2cf: {  	v3 =	vadd.s32 $0x40, v6;
	[tilespmem:s16+$0x100] =	vst v5;
	v4 =	vld.idx.msk [tilespmem:v8+s22+$0x0], $0xffff  }
0x2d0: {  	[tilespmem:s8+$0x180] =	vst v10;
	v5 =	vld.idx.msk [tilespmem:v9+s22+$0x0], $0xffff;
	v8 =	vadd.s32 $0x50, v7  }
0x2d1: {  	v9 =	vadd.s32 $0x40, v1;
	v10 =	vld.idx.msk [tilespmem:v11+s22+$0x0], $0xffff  }
0x2d2: {  	v11 =	vadd.s32 $0x50, v0  }
0x2d3: {  	[tilespmem:s10+$0x180] =	vst v2  }
0x2d4: {  	v2 =	vld.idx.msk [tilespmem:v3+s22+$0x0], $0xffff;
	[tilespmem:s9+$0x200] =	vst v4  }
0x2d5: {  	v3 =	vadd.s32 $0x50, v6;
	[tilespmem:s16+$0x180] =	vst v5;
	v4 =	vld.idx.msk [tilespmem:v8+s22+$0x0], $0xffff  }
0x2d6: {  	[tilespmem:s8+$0x200] =	vst v10;
	v5 =	vld.idx.msk [tilespmem:v9+s22+$0x0], $0xffff;
	v8 =	vadd.s32 $0x60, v7  }
0x2d7: {  	v9 =	vadd.s32 $0x50, v1;
	v10 =	vld.idx.msk [tilespmem:v11+s22+$0x0], $0xffff  }
0x2d8: {  	v11 =	vadd.s32 $0x60, v0  }
0x2d9: {  	[tilespmem:s10+$0x200] =	vst v2  }
0x2da: {  	v2 =	vld.idx.msk [tilespmem:v3+s22+$0x0], $0xffff;
	[tilespmem:s9+$0x280] =	vst v4  }
0x2db: {  	v3 =	vadd.s32 $0x60, v6;
	[tilespmem:s16+$0x200] =	vst v5;
	v4 =	vld.idx.msk [tilespmem:v8+s22+$0x0], $0xffff  }
0x2dc: {  	[tilespmem:s8+$0x280] =	vst v10;
	v5 =	vld.idx.msk [tilespmem:v9+s22+$0x0], $0xffff;
	v8 =	vadd.s32 $0x70, v7  }
0x2dd: {  	v9 =	vadd.s32 $0x60, v1;
	v10 =	vld.idx.msk [tilespmem:v11+s22+$0x0], $0xffff  }
0x2de: {  	v11 =	vadd.s32 $0x70, v0  }
0x2df: {  	[tilespmem:s10+$0x280] =	vst v2  }
0x2e0: {  	s18 =	simm.s32 $0x200;
	v2 =	vld.idx.msk [tilespmem:v3+s22+$0x0], $0xffff;
	[tilespmem:s9+$0x300] =	vst v4  }
0x2e1: {  	s19 =	simm.s32 $0x70;
	s11 =	sand.u32 $0x7C00, s18;
	v3 =	vadd.s32 $0x70, v6;
	[tilespmem:s16+$0x280] =	vst v5;
	v4 =	vld.idx.msk [tilespmem:v8+s22+$0x0], $0xffff  }
0x2e2: {  	s20 =	simm.s32 $0x50;
	s13 =	sand.u32 $0x70, s19;
	s11 =	sadd.s32 $0xE410, s11;
	[tilespmem:s8+$0x300] =	vst v10;
	v5 =	vld.idx.msk [tilespmem:v9+s22+$0x0], $0xffff;
	v8 =	vadd.s32 $0x80, v7  }
0x2e3: {  	s15 =	sadd.s32 s13, s11;
	s13 =	sand.u32 $0x50, s20;
	v9 =	vadd.s32 $0x70, v1;
	v10 =	vld.idx.msk [tilespmem:v11+s22+$0x0], $0xffff  }
0x2e4: {  	s19 =	sadd.s32 s13, s11;
	s13 =	simm.s32 $0x1030;
	v11 =	vadd.s32 $0x80, v0  }
0x2e5: {  	v26 =	vld [tilespmem:s13+$0x0];
	[tilespmem:s10+$0x300] =	vst v2  }
0x2e6: {  	v12 =	vld.idx.msk [tilespmem:v3+s22+$0x0], $0xffff;
	[tilespmem:s9+$0x380] =	vst v4  }
0x2e7: {  	[tilespmem:s16+$0x300] =	vst v5;
	v4 =	vld.idx.msk [tilespmem:v8+s22+$0x0], $0xffff  }
0x2e8: {  	[tilespmem:s8+$0x380] =	vst v10;
	v8 =	vld.idx.msk [tilespmem:v9+s22+$0x0], $0xffff  }
0x2e9: {  	s17 =	simm.s32 $0xFF0;
	v10 =	vld.idx.msk [tilespmem:v11+s22+$0x0], $0xffff;
	v11 =	vadd.s32 $0x80, v6  }
0x2ea: {  	v5 =	vld [tilespmem:s17+$0x10];
	v9 =	vadd.s32 $0x90, v7  }
0x2eb: {  	v13 =	vadd.s32 $0x80, v1;
	v2 =	vld [tilespmem:s17+$0x0]  }
0x2ec: {  	v14 =	vadd.s32 $0x90, v0;
	v3 =	vld [tilespmem:s17+$0xFFFFFFF0];
	[tilespmem:s10+$0x380] =	vst v12  }
0x2ed: {  	[tilespmem:s9+$0x6400] =	vst v4;
	v4 =	vld [tilespmem:s17+$0xFFFFFFE0]  }
0x2ee: {  	[tilespmem:s16+$0x380] =	vst v8;
	v8 =	vld.idx.msk [tilespmem:v11+s22+$0x0], $0xffff  }
0x2ef: {  	v9 =	vld.idx.msk [tilespmem:v9+s22+$0x0], $0xffff  }
0x2f0: {  	[tilespmem:s8+$0x6400] =	vst v10;
	v10 =	vld.idx.msk [tilespmem:v13+s22+$0x0], $0xffff  }
0x2f1: {  	v11 =	vadd.s32 $0xA0, v7;
	v12 =	vld.idx.msk [tilespmem:v14+s22+$0x0], $0xffff  }
0x2f2: {  	v15 =	vadd.s32 $0x90, v1;
	v14 =	vld.idx.msk [tilespmem:v5+s22+$0x0], $0xffff  }
0x2f3: {  	v27 =	vld [tilespmem:s13+$0xFFFFFFE0];
	v13 =	vadd.s32 $0x90, v6  }
0x2f4: {  	v18 =	vld.idx.msk [tilespmem:v2+s22+$0x0], $0xffff;
	[tilespmem:s10+$0x6400] =	vst v8  }
0x2f5: {  	v17 =	vadd.s32 $0xA0, v0;
	v16 =	vld.idx.msk [tilespmem:v3+s22+$0x0], $0xffff;
	[tilespmem:s9+$0x6480] =	vst v9  }
0x2f6: {  	v9 =	vadd.s32 $0x10, v5;
	[tilespmem:s16+$0x6400] =	vst v10;
	v11 =	vld.idx.msk [tilespmem:v11+s22+$0x0], $0xffff  }
0x2f7: {  	[tilespmem:s15+$0x0] =	vst v14;
	v14 =	vld.idx.msk [tilespmem:v15+s22+$0x0], $0xffff;
	v15 =	vadd.s32 $0x10, v2  }
0x2f8: {  	s29 =	simm.s32 $0x60;
	v19 =	vadd.s32 $0xB0, v7;
	v10 =	vld.idx.msk [tilespmem:v13+s22+$0x0], $0xffff  }
0x2f9: {  	s31 =	sand.u32 $0x60, s29;
	v20 =	vadd.s32 $0x10, v3;
	[tilespmem:s8+$0x6480] =	vst v12;
	v8 =	vld.idx.msk [tilespmem:v4+s22+$0x0], $0xffff  }
0x2fa: {  	s17 =	sor.u32 s31, s11;
	v13 =	vadd.s32 $0x10, v4;
	v17 =	vld.idx.msk [tilespmem:v17+s22+$0x0], $0xffff  }
0x2fb: {  	s14 =	simm.s32 $0x40;
	[tilespmem:s17+$0x0] =	vst v18;
	v12 =	vadd.s32 $0xA0, v6;
	v9 =	vld.idx.msk [tilespmem:v9+s22+$0x0], $0xffff  }
0x2fc: {  	s14 =	sand.u32 $0x40, s14;
	[tilespmem:s9+$0x6500] =	vst v11;
	v11 =	vadd.s32 $0x20, v5;
	v15 =	vld.idx.msk [tilespmem:v15+s22+$0x0], $0xffff  }
0x2fd: {  	s20 =	sor.u32 s14, s11;
	[tilespmem:s19+$0x0] =	vst v16;
	v16 =	vld.idx.msk [tilespmem:v19+s22+$0x0], $0xffff;
	v19 =	vadd.s32 $0xA0, v1  }
0x2fe: {  	v18 =	vadd.s32 $0xC0, v7;
	[tilespmem:s20+$0x0] =	vst v8;
	v8 =	vld.idx.msk [tilespmem:v20+s22+$0x0], $0xffff  }
0x2ff: {  	[tilespmem:s10+$0x6480] =	vst v10;
	v20 =	vadd.s32 $0x20, v3;
	v13 =	vld.idx.msk [tilespmem:v13+s22+$0x0], $0xffff  }
0x300: {  	v10 =	vadd.s32 $0x20, v4;
	[tilespmem:s15+$0x80] =	vst v9;
	v9 =	vld.idx.msk [tilespmem:v12+s22+$0x0], $0xffff  }
0x301: {  	[tilespmem:s16+$0x6480] =	vst v14;
	v12 =	vadd.s32 $0x20, v2;
	v11 =	vld.idx.msk [tilespmem:v11+s22+$0x0], $0xffff  }
0x302: {  	v14 =	vadd.s32 $0xB0, v6;
	v19 =	vld.idx.msk [tilespmem:v19+s22+$0x0], $0xffff;
	[tilespmem:s9+$0x6580] =	vst v16  }
0x303: {  	[tilespmem:s19+$0x80] =	vst v8;
	v8 =	vadd.s32 $0x30, v5;
	v16 =	vld.idx.msk [tilespmem:v18+s22+$0x0], $0xffff  }
0x304: {  	v18 =	vadd.s32 $0xB0, v0;
	[tilespmem:s20+$0x80] =	vst v13;
	v13 =	vld.idx.msk [tilespmem:v20+s22+$0x0], $0xffff  }
0x305: {  	[tilespmem:s17+$0x80] =	vst v15;
	v15 =	vadd.s32 $0xD0, v7;
	v10 =	vld.idx.msk [tilespmem:v10+s22+$0x0], $0xffff  }
0x306: {  	v20 =	vadd.s32 $0x30, v3;
	v12 =	vld.idx.msk [tilespmem:v12+s22+$0x0], $0xffff;
	[tilespmem:s10+$0x6500] =	vst v9  }
0x307: {  	v9 =	vadd.s32 $0x30, v4;
	[tilespmem:s15+$0x100] =	vst v11;
	v11 =	vld.idx.msk [tilespmem:v14+s22+$0x0], $0xffff  }
0x308: {  	[tilespmem:s8+$0x6500] =	vst v17;
	v14 =	vadd.s32 $0x30, v2;
	v8 =	vld.idx.msk [tilespmem:v8+s22+$0x0], $0xffff  }
0x309: {  	v17 =	vadd.s32 $0xB0, v1;
	v18 =	vld.idx.msk [tilespmem:v18+s22+$0x0], $0xffff;
	[tilespmem:s9+$0x6600] =	vst v16  }
0x30a: {  	[tilespmem:s19+$0x100] =	vst v13;
	v13 =	vadd.s32 $0x40, v5;
	v15 =	vld.idx.msk [tilespmem:v15+s22+$0x0], $0xffff  }
0x30b: {  	v16 =	vadd.s32 $0xC0, v6;
	[tilespmem:s20+$0x100] =	vst v10;
	v10 =	vld.idx.msk [tilespmem:v20+s22+$0x0], $0xffff  }
0x30c: {  	v9 =	vld.idx.msk [tilespmem:v9+s22+$0x0], $0xffff;
	[tilespmem:s17+$0x100] =	vst v12;
	v12 =	vadd.s32 $0xE0, v7  }
0x30d: {  	[tilespmem:s16+$0x6500] =	vst v19;
	v20 =	vadd.s32 $0x40, v3;
	v14 =	vld.idx.msk [tilespmem:v14+s22+$0x0], $0xffff  }
0x30e: {  	v19 =	vadd.s32 $0x40, v4;
	[tilespmem:s15+$0x180] =	vst v8;
	v8 =	vld.idx.msk [tilespmem:v17+s22+$0x0], $0xffff  }
0x30f: {  	[tilespmem:s10+$0x6580] =	vst v11;
	v11 =	vadd.s32 $0xC0, v0;
	v13 =	vld.idx.msk [tilespmem:v13+s22+$0x0], $0xffff  }
0x310: {  	v17 =	vadd.s32 $0x40, v2;
	v16 =	vld.idx.msk [tilespmem:v16+s22+$0x0], $0xffff;
	[tilespmem:s9+$0x6680] =	vst v15  }
0x311: {  	[tilespmem:s19+$0x180] =	vst v10;
	v10 =	vadd.s32 $0x50, v5;
	v12 =	vld.idx.msk [tilespmem:v12+s22+$0x0], $0xffff  }
0x312: {  	v15 =	vadd.s32 $0xC0, v1;
	[tilespmem:s20+$0x180] =	vst v9;
	v9 =	vld.idx.msk [tilespmem:v20+s22+$0x0], $0xffff  }
0x313: {  	v7 =	vadd.s32 $0xF0, v7;
	[tilespmem:s8+$0x6580] =	vst v18;
	v19 =	vld.idx.msk [tilespmem:v19+s22+$0x0], $0xffff  }
0x314: {  	[tilespmem:s17+$0x180] =	vst v14;
	v14 =	vadd.s32 $0x50, v3;
	v11 =	vld.idx.msk [tilespmem:v11+s22+$0x0], $0xffff  }
0x315: {  	v18 =	vadd.s32 $0x50, v4;
	v17 =	vld.idx.msk [tilespmem:v17+s22+$0x0], $0xffff;
	[tilespmem:s15+$0x200] =	vst v13  }
0x316: {  	[tilespmem:s16+$0x6580] =	vst v8;
	v13 =	vadd.s32 $0x50, v2;
	v10 =	vld.idx.msk [tilespmem:v10+s22+$0x0], $0xffff  }
0x317: {  	v8 =	vadd.s32 $0xD0, v6;
	v15 =	vld.idx.msk [tilespmem:v15+s22+$0x0], $0xffff;
	[tilespmem:s9+$0x6700] =	vst v12  }
0x318: {  	[tilespmem:s19+$0x200] =	vst v9;
	v9 =	vadd.s32 $0x60, v5;
	v12 =	vld.idx.msk [tilespmem:v7+s22+$0x0], $0xffff  }
0x319: {  	v7 =	vadd.s32 $0xD0, v0;
	[tilespmem:s20+$0x200] =	vst v19;
	v14 =	vld.idx.msk [tilespmem:v14+s22+$0x0], $0xffff  }
0x31a: {  	v19 =	vadd.s32 $0x60, v3;
	v18 =	vld.idx.msk [tilespmem:v18+s22+$0x0], $0xffff;
	[tilespmem:s17+$0x200] =	vst v17  }
0x31b: {  	[tilespmem:s10+$0x6600] =	vst v16;
	v17 =	vadd.s32 $0x60, v4;
	v13 =	vld.idx.msk [tilespmem:v13+s22+$0x0], $0xffff  }
0x31c: {  	v16 =	vadd.s32 $0x60, v2;
	v8 =	vld.idx.msk [tilespmem:v8+s22+$0x0], $0xffff;
	[tilespmem:s15+$0x280] =	vst v10  }
0x31d: {  	[tilespmem:s8+$0x6600] =	vst v11;
	v10 =	vadd.s32 $0xD0, v1;
	v9 =	vld.idx.msk [tilespmem:v9+s22+$0x0], $0xffff  }
0x31e: {  	v11 =	vadd.s32 $0x70, v5;
	v7 =	vld.idx.msk [tilespmem:v7+s22+$0x0], $0xffff;
	[tilespmem:s19+$0x280] =	vst v14  }
0x31f: {  	v14 =	vadd.s32 $0xE0, v6;
	[tilespmem:s20+$0x280] =	vst v18;
	v18 =	vld.idx.msk [tilespmem:v19+s22+$0x0], $0xffff  }
0x320: {  	v19 =	vadd.s32 $0xE0, v0;
	v17 =	vld.idx.msk [tilespmem:v17+s22+$0x0], $0xffff;
	[tilespmem:s17+$0x280] =	vst v13  }
0x321: {  	[tilespmem:s16+$0x6600] =	vst v15;
	v13 =	vadd.s32 $0x70, v3;
	v16 =	vld.idx.msk [tilespmem:v16+s22+$0x0], $0xffff  }
0x322: {  	v15 =	vadd.s32 $0x70, v4;
	[tilespmem:s15+$0x300] =	vst v9;
	v9 =	vld.idx.msk [tilespmem:v10+s22+$0x0], $0xffff  }
0x323: {  	[tilespmem:s10+$0x6680] =	vst v8;
	v10 =	vadd.s32 $0x70, v2;
	v11 =	vld.idx.msk [tilespmem:v11+s22+$0x0], $0xffff  }
0x324: {  	v8 =	vadd.s32 $0xE0, v1;
	v14 =	vld.idx.msk [tilespmem:v14+s22+$0x0], $0xffff;
	[tilespmem:s8+$0x6680] =	vst v7  }
0x325: {  	v7 =	vadd.s32 $0x80, v5;
	[tilespmem:s19+$0x300] =	vst v18;
	v18 =	vld.idx.msk [tilespmem:v19+s22+$0x0], $0xffff  }
0x326: {  	v6 =	vadd.s32 $0xF0, v6;
	[tilespmem:s20+$0x300] =	vst v17;
	v13 =	vld.idx.msk [tilespmem:v13+s22+$0x0], $0xffff  }
0x327: {  	v0 =	vadd.s32 $0xF0, v0;
	v15 =	vld.idx.msk [tilespmem:v15+s22+$0x0], $0xffff;
	[tilespmem:s17+$0x300] =	vst v16  }
0x328: {  	v10 =	vld.idx.msk [tilespmem:v10+s22+$0x0], $0xffff;
	[tilespmem:s16+$0x6680] =	vst v9  }
0x329: {  	v16 =	vadd.s32 $0x80, v3;
	[tilespmem:s15+$0x380] =	vst v11;
	v8 =	vld.idx.msk [tilespmem:v8+s22+$0x0], $0xffff  }
0x32a: {  	[tilespmem:s10+$0x6700] =	vst v14;
	v9 =	vld.idx.msk [tilespmem:v7+s22+$0x0], $0xffff  }
0x32b: {  	v1 =	vadd.s32 $0xF0, v1;
	v6 =	vld.idx.msk [tilespmem:v6+s22+$0x0], $0xffff;
	[tilespmem:s8+$0x6700] =	vst v18  }
0x32c: {  	v11 =	vadd.s32 $0x90, v5;
	[tilespmem:s19+$0x380] =	vst v13;
	v13 =	vld.idx.msk [tilespmem:v0+s22+$0x0], $0xffff  }
0x32d: {  	v0 =	vld [tilespmem:s13+$0x10]  }
0x32e: {  	v14 =	vld.idx.msk [tilespmem:v16+s22+$0x0], $0xffff;
	v16 =	vadd.s32 $0x80, v4  }
0x32f: {  	v17 =	vadd.s32 $0x80, v2;
	v7 =	vld [tilespmem:s13+$0xFFFFFFF0];
	[tilespmem:s16+$0x6700] =	vst v8  }
0x330: {  	v18 =	vadd.s32 $0x90, v3;
	[tilespmem:s15+$0x6400] =	vst v9;
	v25 =	vld.idx.msk [tilespmem:v1+s22+$0x0], $0xffff  }
0x331: {  	[tilespmem:s20+$0x380] =	vst v15;
	v9 =	vld.idx.msk [tilespmem:v11+s22+$0x0], $0xffff  }
0x332: {  	[tilespmem:s8+$0x6780] =	vst v13;
	v13 =	vld.idx.msk [tilespmem:v26+s22+$0x0], $0xffff  }
0x333: {  	[tilespmem:s17+$0x380] =	vst v10;
	v11 =	vadd.s32 $0xA0, v5;
	v10 =	vld.idx.msk [tilespmem:v16+s22+$0x0], $0xffff  }
0x334: {  	[tilespmem:s19+$0x6400] =	vst v14;
	v14 =	vld.idx.msk [tilespmem:v17+s22+$0x0], $0xffff  }
0x335: {  	[tilespmem:s9+$0x6780] =	vst v12;
	v15 =	vadd.s32 $0x90, v4;
	v12 =	vld.idx.msk [tilespmem:v18+s22+$0x0], $0xffff  }
0x336: {  	[tilespmem:s10+$0x6780] =	vst v6;
	v16 =	vadd.s32 $0x90, v2;
	v8 =	vld.idx.msk [tilespmem:v0+s22+$0x0], $0xffff  }
0x337: {  	s13 =	simm.s32 $0x400;
	v6 =	vadd.s32 $0x10, v0;
	v17 =	vld.idx.msk [tilespmem:v7+s22+$0x0], $0xffff;
	[tilespmem:s15+$0x6480] =	vst v9  }
0x338: {  	s14 =	sand.u32 $0x7C00, s13;
	s8 =	simm.s32 $0xB0;
	v9 =	vld.idx.msk [tilespmem:v11+s22+$0x0], $0xffff;
	v11 =	vadd.s32 $0xA0, v3;
	[tilespmem:s20+$0x6400] =	vst v10  }
0x339: {  	s29 =	simm.s32 $0x90;
	s9 =	sadd.s32 $0xE410, s14;
	v19 =	vadd.s32 $0x10, v7;
	s18 =	sand.u32 $0x70, s8;
	v10 =	vld.idx.msk [tilespmem:v27+s22+$0x0], $0xffff;
	[tilespmem:s17+$0x6400] =	vst v14  }
0x33a: {  	s10 =	sand.u32 $0x50, s29;
	v18 =	vadd.s32 $0xB0, v5;
	s14 =	sadd.s32 s18, s9;
	v14 =	vld.idx.msk [tilespmem:v15+s22+$0x0], $0xffff;
	[tilespmem:s19+$0x6480] =	vst v12  }
0x33b: {  	s31 =	simm.s32 $0x80;
	s10 =	sadd.s32 s10, s9;
	v15 =	vadd.s32 $0x10, v27;
	[tilespmem:s14+$0x0] =	vst v8;
	v8 =	vld.idx.msk [tilespmem:v16+s22+$0x0], $0xffff  }
0x33c: {  	s11 =	sand.u32 $0x40, s31;
	s18 =	simm.s32 $0xA0;
	[tilespmem:s10+$0x0] =	vst v17;
	v16 =	vadd.s32 $0x10, v26;
	v6 =	vld.idx.msk [tilespmem:v6+s22+$0x0], $0xffff  }
0x33d: {  	s11 =	sor.u32 s11, s9;
	s18 =	sand.u32 $0x60, s18;
	v12 =	vadd.s32 $0xA0, v4;
	v11 =	vld.idx.msk [tilespmem:v11+s22+$0x0], $0xffff;
	[tilespmem:s15+$0x6500] =	vst v9  }
0x33e: {  	s9 =	sor.u32 s18, s9;
	v9 =	vadd.s32 $0x20, v0;
	[tilespmem:s11+$0x0] =	vst v10;
	v10 =	vld.idx.msk [tilespmem:v19+s22+$0x0], $0xffff  }
0x33f: {  	[tilespmem:s9+$0x0] =	vst v13;
	v17 =	vld.idx.msk [tilespmem:v18+s22+$0x0], $0xffff;
	v18 =	vadd.s32 $0xA0, v2  }
0x340: {  	v19 =	vadd.s32 $0x20, v7;
	v15 =	vld.idx.msk [tilespmem:v15+s22+$0x0], $0xffff;
	[tilespmem:s20+$0x6480] =	vst v14  }
0x341: {  	v13 =	vadd.s32 $0xC0, v5;
	v16 =	vld.idx.msk [tilespmem:v16+s22+$0x0], $0xffff;
	[tilespmem:s17+$0x6480] =	vst v8  }
0x342: {  	v14 =	vadd.s32 $0x20, v27;
	[tilespmem:s14+$0x80] =	vst v6;
	v6 =	vld.idx.msk [tilespmem:v12+s22+$0x0], $0xffff  }
0x343: {  	v12 =	vadd.s32 $0x20, v26;
	v9 =	vld.idx.msk [tilespmem:v9+s22+$0x0], $0xffff;
	[tilespmem:s10+$0x80] =	vst v10  }
0x344: {  	v8 =	vadd.s32 $0xB0, v4;
	v18 =	vld.idx.msk [tilespmem:v18+s22+$0x0], $0xffff;
	[tilespmem:s15+$0x6580] =	vst v17  }
0x345: {  	v10 =	vadd.s32 $0x30, v0;
	[tilespmem:s11+$0x80] =	vst v15;
	v15 =	vld.idx.msk [tilespmem:v19+s22+$0x0], $0xffff  }
0x346: {  	[tilespmem:s19+$0x6500] =	vst v11;
	v17 =	vadd.s32 $0xB0, v3;
	v13 =	vld.idx.msk [tilespmem:v13+s22+$0x0], $0xffff  }
0x347: {  	v19 =	vadd.s32 $0x30, v7;
	v14 =	vld.idx.msk [tilespmem:v14+s22+$0x0], $0xffff;
	[tilespmem:s9+$0x80] =	vst v16  }
0x348: {  	v16 =	vadd.s32 $0xD0, v5;
	v12 =	vld.idx.msk [tilespmem:v12+s22+$0x0], $0xffff;
	[tilespmem:s20+$0x6500] =	vst v6  }
0x349: {  	v6 =	vadd.s32 $0x30, v27;
	v8 =	vld.idx.msk [tilespmem:v8+s22+$0x0], $0xffff;
	[tilespmem:s14+$0x100] =	vst v9  }
0x34a: {  	v9 =	vadd.s32 $0x30, v26;
	v10 =	vld.idx.msk [tilespmem:v10+s22+$0x0], $0xffff;
	[tilespmem:s10+$0x100] =	vst v15  }
0x34b: {  	v11 =	vadd.s32 $0xB0, v2;
	v17 =	vld.idx.msk [tilespmem:v17+s22+$0x0], $0xffff;
	[tilespmem:s15+$0x6600] =	vst v13  }
0x34c: {  	v13 =	vadd.s32 $0x40, v0;
	[tilespmem:s11+$0x100] =	vst v14;
	v14 =	vld.idx.msk [tilespmem:v19+s22+$0x0], $0xffff  }
0x34d: {  	[tilespmem:s17+$0x6500] =	vst v18;
	v15 =	vld.idx.msk [tilespmem:v16+s22+$0x0], $0xffff;
	v16 =	vadd.s32 $0xC0, v4  }
0x34e: {  	v19 =	vadd.s32 $0x40, v7;
	v6 =	vld.idx.msk [tilespmem:v6+s22+$0x0], $0xffff;
	[tilespmem:s9+$0x100] =	vst v12  }
0x34f: {  	v12 =	vadd.s32 $0xE0, v5;
	[tilespmem:s20+$0x6580] =	vst v8;
	v9 =	vld.idx.msk [tilespmem:v9+s22+$0x0], $0xffff  }
0x350: {  	v18 =	vadd.s32 $0x40, v27;
	[tilespmem:s14+$0x180] =	vst v10;
	v10 =	vld.idx.msk [tilespmem:v11+s22+$0x0], $0xffff  }
0x351: {  	v8 =	vadd.s32 $0xC0, v3;
	v13 =	vld.idx.msk [tilespmem:v13+s22+$0x0], $0xffff;
	[tilespmem:s10+$0x180] =	vst v14  }
0x352: {  	v11 =	vadd.s32 $0x40, v26;
	v16 =	vld.idx.msk [tilespmem:v16+s22+$0x0], $0xffff;
	[tilespmem:s15+$0x6680] =	vst v15  }
0x353: {  	v14 =	vadd.s32 $0x50, v0;
	[tilespmem:s11+$0x180] =	vst v6;
	v6 =	vld.idx.msk [tilespmem:v19+s22+$0x0], $0xffff  }
0x354: {  	[tilespmem:s19+$0x6580] =	vst v17;
	v15 =	vadd.s32 $0xC0, v2;
	v12 =	vld.idx.msk [tilespmem:v12+s22+$0x0], $0xffff  }
0x355: {  	v5 =	vadd.s32 $0xF0, v5;
	v18 =	vld.idx.msk [tilespmem:v18+s22+$0x0], $0xffff;
	[tilespmem:s9+$0x180] =	vst v9  }
0x356: {  	v8 =	vld.idx.msk [tilespmem:v8+s22+$0x0], $0xffff;
	v9 =	vadd.s32 $0x50, v7;
	[tilespmem:s17+$0x6580] =	vst v10  }
0x357: {  	v17 =	vadd.s32 $0x50, v27;
	v11 =	vld.idx.msk [tilespmem:v11+s22+$0x0], $0xffff;
	[tilespmem:s14+$0x200] =	vst v13  }
0x358: {  	v10 =	vadd.s32 $0xD0, v4;
	v14 =	vld.idx.msk [tilespmem:v14+s22+$0x0], $0xffff;
	[tilespmem:s10+$0x200] =	vst v6  }
0x359: {  	v13 =	vadd.s32 $0x50, v26;
	v15 =	vld.idx.msk [tilespmem:v15+s22+$0x0], $0xffff;
	[tilespmem:s15+$0x6700] =	vst v12  }
0x35a: {  	v6 =	vadd.s32 $0x60, v0;
	[tilespmem:s20+$0x6600] =	vst v16;
	v5 =	vld.idx.msk [tilespmem:v5+s22+$0x0], $0xffff  }
0x35b: {  	v12 =	vadd.s32 $0xD0, v3;
	[tilespmem:s11+$0x200] =	vst v18;
	v9 =	vld.idx.msk [tilespmem:v9+s22+$0x0], $0xffff  }
0x35c: {  	v17 =	vld.idx.msk [tilespmem:v17+s22+$0x0], $0xffff;
	[tilespmem:s9+$0x200] =	vst v11;
	v11 =	vadd.s32 $0x60, v7  }
0x35d: {  	v16 =	vadd.s32 $0x60, v27;
	[tilespmem:s19+$0x6600] =	vst v8;
	v10 =	vld.idx.msk [tilespmem:v10+s22+$0x0], $0xffff  }
0x35e: {  	v1 =	vadd.s32 $0xE0, v4;
	v13 =	vld.idx.msk [tilespmem:v13+s22+$0x0], $0xffff;
	[tilespmem:s14+$0x280] =	vst v14  }
0x35f: {  	v14 =	vadd.s32 $0x60, v26;
	v6 =	vld.idx.msk [tilespmem:v6+s22+$0x0], $0xffff;
	[tilespmem:s15+$0x6780] =	vst v5  }
0x360: {  	v8 =	vadd.s32 $0xD0, v2;
	v12 =	vld.idx.msk [tilespmem:v12+s22+$0x0], $0xffff;
	[tilespmem:s10+$0x280] =	vst v9  }
0x361: {  	v5 =	vadd.s32 $0x70, v0;
	[tilespmem:s11+$0x280] =	vst v17;
	v9 =	vld.idx.msk [tilespmem:v11+s22+$0x0], $0xffff  }
0x362: {  	v11 =	vadd.s32 $0xE0, v3;
	v16 =	vld.idx.msk [tilespmem:v16+s22+$0x0], $0xffff;
	[tilespmem:s20+$0x6680] =	vst v10  }
0x363: {  	[tilespmem:s9+$0x280] =	vst v13;
	v13 =	vadd.s32 $0x70, v7;
	v29 =	vld.idx.msk [tilespmem:v1+s22+$0x0], $0xffff  }
0x364: {  	[tilespmem:s17+$0x6600] =	vst v15;
	v15 =	vadd.s32 $0x70, v27;
	v14 =	vld.idx.msk [tilespmem:v14+s22+$0x0], $0xffff  }
0x365: {  	v4 =	vadd.s32 $0xF0, v4;
	[tilespmem:s14+$0x300] =	vst v6;
	v6 =	vld.idx.msk [tilespmem:v8+s22+$0x0], $0xffff  }
0x366: {  	v22 =	vadd.s32 $0x80, v27;
	v24 =	vadd.s32 $0x80, v26;
	v8 =	vadd.s32 $0x70, v26;
	[tilespmem:s19+$0x6680] =	vst v12;
	v5 =	vld.idx.msk [tilespmem:v5+s22+$0x0], $0xffff  }
0x367: {  	v21 =	vadd.s32 $0x90, v26;
	v41 =	vadd.s32 $0xD0, v27;
	v10 =	vadd.s32 $0xE0, v2;
	[tilespmem:s10+$0x300] =	vst v9;
	v30 =	vld.idx.msk [tilespmem:v11+s22+$0x0], $0xffff  }
0x368: {  	v39 =	vadd.s32 $0xE0, v27;
	v34 =	vadd.s32 $0xF0, v2;
	v2 =	vadd.s32 $0x80, v0;
	[tilespmem:s11+$0x300] =	vst v16;
	v63 =	vld.idx.msk [tilespmem:v13+s22+$0x0], $0xffff  }
0x369: {  	v20 =	vadd.s32 $0x90, v27;
	v23 =	vadd.s32 $0x90, v7;
	v3 =	vadd.s32 $0xF0, v3;
	v35 =	vld.idx.msk [tilespmem:v15+s22+$0x0], $0xffff;
	[tilespmem:s20+$0x6700] =	vst v29  }
0x36a: {  	v44 =	vadd.s32 $0xD0, v7;
	v38 =	vadd.s32 $0xE0, v7;
	v1 =	vadd.s32 $0x80, v7;
	[tilespmem:s9+$0x300] =	vst v14;
	v29 =	vld.idx.msk [tilespmem:v4+s22+$0x0], $0xffff  }
0x36b: {  	v33 =	vadd.s32 $0x90, v0;
	v19 =	vadd.s32 $0xA0, v7;
	v18 =	vadd.s32 $0xA0, v26;
	v31 =	vld.idx.msk [tilespmem:v8+s22+$0x0], $0xffff;
	[tilespmem:s17+$0x6680] =	vst v6  }
0x36c: {  	v17 =	vadd.s32 $0xB0, v7;
	v12 =	vadd.s32 $0xC0, v7;
	v16 =	vadd.s32 $0xA0, v27;
	[tilespmem:s14+$0x380] =	vst v5;
	v28 =	vld.idx.msk [tilespmem:v10+s22+$0x0], $0xffff  }
0x36d: {  	v11 =	vadd.s32 $0xC0, v27;
	v9 =	vadd.s32 $0xF0, v27;
	v15 =	vadd.s32 $0xB0, v26;
	v32 =	vld.idx.msk [tilespmem:v2+s22+$0x0], $0xffff;
	[tilespmem:s19+$0x6700] =	vst v30  }
0x36e: {  	v13 =	vadd.s32 $0xC0, v26;
	v14 =	vadd.s32 $0xB0, v27;
	v6 =	vadd.s32 $0xF0, v7;
	[tilespmem:s10+$0x380] =	vst v63;
	v27 =	vld.idx.msk [tilespmem:v3+s22+$0x0], $0xffff  }
0x36f: {  	s30 =	simm.s32 $0x1070;
	s15 =	simm.s32 $0x8;
	v8 =	vadd.s32 $0xF0, v26;
	v10 =	vadd.s32 $0xD0, v26;
	v30 =	vadd.s32 $0xE0, v26;
	[tilespmem:s11+$0x380] =	vst v35;
	v26 =	vld.idx.msk [tilespmem:v1+s22+$0x0], $0xffff  }
.LBB2_5:
0x370: {  	[tilespmem:$0x1FF00] =	vst v44  }
0x371: {  	[tilespmem:$0x1FF50] =	vst v30  }
0x372: {  	v30 =	vld [tilespmem:s30+$0x10];
	[tilespmem:s9+$0x380] =	vst v31  }
0x373: {  	v36 =	vld [tilespmem:s30+$0xFFFFFFF0];
	[tilespmem:s17+$0x6700] =	vst v28  }
0x374: {  	[tilespmem:s14+$0x6400] =	vst v32;
	v48 =	vld [tilespmem:s30+$0x0]  }
0x375: {  	[tilespmem:s20+$0x6780] =	vst v29;
	v28 =	vld.idx.msk [tilespmem:v33+s22+$0x0], $0xffff  }
0x376: {  	[tilespmem:s19+$0x6780] =	vst v27;
	s19 =	smov.u32 s10;
	v37 =	vld [tilespmem:s30+$0xFFFFFFE0]  }
0x377: {  	[tilespmem:s19+$0x6400] =	vst v26;
	v22 =	vld.idx.msk [tilespmem:v22+s22+$0x0], $0xffff  }
0x378: {  	[tilespmem:$0x1FF10] =	vst v39;
	v26 =	vadd.s32 $0xA0, v0;
	v23 =	vld.idx.msk [tilespmem:v23+s22+$0x0], $0xffff  }
0x379: {  	[tilespmem:$0x1FF20] =	vst v38  }
0x37a: {  	v24 =	vld.idx.msk [tilespmem:v24+s22+$0x0], $0xffff;
	[tilespmem:s16+$0x6780] =	vst v25  }
0x37b: {  	s20 =	smov.u32 s11;
	v42 =	vld.idx.msk [tilespmem:v30+s22+$0x0], $0xffff;
	[tilespmem:s14+$0x6480] =	vst v28  }
0x37c: {  	v52 =	vld.idx.msk [tilespmem:v36+s22+$0x0], $0xffff;
	[tilespmem:s20+$0x6400] =	vst v22  }
0x37d: {  	s13 =	sadd.s32 $0x200, s13;
	v1 =	vadd.s32 $0x70, v37;
	[tilespmem:s19+$0x6480] =	vst v23;
	v54 =	vld.idx.msk [tilespmem:v26+s22+$0x0], $0xffff  }
0x37e: {  	s8 =	sadd.s32 $0x40, s8;
	s18 =	sand.u32 $0x7C00, s13;
	v53 =	vadd.s32 $0x10, v30;
	[tilespmem:$0x1FF30] =	vst v1;
	v1 =	vadd.s32 $0x70, v48;
	v58 =	vld.idx.msk [tilespmem:v20+s22+$0x0], $0xffff  }
0x37f: {  	s10 =	sadd.s32 $0xFFFFFFD0, s8;
	v40 =	vadd.s32 $0x10, v36;
	s16 =	smov.u32 s17;
	s17 =	smov.u32 s9;
	[tilespmem:$0x1FF40] =	vst v1;
	v55 =	vld.idx.msk [tilespmem:v48+s22+$0x0], $0xffff  }
0x380: {  	v57 =	vadd.s32 $0xB0, v0;
	s29 =	sand.u32 $0x70, s8;
	s9 =	sadd.s32 $0xE410, s18;
	s18 =	sadd.s32 $0xFFFFFFE0, s8;
	v1 =	vadd.s32 $0x80, v36;
	v56 =	vld.idx.msk [tilespmem:v37+s22+$0x0], $0xffff;
	[tilespmem:s17+$0x6400] =	vst v24  }
0x381: {  	s10 =	sand.u32 $0x40, s10;
	s29 =	sadd.s32 s29, s9;
	s18 =	sand.u32 $0x50, s18;
	v43 =	vadd.s32 $0x10, v37;
	v63 =	vld.idx.msk [tilespmem:v19+s22+$0x0], $0xffff;
	[tilespmem:$0x1FF70] =	vst v1  }
0x382: {  	s11 =	sor.u32 s10, s9;
	s10 =	sadd.s32 s18, s9;
	v46 =	vadd.s32 $0x10, v48;
	[tilespmem:s29+$0x0] =	vst v42;
	v59 =	vld.idx.msk [tilespmem:v21+s22+$0x0], $0xffff  }
0x383: {  	s31 =	sadd.s32 $0xFFFFFFF0, s8;
	[tilespmem:s10+$0x0] =	vst v52;
	v53 =	vld.idx.msk [tilespmem:v53+s22+$0x0], $0xffff  }
0x384: {  	s31 =	sand.u32 $0x60, s31;
	v1 =	vadd.s32 $0x20, v30;
	v2 =	vld.idx.msk [tilespmem:v40+s22+$0x0], $0xffff;
	[tilespmem:s14+$0x6500] =	vst v54  }
0x385: {  	s9 =	sor.u32 s31, s9;
	v57 =	vld.idx.msk [tilespmem:v57+s22+$0x0], $0xffff;
	[tilespmem:s11+$0x0] =	vst v56  }
0x386: {  	v49 =	vadd.s32 $0x20, v36;
	v26 =	vmovc v9;
	v9 =	vmov v8;
	v8 =	vmov v34;
	[tilespmem:s9+$0x0] =	vst v55;
	v34 =	vld.idx.msk [tilespmem:v43+s22+$0x0], $0xffff  }
0x387: {  	v7 =	vld.idx.msk [tilespmem:v46+s22+$0x0], $0xffff;
	[tilespmem:s20+$0x6480] =	vst v58  }
0x388: {  	v55 =	vadd.s32 $0xC0, v0;
	[tilespmem:s29+$0x80] =	vst v53;
	v53 =	vld.idx.msk [tilespmem:v16+s22+$0x0], $0xffff  }
0x389: {  	v51 =	vadd.s32 $0x20, v37;
	[tilespmem:s17+$0x6480] =	vst v59;
	v1 =	vld.idx.msk [tilespmem:v1+s22+$0x0], $0xffff  }
0x38a: {  	v50 =	vadd.s32 $0x20, v48;
	v60 =	vadd.s32 $0xA0, v37;
	[tilespmem:s10+$0x80] =	vst v2;
	v58 =	vld.idx.msk [tilespmem:v18+s22+$0x0], $0xffff  }
0x38b: {  	v16 =	vmov v60;
	v60 =	vld.idx.msk [tilespmem:v49+s22+$0x0], $0xffff;
	[tilespmem:s19+$0x6500] =	vst v63  }
0x38c: {  	v2 =	vadd.s32 $0x30, v30;
	v63 =	vld.idx.msk [tilespmem:v17+s22+$0x0], $0xffff;
	[tilespmem:s14+$0x6580] =	vst v57  }
0x38d: {  	v44 =	vadd.s32 $0x30, v36;
	v62 =	vadd.s32 $0xA0, v48;
	v55 =	vld.idx.msk [tilespmem:v55+s22+$0x0], $0xffff;
	[tilespmem:s11+$0x80] =	vst v34  }
0x38e: {  	v18 =	vmov v62;
	[tilespmem:s9+$0x80] =	vst v7;
	v7 =	vadd.s32 $0xD0, v0;
	v62 =	vld.idx.msk [tilespmem:v51+s22+$0x0], $0xffff  }
0x38f: {  	v47 =	vadd.s32 $0x30, v37;
	v50 =	vld.idx.msk [tilespmem:v50+s22+$0x0], $0xffff;
	[tilespmem:s20+$0x6500] =	vst v53  }
0x390: {  	v45 =	vadd.s32 $0x30, v48;
	[tilespmem:s29+$0x100] =	vst v1;
	v1 =	vld.idx.msk [tilespmem:v14+s22+$0x0], $0xffff  }
0x391: {  	[tilespmem:s10+$0x100] =	vst v60;
	v2 =	vld.idx.msk [tilespmem:v2+s22+$0x0], $0xffff  }
0x392: {  	v57 =	vadd.s32 $0x40, v30;
	v44 =	vld.idx.msk [tilespmem:v44+s22+$0x0], $0xffff;
	[tilespmem:s14+$0x6600] =	vst v55  }
0x393: {  	v7 =	vld.idx.msk [tilespmem:v7+s22+$0x0], $0xffff;
	[tilespmem:s11+$0x100] =	vst v62  }
0x394: {  	v39 =	vadd.s32 $0x40, v36;
	[tilespmem:s9+$0x100] =	vst v50;
	v47 =	vld.idx.msk [tilespmem:v47+s22+$0x0], $0xffff  }
0x395: {  	v28 =	vmov v41;
	v41 =	vadd.s32 $0x40, v37;
	v45 =	vld.idx.msk [tilespmem:v45+s22+$0x0], $0xffff;
	[tilespmem:s17+$0x6500] =	vst v58  }
0x396: {  	v59 =	vadd.s32 $0xE0, v0;
	[tilespmem:s29+$0x180] =	vst v2;
	v2 =	vld.idx.msk [tilespmem:v15+s22+$0x0], $0xffff  }
0x397: {  	[tilespmem:s20+$0x6580] =	vst v1;
	v34 =	vld.idx.msk [tilespmem:v57+s22+$0x0], $0xffff  }
0x398: {  	v38 =	vadd.s32 $0x40, v48;
	[tilespmem:s10+$0x180] =	vst v44;
	v1 =	vld.idx.msk [tilespmem:v11+s22+$0x0], $0xffff  }
0x399: {  	v39 =	vld.idx.msk [tilespmem:v39+s22+$0x0], $0xffff;
	[tilespmem:s11+$0x180] =	vst v47  }
0x39a: {  	[tilespmem:s14+$0x6680] =	vst v7;
	v7 =	vadd.s32 $0x50, v30;
	v41 =	vld.idx.msk [tilespmem:v41+s22+$0x0], $0xffff  }
0x39b: {  	v25 =	vadd.s32 $0x50, v37;
	v61 =	vadd.s32 $0xB0, v37;
	[tilespmem:s19+$0x6580] =	vst v63;
	v60 =	vld.idx.msk [tilespmem:v59+s22+$0x0], $0xffff  }
0x39c: {  	v14 =	vmov v61;
	v61 =	vadd.s32 $0xF0, v0;
	v62 =	vld.idx.msk [tilespmem:v12+s22+$0x0], $0xffff;
	[tilespmem:s9+$0x180] =	vst v45  }
0x39d: {  	v0 =	vmov v30;
	v30 =	vld.idx.msk [tilespmem:v38+s22+$0x0], $0xffff;
	[tilespmem:s17+$0x6580] =	vst v2  }
0x39e: {  	v3 =	vadd.s32 $0xC0, v36;
	[tilespmem:s29+$0x200] =	vst v34;
	v2 =	vld.idx.msk [tilespmem:v13+s22+$0x0], $0xffff  }
0x39f: {  	v4 =	vadd.s32 $0xC0, v48;
	v12 =	vmov v3;
	v3 =	vld.idx.msk [tilespmem:v7+s22+$0x0], $0xffff;
	[tilespmem:s11+$0x200] =	vst v41  }
0x3a0: {  	v13 =	vmov v4;
	v4 =	vadd.s32 $0x60, v0;
	[tilespmem:s14+$0x6700] =	vst v60;
	v63 =	vld.idx.msk [tilespmem:v25+s22+$0x0], $0xffff  }
0x3a1: {  	v31 =	vadd.s32 $0x60, v37;
	v7 =	vld.idx.msk [tilespmem:v61+s22+$0x0], $0xffff;
	[tilespmem:s20+$0x6600] =	vst v1  }
0x3a2: {  	v1 =	vld.idx.msk [tilespmem:v28+s22+$0x0], $0xffff;
	_ =	sdelay $0x1  }
0x3a3: {  	[tilespmem:s29+$0x280] =	vst v3  }
0x3a4: {  	v3 =	vld.idx.msk [tilespmem:v4+s22+$0x0], $0xffff;
	[tilespmem:s11+$0x280] =	vst v63  }
0x3a5: {  	[tilespmem:s14+$0x6780] =	vst v7;
	v7 =	vld.idx.msk [tilespmem:v31+s22+$0x0], $0xffff  }
0x3a6: {  	v27 =	vadd.s32 $0x50, v36;
	[tilespmem:s20+$0x6680] =	vst v1;
	v1 =	vld [tilespmem:$0x1FF10]  }
0x3a7: {  	v35 =	vadd.s32 $0x50, v48;
	v5 =	vadd.s32 $0xD0, v37  }
0x3a8: {  	v41 =	vmov v5;
	v5 =	vadd.s32 $0x70, v0  }
0x3a9: {  	v4 =	vld [tilespmem:$0x1FF00]  }
0x3aa: {  	[tilespmem:s10+$0x200] =	vst v39  }
0x3ab: {  	v27 =	vld.idx.msk [tilespmem:v27+s22+$0x0], $0xffff;
	[tilespmem:s9+$0x200] =	vst v30;
	s14 =	smov.u32 s29  }
0x3ac: {  	v30 =	vld.idx.msk [tilespmem:v35+s22+$0x0], $0xffff;
	[tilespmem:s14+$0x300] =	vst v3  }
0x3ad: {  	v32 =	vadd.s32 $0x60, v36;
	v3 =	vld.idx.msk [tilespmem:v5+s22+$0x0], $0xffff  }
0x3ae: {  	[tilespmem:$0x1FF60] =	vst v6;
	v1 =	vld.idx.msk [tilespmem:v1+s22+$0x0], $0xffff  }
0x3af: {  	[tilespmem:s11+$0x300] =	vst v7;
	v7 =	vld [tilespmem:$0x1FF30]  }
0x3b0: {  	v33 =	vadd.s32 $0x60, v48;
	[tilespmem:s19+$0x6600] =	vst v62;
	v5 =	vld [tilespmem:$0x1FF20]  }
0x3b1: {  	v6 =	vadd.s32 $0xD0, v36;
	v4 =	vld.idx.msk [tilespmem:v4+s22+$0x0], $0xffff;
	[tilespmem:s10+$0x280] =	vst v27  }
0x3b2: {  	v44 =	vmov v6;
	v6 =	vld.idx.msk [tilespmem:v32+s22+$0x0], $0xffff  }
0x3b3: {  	v34 =	vmov v9;
	v9 =	vld [tilespmem:$0x1FF40]  }
0x3b4: {  	v25 =	vld.idx.msk [tilespmem:v8+s22+$0x0], $0xffff;
	[tilespmem:s9+$0x280] =	vst v30  }
0x3b5: {  	v29 =	vadd.s32 $0x70, v36;
	v27 =	vld.idx.msk [tilespmem:v33+s22+$0x0], $0xffff;
	[tilespmem:s17+$0x6600] =	vst v2  }
0x3b6: {  	v2 =	vld.idx.msk [tilespmem:v10+s22+$0x0], $0xffff;
	[tilespmem:s19+$0x6680] =	vst v4  }
0x3b7: {  	[tilespmem:s10+$0x300] =	vst v6;
	v7 =	vld.idx.msk [tilespmem:v7+s22+$0x0], $0xffff  }
0x3b8: {  	[tilespmem:s20+$0x6700] =	vst v1;
	v1 =	vld [tilespmem:$0x1FF60]  }
0x3b9: {  	v5 =	vld.idx.msk [tilespmem:v5+s22+$0x0], $0xffff  }
0x3ba: {  	v6 =	vld.idx.msk [tilespmem:v29+s22+$0x0], $0xffff;
	_ =	sdelay $0x1  }
0x3bb: {  	[tilespmem:s9+$0x300] =	vst v27  }
0x3bc: {  	v31 =	vld.idx.msk [tilespmem:v9+s22+$0x0], $0xffff;
	[tilespmem:s17+$0x6680] =	vst v2  }
0x3bd: {  	[tilespmem:s19+$0x6700] =	vst v5  }
0x3be: {  	v2 =	vld [tilespmem:$0x1FF50];
	[tilespmem:s10+$0x380] =	vst v6  }
0x3bf: {  	v27 =	vld.idx.msk [tilespmem:v1+s22+$0x0], $0xffff  }
0x3c0: {  	v4 =	vadd.s32 $0x80, v0;
	v1 =	vld [tilespmem:$0x1FF70]  }
0x3c1: {  	v22 =	vadd.s32 $0x80, v37  }
0x3c2: {  	s15 =	sadd.s32 $0x4, s15;
	v23 =	vadd.s32 $0x90, v36;
	v20 =	vadd.s32 $0x90, v37;
	v19 =	vadd.s32 $0xA0, v36  }
0x3c3: {  	p1 =	slt.u32 s15, $0xC4;
	v24 =	vadd.s32 $0x80, v48;
	v52 =	vadd.s32 $0xB0, v36;
	v42 =	vadd.s32 $0xE0, v36  }
.Ltmp3:
0x3c4: {  	v36 =	vadd.s32 $0xF0, v36;
	v21 =	vadd.s32 $0x90, v48;
	v40 =	vadd.s32 $0xE0, v48;
	[tilespmem:s14+$0x380] =	vst v3;
	(pc) =	sbr.rel @p1 .LBB2_5-.Ltmp3, $4  }
0x3c5: {  	v54 =	vadd.s32 $0xB0, v48;
	v56 =	vadd.s32 $0xC0, v37;
	v43 =	vadd.s32 $0xE0, v37;
	v32 =	vld.idx.msk [tilespmem:v4+s22+$0x0], $0xffff  }
0x3c6: {  	v46 =	vadd.s32 $0xD0, v48;
	v37 =	vadd.s32 $0xF0, v37;
	v48 =	vadd.s32 $0xF0, v48;
	v17 =	vmovc v52;
	v29 =	vld.idx.msk [tilespmem:v26+s22+$0x0], $0xffff  }
0x3c7: {  	v15 =	vmovc v54;
	v11 =	vmovc v56;
	v39 =	vmov v43;
	v38 =	vmov v42;
	v8 =	vmov v48;
	v28 =	vld.idx.msk [tilespmem:v2+s22+$0x0], $0xffff  }
0x3c8: {  	s30 =	sadd.s32 $0x40, s30;
	v30 =	vmovc v40;
	v33 =	vadd.s32 $0x90, v0;
	v10 =	vmovc v46;
	v9 =	vmov v37;
	v6 =	vmov v36;
	[tilespmem:s11+$0x380] =	vst v7;
	v26 =	vld.idx.msk [tilespmem:v1+s22+$0x0], $0xffff  }
0x3c9: {  	_ =	sdelay $0x3  }
0x3ca: {  	v1 =	vld.idx.msk [tilespmem:v22+s22+$0x0], $0xffff;
	[tilespmem:s9+$0x380] =	vst v31  }
0x3cb: {  	v2 =	vld.idx.msk [tilespmem:v24+s22+$0x0], $0xffff;
	_ =	sdelay $0x1  }
0x3cc: {  	[tilespmem:s14+$0x6400] =	vst v32  }
0x3cd: {  	v3 =	vld.idx.msk [tilespmem:v33+s22+$0x0], $0xffff;
	[tilespmem:s10+$0x6400] =	vst v26  }
0x3ce: {  	v53 =	vadd.s32 $0xA0, v0;
	[tilespmem:s11+$0x6400] =	vst v1;
	v5 =	vld.idx.msk [tilespmem:v23+s22+$0x0], $0xffff  }
0x3cf: {  	v4 =	vld.idx.msk [tilespmem:v20+s22+$0x0], $0xffff;
	[tilespmem:s9+$0x6400] =	vst v2  }
0x3d0: {  	v2 =	vld.idx.msk [tilespmem:v21+s22+$0x0], $0xffff;
	_ =	sdelay $0x1  }
0x3d1: {  	[tilespmem:s14+$0x6480] =	vst v3  }
0x3d2: {  	v1 =	vld.idx.msk [tilespmem:v53+s22+$0x0], $0xffff;
	[tilespmem:s10+$0x6480] =	vst v5  }
0x3d3: {  	v54 =	vadd.s32 $0xB0, v0;
	[tilespmem:s11+$0x6480] =	vst v4;
	v5 =	vld.idx.msk [tilespmem:v19+s22+$0x0], $0xffff  }
0x3d4: {  	v4 =	vld.idx.msk [tilespmem:v16+s22+$0x0], $0xffff;
	[tilespmem:s9+$0x6480] =	vst v2  }
0x3d5: {  	v2 =	vld.idx.msk [tilespmem:v18+s22+$0x0], $0xffff;
	_ =	sdelay $0x1  }
0x3d6: {  	[tilespmem:s14+$0x6500] =	vst v1  }
0x3d7: {  	v1 =	vld.idx.msk [tilespmem:v54+s22+$0x0], $0xffff;
	[tilespmem:s10+$0x6500] =	vst v5  }
0x3d8: {  	v55 =	vadd.s32 $0xC0, v0;
	[tilespmem:s11+$0x6500] =	vst v4;
	v5 =	vld.idx.msk [tilespmem:v17+s22+$0x0], $0xffff  }
0x3d9: {  	v4 =	vld.idx.msk [tilespmem:v14+s22+$0x0], $0xffff;
	[tilespmem:s9+$0x6500] =	vst v2  }
0x3da: {  	v2 =	vld.idx.msk [tilespmem:v15+s22+$0x0], $0xffff;
	_ =	sdelay $0x1  }
0x3db: {  	[tilespmem:s14+$0x6580] =	vst v1  }
0x3dc: {  	v1 =	vld.idx.msk [tilespmem:v55+s22+$0x0], $0xffff;
	[tilespmem:s10+$0x6580] =	vst v5  }
0x3dd: {  	v56 =	vadd.s32 $0xD0, v0;
	[tilespmem:s11+$0x6580] =	vst v4;
	v5 =	vld.idx.msk [tilespmem:v12+s22+$0x0], $0xffff  }
0x3de: {  	v4 =	vld.idx.msk [tilespmem:v11+s22+$0x0], $0xffff;
	[tilespmem:s9+$0x6580] =	vst v2  }
0x3df: {  	v2 =	vld.idx.msk [tilespmem:v13+s22+$0x0], $0xffff;
	_ =	sdelay $0x1  }
0x3e0: {  	[tilespmem:s14+$0x6600] =	vst v1  }
0x3e1: {  	v1 =	vld.idx.msk [tilespmem:v56+s22+$0x0], $0xffff;
	[tilespmem:s10+$0x6600] =	vst v5  }
0x3e2: {  	v57 =	vadd.s32 $0xE0, v0;
	[tilespmem:s11+$0x6600] =	vst v4;
	v5 =	vld.idx.msk [tilespmem:v44+s22+$0x0], $0xffff  }
0x3e3: {  	v4 =	vld.idx.msk [tilespmem:v41+s22+$0x0], $0xffff;
	[tilespmem:s9+$0x6600] =	vst v2  }
0x3e4: {  	v2 =	vld.idx.msk [tilespmem:v10+s22+$0x0], $0xffff  }
0x3e5: {  	[tilespmem:s19+$0x6780] =	vst v27  }
0x3e6: {  	[tilespmem:s14+$0x6680] =	vst v1  }
0x3e7: {  	v1 =	vld.idx.msk [tilespmem:v57+s22+$0x0], $0xffff;
	[tilespmem:s10+$0x6680] =	vst v5  }
0x3e8: {  	v58 =	vadd.s32 $0xF0, v0;
	[tilespmem:s11+$0x6680] =	vst v4;
	v60 =	vld.idx.msk [tilespmem:v38+s22+$0x0], $0xffff  }
0x3e9: {  	v59 =	vld.idx.msk [tilespmem:v39+s22+$0x0], $0xffff;
	[tilespmem:s9+$0x6680] =	vst v2  }
0x3ea: {  	[tilespmem:s16+$0x6780] =	vst v25;
	v2 =	vld.idx.msk [tilespmem:v30+s22+$0x0], $0xffff  }
0x3eb: {  	[tilespmem:s17+$0x6700] =	vst v28  }
0x3ec: {  	v63 =	vld.idx.msk [tilespmem:v34+s22+$0x0], $0xffff;
	[tilespmem:s14+$0x6700] =	vst v1  }
0x3ed: {  	v0 =	vld.idx.msk [tilespmem:v58+s22+$0x0], $0xffff;
	[tilespmem:s10+$0x6700] =	vst v60  }
0x3ee: {  	[tilespmem:s11+$0x6700] =	vst v59;
	v62 =	vld.idx.msk [tilespmem:v6+s22+$0x0], $0xffff  }
0x3ef: {  	v61 =	vld.idx.msk [tilespmem:v9+s22+$0x0], $0xffff;
	[tilespmem:s9+$0x6700] =	vst v2  }
0x3f0: {  	[tilespmem:s20+$0x6780] =	vst v29;
	v2 =	vld.idx.msk [tilespmem:v8+s22+$0x0], $0xffff  }
0x3f1: {  	[tilespmem:s17+$0x6780] =	vst v63  }
0x3f2: {  	s3 =	sadd.s32 $0x3, s3;
	[tilespmem:s14+$0x6780] =	vst v0  }
0x3f3: {  	p1 =	sge.u32 s3, s6;
	[tilespmem:s10+$0x6780] =	vst v62  }
0x3f4: {  	s3 =	sshll.u32 @!p1 s3, $0x5;
	[tilespmem:s11+$0x6780] =	vst v61  }
0x3f5: {  	s8 =	sadd.s32 $0x19000, s2;
	s3 =	sor.u32 @!p1 s7, s3;
	[tilespmem:s9+$0x6780] =	vst v2  }
0x3f6: {  	[hbm4b:s8+s5] =	stream.linear.scatter [tilespmem:s26], [sflag:$0x4], $0x6400, $0x38;
	[tilespmem:$0x1AC10] =	vst v63  }
0x3f7: {  	s31 =	sadd.s32 $0x19FA00, s2;
	s0 =	sadd.s32 $0x1, s0;
	s3 =	smul.u32 @!p1 $0x190, s3  }
0x3f8: {  	[hbm4b:s31+s5] =	stream.linear.scatter [tilespmem:s28], [sflag:$0x4], $0x6400, $0x38;
	[tilespmem:$0x1AC10] =	vst v63  }
0x3f9: {  	s2 =	sadd.s32 @!p1 s1, s3;
	s3 =	simm.s32 @!p1 $0x0;
	s8 =	simm.s32 @!p1 $0xF90  }
0x3fa: {  	[tilespmem:s8], [sflag:$0x2] =	stream.linear.gather @!p1 [hbm4b:s2+s3], $0xC80, $0x38;
	[tilespmem:$0x1AC10] =	vst v63  }
0x3fb: {  	p1 =	sne.s32 s0, s12  }
.Ltmp4:
0x3fc: {  	_ = 	snop;
	(pc) =	sbr.rel @p1 .LBB2_2-.Ltmp4, $1  }
0x3fd: {  	_ =	sdelay $0x3  }
.Ltmp5:
0x3fe: {  	(pc) =	sbr.rel @p0 .LBB2_11-.Ltmp5, $2  }
0x3ff: {  	_ =	sdelay $0x2  }
0x400: {  	s3 =	rddreg [dreg:$0xc]  }
0x401: {  	_ =	swait.ge [sflag:s21], $0xC80  }
0x402: {  	[sflag:s21] =	ssyncset.done $0x0  }
0x403: {  	s0 =	simm.s32 $0x3;
	[sflag:s21] =	ssyncadd.s32 $0xFFFFF380  }
0x404: {  	_ =	swait.ge [sflag:s0], $0xC800  }
0x405: {  	[sflag:s0] =	ssyncset.done $0x0  }
0x406: {  	s8 =	simm.s32 $0x330;
	[sflag:s0] =	ssyncadd.s32 $0xFFFF3800  }
0x407: {  	v7 =	vld [tilespmem:s8+$0x10];
	_ =	sdelay $0x1  }
0x408: {  	v0 =	vld [tilespmem:s8+$0xFFFFFFF0];
	_ =	sdelay $0x2  }
0x409: {  	v6 =	vld [tilespmem:s8+$0xFFFFFFE0];
	_ =	sdelay $0x1  }
0x40a: {  	v1 =	vld [tilespmem:s8+$0x0]  }
0x40b: {  	v2 =	vld.idx.msk [tilespmem:v7+s22+$0x0], $0xffff  }
0x40c: {  	s9 =	simm.s32 $0x0;
	v3 =	vadd.s32 $0x10, v7  }
0x40d: {  	s2 =	simm.s32 $0x30;
	s0 =	sand.u32 $0x7C00, s9;
	v4 =	vld.idx.msk [tilespmem:v0+s22+$0x0], $0xffff  }
0x40e: {  	s2 =	sand.u32 $0x70, s2;
	s0 =	sadd.s32 $0x1C10, s0;
	v5 =	vadd.s32 $0x10, v0  }
0x40f: {  	s3 =	simm.s32 $0x10;
	s9 =	sadd.s32 s2, s0  }
0x410: {  	s10 =	sand.u32 $0x50, s3;
	v8 =	vld.idx.msk [tilespmem:v6+s22+$0x0], $0xffff;
	[tilespmem:s9+$0x0] =	vst v2  }
0x411: {  	s8 =	sadd.s32 s10, s0;
	v2 =	vadd.s32 $0x10, v6;
	v3 =	vld.idx.msk [tilespmem:v3+s22+$0x0], $0xffff  }
0x412: {  	s11 =	simm.s32 $0x0;
	v9 =	vld.idx.msk [tilespmem:v1+s22+$0x0], $0xffff;
	[tilespmem:s8+$0x0] =	vst v4;
	v4 =	vadd.s32 $0x20, v7  }
0x413: {  	s2 =	sand.u32 $0x40, s11;
	v10 =	vadd.s32 $0x10, v1;
	v5 =	vld.idx.msk [tilespmem:v5+s22+$0x0], $0xffff  }
0x414: {  	s13 =	simm.s32 $0x20;
	s10 =	sor.u32 s2, s0;
	v11 =	vadd.s32 $0x20, v0  }
0x415: {  	s14 =	sand.u32 $0x60, s13;
	[tilespmem:s10+$0x0] =	vst v8  }
0x416: {  	s0 =	sor.u32 s14, s0;
	v2 =	vld.idx.msk [tilespmem:v2+s22+$0x0], $0xffff;
	[tilespmem:s9+$0x80] =	vst v3  }
0x417: {  	[tilespmem:s0+$0x0] =	vst v9;
	v3 =	vadd.s32 $0x20, v6;
	v4 =	vld.idx.msk [tilespmem:v4+s22+$0x0], $0xffff  }
0x418: {  	v8 =	vld.idx.msk [tilespmem:v10+s22+$0x0], $0xffff;
	[tilespmem:s8+$0x80] =	vst v5;
	v5 =	vadd.s32 $0x30, v7  }
0x419: {  	v9 =	vadd.s32 $0x20, v1;
	v10 =	vld.idx.msk [tilespmem:v11+s22+$0x0], $0xffff  }
0x41a: {  	v11 =	vadd.s32 $0x30, v0  }
0x41b: {  	[tilespmem:s10+$0x80] =	vst v2  }
0x41c: {  	v2 =	vld.idx.msk [tilespmem:v3+s22+$0x0], $0xffff;
	[tilespmem:s9+$0x100] =	vst v4  }
0x41d: {  	[tilespmem:s0+$0x80] =	vst v8;
	v3 =	vadd.s32 $0x30, v6;
	v4 =	vld.idx.msk [tilespmem:v5+s22+$0x0], $0xffff  }
0x41e: {  	v8 =	vadd.s32 $0x40, v7;
	[tilespmem:s8+$0x100] =	vst v10;
	v5 =	vld.idx.msk [tilespmem:v9+s22+$0x0], $0xffff  }
0x41f: {  	v9 =	vadd.s32 $0x30, v1;
	v10 =	vld.idx.msk [tilespmem:v11+s22+$0x0], $0xffff  }
0x420: {  	v11 =	vadd.s32 $0x40, v0  }
0x421: {  	[tilespmem:s10+$0x100] =	vst v2  }
0x422: {  	v2 =	vld.idx.msk [tilespmem:v3+s22+$0x0], $0xffff;
	[tilespmem:s9+$0x180] =	vst v4  }
0x423: {  	v3 =	vadd.s32 $0x40, v6;
	[tilespmem:s0+$0x100] =	vst v5;
	v4 =	vld.idx.msk [tilespmem:v8+s22+$0x0], $0xffff  }
0x424: {  	[tilespmem:s8+$0x180] =	vst v10;
	v5 =	vld.idx.msk [tilespmem:v9+s22+$0x0], $0xffff;
	v8 =	vadd.s32 $0x50, v7  }
0x425: {  	v9 =	vadd.s32 $0x40, v1;
	v10 =	vld.idx.msk [tilespmem:v11+s22+$0x0], $0xffff  }
0x426: {  	v11 =	vadd.s32 $0x50, v0  }
0x427: {  	[tilespmem:s10+$0x180] =	vst v2  }
0x428: {  	v2 =	vld.idx.msk [tilespmem:v3+s22+$0x0], $0xffff;
	[tilespmem:s9+$0x200] =	vst v4  }
0x429: {  	v3 =	vadd.s32 $0x50, v6;
	[tilespmem:s0+$0x180] =	vst v5;
	v4 =	vld.idx.msk [tilespmem:v8+s22+$0x0], $0xffff  }
0x42a: {  	[tilespmem:s8+$0x200] =	vst v10;
	v5 =	vld.idx.msk [tilespmem:v9+s22+$0x0], $0xffff;
	v8 =	vadd.s32 $0x60, v7  }
0x42b: {  	v9 =	vadd.s32 $0x50, v1;
	v10 =	vld.idx.msk [tilespmem:v11+s22+$0x0], $0xffff  }
0x42c: {  	v11 =	vadd.s32 $0x60, v0  }
0x42d: {  	[tilespmem:s10+$0x200] =	vst v2  }
0x42e: {  	v2 =	vld.idx.msk [tilespmem:v3+s22+$0x0], $0xffff;
	[tilespmem:s9+$0x280] =	vst v4  }
0x42f: {  	v3 =	vadd.s32 $0x60, v6;
	[tilespmem:s0+$0x200] =	vst v5;
	v4 =	vld.idx.msk [tilespmem:v8+s22+$0x0], $0xffff  }
0x430: {  	[tilespmem:s8+$0x280] =	vst v10;
	v5 =	vld.idx.msk [tilespmem:v9+s22+$0x0], $0xffff;
	v8 =	vadd.s32 $0x70, v7  }
0x431: {  	v9 =	vadd.s32 $0x60, v1;
	v10 =	vld.idx.msk [tilespmem:v11+s22+$0x0], $0xffff  }
0x432: {  	v11 =	vadd.s32 $0x70, v0  }
0x433: {  	[tilespmem:s10+$0x280] =	vst v2  }
0x434: {  	v2 =	vld.idx.msk [tilespmem:v3+s22+$0x0], $0xffff;
	[tilespmem:s9+$0x300] =	vst v4  }
0x435: {  	v3 =	vadd.s32 $0x70, v6;
	[tilespmem:s0+$0x280] =	vst v5;
	v4 =	vld.idx.msk [tilespmem:v8+s22+$0x0], $0xffff  }
0x436: {  	[tilespmem:s8+$0x300] =	vst v10;
	v5 =	vld.idx.msk [tilespmem:v9+s22+$0x0], $0xffff;
	v8 =	vadd.s32 $0x80, v7  }
0x437: {  	v9 =	vadd.s32 $0x70, v1;
	v10 =	vld.idx.msk [tilespmem:v11+s22+$0x0], $0xffff  }
0x438: {  	s19 =	simm.s32 $0x3B0;
	v11 =	vadd.s32 $0x80, v0  }
0x439: {  	v26 =	vld [tilespmem:s19+$0x0];
	[tilespmem:s10+$0x300] =	vst v2  }
0x43a: {  	v12 =	vld.idx.msk [tilespmem:v3+s22+$0x0], $0xffff;
	[tilespmem:s9+$0x380] =	vst v4  }
0x43b: {  	[tilespmem:s0+$0x300] =	vst v5;
	v4 =	vld.idx.msk [tilespmem:v8+s22+$0x0], $0xffff  }
0x43c: {  	[tilespmem:s8+$0x380] =	vst v10;
	v8 =	vld.idx.msk [tilespmem:v9+s22+$0x0], $0xffff  }
0x43d: {  	s15 =	simm.s32 $0x370;
	v10 =	vld.idx.msk [tilespmem:v11+s22+$0x0], $0xffff;
	v11 =	vadd.s32 $0x80, v6  }
0x43e: {  	v5 =	vld [tilespmem:s15+$0x10];
	v9 =	vadd.s32 $0x90, v7  }
0x43f: {  	v13 =	vadd.s32 $0x80, v1;
	v2 =	vld [tilespmem:s15+$0x0]  }
0x440: {  	v14 =	vadd.s32 $0x90, v0;
	v3 =	vld [tilespmem:s15+$0xFFFFFFF0];
	[tilespmem:s10+$0x380] =	vst v12  }
0x441: {  	[tilespmem:s9+$0x6400] =	vst v4;
	v4 =	vld [tilespmem:s15+$0xFFFFFFE0]  }
0x442: {  	[tilespmem:s0+$0x380] =	vst v8;
	v8 =	vld.idx.msk [tilespmem:v11+s22+$0x0], $0xffff  }
0x443: {  	v9 =	vld.idx.msk [tilespmem:v9+s22+$0x0], $0xffff  }
0x444: {  	[tilespmem:s8+$0x6400] =	vst v10;
	v10 =	vld.idx.msk [tilespmem:v13+s22+$0x0], $0xffff  }
0x445: {  	v11 =	vadd.s32 $0xA0, v7;
	v12 =	vld.idx.msk [tilespmem:v14+s22+$0x0], $0xffff  }
0x446: {  	v15 =	vadd.s32 $0x90, v1;
	v14 =	vld.idx.msk [tilespmem:v5+s22+$0x0], $0xffff  }
0x447: {  	s16 =	simm.s32 $0x200;
	v27 =	vld [tilespmem:s19+$0xFFFFFFE0];
	v13 =	vadd.s32 $0x90, v6  }
0x448: {  	s17 =	simm.s32 $0x70;
	s2 =	sand.u32 $0x7C00, s16;
	v18 =	vld.idx.msk [tilespmem:v2+s22+$0x0], $0xffff;
	[tilespmem:s10+$0x6400] =	vst v8  }
0x449: {  	s3 =	sand.u32 $0x70, s17;
	s2 =	sadd.s32 $0x1C10, s2;
	v17 =	vadd.s32 $0xA0, v0;
	v16 =	vld.idx.msk [tilespmem:v3+s22+$0x0], $0xffff;
	[tilespmem:s9+$0x6480] =	vst v9  }
0x44a: {  	s15 =	sadd.s32 s3, s2;
	v9 =	vadd.s32 $0x10, v5;
	[tilespmem:s0+$0x6400] =	vst v10;
	v11 =	vld.idx.msk [tilespmem:v11+s22+$0x0], $0xffff  }
0x44b: {  	[tilespmem:s15+$0x0] =	vst v14;
	v14 =	vld.idx.msk [tilespmem:v15+s22+$0x0], $0xffff;
	v15 =	vadd.s32 $0x10, v2  }
0x44c: {  	s18 =	simm.s32 $0x50;
	s13 =	simm.s32 $0x60;
	s11 =	simm.s32 $0x40;
	v19 =	vadd.s32 $0xB0, v7;
	v10 =	vld.idx.msk [tilespmem:v13+s22+$0x0], $0xffff  }
0x44d: {  	s13 =	sand.u32 $0x60, s13;
	s11 =	sand.u32 $0x40, s11;
	v20 =	vadd.s32 $0x10, v3;
	s3 =	sand.u32 $0x50, s18;
	[tilespmem:s8+$0x6480] =	vst v12;
	v8 =	vld.idx.msk [tilespmem:v4+s22+$0x0], $0xffff  }
0x44e: {  	s16 =	sor.u32 s11, s2;
	s3 =	sadd.s32 s3, s2;
	s2 =	sor.u32 s13, s2;
	v13 =	vadd.s32 $0x10, v4;
	v17 =	vld.idx.msk [tilespmem:v17+s22+$0x0], $0xffff  }
0x44f: {  	[tilespmem:s2+$0x0] =	vst v18;
	v12 =	vadd.s32 $0xA0, v6;
	v9 =	vld.idx.msk [tilespmem:v9+s22+$0x0], $0xffff  }
0x450: {  	[tilespmem:s9+$0x6500] =	vst v11;
	v11 =	vadd.s32 $0x20, v5;
	v15 =	vld.idx.msk [tilespmem:v15+s22+$0x0], $0xffff  }
0x451: {  	[tilespmem:s3+$0x0] =	vst v16;
	v16 =	vld.idx.msk [tilespmem:v19+s22+$0x0], $0xffff;
	v19 =	vadd.s32 $0xA0, v1  }
0x452: {  	v18 =	vadd.s32 $0xC0, v7;
	[tilespmem:s16+$0x0] =	vst v8;
	v8 =	vld.idx.msk [tilespmem:v20+s22+$0x0], $0xffff  }
0x453: {  	[tilespmem:s10+$0x6480] =	vst v10;
	v20 =	vadd.s32 $0x20, v3;
	v13 =	vld.idx.msk [tilespmem:v13+s22+$0x0], $0xffff  }
0x454: {  	v10 =	vadd.s32 $0x20, v4;
	[tilespmem:s15+$0x80] =	vst v9;
	v9 =	vld.idx.msk [tilespmem:v12+s22+$0x0], $0xffff  }
0x455: {  	[tilespmem:s0+$0x6480] =	vst v14;
	v12 =	vadd.s32 $0x20, v2;
	v11 =	vld.idx.msk [tilespmem:v11+s22+$0x0], $0xffff  }
0x456: {  	v14 =	vadd.s32 $0xB0, v6;
	v19 =	vld.idx.msk [tilespmem:v19+s22+$0x0], $0xffff;
	[tilespmem:s9+$0x6580] =	vst v16  }
0x457: {  	[tilespmem:s3+$0x80] =	vst v8;
	v8 =	vadd.s32 $0x30, v5;
	v16 =	vld.idx.msk [tilespmem:v18+s22+$0x0], $0xffff  }
0x458: {  	v18 =	vadd.s32 $0xB0, v0;
	[tilespmem:s16+$0x80] =	vst v13;
	v13 =	vld.idx.msk [tilespmem:v20+s22+$0x0], $0xffff  }
0x459: {  	[tilespmem:s2+$0x80] =	vst v15;
	v15 =	vadd.s32 $0xD0, v7;
	v10 =	vld.idx.msk [tilespmem:v10+s22+$0x0], $0xffff  }
0x45a: {  	v20 =	vadd.s32 $0x30, v3;
	v12 =	vld.idx.msk [tilespmem:v12+s22+$0x0], $0xffff;
	[tilespmem:s10+$0x6500] =	vst v9  }
0x45b: {  	v9 =	vadd.s32 $0x30, v4;
	[tilespmem:s15+$0x100] =	vst v11;
	v11 =	vld.idx.msk [tilespmem:v14+s22+$0x0], $0xffff  }
0x45c: {  	[tilespmem:s8+$0x6500] =	vst v17;
	v14 =	vadd.s32 $0x30, v2;
	v8 =	vld.idx.msk [tilespmem:v8+s22+$0x0], $0xffff  }
0x45d: {  	v17 =	vadd.s32 $0xB0, v1;
	v18 =	vld.idx.msk [tilespmem:v18+s22+$0x0], $0xffff;
	[tilespmem:s9+$0x6600] =	vst v16  }
0x45e: {  	[tilespmem:s3+$0x100] =	vst v13;
	v13 =	vadd.s32 $0x40, v5;
	v15 =	vld.idx.msk [tilespmem:v15+s22+$0x0], $0xffff  }
0x45f: {  	v16 =	vadd.s32 $0xC0, v6;
	[tilespmem:s16+$0x100] =	vst v10;
	v10 =	vld.idx.msk [tilespmem:v20+s22+$0x0], $0xffff  }
0x460: {  	v9 =	vld.idx.msk [tilespmem:v9+s22+$0x0], $0xffff;
	[tilespmem:s2+$0x100] =	vst v12;
	v12 =	vadd.s32 $0xE0, v7  }
0x461: {  	[tilespmem:s0+$0x6500] =	vst v19;
	v20 =	vadd.s32 $0x40, v3;
	v14 =	vld.idx.msk [tilespmem:v14+s22+$0x0], $0xffff  }
0x462: {  	v19 =	vadd.s32 $0x40, v4;
	[tilespmem:s15+$0x180] =	vst v8;
	v8 =	vld.idx.msk [tilespmem:v17+s22+$0x0], $0xffff  }
0x463: {  	[tilespmem:s10+$0x6580] =	vst v11;
	v11 =	vadd.s32 $0xC0, v0;
	v13 =	vld.idx.msk [tilespmem:v13+s22+$0x0], $0xffff  }
0x464: {  	v17 =	vadd.s32 $0x40, v2;
	v16 =	vld.idx.msk [tilespmem:v16+s22+$0x0], $0xffff;
	[tilespmem:s9+$0x6680] =	vst v15  }
0x465: {  	[tilespmem:s3+$0x180] =	vst v10;
	v10 =	vadd.s32 $0x50, v5;
	v12 =	vld.idx.msk [tilespmem:v12+s22+$0x0], $0xffff  }
0x466: {  	v15 =	vadd.s32 $0xC0, v1;
	[tilespmem:s16+$0x180] =	vst v9;
	v9 =	vld.idx.msk [tilespmem:v20+s22+$0x0], $0xffff  }
0x467: {  	v7 =	vadd.s32 $0xF0, v7;
	[tilespmem:s8+$0x6580] =	vst v18;
	v19 =	vld.idx.msk [tilespmem:v19+s22+$0x0], $0xffff  }
0x468: {  	[tilespmem:s2+$0x180] =	vst v14;
	v14 =	vadd.s32 $0x50, v3;
	v11 =	vld.idx.msk [tilespmem:v11+s22+$0x0], $0xffff  }
0x469: {  	v18 =	vadd.s32 $0x50, v4;
	v17 =	vld.idx.msk [tilespmem:v17+s22+$0x0], $0xffff;
	[tilespmem:s15+$0x200] =	vst v13  }
0x46a: {  	[tilespmem:s0+$0x6580] =	vst v8;
	v13 =	vadd.s32 $0x50, v2;
	v10 =	vld.idx.msk [tilespmem:v10+s22+$0x0], $0xffff  }
0x46b: {  	v8 =	vadd.s32 $0xD0, v6;
	v15 =	vld.idx.msk [tilespmem:v15+s22+$0x0], $0xffff;
	[tilespmem:s9+$0x6700] =	vst v12  }
0x46c: {  	[tilespmem:s3+$0x200] =	vst v9;
	v9 =	vadd.s32 $0x60, v5;
	v12 =	vld.idx.msk [tilespmem:v7+s22+$0x0], $0xffff  }
0x46d: {  	v7 =	vadd.s32 $0xD0, v0;
	[tilespmem:s16+$0x200] =	vst v19;
	v14 =	vld.idx.msk [tilespmem:v14+s22+$0x0], $0xffff  }
0x46e: {  	v19 =	vadd.s32 $0x60, v3;
	v18 =	vld.idx.msk [tilespmem:v18+s22+$0x0], $0xffff;
	[tilespmem:s2+$0x200] =	vst v17  }
0x46f: {  	[tilespmem:s10+$0x6600] =	vst v16;
	v17 =	vadd.s32 $0x60, v4;
	v13 =	vld.idx.msk [tilespmem:v13+s22+$0x0], $0xffff  }
0x470: {  	v16 =	vadd.s32 $0x60, v2;
	v8 =	vld.idx.msk [tilespmem:v8+s22+$0x0], $0xffff;
	[tilespmem:s15+$0x280] =	vst v10  }
0x471: {  	[tilespmem:s8+$0x6600] =	vst v11;
	v10 =	vadd.s32 $0xD0, v1;
	v9 =	vld.idx.msk [tilespmem:v9+s22+$0x0], $0xffff  }
0x472: {  	v11 =	vadd.s32 $0x70, v5;
	v7 =	vld.idx.msk [tilespmem:v7+s22+$0x0], $0xffff;
	[tilespmem:s3+$0x280] =	vst v14  }
0x473: {  	v14 =	vadd.s32 $0xE0, v6;
	[tilespmem:s16+$0x280] =	vst v18;
	v18 =	vld.idx.msk [tilespmem:v19+s22+$0x0], $0xffff  }
0x474: {  	v19 =	vadd.s32 $0xE0, v0;
	v17 =	vld.idx.msk [tilespmem:v17+s22+$0x0], $0xffff;
	[tilespmem:s2+$0x280] =	vst v13  }
0x475: {  	[tilespmem:s0+$0x6600] =	vst v15;
	v13 =	vadd.s32 $0x70, v3;
	v16 =	vld.idx.msk [tilespmem:v16+s22+$0x0], $0xffff  }
0x476: {  	v15 =	vadd.s32 $0x70, v4;
	[tilespmem:s15+$0x300] =	vst v9;
	v9 =	vld.idx.msk [tilespmem:v10+s22+$0x0], $0xffff  }
0x477: {  	[tilespmem:s10+$0x6680] =	vst v8;
	v10 =	vadd.s32 $0x70, v2;
	v11 =	vld.idx.msk [tilespmem:v11+s22+$0x0], $0xffff  }
0x478: {  	v8 =	vadd.s32 $0xE0, v1;
	v14 =	vld.idx.msk [tilespmem:v14+s22+$0x0], $0xffff;
	[tilespmem:s8+$0x6680] =	vst v7  }
0x479: {  	v7 =	vadd.s32 $0x80, v5;
	[tilespmem:s3+$0x300] =	vst v18;
	v18 =	vld.idx.msk [tilespmem:v19+s22+$0x0], $0xffff  }
0x47a: {  	v6 =	vadd.s32 $0xF0, v6;
	[tilespmem:s16+$0x300] =	vst v17;
	v13 =	vld.idx.msk [tilespmem:v13+s22+$0x0], $0xffff  }
0x47b: {  	v0 =	vadd.s32 $0xF0, v0;
	v15 =	vld.idx.msk [tilespmem:v15+s22+$0x0], $0xffff;
	[tilespmem:s2+$0x300] =	vst v16  }
0x47c: {  	v10 =	vld.idx.msk [tilespmem:v10+s22+$0x0], $0xffff;
	[tilespmem:s0+$0x6680] =	vst v9  }
0x47d: {  	v16 =	vadd.s32 $0x80, v3;
	[tilespmem:s15+$0x380] =	vst v11;
	v8 =	vld.idx.msk [tilespmem:v8+s22+$0x0], $0xffff  }
0x47e: {  	[tilespmem:s10+$0x6700] =	vst v14;
	v9 =	vld.idx.msk [tilespmem:v7+s22+$0x0], $0xffff  }
0x47f: {  	v1 =	vadd.s32 $0xF0, v1;
	v6 =	vld.idx.msk [tilespmem:v6+s22+$0x0], $0xffff;
	[tilespmem:s8+$0x6700] =	vst v18  }
0x480: {  	v11 =	vadd.s32 $0x90, v5;
	[tilespmem:s3+$0x380] =	vst v13;
	v13 =	vld.idx.msk [tilespmem:v0+s22+$0x0], $0xffff  }
0x481: {  	v0 =	vld [tilespmem:s19+$0x10]  }
0x482: {  	v14 =	vld.idx.msk [tilespmem:v16+s22+$0x0], $0xffff;
	v16 =	vadd.s32 $0x80, v4  }
0x483: {  	v17 =	vadd.s32 $0x80, v2;
	v7 =	vld [tilespmem:s19+$0xFFFFFFF0];
	[tilespmem:s0+$0x6700] =	vst v8  }
0x484: {  	v18 =	vadd.s32 $0x90, v3;
	[tilespmem:s15+$0x6400] =	vst v9;
	v25 =	vld.idx.msk [tilespmem:v1+s22+$0x0], $0xffff  }
0x485: {  	[tilespmem:s16+$0x380] =	vst v15;
	v9 =	vld.idx.msk [tilespmem:v11+s22+$0x0], $0xffff  }
0x486: {  	[tilespmem:s8+$0x6780] =	vst v13;
	v13 =	vld.idx.msk [tilespmem:v26+s22+$0x0], $0xffff  }
0x487: {  	[tilespmem:s2+$0x380] =	vst v10;
	v11 =	vadd.s32 $0xA0, v5;
	v10 =	vld.idx.msk [tilespmem:v16+s22+$0x0], $0xffff  }
0x488: {  	[tilespmem:s3+$0x6400] =	vst v14;
	v14 =	vld.idx.msk [tilespmem:v17+s22+$0x0], $0xffff  }
0x489: {  	[tilespmem:s9+$0x6780] =	vst v12;
	v15 =	vadd.s32 $0x90, v4;
	v12 =	vld.idx.msk [tilespmem:v18+s22+$0x0], $0xffff  }
0x48a: {  	[tilespmem:s10+$0x6780] =	vst v6;
	v16 =	vadd.s32 $0x90, v2;
	v8 =	vld.idx.msk [tilespmem:v0+s22+$0x0], $0xffff  }
0x48b: {  	s13 =	simm.s32 $0x400;
	v6 =	vadd.s32 $0x10, v0;
	v17 =	vld.idx.msk [tilespmem:v7+s22+$0x0], $0xffff;
	[tilespmem:s15+$0x6480] =	vst v9  }
0x48c: {  	s20 =	sand.u32 $0x7C00, s13;
	s8 =	simm.s32 $0xB0;
	v9 =	vld.idx.msk [tilespmem:v11+s22+$0x0], $0xffff;
	v11 =	vadd.s32 $0xA0, v3;
	[tilespmem:s16+$0x6400] =	vst v10  }
0x48d: {  	s30 =	simm.s32 $0x90;
	s9 =	sadd.s32 $0x1C10, s20;
	v19 =	vadd.s32 $0x10, v7;
	s29 =	sand.u32 $0x70, s8;
	v10 =	vld.idx.msk [tilespmem:v27+s22+$0x0], $0xffff;
	[tilespmem:s2+$0x6400] =	vst v14  }
0x48e: {  	s10 =	sand.u32 $0x50, s30;
	v18 =	vadd.s32 $0xB0, v5;
	s14 =	sadd.s32 s29, s9;
	v14 =	vld.idx.msk [tilespmem:v15+s22+$0x0], $0xffff;
	[tilespmem:s3+$0x6480] =	vst v12  }
0x48f: {  	s31 =	simm.s32 $0x80;
	s10 =	sadd.s32 s10, s9;
	v15 =	vadd.s32 $0x10, v27;
	[tilespmem:s14+$0x0] =	vst v8;
	v8 =	vld.idx.msk [tilespmem:v16+s22+$0x0], $0xffff  }
0x490: {  	s17 =	simm.s32 $0xA0;
	s11 =	sand.u32 $0x40, s31;
	[tilespmem:s10+$0x0] =	vst v17;
	v16 =	vadd.s32 $0x10, v26;
	v6 =	vld.idx.msk [tilespmem:v6+s22+$0x0], $0xffff  }
0x491: {  	s17 =	sand.u32 $0x60, s17;
	s11 =	sor.u32 s11, s9;
	v12 =	vadd.s32 $0xA0, v4;
	v11 =	vld.idx.msk [tilespmem:v11+s22+$0x0], $0xffff;
	[tilespmem:s15+$0x6500] =	vst v9  }
0x492: {  	s9 =	sor.u32 s17, s9;
	v9 =	vadd.s32 $0x20, v0;
	[tilespmem:s11+$0x0] =	vst v10;
	v10 =	vld.idx.msk [tilespmem:v19+s22+$0x0], $0xffff  }
0x493: {  	[tilespmem:s9+$0x0] =	vst v13;
	v17 =	vld.idx.msk [tilespmem:v18+s22+$0x0], $0xffff;
	v18 =	vadd.s32 $0xA0, v2  }
0x494: {  	v19 =	vadd.s32 $0x20, v7;
	v15 =	vld.idx.msk [tilespmem:v15+s22+$0x0], $0xffff;
	[tilespmem:s16+$0x6480] =	vst v14  }
0x495: {  	v13 =	vadd.s32 $0xC0, v5;
	v16 =	vld.idx.msk [tilespmem:v16+s22+$0x0], $0xffff;
	[tilespmem:s2+$0x6480] =	vst v8  }
0x496: {  	v14 =	vadd.s32 $0x20, v27;
	[tilespmem:s14+$0x80] =	vst v6;
	v6 =	vld.idx.msk [tilespmem:v12+s22+$0x0], $0xffff  }
0x497: {  	v12 =	vadd.s32 $0x20, v26;
	v9 =	vld.idx.msk [tilespmem:v9+s22+$0x0], $0xffff;
	[tilespmem:s10+$0x80] =	vst v10  }
0x498: {  	v8 =	vadd.s32 $0xB0, v4;
	v18 =	vld.idx.msk [tilespmem:v18+s22+$0x0], $0xffff;
	[tilespmem:s15+$0x6580] =	vst v17  }
0x499: {  	v10 =	vadd.s32 $0x30, v0;
	[tilespmem:s11+$0x80] =	vst v15;
	v15 =	vld.idx.msk [tilespmem:v19+s22+$0x0], $0xffff  }
0x49a: {  	[tilespmem:s3+$0x6500] =	vst v11;
	v17 =	vadd.s32 $0xB0, v3;
	v13 =	vld.idx.msk [tilespmem:v13+s22+$0x0], $0xffff  }
0x49b: {  	v19 =	vadd.s32 $0x30, v7;
	v14 =	vld.idx.msk [tilespmem:v14+s22+$0x0], $0xffff;
	[tilespmem:s9+$0x80] =	vst v16  }
0x49c: {  	v16 =	vadd.s32 $0xD0, v5;
	v12 =	vld.idx.msk [tilespmem:v12+s22+$0x0], $0xffff;
	[tilespmem:s16+$0x6500] =	vst v6  }
0x49d: {  	v6 =	vadd.s32 $0x30, v27;
	v8 =	vld.idx.msk [tilespmem:v8+s22+$0x0], $0xffff;
	[tilespmem:s14+$0x100] =	vst v9  }
0x49e: {  	v9 =	vadd.s32 $0x30, v26;
	v10 =	vld.idx.msk [tilespmem:v10+s22+$0x0], $0xffff;
	[tilespmem:s10+$0x100] =	vst v15  }
0x49f: {  	v11 =	vadd.s32 $0xB0, v2;
	v17 =	vld.idx.msk [tilespmem:v17+s22+$0x0], $0xffff;
	[tilespmem:s15+$0x6600] =	vst v13  }
0x4a0: {  	v13 =	vadd.s32 $0x40, v0;
	[tilespmem:s11+$0x100] =	vst v14;
	v14 =	vld.idx.msk [tilespmem:v19+s22+$0x0], $0xffff  }
0x4a1: {  	[tilespmem:s2+$0x6500] =	vst v18;
	v15 =	vld.idx.msk [tilespmem:v16+s22+$0x0], $0xffff;
	v16 =	vadd.s32 $0xC0, v4  }
0x4a2: {  	v19 =	vadd.s32 $0x40, v7;
	v6 =	vld.idx.msk [tilespmem:v6+s22+$0x0], $0xffff;
	[tilespmem:s9+$0x100] =	vst v12  }
0x4a3: {  	v12 =	vadd.s32 $0xE0, v5;
	[tilespmem:s16+$0x6580] =	vst v8;
	v9 =	vld.idx.msk [tilespmem:v9+s22+$0x0], $0xffff  }
0x4a4: {  	v18 =	vadd.s32 $0x40, v27;
	[tilespmem:s14+$0x180] =	vst v10;
	v10 =	vld.idx.msk [tilespmem:v11+s22+$0x0], $0xffff  }
0x4a5: {  	v8 =	vadd.s32 $0xC0, v3;
	v13 =	vld.idx.msk [tilespmem:v13+s22+$0x0], $0xffff;
	[tilespmem:s10+$0x180] =	vst v14  }
0x4a6: {  	v11 =	vadd.s32 $0x40, v26;
	v16 =	vld.idx.msk [tilespmem:v16+s22+$0x0], $0xffff;
	[tilespmem:s15+$0x6680] =	vst v15  }
0x4a7: {  	v14 =	vadd.s32 $0x50, v0;
	[tilespmem:s11+$0x180] =	vst v6;
	v6 =	vld.idx.msk [tilespmem:v19+s22+$0x0], $0xffff  }
0x4a8: {  	[tilespmem:s3+$0x6580] =	vst v17;
	v15 =	vadd.s32 $0xC0, v2;
	v12 =	vld.idx.msk [tilespmem:v12+s22+$0x0], $0xffff  }
0x4a9: {  	v5 =	vadd.s32 $0xF0, v5;
	v18 =	vld.idx.msk [tilespmem:v18+s22+$0x0], $0xffff;
	[tilespmem:s9+$0x180] =	vst v9  }
0x4aa: {  	v8 =	vld.idx.msk [tilespmem:v8+s22+$0x0], $0xffff;
	v9 =	vadd.s32 $0x50, v7;
	[tilespmem:s2+$0x6580] =	vst v10  }
0x4ab: {  	v17 =	vadd.s32 $0x50, v27;
	v11 =	vld.idx.msk [tilespmem:v11+s22+$0x0], $0xffff;
	[tilespmem:s14+$0x200] =	vst v13  }
0x4ac: {  	v10 =	vadd.s32 $0xD0, v4;
	v14 =	vld.idx.msk [tilespmem:v14+s22+$0x0], $0xffff;
	[tilespmem:s10+$0x200] =	vst v6  }
0x4ad: {  	v13 =	vadd.s32 $0x50, v26;
	v15 =	vld.idx.msk [tilespmem:v15+s22+$0x0], $0xffff;
	[tilespmem:s15+$0x6700] =	vst v12  }
0x4ae: {  	v6 =	vadd.s32 $0x60, v0;
	[tilespmem:s16+$0x6600] =	vst v16;
	v5 =	vld.idx.msk [tilespmem:v5+s22+$0x0], $0xffff  }
0x4af: {  	v12 =	vadd.s32 $0xD0, v3;
	[tilespmem:s11+$0x200] =	vst v18;
	v9 =	vld.idx.msk [tilespmem:v9+s22+$0x0], $0xffff  }
0x4b0: {  	v17 =	vld.idx.msk [tilespmem:v17+s22+$0x0], $0xffff;
	[tilespmem:s9+$0x200] =	vst v11;
	v11 =	vadd.s32 $0x60, v7  }
0x4b1: {  	v16 =	vadd.s32 $0x60, v27;
	[tilespmem:s3+$0x6600] =	vst v8;
	v10 =	vld.idx.msk [tilespmem:v10+s22+$0x0], $0xffff  }
0x4b2: {  	v1 =	vadd.s32 $0xE0, v4;
	v13 =	vld.idx.msk [tilespmem:v13+s22+$0x0], $0xffff;
	[tilespmem:s14+$0x280] =	vst v14  }
0x4b3: {  	v14 =	vadd.s32 $0x60, v26;
	v6 =	vld.idx.msk [tilespmem:v6+s22+$0x0], $0xffff;
	[tilespmem:s15+$0x6780] =	vst v5  }
0x4b4: {  	v8 =	vadd.s32 $0xD0, v2;
	v12 =	vld.idx.msk [tilespmem:v12+s22+$0x0], $0xffff;
	[tilespmem:s10+$0x280] =	vst v9  }
0x4b5: {  	v5 =	vadd.s32 $0x70, v0;
	[tilespmem:s11+$0x280] =	vst v17;
	v9 =	vld.idx.msk [tilespmem:v11+s22+$0x0], $0xffff  }
0x4b6: {  	v11 =	vadd.s32 $0xE0, v3;
	v16 =	vld.idx.msk [tilespmem:v16+s22+$0x0], $0xffff;
	[tilespmem:s16+$0x6680] =	vst v10  }
0x4b7: {  	[tilespmem:s9+$0x280] =	vst v13;
	v13 =	vadd.s32 $0x70, v7;
	v29 =	vld.idx.msk [tilespmem:v1+s22+$0x0], $0xffff  }
0x4b8: {  	[tilespmem:s2+$0x6600] =	vst v15;
	v15 =	vadd.s32 $0x70, v27;
	v14 =	vld.idx.msk [tilespmem:v14+s22+$0x0], $0xffff  }
0x4b9: {  	v4 =	vadd.s32 $0xF0, v4;
	[tilespmem:s14+$0x300] =	vst v6;
	v6 =	vld.idx.msk [tilespmem:v8+s22+$0x0], $0xffff  }
0x4ba: {  	v22 =	vadd.s32 $0x80, v27;
	v24 =	vadd.s32 $0x80, v26;
	v8 =	vadd.s32 $0x70, v26;
	[tilespmem:s3+$0x6680] =	vst v12;
	v5 =	vld.idx.msk [tilespmem:v5+s22+$0x0], $0xffff  }
0x4bb: {  	v21 =	vadd.s32 $0x90, v26;
	v41 =	vadd.s32 $0xD0, v27;
	v10 =	vadd.s32 $0xE0, v2;
	[tilespmem:s10+$0x300] =	vst v9;
	v30 =	vld.idx.msk [tilespmem:v11+s22+$0x0], $0xffff  }
0x4bc: {  	v39 =	vadd.s32 $0xE0, v27;
	v34 =	vadd.s32 $0xF0, v2;
	v2 =	vadd.s32 $0x80, v0;
	[tilespmem:s11+$0x300] =	vst v16;
	v33 =	vld.idx.msk [tilespmem:v13+s22+$0x0], $0xffff  }
0x4bd: {  	v20 =	vadd.s32 $0x90, v27;
	v23 =	vadd.s32 $0x90, v7;
	v3 =	vadd.s32 $0xF0, v3;
	v35 =	vld.idx.msk [tilespmem:v15+s22+$0x0], $0xffff;
	[tilespmem:s16+$0x6700] =	vst v29  }
0x4be: {  	v44 =	vadd.s32 $0xD0, v7;
	v38 =	vadd.s32 $0xE0, v7;
	v1 =	vadd.s32 $0x80, v7;
	[tilespmem:s9+$0x300] =	vst v14;
	v29 =	vld.idx.msk [tilespmem:v4+s22+$0x0], $0xffff  }
0x4bf: {  	v19 =	vadd.s32 $0xA0, v7;
	v18 =	vadd.s32 $0xA0, v26;
	v17 =	vadd.s32 $0xB0, v7;
	v31 =	vld.idx.msk [tilespmem:v8+s22+$0x0], $0xffff;
	[tilespmem:s2+$0x6680] =	vst v6  }
0x4c0: {  	v12 =	vadd.s32 $0xC0, v7;
	v16 =	vadd.s32 $0xA0, v27;
	v11 =	vadd.s32 $0xC0, v27;
	[tilespmem:s14+$0x380] =	vst v5;
	v28 =	vld.idx.msk [tilespmem:v10+s22+$0x0], $0xffff  }
0x4c1: {  	v9 =	vadd.s32 $0xF0, v27;
	v15 =	vadd.s32 $0xB0, v26;
	v13 =	vadd.s32 $0xC0, v26;
	v32 =	vld.idx.msk [tilespmem:v2+s22+$0x0], $0xffff;
	[tilespmem:s3+$0x6700] =	vst v30  }
0x4c2: {  	v14 =	vadd.s32 $0xB0, v27;
	v6 =	vadd.s32 $0xF0, v7;
	v8 =	vadd.s32 $0xF0, v26;
	[tilespmem:s10+$0x380] =	vst v33;
	v27 =	vld.idx.msk [tilespmem:v3+s22+$0x0], $0xffff  }
0x4c3: {  	s17 =	simm.s32 $0x3F0;
	s15 =	simm.s32 $0x8;
	v10 =	vadd.s32 $0xD0, v26;
	v30 =	vadd.s32 $0xE0, v26;
	[tilespmem:s11+$0x380] =	vst v35;
	v33 =	vadd.s32 $0x90, v0;
	v26 =	vld.idx.msk [tilespmem:v1+s22+$0x0], $0xffff  }
.LBB2_9:
0x4c4: {  	[tilespmem:$0x1FE80] =	vst v44  }
0x4c5: {  	[tilespmem:$0x1FED0] =	vst v30  }
0x4c6: {  	v30 =	vld [tilespmem:s17+$0x10];
	[tilespmem:s9+$0x380] =	vst v31  }
0x4c7: {  	v36 =	vld [tilespmem:s17+$0xFFFFFFF0];
	[tilespmem:s2+$0x6700] =	vst v28  }
0x4c8: {  	[tilespmem:s14+$0x6400] =	vst v32;
	v48 =	vld [tilespmem:s17+$0x0]  }
0x4c9: {  	[tilespmem:s16+$0x6780] =	vst v29;
	v28 =	vld.idx.msk [tilespmem:v33+s22+$0x0], $0xffff  }
0x4ca: {  	[tilespmem:s3+$0x6780] =	vst v27;
	s3 =	smov.u32 s10;
	v37 =	vld [tilespmem:s17+$0xFFFFFFE0]  }
0x4cb: {  	[tilespmem:s3+$0x6400] =	vst v26;
	v22 =	vld.idx.msk [tilespmem:v22+s22+$0x0], $0xffff  }
0x4cc: {  	[tilespmem:$0x1FE90] =	vst v39;
	v26 =	vadd.s32 $0xA0, v0;
	v23 =	vld.idx.msk [tilespmem:v23+s22+$0x0], $0xffff  }
0x4cd: {  	[tilespmem:$0x1FEA0] =	vst v38  }
0x4ce: {  	v24 =	vld.idx.msk [tilespmem:v24+s22+$0x0], $0xffff;
	[tilespmem:s0+$0x6780] =	vst v25  }
0x4cf: {  	s16 =	smov.u32 s11;
	v42 =	vld.idx.msk [tilespmem:v30+s22+$0x0], $0xffff;
	[tilespmem:s14+$0x6480] =	vst v28  }
0x4d0: {  	v52 =	vld.idx.msk [tilespmem:v36+s22+$0x0], $0xffff;
	[tilespmem:s16+$0x6400] =	vst v22  }
0x4d1: {  	s13 =	sadd.s32 $0x200, s13;
	v1 =	vadd.s32 $0x70, v37;
	[tilespmem:s3+$0x6480] =	vst v23;
	v54 =	vld.idx.msk [tilespmem:v26+s22+$0x0], $0xffff  }
0x4d2: {  	s8 =	sadd.s32 $0x40, s8;
	s29 =	sand.u32 $0x7C00, s13;
	v53 =	vadd.s32 $0x10, v30;
	[tilespmem:$0x1FEB0] =	vst v1;
	v1 =	vadd.s32 $0x70, v48;
	v58 =	vld.idx.msk [tilespmem:v20+s22+$0x0], $0xffff  }
0x4d3: {  	s30 =	sadd.s32 $0xFFFFFFD0, s8;
	v40 =	vadd.s32 $0x10, v36;
	s0 =	smov.u32 s2;
	s2 =	smov.u32 s9;
	[tilespmem:$0x1FEC0] =	vst v1;
	v55 =	vld.idx.msk [tilespmem:v48+s22+$0x0], $0xffff  }
0x4d4: {  	v57 =	vadd.s32 $0xB0, v0;
	s31 =	sand.u32 $0x70, s8;
	s18 =	sadd.s32 $0xFFFFFFE0, s8;
	s9 =	sadd.s32 $0x1C10, s29;
	v1 =	vadd.s32 $0x80, v36;
	v56 =	vld.idx.msk [tilespmem:v37+s22+$0x0], $0xffff;
	[tilespmem:s2+$0x6400] =	vst v24  }
0x4d5: {  	s10 =	sand.u32 $0x40, s30;
	s18 =	sand.u32 $0x50, s18;
	s19 =	sadd.s32 s31, s9;
	v43 =	vadd.s32 $0x10, v37;
	v63 =	vld.idx.msk [tilespmem:v19+s22+$0x0], $0xffff;
	[tilespmem:$0x1FEF0] =	vst v1  }
0x4d6: {  	s11 =	sor.u32 s10, s9;
	s10 =	sadd.s32 s18, s9;
	v46 =	vadd.s32 $0x10, v48;
	[tilespmem:s19+$0x0] =	vst v42;
	v59 =	vld.idx.msk [tilespmem:v21+s22+$0x0], $0xffff  }
0x4d7: {  	s20 =	sadd.s32 $0xFFFFFFF0, s8;
	[tilespmem:s10+$0x0] =	vst v52;
	v53 =	vld.idx.msk [tilespmem:v53+s22+$0x0], $0xffff  }
0x4d8: {  	s20 =	sand.u32 $0x60, s20;
	v1 =	vadd.s32 $0x20, v30;
	v2 =	vld.idx.msk [tilespmem:v40+s22+$0x0], $0xffff;
	[tilespmem:s14+$0x6500] =	vst v54  }
0x4d9: {  	s9 =	sor.u32 s20, s9;
	v57 =	vld.idx.msk [tilespmem:v57+s22+$0x0], $0xffff;
	[tilespmem:s11+$0x0] =	vst v56  }
0x4da: {  	v49 =	vadd.s32 $0x20, v36;
	v26 =	vmovc v9;
	v9 =	vmov v8;
	v8 =	vmov v34;
	[tilespmem:s9+$0x0] =	vst v55;
	v34 =	vld.idx.msk [tilespmem:v43+s22+$0x0], $0xffff  }
0x4db: {  	v7 =	vld.idx.msk [tilespmem:v46+s22+$0x0], $0xffff;
	[tilespmem:s16+$0x6480] =	vst v58  }
0x4dc: {  	v55 =	vadd.s32 $0xC0, v0;
	[tilespmem:s19+$0x80] =	vst v53;
	v53 =	vld.idx.msk [tilespmem:v16+s22+$0x0], $0xffff  }
0x4dd: {  	v51 =	vadd.s32 $0x20, v37;
	[tilespmem:s2+$0x6480] =	vst v59;
	v1 =	vld.idx.msk [tilespmem:v1+s22+$0x0], $0xffff  }
0x4de: {  	v50 =	vadd.s32 $0x20, v48;
	v60 =	vadd.s32 $0xA0, v37;
	[tilespmem:s10+$0x80] =	vst v2;
	v58 =	vld.idx.msk [tilespmem:v18+s22+$0x0], $0xffff  }
0x4df: {  	v16 =	vmov v60;
	v60 =	vld.idx.msk [tilespmem:v49+s22+$0x0], $0xffff;
	[tilespmem:s3+$0x6500] =	vst v63  }
0x4e0: {  	v2 =	vadd.s32 $0x30, v30;
	v63 =	vld.idx.msk [tilespmem:v17+s22+$0x0], $0xffff;
	[tilespmem:s14+$0x6580] =	vst v57  }
0x4e1: {  	v44 =	vadd.s32 $0x30, v36;
	v62 =	vadd.s32 $0xA0, v48;
	v55 =	vld.idx.msk [tilespmem:v55+s22+$0x0], $0xffff;
	[tilespmem:s11+$0x80] =	vst v34  }
0x4e2: {  	v18 =	vmov v62;
	[tilespmem:s9+$0x80] =	vst v7;
	v7 =	vadd.s32 $0xD0, v0;
	v62 =	vld.idx.msk [tilespmem:v51+s22+$0x0], $0xffff  }
0x4e3: {  	v47 =	vadd.s32 $0x30, v37;
	v50 =	vld.idx.msk [tilespmem:v50+s22+$0x0], $0xffff;
	[tilespmem:s16+$0x6500] =	vst v53  }
0x4e4: {  	v45 =	vadd.s32 $0x30, v48;
	[tilespmem:s19+$0x100] =	vst v1;
	v1 =	vld.idx.msk [tilespmem:v14+s22+$0x0], $0xffff  }
0x4e5: {  	[tilespmem:s10+$0x100] =	vst v60;
	v2 =	vld.idx.msk [tilespmem:v2+s22+$0x0], $0xffff  }
0x4e6: {  	v57 =	vadd.s32 $0x40, v30;
	v44 =	vld.idx.msk [tilespmem:v44+s22+$0x0], $0xffff;
	[tilespmem:s14+$0x6600] =	vst v55  }
0x4e7: {  	v7 =	vld.idx.msk [tilespmem:v7+s22+$0x0], $0xffff;
	[tilespmem:s11+$0x100] =	vst v62  }
0x4e8: {  	v39 =	vadd.s32 $0x40, v36;
	[tilespmem:s9+$0x100] =	vst v50;
	v47 =	vld.idx.msk [tilespmem:v47+s22+$0x0], $0xffff  }
0x4e9: {  	v28 =	vmov v41;
	v41 =	vadd.s32 $0x40, v37;
	v45 =	vld.idx.msk [tilespmem:v45+s22+$0x0], $0xffff;
	[tilespmem:s2+$0x6500] =	vst v58  }
0x4ea: {  	v59 =	vadd.s32 $0xE0, v0;
	[tilespmem:s19+$0x180] =	vst v2;
	v2 =	vld.idx.msk [tilespmem:v15+s22+$0x0], $0xffff  }
0x4eb: {  	[tilespmem:s16+$0x6580] =	vst v1;
	v34 =	vld.idx.msk [tilespmem:v57+s22+$0x0], $0xffff  }
0x4ec: {  	v38 =	vadd.s32 $0x40, v48;
	[tilespmem:s10+$0x180] =	vst v44;
	v1 =	vld.idx.msk [tilespmem:v11+s22+$0x0], $0xffff  }
0x4ed: {  	v39 =	vld.idx.msk [tilespmem:v39+s22+$0x0], $0xffff;
	[tilespmem:s11+$0x180] =	vst v47  }
0x4ee: {  	[tilespmem:s14+$0x6680] =	vst v7;
	v7 =	vadd.s32 $0x50, v30;
	v41 =	vld.idx.msk [tilespmem:v41+s22+$0x0], $0xffff  }
0x4ef: {  	v25 =	vadd.s32 $0x50, v37;
	v61 =	vadd.s32 $0xB0, v37;
	[tilespmem:s3+$0x6580] =	vst v63;
	v60 =	vld.idx.msk [tilespmem:v59+s22+$0x0], $0xffff  }
0x4f0: {  	v14 =	vmov v61;
	v61 =	vadd.s32 $0xF0, v0;
	v62 =	vld.idx.msk [tilespmem:v12+s22+$0x0], $0xffff;
	[tilespmem:s9+$0x180] =	vst v45  }
0x4f1: {  	v0 =	vmov v30;
	v30 =	vld.idx.msk [tilespmem:v38+s22+$0x0], $0xffff;
	[tilespmem:s2+$0x6580] =	vst v2  }
0x4f2: {  	v3 =	vadd.s32 $0xC0, v36;
	[tilespmem:s19+$0x200] =	vst v34;
	v2 =	vld.idx.msk [tilespmem:v13+s22+$0x0], $0xffff  }
0x4f3: {  	v4 =	vadd.s32 $0xC0, v48;
	v12 =	vmov v3;
	v3 =	vld.idx.msk [tilespmem:v7+s22+$0x0], $0xffff;
	[tilespmem:s11+$0x200] =	vst v41  }
0x4f4: {  	v13 =	vmov v4;
	v4 =	vadd.s32 $0x60, v0;
	[tilespmem:s14+$0x6700] =	vst v60;
	v63 =	vld.idx.msk [tilespmem:v25+s22+$0x0], $0xffff  }
0x4f5: {  	v31 =	vadd.s32 $0x60, v37;
	v7 =	vld.idx.msk [tilespmem:v61+s22+$0x0], $0xffff;
	[tilespmem:s16+$0x6600] =	vst v1  }
0x4f6: {  	v1 =	vld.idx.msk [tilespmem:v28+s22+$0x0], $0xffff;
	_ =	sdelay $0x1  }
0x4f7: {  	[tilespmem:s19+$0x280] =	vst v3  }
0x4f8: {  	v3 =	vld.idx.msk [tilespmem:v4+s22+$0x0], $0xffff;
	[tilespmem:s11+$0x280] =	vst v63  }
0x4f9: {  	[tilespmem:s14+$0x6780] =	vst v7;
	v7 =	vld.idx.msk [tilespmem:v31+s22+$0x0], $0xffff  }
0x4fa: {  	v27 =	vadd.s32 $0x50, v36;
	[tilespmem:s16+$0x6680] =	vst v1;
	v1 =	vld [tilespmem:$0x1FE90]  }
0x4fb: {  	v35 =	vadd.s32 $0x50, v48;
	v5 =	vadd.s32 $0xD0, v37  }
0x4fc: {  	v41 =	vmov v5;
	v5 =	vadd.s32 $0x70, v0  }
0x4fd: {  	v4 =	vld [tilespmem:$0x1FE80]  }
0x4fe: {  	[tilespmem:s10+$0x200] =	vst v39  }
0x4ff: {  	v27 =	vld.idx.msk [tilespmem:v27+s22+$0x0], $0xffff;
	[tilespmem:s9+$0x200] =	vst v30;
	s14 =	smov.u32 s19  }
0x500: {  	v30 =	vld.idx.msk [tilespmem:v35+s22+$0x0], $0xffff;
	[tilespmem:s14+$0x300] =	vst v3  }
0x501: {  	v32 =	vadd.s32 $0x60, v36;
	v3 =	vld.idx.msk [tilespmem:v5+s22+$0x0], $0xffff  }
0x502: {  	[tilespmem:$0x1FEE0] =	vst v6;
	v1 =	vld.idx.msk [tilespmem:v1+s22+$0x0], $0xffff  }
0x503: {  	[tilespmem:s11+$0x300] =	vst v7;
	v7 =	vld [tilespmem:$0x1FEB0]  }
0x504: {  	v33 =	vadd.s32 $0x60, v48;
	[tilespmem:s3+$0x6600] =	vst v62;
	v5 =	vld [tilespmem:$0x1FEA0]  }
0x505: {  	v6 =	vadd.s32 $0xD0, v36;
	v4 =	vld.idx.msk [tilespmem:v4+s22+$0x0], $0xffff;
	[tilespmem:s10+$0x280] =	vst v27  }
0x506: {  	v44 =	vmov v6;
	v6 =	vld.idx.msk [tilespmem:v32+s22+$0x0], $0xffff  }
0x507: {  	v34 =	vmov v9;
	v9 =	vld [tilespmem:$0x1FEC0]  }
0x508: {  	v25 =	vld.idx.msk [tilespmem:v8+s22+$0x0], $0xffff;
	[tilespmem:s9+$0x280] =	vst v30  }
0x509: {  	v29 =	vadd.s32 $0x70, v36;
	v27 =	vld.idx.msk [tilespmem:v33+s22+$0x0], $0xffff;
	[tilespmem:s2+$0x6600] =	vst v2  }
0x50a: {  	v2 =	vld.idx.msk [tilespmem:v10+s22+$0x0], $0xffff;
	[tilespmem:s3+$0x6680] =	vst v4  }
0x50b: {  	[tilespmem:s10+$0x300] =	vst v6;
	v7 =	vld.idx.msk [tilespmem:v7+s22+$0x0], $0xffff  }
0x50c: {  	[tilespmem:s16+$0x6700] =	vst v1;
	v1 =	vld [tilespmem:$0x1FEE0]  }
0x50d: {  	v5 =	vld.idx.msk [tilespmem:v5+s22+$0x0], $0xffff  }
0x50e: {  	v6 =	vld.idx.msk [tilespmem:v29+s22+$0x0], $0xffff;
	_ =	sdelay $0x1  }
0x50f: {  	[tilespmem:s9+$0x300] =	vst v27  }
0x510: {  	v31 =	vld.idx.msk [tilespmem:v9+s22+$0x0], $0xffff;
	[tilespmem:s2+$0x6680] =	vst v2  }
0x511: {  	[tilespmem:s3+$0x6700] =	vst v5  }
0x512: {  	v2 =	vld [tilespmem:$0x1FED0];
	[tilespmem:s10+$0x380] =	vst v6  }
0x513: {  	v27 =	vld.idx.msk [tilespmem:v1+s22+$0x0], $0xffff  }
0x514: {  	v4 =	vadd.s32 $0x80, v0;
	v1 =	vld [tilespmem:$0x1FEF0]  }
0x515: {  	v22 =	vadd.s32 $0x80, v37  }
0x516: {  	s15 =	sadd.s32 $0x4, s15;
	v23 =	vadd.s32 $0x90, v36;
	v20 =	vadd.s32 $0x90, v37;
	v19 =	vadd.s32 $0xA0, v36  }
0x517: {  	p1 =	slt.u32 s15, $0xC4;
	v24 =	vadd.s32 $0x80, v48;
	v52 =	vadd.s32 $0xB0, v36;
	v42 =	vadd.s32 $0xE0, v36  }
.Ltmp6:
0x518: {  	v36 =	vadd.s32 $0xF0, v36;
	v21 =	vadd.s32 $0x90, v48;
	v40 =	vadd.s32 $0xE0, v48;
	[tilespmem:s14+$0x380] =	vst v3;
	(pc) =	sbr.rel @p1 .LBB2_9-.Ltmp6, $4  }
0x519: {  	v54 =	vadd.s32 $0xB0, v48;
	v56 =	vadd.s32 $0xC0, v37;
	v43 =	vadd.s32 $0xE0, v37;
	v32 =	vld.idx.msk [tilespmem:v4+s22+$0x0], $0xffff  }
0x51a: {  	v46 =	vadd.s32 $0xD0, v48;
	v37 =	vadd.s32 $0xF0, v37;
	v48 =	vadd.s32 $0xF0, v48;
	v17 =	vmovc v52;
	v29 =	vld.idx.msk [tilespmem:v26+s22+$0x0], $0xffff  }
0x51b: {  	v15 =	vmovc v54;
	v11 =	vmovc v56;
	v39 =	vmov v43;
	v38 =	vmov v42;
	v8 =	vmov v48;
	v28 =	vld.idx.msk [tilespmem:v2+s22+$0x0], $0xffff  }
0x51c: {  	s17 =	sadd.s32 $0x40, s17;
	v30 =	vmovc v40;
	v33 =	vadd.s32 $0x90, v0;
	v10 =	vmovc v46;
	v9 =	vmov v37;
	v6 =	vmov v36;
	[tilespmem:s11+$0x380] =	vst v7;
	v26 =	vld.idx.msk [tilespmem:v1+s22+$0x0], $0xffff  }
0x51d: {  	_ =	sdelay $0x3  }
0x51e: {  	v1 =	vld.idx.msk [tilespmem:v22+s22+$0x0], $0xffff;
	[tilespmem:s9+$0x380] =	vst v31  }
0x51f: {  	v2 =	vld.idx.msk [tilespmem:v24+s22+$0x0], $0xffff;
	_ =	sdelay $0x1  }
0x520: {  	[tilespmem:s14+$0x6400] =	vst v32  }
0x521: {  	v3 =	vld.idx.msk [tilespmem:v33+s22+$0x0], $0xffff;
	[tilespmem:s10+$0x6400] =	vst v26  }
0x522: {  	v53 =	vadd.s32 $0xA0, v0;
	[tilespmem:s11+$0x6400] =	vst v1;
	v5 =	vld.idx.msk [tilespmem:v23+s22+$0x0], $0xffff  }
0x523: {  	v4 =	vld.idx.msk [tilespmem:v20+s22+$0x0], $0xffff;
	[tilespmem:s9+$0x6400] =	vst v2  }
0x524: {  	v2 =	vld.idx.msk [tilespmem:v21+s22+$0x0], $0xffff;
	_ =	sdelay $0x1  }
0x525: {  	[tilespmem:s14+$0x6480] =	vst v3  }
0x526: {  	v1 =	vld.idx.msk [tilespmem:v53+s22+$0x0], $0xffff;
	[tilespmem:s10+$0x6480] =	vst v5  }
0x527: {  	v54 =	vadd.s32 $0xB0, v0;
	[tilespmem:s11+$0x6480] =	vst v4;
	v5 =	vld.idx.msk [tilespmem:v19+s22+$0x0], $0xffff  }
0x528: {  	v4 =	vld.idx.msk [tilespmem:v16+s22+$0x0], $0xffff;
	[tilespmem:s9+$0x6480] =	vst v2  }
0x529: {  	v2 =	vld.idx.msk [tilespmem:v18+s22+$0x0], $0xffff;
	_ =	sdelay $0x1  }
0x52a: {  	[tilespmem:s14+$0x6500] =	vst v1  }
0x52b: {  	v1 =	vld.idx.msk [tilespmem:v54+s22+$0x0], $0xffff;
	[tilespmem:s10+$0x6500] =	vst v5  }
0x52c: {  	v55 =	vadd.s32 $0xC0, v0;
	[tilespmem:s11+$0x6500] =	vst v4;
	v5 =	vld.idx.msk [tilespmem:v17+s22+$0x0], $0xffff  }
0x52d: {  	v4 =	vld.idx.msk [tilespmem:v14+s22+$0x0], $0xffff;
	[tilespmem:s9+$0x6500] =	vst v2  }
0x52e: {  	v2 =	vld.idx.msk [tilespmem:v15+s22+$0x0], $0xffff;
	_ =	sdelay $0x1  }
0x52f: {  	[tilespmem:s14+$0x6580] =	vst v1  }
0x530: {  	v1 =	vld.idx.msk [tilespmem:v55+s22+$0x0], $0xffff;
	[tilespmem:s10+$0x6580] =	vst v5  }
0x531: {  	v56 =	vadd.s32 $0xD0, v0;
	[tilespmem:s11+$0x6580] =	vst v4;
	v5 =	vld.idx.msk [tilespmem:v12+s22+$0x0], $0xffff  }
0x532: {  	v4 =	vld.idx.msk [tilespmem:v11+s22+$0x0], $0xffff;
	[tilespmem:s9+$0x6580] =	vst v2  }
0x533: {  	v2 =	vld.idx.msk [tilespmem:v13+s22+$0x0], $0xffff;
	_ =	sdelay $0x1  }
0x534: {  	[tilespmem:s14+$0x6600] =	vst v1  }
0x535: {  	v1 =	vld.idx.msk [tilespmem:v56+s22+$0x0], $0xffff;
	[tilespmem:s10+$0x6600] =	vst v5  }
0x536: {  	v57 =	vadd.s32 $0xE0, v0;
	[tilespmem:s11+$0x6600] =	vst v4;
	v5 =	vld.idx.msk [tilespmem:v44+s22+$0x0], $0xffff  }
0x537: {  	v4 =	vld.idx.msk [tilespmem:v41+s22+$0x0], $0xffff;
	[tilespmem:s9+$0x6600] =	vst v2  }
0x538: {  	v2 =	vld.idx.msk [tilespmem:v10+s22+$0x0], $0xffff  }
0x539: {  	[tilespmem:s3+$0x6780] =	vst v27  }
0x53a: {  	[tilespmem:s14+$0x6680] =	vst v1  }
0x53b: {  	v1 =	vld.idx.msk [tilespmem:v57+s22+$0x0], $0xffff;
	[tilespmem:s10+$0x6680] =	vst v5  }
0x53c: {  	v58 =	vadd.s32 $0xF0, v0;
	[tilespmem:s11+$0x6680] =	vst v4;
	v60 =	vld.idx.msk [tilespmem:v38+s22+$0x0], $0xffff  }
0x53d: {  	v59 =	vld.idx.msk [tilespmem:v39+s22+$0x0], $0xffff;
	[tilespmem:s9+$0x6680] =	vst v2  }
0x53e: {  	[tilespmem:s0+$0x6780] =	vst v25;
	v2 =	vld.idx.msk [tilespmem:v30+s22+$0x0], $0xffff  }
0x53f: {  	[tilespmem:s2+$0x6700] =	vst v28  }
0x540: {  	v63 =	vld.idx.msk [tilespmem:v34+s22+$0x0], $0xffff;
	[tilespmem:s14+$0x6700] =	vst v1  }
0x541: {  	v0 =	vld.idx.msk [tilespmem:v58+s22+$0x0], $0xffff;
	[tilespmem:s10+$0x6700] =	vst v60  }
0x542: {  	[tilespmem:s11+$0x6700] =	vst v59;
	v62 =	vld.idx.msk [tilespmem:v6+s22+$0x0], $0xffff  }
0x543: {  	v61 =	vld.idx.msk [tilespmem:v9+s22+$0x0], $0xffff;
	[tilespmem:s9+$0x6700] =	vst v2  }
0x544: {  	[tilespmem:s16+$0x6780] =	vst v29;
	v2 =	vld.idx.msk [tilespmem:v8+s22+$0x0], $0xffff  }
0x545: {  	[tilespmem:s2+$0x6780] =	vst v63  }
0x546: {  	[tilespmem:s14+$0x6780] =	vst v0  }
0x547: {  	[tilespmem:s10+$0x6780] =	vst v62  }
0x548: {  	[tilespmem:s11+$0x6780] =	vst v61  }
0x549: {  	[tilespmem:s9+$0x6780] =	vst v2  }
.Ltmp7:
0x54a: {  	s0 =	rddreg [dreg:$0x9];
	(pc) =	sbr.rel .LBB2_11-.Ltmp7, $4  }
0x54b: {  	s31 =	rddreg [dreg:$0xa]  }
0x54c: {  	[hbm4b:s0+s5] =	stream.linear.scatter [tilespmem:s23], [sflag:$0x3], $0x6400, $0x38;
	[tilespmem:$0x1AC10] =	vst v63  }
0x54d: {  	s3 =	rddreg [dreg:$0xc]  }
0x54e: {  	[hbm4b:s31+s5] =	stream.linear.scatter [tilespmem:s24], [sflag:$0x3], $0x6400, $0x38;
	[tilespmem:$0x1AC10] =	vst v63  }
.LBB2_12:
0x54f: {  	_ =	sfence.sel $0x180000  }
0x550: {  	[bflag:$0x0] =	sbarrier.arrive $0xFFFF  }
0x551: {  	_ =	strace $0x90000047  }
0x552: {  	s0 =	stileid.u32;
	[bflag:$0x2] =	sbarrier.arrive $0xFFFF  }
0x553: {  	p0 =	sne.s32 s0, $0x0;
	s0 =	rddreg [dreg:$0x4]  }
0x554: {  	s0 =	sadd.s32 @!p0 $0x100000, s0  }
0x555: {  	[sflag:s0] =	ssyncadd.tile.s32 @!p0 $0x1;
	_ =	shalt  }
.Lfunc_end2:
_tile_overlayer_lowered:
.L_overlay_start_2:
0x556: {  	(tag) =	ssettag $0x2  }
0x557: {  	s0 =	rddreg [dreg:$0x0];
	s2 =	stileid.u32  }
0x558: {  	s1 =	rddreg [dreg:$0x1];
	p0 =	sne.s32 s2, $0x0  }
0x559: {  	s3 =	rddreg [dreg:$0x2];
	[bflag:$0x3] =	sbarrier.arrive $0xFFFF;
	s2 =	simm.s32 @!p0 $0x1C05  }
0x55a: {  	[timem:s3], [sflag:s2] =	dma.local @!p0 [hbm:s0], s1  }
0x55b: {  	s0 =	simm.s32 @!p0 $0x5  }
0x55c: {  	_ =	swait.ge @!p0 [sflag:s0], s1  }
0x55d: {  	s1 =	ssub.s32 @!p0 $0x0, s1;
	[sflag:s0] =	ssyncset.done @!p0 $0x0  }
0x55e: {  	[sflag:s0] =	ssyncadd.s32 @!p0 s1  }
0x55f: {  	[bflag:$0x3] =	sbarrier.arrive $0xFFFF  }
0x560: {  	_ =	shalt  }

</sc_bundles>
